<compile_context>
chip_gen: v7x
topology: tpu7x:2x2x1
jax: 0.10.2.dev20260603
libtpu: 0.0.44.dev20260713+nightly
codegen_flags: <defaults>
</compile_context>

<pallas_src>
import jax
import jax.numpy as jnp
from jax import lax
from jax.experimental import pallas as pl
from jax.experimental.pallas import tpu as pltpu
from jax.experimental.pallas import tpu_sc as plsc

N_FACTORS = 64
BATCH = 16384

NC = 2
NS = 16
L = 16
NW = NC * NS
B_PER_W = BATCH // NW
GROUPS = B_PER_W // L


def _sc_body(uids_hbm, mids_hbm, uemb_hbm, memb_hbm, out_hbm,
             uidx_v, midx_v, urows_v, mrows_v, outv, sems):
    wid = lax.axis_index("s") * NC + lax.axis_index("c")
    base = wid * B_PER_W

    pltpu.sync_copy(uids_hbm.at[pl.ds(base, B_PER_W)], uidx_v)
    pltpu.sync_copy(mids_hbm.at[pl.ds(base, B_PER_W)], midx_v)

    lane = lax.iota(jnp.int32, L)

    def fire(g, buf):
        b0 = pl.multiple_of(g * L, L)
        uvec = uidx_v[pl.ds(b0, L)]
        mvec = midx_v[pl.ds(b0, L)]
        for j in range(L):
            pltpu.async_copy(uemb_hbm.at[pl.ds(uvec[j], 1), :],
                             urows_v.at[buf].at[pl.ds(j, 1), :], sems.at[buf])
            pltpu.async_copy(memb_hbm.at[pl.ds(mvec[j], 1), :],
                             mrows_v.at[buf].at[pl.ds(j, 1), :], sems.at[buf])

    def drain(buf):
        for j in range(L):
            pltpu.make_async_copy(
                uemb_hbm.at[pl.ds(0, 1), :], urows_v.at[buf].at[pl.ds(j, 1), :],
                sems.at[buf]).wait()
            pltpu.make_async_copy(
                memb_hbm.at[pl.ds(0, 1), :], mrows_v.at[buf].at[pl.ds(j, 1), :],
                sems.at[buf]).wait()

    def compute(g, buf):
        def dstep(d, acc):
            dvec = (d + lane) & (N_FACTORS - 1)
            u = plsc.load_gather(urows_v.at[buf], [lane, dvec])
            m = plsc.load_gather(mrows_v.at[buf], [lane, dvec])
            return acc + u * m

        acc = lax.fori_loop(0, N_FACTORS, dstep,
                            jnp.zeros((L,), jnp.float32))
        outv[pl.ds(pl.multiple_of(g * L, L), L)] = acc

    fire(0, 0)

    def group_pair(t, _):
        g0 = t * 2
        drain(0)
        fire(g0 + 1, 1)
        compute(g0, 0)
        drain(1)

        @pl.when(g0 + 2 < GROUPS)
        def _():
            fire(g0 + 2, 0)

        compute(g0 + 1, 1)
        return 0

    lax.fori_loop(0, GROUPS // 2, group_pair, 0)

    pltpu.sync_copy(outv, out_hbm.at[pl.ds(base, B_PER_W)])


@jax.jit
def _mf_dot(user_ids, movie_ids, user_emb, movie_emb):
    mesh = plsc.VectorSubcoreMesh(core_axis_name="c", subcore_axis_name="s")
    kfn = pl.kernel(
        _sc_body,
        mesh=mesh,
        out_type=jax.ShapeDtypeStruct((BATCH,), jnp.float32),
        compiler_params=pltpu.CompilerParams(needs_layout_passes=False),
        scratch_types=[
            pltpu.VMEM((B_PER_W,), jnp.int32),
            pltpu.VMEM((B_PER_W,), jnp.int32),
            pltpu.VMEM((2, L, N_FACTORS), jnp.float32),
            pltpu.VMEM((2, L, N_FACTORS), jnp.float32),
            pltpu.VMEM((B_PER_W,), jnp.float32),
            pltpu.SemaphoreType.DMA((2,)),
        ],
    )
    return kfn(user_ids, movie_ids, user_emb, movie_emb)


def kernel(user_ids, movie_ids, user_emb, movie_emb):
    return _mf_dot(user_ids.astype(jnp.int32), movie_ids.astype(jnp.int32),
                   user_emb, movie_emb)

# --- scband reference (transcript-rebuilt; emitter-appended) ---
"""Pipeline reference for scband-matrix-factorization-68642167324797 (READ-ONLY COPY).

The authoritative reference and input builder live on the scoring server;
editing this copy changes nothing except your own understanding.
"""

import jax, jax.numpy as jnp
import numpy as np

NUM_USERS = 1000000
NUM_MOVIES = 100000
N_FACTORS = 64
BATCH = 16384

def setup_inputs(seed: int = 0) -> dict:
    key = jax.random.key(seed)
    k1, k2, k3, k4 = jax.random.split(key, 4)
    user_ids = jax.random.randint(k1, (BATCH,), 0, NUM_USERS, dtype=jnp.int64 if jax.config.jax_enable_x64 else jnp.int32)
    movie_ids = jax.random.randint(k2, (BATCH,), 0, NUM_MOVIES, dtype=jnp.int64 if jax.config.jax_enable_x64 else jnp.int32)
    user_emb = jax.random.normal(k3, (NUM_USERS, N_FACTORS), dtype=jnp.float32)
    movie_emb = jax.random.normal(k4, (NUM_MOVIES, N_FACTORS), dtype=jnp.float32)
    return {"user_ids": user_ids, "movie_ids": movie_ids, "user_emb": user_emb, "movie_emb": movie_emb}

def reference(user_ids, movie_ids, user_emb, movie_emb):
    # user_vecs = self.user_emb(user_ids)
    user_vecs = jnp.take(user_emb, user_ids, axis=0)
    # movie_vecs = self.movie_emb(movie_ids)
    movie_vecs = jnp.take(movie_emb, movie_ids, axis=0)
    # (user_vecs * movie_vecs).sum(1)
    return (user_vecs * movie_vecs).sum(axis=1)

if __name__ == "__main__":
    import jax
    _d = setup_inputs()
    print(jax.jit(kernel)(*tuple(_d.values())))

</pallas_src>

<mosaic_0001>
#map = affine_map<(d0, d1) -> (0)>
#map1 = affine_map<(d0, d1) -> (0, 0)>
module attributes {stable_mosaic.version = 14 : i64} {
  func.func @_sc_body(%arg0: i32, %arg1: i32, %arg2: memref<16384xi32, #tpu.memory_space<hbm>>, %arg3: memref<16384xi32, #tpu.memory_space<hbm>>, %arg4: memref<1000000x64xf32, #tpu.memory_space<hbm>>, %arg5: memref<100000x64xf32, #tpu.memory_space<hbm>>, %arg6: memref<16384xf32, #tpu.memory_space<hbm>>, %arg7: memref<512xi32, #tpu.memory_space<vmem>>, %arg8: memref<512xi32, #tpu.memory_space<vmem>>, %arg9: memref<2x16x64xf32, #tpu.memory_space<vmem>>, %arg10: memref<2x16x64xf32, #tpu.memory_space<vmem>>, %arg11: memref<512xf32, #tpu.memory_space<vmem>>, %arg12: memref<2x!tpu.dma_semaphore, #tpu.memory_space<semaphore_mem>>) attributes {dimension_semantics = [#tpu.dimension_semantics<core_parallel>, #tpu.dimension_semantics<subcore_parallel>], iteration_bounds = array<i64: 2, 16>, scalar_prefetch = 0 : i64, scratch_operands = 6 : i64, tpu.core_type = #tpu.core_type<sc_vector_subcore>, window_params = [{transform_indices = #map}, {transform_indices = #map}, {transform_indices = #map1}, {transform_indices = #map1}, {transform_indices = #map}]} {
    %mul3A = arith.constant 2 : i32
    %mul3A_0 = arith.muli %arg1, %mul3A : i32
    %add3A = arith.addi %mul3A_0, %arg0 : i32
    %mul3A_1 = arith.constant 512 : i32
    %mul3A_2 = arith.muli %add3A, %mul3A_1 : i32
    "tpu.region"() ({
      %run_scoped3A = tpu.sem_alloc : memref<!tpu.dma_semaphore, #tpu.memory_space<semaphore_mem>>
      %dma_start3A_778 = tpu.memref_slice %arg2[%mul3A_2] : memref<16384xi32, #tpu.memory_space<hbm>> -> memref<512xi32, #tpu.memory_space<hbm>>
      %dma_start3A_779 = tpu.memref_slice %arg2[%mul3A_2] : memref<16384xi32, #tpu.memory_space<hbm>> -> memref<512xi32, #tpu.memory_space<hbm>>
      tpu.enqueue_dma source(%dma_start3A_779 : memref<512xi32, #tpu.memory_space<hbm>>) target(%arg7 : memref<512xi32, #tpu.memory_space<vmem>>) target_semaphore(%run_scoped3A : memref<!tpu.dma_semaphore, #tpu.memory_space<semaphore_mem>>)
      %dma_wait3A = tpu.memref_slice %arg2[%mul3A_2] : memref<16384xi32, #tpu.memory_space<hbm>> -> memref<512xi32, #tpu.memory_space<hbm>>
      %dma_wait3A_780 = tpu.memref_slice %arg2[%mul3A_2] : memref<16384xi32, #tpu.memory_space<hbm>> -> memref<512xi32, #tpu.memory_space<hbm>>
      tpu.wait_dma2 semaphore(%run_scoped3A : memref<!tpu.dma_semaphore, #tpu.memory_space<semaphore_mem>>) src(%dma_wait3A_780 : memref<512xi32, #tpu.memory_space<hbm>>) dst(%arg7 : memref<512xi32, #tpu.memory_space<vmem>>)
      tpu.yield
    }) : () -> ()
    "tpu.region"() ({
      %run_scoped3A = tpu.sem_alloc : memref<!tpu.dma_semaphore, #tpu.memory_space<semaphore_mem>>
      %dma_start3A_778 = tpu.memref_slice %arg3[%mul3A_2] : memref<16384xi32, #tpu.memory_space<hbm>> -> memref<512xi32, #tpu.memory_space<hbm>>
      %dma_start3A_779 = tpu.memref_slice %arg3[%mul3A_2] : memref<16384xi32, #tpu.memory_space<hbm>> -> memref<512xi32, #tpu.memory_space<hbm>>
      tpu.enqueue_dma source(%dma_start3A_779 : memref<512xi32, #tpu.memory_space<hbm>>) target(%arg8 : memref<512xi32, #tpu.memory_space<vmem>>) target_semaphore(%run_scoped3A : memref<!tpu.dma_semaphore, #tpu.memory_space<semaphore_mem>>)
      %dma_wait3A = tpu.memref_slice %arg3[%mul3A_2] : memref<16384xi32, #tpu.memory_space<hbm>> -> memref<512xi32, #tpu.memory_space<hbm>>
      %dma_wait3A_780 = tpu.memref_slice %arg3[%mul3A_2] : memref<16384xi32, #tpu.memory_space<hbm>> -> memref<512xi32, #tpu.memory_space<hbm>>
      tpu.wait_dma2 semaphore(%run_scoped3A : memref<!tpu.dma_semaphore, #tpu.memory_space<semaphore_mem>>) src(%dma_wait3A_780 : memref<512xi32, #tpu.memory_space<hbm>>) dst(%arg8 : memref<512xi32, #tpu.memory_space<vmem>>)
      tpu.yield
    }) : () -> ()
    %iota3A = tpu.iota {dimensions = array<i32: 0>} : vector<16xi32>
    %multiple_of3A = arith.constant 0 : i32
    %multiple_of3A_3 = tpu.assume_multiple %multiple_of3A, 16 : i32
    %get3A = arith.index_cast %multiple_of3A_3 : i32 to index
    %get3A_4 = tpu.vector_load %arg7[%get3A] {strides = array<i32>} : memref<512xi32, #tpu.memory_space<vmem>>, vector<16xi32>,
    %get3A_5 = arith.index_cast %multiple_of3A_3 : i32 to index
    %get3A_6 = tpu.vector_load %arg8[%get3A_5] {strides = array<i32>} : memref<512xi32, #tpu.memory_space<vmem>>, vector<16xi32>,
    %slice3A = vector.extract_strided_slice %get3A_4 {offsets = [0], sizes = [1], strides = [1]} : vector<16xi32> to vector<1xi32>
    %squeeze3A = vector.extract %slice3A[0] : i32 from vector<1xi32>
    %dma_start3A = arith.constant 0 : i32
    %dma_start3A_7 = arith.constant 0 : i32
    %dma_start3A_8 = arith.constant 0 : i32
    %dma_start3A_9 = arith.constant 0 : i32
    %dma_start3A_10 = tpu.memref_slice %arg9[%dma_start3A, %dma_start3A_8, %dma_start3A_9] : memref<2x16x64xf32, #tpu.memory_space<vmem>> -> memref<1x16x64xf32, #tpu.memory_space<vmem>>
    %dma_start3A_11 = tpu.memref_squeeze %dma_start3A_10 : memref<1x16x64xf32, #tpu.memory_space<vmem>> -> memref<16x64xf32, #tpu.memory_space<vmem>>
    %dma_start3A_12 = arith.constant 0 : i32
    %dma_start3A_13 = arith.constant 0 : i32
    %dma_start3A_14 = tpu.memref_slice %dma_start3A_11[%dma_start3A_12, %dma_start3A_13] : memref<16x64xf32, #tpu.memory_space<vmem>> -> memref<1x64xf32, #tpu.memory_space<vmem>>
    %dma_start3A_15 = arith.constant 0 : i32
    %dma_start3A_16 = tpu.memref_slice %arg4[%squeeze3A, %dma_start3A_15] : memref<1000000x64xf32, #tpu.memory_space<hbm>> -> memref<1x64xf32, #tpu.memory_space<hbm>>
    %dma_start3A_17 = tpu.memref_slice %arg12[%dma_start3A_7] : memref<2x!tpu.dma_semaphore, #tpu.memory_space<semaphore_mem>> -> memref<1x!tpu.dma_semaphore, #tpu.memory_space<semaphore_mem>>
    %dma_start3A_18 = tpu.memref_squeeze %dma_start3A_17 : memref<1x!tpu.dma_semaphore, #tpu.memory_space<semaphore_mem>> -> memref<!tpu.dma_semaphore, #tpu.memory_space<semaphore_mem>>
    %dma_start3A_19 = arith.constant 0 : i32
    %dma_start3A_20 = arith.constant 0 : i32
    %dma_start3A_21 = tpu.memref_slice %arg9[%dma_start3A, %dma_start3A_19, %dma_start3A_20] : memref<2x16x64xf32, #tpu.memory_space<vmem>> -> memref<1x16x64xf32, #tpu.memory_space<vmem>>
    %dma_start3A_22 = tpu.memref_squeeze %dma_start3A_21 : memref<1x16x64xf32, #tpu.memory_space<vmem>> -> memref<16x64xf32, #tpu.memory_space<vmem>>
    %dma_start3A_23 = arith.constant 0 : i32
    %dma_start3A_24 = arith.constant 0 : i32
    %dma_start3A_25 = tpu.memref_slice %dma_start3A_22[%dma_start3A_23, %dma_start3A_24] : memref<16x64xf32, #tpu.memory_space<vmem>> -> memref<1x64xf32, #tpu.memory_space<vmem>>
    %dma_start3A_26 = arith.constant 0 : i32
    %dma_start3A_27 = tpu.memref_slice %arg4[%squeeze3A, %dma_start3A_26] : memref<1000000x64xf32, #tpu.memory_space<hbm>> -> memref<1x64xf32, #tpu.memory_space<hbm>>
    tpu.enqueue_dma source(%dma_start3A_27 : memref<1x64xf32, #tpu.memory_space<hbm>>) target(%dma_start3A_25 : memref<1x64xf32, #tpu.memory_space<vmem>>) target_semaphore(%dma_start3A_18 : memref<!tpu.dma_semaphore, #tpu.memory_space<semaphore_mem>>)
    %slice3A_28 = vector.extract_strided_slice %get3A_6 {offsets = [0], sizes = [1], strides = [1]} : vector<16xi32> to vector<1xi32>
    %squeeze3A_29 = vector.extract %slice3A_28[0] : i32 from vector<1xi32>
    %dma_start3A_30 = arith.constant 0 : i32
    %dma_start3A_31 = arith.constant 0 : i32
    %dma_start3A_32 = arith.constant 0 : i32
    %dma_start3A_33 = arith.constant 0 : i32
    %dma_start3A_34 = tpu.memref_slice %arg10[%dma_start3A_30, %dma_start3A_32, %dma_start3A_33] : memref<2x16x64xf32, #tpu.memory_space<vmem>> -> memref<1x16x64xf32, #tpu.memory_space<vmem>>
    %dma_start3A_35 = tpu.memref_squeeze %dma_start3A_34 : memref<1x16x64xf32, #tpu.memory_space<vmem>> -> memref<16x64xf32, #tpu.memory_space<vmem>>
    %dma_start3A_36 = arith.constant 0 : i32
    %dma_start3A_37 = arith.constant 0 : i32
    %dma_start3A_38 = tpu.memref_slice %dma_start3A_35[%dma_start3A_36, %dma_start3A_37] : memref<16x64xf32, #tpu.memory_space<vmem>> -> memref<1x64xf32, #tpu.memory_space<vmem>>
    %dma_start3A_39 = arith.constant 0 : i32
    %dma_start3A_40 = tpu.memref_slice %arg5[%squeeze3A_29, %dma_start3A_39] : memref<100000x64xf32, #tpu.memory_space<hbm>> -> memref<1x64xf32, #tpu.memory_space<hbm>>
    %dma_start3A_41 = tpu.memref_slice %arg12[%dma_start3A_31] : memref<2x!tpu.dma_semaphore, #tpu.memory_space<semaphore_mem>> -> memref<1x!tpu.dma_semaphore, #tpu.memory_space<semaphore_mem>>
    %dma_start3A_42 = tpu.memref_squeeze %dma_start3A_41 : memref<1x!tpu.dma_semaphore, #tpu.memory_space<semaphore_mem>> -> memref<!tpu.dma_semaphore, #tpu.memory_space<semaphore_mem>>
    %dma_start3A_43 = arith.constant 0 : i32
    %dma_start3A_44 = arith.constant 0 : i32
    %dma_start3A_45 = tpu.memref_slice %arg10[%dma_start3A_30, %dma_start3A_43, %dma_start3A_44] : memref<2x16x64xf32, #tpu.memory_space<vmem>> -> memref<1x16x64xf32, #tpu.memory_space<vmem>>
    %dma_start3A_46 = tpu.memref_squeeze %dma_start3A_45 : memref<1x16x64xf32, #tpu.memory_space<vmem>> -> memref<16x64xf32, #tpu.memory_space<vmem>>
    %dma_start3A_47 = arith.constant 0 : i32
    %dma_start3A_48 = arith.constant 0 : i32
    %dma_start3A_49 = tpu.memref_slice %dma_start3A_46[%dma_start3A_47, %dma_start3A_48] : memref<16x64xf32, #tpu.memory_space<vmem>> -> memref<1x64xf32, #tpu.memory_space<vmem>>
    %dma_start3A_50 = arith.constant 0 : i32
    %dma_start3A_51 = tpu.memref_slice %arg5[%squeeze3A_29, %dma_start3A_50] : memref<100000x64xf32, #tpu.memory_space<hbm>> -> memref<1x64xf32, #tpu.memory_space<hbm>>
    tpu.enqueue_dma source(%dma_start3A_51 : memref<1x64xf32, #tpu.memory_space<hbm>>) target(%dma_start3A_49 : memref<1x64xf32, #tpu.memory_space<vmem>>) target_semaphore(%dma_start3A_42 : memref<!tpu.dma_semaphore, #tpu.memory_space<semaphore_mem>>)
    %slice3A_52 = vector.extract_strided_slice %get3A_4 {offsets = [1], sizes = [1], strides = [1]} : vector<16xi32> to vector<1xi32>
    %squeeze3A_53 = vector.extract %slice3A_52[0] : i32 from vector<1xi32>
    %dma_start3A_54 = arith.constant 0 : i32
    %dma_start3A_55 = arith.constant 0 : i32
    %dma_start3A_56 = arith.constant 0 : i32
    %dma_start3A_57 = arith.constant 0 : i32
    %dma_start3A_58 = tpu.memref_slice %arg9[%dma_start3A_54, %dma_start3A_56, %dma_start3A_57] : memref<2x16x64xf32, #tpu.memory_space<vmem>> -> memref<1x16x64xf32, #tpu.memory_space<vmem>>
    %dma_start3A_59 = tpu.memref_squeeze %dma_start3A_58 : memref<1x16x64xf32, #tpu.memory_space<vmem>> -> memref<16x64xf32, #tpu.memory_space<vmem>>
    %dma_start3A_60 = arith.constant 1 : i32
    %dma_start3A_61 = arith.constant 0 : i32
    %dma_start3A_62 = tpu.memref_slice %dma_start3A_59[%dma_start3A_60, %dma_start3A_61] : memref<16x64xf32, #tpu.memory_space<vmem>> -> memref<1x64xf32, #tpu.memory_space<vmem>>
    %dma_start3A_63 = arith.constant 0 : i32
    %dma_start3A_64 = tpu.memref_slice %arg4[%squeeze3A_53, %dma_start3A_63] : memref<1000000x64xf32, #tpu.memory_space<hbm>> -> memref<1x64xf32, #tpu.memory_space<hbm>>
    %dma_start3A_65 = tpu.memref_slice %arg12[%dma_start3A_55] : memref<2x!tpu.dma_semaphore, #tpu.memory_space<semaphore_mem>> -> memref<1x!tpu.dma_semaphore, #tpu.memory_space<semaphore_mem>>
    %dma_start3A_66 = tpu.memref_squeeze %dma_start3A_65 : memref<1x!tpu.dma_semaphore, #tpu.memory_space<semaphore_mem>> -> memref<!tpu.dma_semaphore, #tpu.memory_space<semaphore_mem>>
    %dma_start3A_67 = arith.constant 0 : i32
    %dma_start3A_68 = arith.constant 0 : i32
    %dma_start3A_69 = tpu.memref_slice %arg9[%dma_start3A_54, %dma_start3A_67, %dma_start3A_68] : memref<2x16x64xf32, #tpu.memory_space<vmem>> -> memref<1x16x64xf32, #tpu.memory_space<vmem>>
    %dma_start3A_70 = tpu.memref_squeeze %dma_start3A_69 : memref<1x16x64xf32, #tpu.memory_space<vmem>> -> memref<16x64xf32, #tpu.memory_space<vmem>>
    %dma_start3A_71 = arith.constant 1 : i32
    %dma_start3A_72 = arith.constant 0 : i32
    %dma_start3A_73 = tpu.memref_slice %dma_start3A_70[%dma_start3A_71, %dma_start3A_72] : memref<16x64xf32, #tpu.memory_space<vmem>> -> memref<1x64xf32, #tpu.memory_space<vmem>>
    %dma_start3A_74 = arith.constant 0 : i32
    %dma_start3A_75 = tpu.memref_slice %arg4[%squeeze3A_53, %dma_start3A_74] : memref<1000000x64xf32, #tpu.memory_space<hbm>> -> memref<1x64xf32, #tpu.memory_space<hbm>>
    tpu.enqueue_dma source(%dma_start3A_75 : memref<1x64xf32, #tpu.memory_space<hbm>>) target(%dma_start3A_73 : memref<1x64xf32, #tpu.memory_space<vmem>>) target_semaphore(%dma_start3A_66 : memref<!tpu.dma_semaphore, #tpu.memory_space<semaphore_mem>>)
    %slice3A_76 = vector.extract_strided_slice %get3A_6 {offsets = [1], sizes = [1], strides = [1]} : vector<16xi32> to vector<1xi32>
    %squeeze3A_77 = vector.extract %slice3A_76[0] : i32 from vector<1xi32>
    %dma_start3A_78 = arith.constant 0 : i32
    %dma_start3A_79 = arith.constant 0 : i32
    %dma_start3A_80 = arith.constant 0 : i32
    %dma_start3A_81 = arith.constant 0 : i32
    %dma_start3A_82 = tpu.memref_slice %arg10[%dma_start3A_78, %dma_start3A_80, %dma_start3A_81] : memref<2x16x64xf32, #tpu.memory_space<vmem>> -> memref<1x16x64xf32, #tpu.memory_space<vmem>>
    %dma_start3A_83 = tpu.memref_squeeze %dma_start3A_82 : memref<1x16x64xf32, #tpu.memory_space<vmem>> -> memref<16x64xf32, #tpu.memory_space<vmem>>
    %dma_start3A_84 = arith.constant 1 : i32
    %dma_start3A_85 = arith.constant 0 : i32
    %dma_start3A_86 = tpu.memref_slice %dma_start3A_83[%dma_start3A_84, %dma_start3A_85] : memref<16x64xf32, #tpu.memory_space<vmem>> -> memref<1x64xf32, #tpu.memory_space<vmem>>
    %dma_start3A_87 = arith.constant 0 : i32
    %dma_start3A_88 = tpu.memref_slice %arg5[%squeeze3A_77, %dma_start3A_87] : memref<100000x64xf32, #tpu.memory_space<hbm>> -> memref<1x64xf32, #tpu.memory_space<hbm>>
    %dma_start3A_89 = tpu.memref_slice %arg12[%dma_start3A_79] : memref<2x!tpu.dma_semaphore, #tpu.memory_space<semaphore_mem>> -> memref<1x!tpu.dma_semaphore, #tpu.memory_space<semaphore_mem>>
    %dma_start3A_90 = tpu.memref_squeeze %dma_start3A_89 : memref<1x!tpu.dma_semaphore, #tpu.memory_space<semaphore_mem>> -> memref<!tpu.dma_semaphore, #tpu.memory_space<semaphore_mem>>
    %dma_start3A_91 = arith.constant 0 : i32
    %dma_start3A_92 = arith.constant 0 : i32
    %dma_start3A_93 = tpu.memref_slice %arg10[%dma_start3A_78, %dma_start3A_91, %dma_start3A_92] : memref<2x16x64xf32, #tpu.memory_space<vmem>> -> memref<1x16x64xf32, #tpu.memory_space<vmem>>
    %dma_start3A_94 = tpu.memref_squeeze %dma_start3A_93 : memref<1x16x64xf32, #tpu.memory_space<vmem>> -> memref<16x64xf32, #tpu.memory_space<vmem>>
    %dma_start3A_95 = arith.constant 1 : i32
    %dma_start3A_96 = arith.constant 0 : i32
    %dma_start3A_97 = tpu.memref_slice %dma_start3A_94[%dma_start3A_95, %dma_start3A_96] : memref<16x64xf32, #tpu.memory_space<vmem>> -> memref<1x64xf32, #tpu.memory_space<vmem>>
    %dma_start3A_98 = arith.constant 0 : i32
    %dma_start3A_99 = tpu.memref_slice %arg5[%squeeze3A_77, %dma_start3A_98] : memref<100000x64xf32, #tpu.memory_space<hbm>> -> memref<1x64xf32, #tpu.memory_space<hbm>>
    tpu.enqueue_dma source(%dma_start3A_99 : memref<1x64xf32, #tpu.memory_space<hbm>>) target(%dma_start3A_97 : memref<1x64xf32, #tpu.memory_space<vmem>>) target_semaphore(%dma_start3A_90 : memref<!tpu.dma_semaphore, #tpu.memory_space<semaphore_mem>>)
    %slice3A_100 = vector.extract_strided_slice %get3A_4 {offsets = [2], sizes = [1], strides = [1]} : vector<16xi32> to vector<1xi32>
    %squeeze3A_101 = vector.extract %slice3A_100[0] : i32 from vector<1xi32>
    %dma_start3A_102 = arith.constant 0 : i32
    %dma_start3A_103 = arith.constant 0 : i32
    %dma_start3A_104 = arith.constant 0 : i32
    %dma_start3A_105 = arith.constant 0 : i32
    %dma_start3A_106 = tpu.memref_slice %arg9[%dma_start3A_102, %dma_start3A_104, %dma_start3A_105] : memref<2x16x64xf32, #tpu.memory_space<vmem>> -> memref<1x16x64xf32, #tpu.memory_space<vmem>>
    %dma_start3A_107 = tpu.memref_squeeze %dma_start3A_106 : memref<1x16x64xf32, #tpu.memory_space<vmem>> -> memref<16x64xf32, #tpu.memory_space<vmem>>
    %dma_start3A_108 = arith.constant 2 : i32
    %dma_start3A_109 = arith.constant 0 : i32
    %dma_start3A_110 = tpu.memref_slice %dma_start3A_107[%dma_start3A_108, %dma_start3A_109] : memref<16x64xf32, #tpu.memory_space<vmem>> -> memref<1x64xf32, #tpu.memory_space<vmem>>
    %dma_start3A_111 = arith.constant 0 : i32
    %dma_start3A_112 = tpu.memref_slice %arg4[%squeeze3A_101, %dma_start3A_111] : memref<1000000x64xf32, #tpu.memory_space<hbm>> -> memref<1x64xf32, #tpu.memory_space<hbm>>
    %dma_start3A_113 = tpu.memref_slice %arg12[%dma_start3A_103] : memref<2x!tpu.dma_semaphore, #tpu.memory_space<semaphore_mem>> -> memref<1x!tpu.dma_semaphore, #tpu.memory_space<semaphore_mem>>
    %dma_start3A_114 = tpu.memref_squeeze %dma_start3A_113 : memref<1x!tpu.dma_semaphore, #tpu.memory_space<semaphore_mem>> -> memref<!tpu.dma_semaphore, #tpu.memory_space<semaphore_mem>>
    %dma_start3A_115 = arith.constant 0 : i32
    %dma_start3A_116 = arith.constant 0 : i32
    %dma_start3A_117 = tpu.memref_slice %arg9[%dma_start3A_102, %dma_start3A_115, %dma_start3A_116] : memref<2x16x64xf32, #tpu.memory_space<vmem>> -> memref<1x16x64xf32, #tpu.memory_space<vmem>>
    %dma_start3A_118 = tpu.memref_squeeze %dma_start3A_117 : memref<1x16x64xf32, #tpu.memory_space<vmem>> -> memref<16x64xf32, #tpu.memory_space<vmem>>
    %dma_start3A_119 = arith.constant 2 : i32
    %dma_start3A_120 = arith.constant 0 : i32
    %dma_start3A_121 = tpu.memref_slice %dma_start3A_118[%dma_start3A_119, %dma_start3A_120] : memref<16x64xf32, #tpu.memory_space<vmem>> -> memref<1x64xf32, #tpu.memory_space<vmem>>
    %dma_start3A_122 = arith.constant 0 : i32
    %dma_start3A_123 = tpu.memref_slice %arg4[%squeeze3A_101, %dma_start3A_122] : memref<1000000x64xf32, #tpu.memory_space<hbm>> -> memref<1x64xf32, #tpu.memory_space<hbm>>
    tpu.enqueue_dma source(%dma_start3A_123 : memref<1x64xf32, #tpu.memory_space<hbm>>) target(%dma_start3A_121 : memref<1x64xf32, #tpu.memory_space<vmem>>) target_semaphore(%dma_start3A_114 : memref<!tpu.dma_semaphore, #tpu.memory_space<semaphore_mem>>)
    %slice3A_124 = vector.extract_strided_slice %get3A_6 {offsets = [2], sizes = [1], strides = [1]} : vector<16xi32> to vector<1xi32>
    %squeeze3A_125 = vector.extract %slice3A_124[0] : i32 from vector<1xi32>
    %dma_start3A_126 = arith.constant 0 : i32
    %dma_start3A_127 = arith.constant 0 : i32
    %dma_start3A_128 = arith.constant 0 : i32
    %dma_start3A_129 = arith.constant 0 : i32
    %dma_start3A_130 = tpu.memref_slice %arg10[%dma_start3A_126, %dma_start3A_128, %dma_start3A_129] : memref<2x16x64xf32, #tpu.memory_space<vmem>> -> memref<1x16x64xf32, #tpu.memory_space<vmem>>
    %dma_start3A_131 = tpu.memref_squeeze %dma_start3A_130 : memref<1x16x64xf32, #tpu.memory_space<vmem>> -> memref<16x64xf32, #tpu.memory_space<vmem>>
    %dma_start3A_132 = arith.constant 2 : i32
    %dma_start3A_133 = arith.constant 0 : i32
    %dma_start3A_134 = tpu.memref_slice %dma_start3A_131[%dma_start3A_132, %dma_start3A_133] : memref<16x64xf32, #tpu.memory_space<vmem>> -> memref<1x64xf32, #tpu.memory_space<vmem>>
    %dma_start3A_135 = arith.constant 0 : i32
    %dma_start3A_136 = tpu.memref_slice %arg5[%squeeze3A_125, %dma_start3A_135] : memref<100000x64xf32, #tpu.memory_space<hbm>> -> memref<1x64xf32, #tpu.memory_space<hbm>>
    %dma_start3A_137 = tpu.memref_slice %arg12[%dma_start3A_127] : memref<2x!tpu.dma_semaphore, #tpu.memory_space<semaphore_mem>> -> memref<1x!tpu.dma_semaphore, #tpu.memory_space<semaphore_mem>>
    %dma_start3A_138 = tpu.memref_squeeze %dma_start3A_137 : memref<1x!tpu.dma_semaphore, #tpu.memory_space<semaphore_mem>> -> memref<!tpu.dma_semaphore, #tpu.memory_space<semaphore_mem>>
    %dma_start3A_139 = arith.constant 0 : i32
    %dma_start3A_140 = arith.constant 0 : i32
    %dma_start3A_141 = tpu.memref_slice %arg10[%dma_start3A_126, %dma_start3A_139, %dma_start3A_140] : memref<2x16x64xf32, #tpu.memory_space<vmem>> -> memref<1x16x64xf32, #tpu.memory_space<vmem>>
    %dma_start3A_142 = tpu.memref_squeeze %dma_start3A_141 : memref<1x16x64xf32, #tpu.memory_space<vmem>> -> memref<16x64xf32, #tpu.memory_space<vmem>>
    %dma_start3A_143 = arith.constant 2 : i32
    %dma_start3A_144 = arith.constant 0 : i32
    %dma_start3A_145 = tpu.memref_slice %dma_start3A_142[%dma_start3A_143, %dma_start3A_144] : memref<16x64xf32, #tpu.memory_space<vmem>> -> memref<1x64xf32, #tpu.memory_space<vmem>>
    %dma_start3A_146 = arith.constant 0 : i32
    %dma_start3A_147 = tpu.memref_slice %arg5[%squeeze3A_125, %dma_start3A_146] : memref<100000x64xf32, #tpu.memory_space<hbm>> -> memref<1x64xf32, #tpu.memory_space<hbm>>
    tpu.enqueue_dma source(%dma_start3A_147 : memref<1x64xf32, #tpu.memory_space<hbm>>) target(%dma_start3A_145 : memref<1x64xf32, #tpu.memory_space<vmem>>) target_semaphore(%dma_start3A_138 : memref<!tpu.dma_semaphore, #tpu.memory_space<semaphore_mem>>)
    %slice3A_148 = vector.extract_strided_slice %get3A_4 {offsets = [3], sizes = [1], strides = [1]} : vector<16xi32> to vector<1xi32>
    %squeeze3A_149 = vector.extract %slice3A_148[0] : i32 from vector<1xi32>
    %dma_start3A_150 = arith.constant 0 : i32
    %dma_start3A_151 = arith.constant 0 : i32
    %dma_start3A_152 = arith.constant 0 : i32
    %dma_start3A_153 = arith.constant 0 : i32
    %dma_start3A_154 = tpu.memref_slice %arg9[%dma_start3A_150, %dma_start3A_152, %dma_start3A_153] : memref<2x16x64xf32, #tpu.memory_space<vmem>> -> memref<1x16x64xf32, #tpu.memory_space<vmem>>
    %dma_start3A_155 = tpu.memref_squeeze %dma_start3A_154 : memref<1x16x64xf32, #tpu.memory_space<vmem>> -> memref<16x64xf32, #tpu.memory_space<vmem>>
    %dma_start3A_156 = arith.constant 3 : i32
    %dma_start3A_157 = arith.constant 0 : i32
    %dma_start3A_158 = tpu.memref_slice %dma_start3A_155[%dma_start3A_156, %dma_start3A_157] : memref<16x64xf32, #tpu.memory_space<vmem>> -> memref<1x64xf32, #tpu.memory_space<vmem>>
    %dma_start3A_159 = arith.constant 0 : i32
    %dma_start3A_160 = tpu.memref_slice %arg4[%squeeze3A_149, %dma_start3A_159] : memref<1000000x64xf32, #tpu.memory_space<hbm>> -> memref<1x64xf32, #tpu.memory_space<hbm>>
    %dma_start3A_161 = tpu.memref_slice %arg12[%dma_start3A_151] : memref<2x!tpu.dma_semaphore, #tpu.memory_space<semaphore_mem>> -> memref<1x!tpu.dma_semaphore, #tpu.memory_space<semaphore_mem>>
    %dma_start3A_162 = tpu.memref_squeeze %dma_start3A_161 : memref<1x!tpu.dma_semaphore, #tpu.memory_space<semaphore_mem>> -> memref<!tpu.dma_semaphore, #tpu.memory_space<semaphore_mem>>
    %dma_start3A_163 = arith.constant 0 : i32
    %dma_start3A_164 = arith.constant 0 : i32
    %dma_start3A_165 = tpu.memref_slice %arg9[%dma_start3A_150, %dma_start3A_163, %dma_start3A_164] : memref<2x16x64xf32, #tpu.memory_space<vmem>> -> memref<1x16x64xf32, #tpu.memory_space<vmem>>
    %dma_start3A_166 = tpu.memref_squeeze %dma_start3A_165 : memref<1x16x64xf32, #tpu.memory_space<vmem>> -> memref<16x64xf32, #tpu.memory_space<vmem>>
    %dma_start3A_167 = arith.constant 3 : i32
    %dma_start3A_168 = arith.constant 0 : i32
    %dma_start3A_169 = tpu.memref_slice %dma_start3A_166[%dma_start3A_167, %dma_start3A_168] : memref<16x64xf32, #tpu.memory_space<vmem>> -> memref<1x64xf32, #tpu.memory_space<vmem>>
    %dma_start3A_170 = arith.constant 0 : i32
    %dma_start3A_171 = tpu.memref_slice %arg4[%squeeze3A_149, %dma_start3A_170] : memref<1000000x64xf32, #tpu.memory_space<hbm>> -> memref<1x64xf32, #tpu.memory_space<hbm>>
    tpu.enqueue_dma source(%dma_start3A_171 : memref<1x64xf32, #tpu.memory_space<hbm>>) target(%dma_start3A_169 : memref<1x64xf32, #tpu.memory_space<vmem>>) target_semaphore(%dma_start3A_162 : memref<!tpu.dma_semaphore, #tpu.memory_space<semaphore_mem>>)
    %slice3A_172 = vector.extract_strided_slice %get3A_6 {offsets = [3], sizes = [1], strides = [1]} : vector<16xi32> to vector<1xi32>
    %squeeze3A_173 = vector.extract %slice3A_172[0] : i32 from vector<1xi32>
    %dma_start3A_174 = arith.constant 0 : i32
    %dma_start3A_175 = arith.constant 0 : i32
    %dma_start3A_176 = arith.constant 0 : i32
    %dma_start3A_177 = arith.constant 0 : i32
    %dma_start3A_178 = tpu.memref_slice %arg10[%dma_start3A_174, %dma_start3A_176, %dma_start3A_177] : memref<2x16x64xf32, #tpu.memory_space<vmem>> -> memref<1x16x64xf32, #tpu.memory_space<vmem>>
    %dma_start3A_179 = tpu.memref_squeeze %dma_start3A_178 : memref<1x16x64xf32, #tpu.memory_space<vmem>> -> memref<16x64xf32, #tpu.memory_space<vmem>>
    %dma_start3A_180 = arith.constant 3 : i32
    %dma_start3A_181 = arith.constant 0 : i32
    %dma_start3A_182 = tpu.memref_slice %dma_start3A_179[%dma_start3A_180, %dma_start3A_181] : memref<16x64xf32, #tpu.memory_space<vmem>> -> memref<1x64xf32, #tpu.memory_space<vmem>>
    %dma_start3A_183 = arith.constant 0 : i32
    %dma_start3A_184 = tpu.memref_slice %arg5[%squeeze3A_173, %dma_start3A_183] : memref<100000x64xf32, #tpu.memory_space<hbm>> -> memref<1x64xf32, #tpu.memory_space<hbm>>
    %dma_start3A_185 = tpu.memref_slice %arg12[%dma_start3A_175] : memref<2x!tpu.dma_semaphore, #tpu.memory_space<semaphore_mem>> -> memref<1x!tpu.dma_semaphore, #tpu.memory_space<semaphore_mem>>
    %dma_start3A_186 = tpu.memref_squeeze %dma_start3A_185 : memref<1x!tpu.dma_semaphore, #tpu.memory_space<semaphore_mem>> -> memref<!tpu.dma_semaphore, #tpu.memory_space<semaphore_mem>>
    %dma_start3A_187 = arith.constant 0 : i32
    %dma_start3A_188 = arith.constant 0 : i32
    %dma_start3A_189 = tpu.memref_slice %arg10[%dma_start3A_174, %dma_start3A_187, %dma_start3A_188] : memref<2x16x64xf32, #tpu.memory_space<vmem>> -> memref<1x16x64xf32, #tpu.memory_space<vmem>>
    %dma_start3A_190 = tpu.memref_squeeze %dma_start3A_189 : memref<1x16x64xf32, #tpu.memory_space<vmem>> -> memref<16x64xf32, #tpu.memory_space<vmem>>
    %dma_start3A_191 = arith.constant 3 : i32
    %dma_start3A_192 = arith.constant 0 : i32
    %dma_start3A_193 = tpu.memref_slice %dma_start3A_190[%dma_start3A_191, %dma_start3A_192] : memref<16x64xf32, #tpu.memory_space<vmem>> -> memref<1x64xf32, #tpu.memory_space<vmem>>
    %dma_start3A_194 = arith.constant 0 : i32
    %dma_start3A_195 = tpu.memref_slice %arg5[%squeeze3A_173, %dma_start3A_194] : memref<100000x64xf32, #tpu.memory_space<hbm>> -> memref<1x64xf32, #tpu.memory_space<hbm>>
    tpu.enqueue_dma source(%dma_start3A_195 : memref<1x64xf32, #tpu.memory_space<hbm>>) target(%dma_start3A_193 : memref<1x64xf32, #tpu.memory_space<vmem>>) target_semaphore(%dma_start3A_186 : memref<!tpu.dma_semaphore, #tpu.memory_space<semaphore_mem>>)
    %slice3A_196 = vector.extract_strided_slice %get3A_4 {offsets = [4], sizes = [1], strides = [1]} : vector<16xi32> to vector<1xi32>
    %squeeze3A_197 = vector.extract %slice3A_196[0] : i32 from vector<1xi32>
    %dma_start3A_198 = arith.constant 0 : i32
    %dma_start3A_199 = arith.constant 0 : i32
    %dma_start3A_200 = arith.constant 0 : i32
    %dma_start3A_201 = arith.constant 0 : i32
    %dma_start3A_202 = tpu.memref_slice %arg9[%dma_start3A_198, %dma_start3A_200, %dma_start3A_201] : memref<2x16x64xf32, #tpu.memory_space<vmem>> -> memref<1x16x64xf32, #tpu.memory_space<vmem>>
    %dma_start3A_203 = tpu.memref_squeeze %dma_start3A_202 : memref<1x16x64xf32, #tpu.memory_space<vmem>> -> memref<16x64xf32, #tpu.memory_space<vmem>>
    %dma_start3A_204 = arith.constant 4 : i32
    %dma_start3A_205 = arith.constant 0 : i32
    %dma_start3A_206 = tpu.memref_slice %dma_start3A_203[%dma_start3A_204, %dma_start3A_205] : memref<16x64xf32, #tpu.memory_space<vmem>> -> memref<1x64xf32, #tpu.memory_space<vmem>>
    %dma_start3A_207 = arith.constant 0 : i32
    %dma_start3A_208 = tpu.memref_slice %arg4[%squeeze3A_197, %dma_start3A_207] : memref<1000000x64xf32, #tpu.memory_space<hbm>> -> memref<1x64xf32, #tpu.memory_space<hbm>>
    %dma_start3A_209 = tpu.memref_slice %arg12[%dma_start3A_199] : memref<2x!tpu.dma_semaphore, #tpu.memory_space<semaphore_mem>> -> memref<1x!tpu.dma_semaphore, #tpu.memory_space<semaphore_mem>>
    %dma_start3A_210 = tpu.memref_squeeze %dma_start3A_209 : memref<1x!tpu.dma_semaphore, #tpu.memory_space<semaphore_mem>> -> memref<!tpu.dma_semaphore, #tpu.memory_space<semaphore_mem>>
    %dma_start3A_211 = arith.constant 0 : i32
    %dma_start3A_212 = arith.constant 0 : i32
    %dma_start3A_213 = tpu.memref_slice %arg9[%dma_start3A_198, %dma_start3A_211, %dma_start3A_212] : memref<2x16x64xf32, #tpu.memory_space<vmem>> -> memref<1x16x64xf32, #tpu.memory_space<vmem>>
    %dma_start3A_214 = tpu.memref_squeeze %dma_start3A_213 : memref<1x16x64xf32, #tpu.memory_space<vmem>> -> memref<16x64xf32, #tpu.memory_space<vmem>>
    %dma_start3A_215 = arith.constant 4 : i32
    %dma_start3A_216 = arith.constant 0 : i32
    %dma_start3A_217 = tpu.memref_slice %dma_start3A_214[%dma_start3A_215, %dma_start3A_216] : memref<16x64xf32, #tpu.memory_space<vmem>> -> memref<1x64xf32, #tpu.memory_space<vmem>>
    %dma_start3A_218 = arith.constant 0 : i32
    %dma_start3A_219 = tpu.memref_slice %arg4[%squeeze3A_197, %dma_start3A_218] : memref<1000000x64xf32, #tpu.memory_space<hbm>> -> memref<1x64xf32, #tpu.memory_space<hbm>>
    tpu.enqueue_dma source(%dma_start3A_219 : memref<1x64xf32, #tpu.memory_space<hbm>>) target(%dma_start3A_217 : memref<1x64xf32, #tpu.memory_space<vmem>>) target_semaphore(%dma_start3A_210 : memref<!tpu.dma_semaphore, #tpu.memory_space<semaphore_mem>>)
    %slice3A_220 = vector.extract_strided_slice %get3A_6 {offsets = [4], sizes = [1], strides = [1]} : vector<16xi32> to vector<1xi32>
    %squeeze3A_221 = vector.extract %slice3A_220[0] : i32 from vector<1xi32>
    %dma_start3A_222 = arith.constant 0 : i32
    %dma_start3A_223 = arith.constant 0 : i32
    %dma_start3A_224 = arith.constant 0 : i32
    %dma_start3A_225 = arith.constant 0 : i32
    %dma_start3A_226 = tpu.memref_slice %arg10[%dma_start3A_222, %dma_start3A_224, %dma_start3A_225] : memref<2x16x64xf32, #tpu.memory_space<vmem>> -> memref<1x16x64xf32, #tpu.memory_space<vmem>>
    %dma_start3A_227 = tpu.memref_squeeze %dma_start3A_226 : memref<1x16x64xf32, #tpu.memory_space<vmem>> -> memref<16x64xf32, #tpu.memory_space<vmem>>
    %dma_start3A_228 = arith.constant 4 : i32
    %dma_start3A_229 = arith.constant 0 : i32
    %dma_start3A_230 = tpu.memref_slice %dma_start3A_227[%dma_start3A_228, %dma_start3A_229] : memref<16x64xf32, #tpu.memory_space<vmem>> -> memref<1x64xf32, #tpu.memory_space<vmem>>
    %dma_start3A_231 = arith.constant 0 : i32
    %dma_start3A_232 = tpu.memref_slice %arg5[%squeeze3A_221, %dma_start3A_231] : memref<100000x64xf32, #tpu.memory_space<hbm>> -> memref<1x64xf32, #tpu.memory_space<hbm>>
    %dma_start3A_233 = tpu.memref_slice %arg12[%dma_start3A_223] : memref<2x!tpu.dma_semaphore, #tpu.memory_space<semaphore_mem>> -> memref<1x!tpu.dma_semaphore, #tpu.memory_space<semaphore_mem>>
    %dma_start3A_234 = tpu.memref_squeeze %dma_start3A_233 : memref<1x!tpu.dma_semaphore, #tpu.memory_space<semaphore_mem>> -> memref<!tpu.dma_semaphore, #tpu.memory_space<semaphore_mem>>
    %dma_start3A_235 = arith.constant 0 : i32
    %dma_start3A_236 = arith.constant 0 : i32
    %dma_start3A_237 = tpu.memref_slice %arg10[%dma_start3A_222, %dma_start3A_235, %dma_start3A_236] : memref<2x16x64xf32, #tpu.memory_space<vmem>> -> memref<1x16x64xf32, #tpu.memory_space<vmem>>
    %dma_start3A_238 = tpu.memref_squeeze %dma_start3A_237 : memref<1x16x64xf32, #tpu.memory_space<vmem>> -> memref<16x64xf32, #tpu.memory_space<vmem>>
    %dma_start3A_239 = arith.constant 4 : i32
    %dma_start3A_240 = arith.constant 0 : i32
    %dma_start3A_241 = tpu.memref_slice %dma_start3A_238[%dma_start3A_239, %dma_start3A_240] : memref<16x64xf32, #tpu.memory_space<vmem>> -> memref<1x64xf32, #tpu.memory_space<vmem>>
    %dma_start3A_242 = arith.constant 0 : i32
    %dma_start3A_243 = tpu.memref_slice %arg5[%squeeze3A_221, %dma_start3A_242] : memref<100000x64xf32, #tpu.memory_space<hbm>> -> memref<1x64xf32, #tpu.memory_space<hbm>>
    tpu.enqueue_dma source(%dma_start3A_243 : memref<1x64xf32, #tpu.memory_space<hbm>>) target(%dma_start3A_241 : memref<1x64xf32, #tpu.memory_space<vmem>>) target_semaphore(%dma_start3A_234 : memref<!tpu.dma_semaphore, #tpu.memory_space<semaphore_mem>>)
    %slice3A_244 = vector.extract_strided_slice %get3A_4 {offsets = [5], sizes = [1], strides = [1]} : vector<16xi32> to vector<1xi32>
    %squeeze3A_245 = vector.extract %slice3A_244[0] : i32 from vector<1xi32>
    %dma_start3A_246 = arith.constant 0 : i32
    %dma_start3A_247 = arith.constant 0 : i32
    %dma_start3A_248 = arith.constant 0 : i32
    %dma_start3A_249 = arith.constant 0 : i32
    %dma_start3A_250 = tpu.memref_slice %arg9[%dma_start3A_246, %dma_start3A_248, %dma_start3A_249] : memref<2x16x64xf32, #tpu.memory_space<vmem>> -> memref<1x16x64xf32, #tpu.memory_space<vmem>>
    %dma_start3A_251 = tpu.memref_squeeze %dma_start3A_250 : memref<1x16x64xf32, #tpu.memory_space<vmem>> -> memref<16x64xf32, #tpu.memory_space<vmem>>
    %dma_start3A_252 = arith.constant 5 : i32
    %dma_start3A_253 = arith.constant 0 : i32
    %dma_start3A_254 = tpu.memref_slice %dma_start3A_251[%dma_start3A_252, %dma_start3A_253] : memref<16x64xf32, #tpu.memory_space<vmem>> -> memref<1x64xf32, #tpu.memory_space<vmem>>
    %dma_start3A_255 = arith.constant 0 : i32
    %dma_start3A_256 = tpu.memref_slice %arg4[%squeeze3A_245, %dma_start3A_255] : memref<1000000x64xf32, #tpu.memory_space<hbm>> -> memref<1x64xf32, #tpu.memory_space<hbm>>
    %dma_start3A_257 = tpu.memref_slice %arg12[%dma_start3A_247] : memref<2x!tpu.dma_semaphore, #tpu.memory_space<semaphore_mem>> -> memref<1x!tpu.dma_semaphore, #tpu.memory_space<semaphore_mem>>
    %dma_start3A_258 = tpu.memref_squeeze %dma_start3A_257 : memref<1x!tpu.dma_semaphore, #tpu.memory_space<semaphore_mem>> -> memref<!tpu.dma_semaphore, #tpu.memory_space<semaphore_mem>>
    %dma_start3A_259 = arith.constant 0 : i32
    %dma_start3A_260 = arith.constant 0 : i32
    %dma_start3A_261 = tpu.memref_slice %arg9[%dma_start3A_246, %dma_start3A_259, %dma_start3A_260] : memref<2x16x64xf32, #tpu.memory_space<vmem>> -> memref<1x16x64xf32, #tpu.memory_space<vmem>>
    %dma_start3A_262 = tpu.memref_squeeze %dma_start3A_261 : memref<1x16x64xf32, #tpu.memory_space<vmem>> -> memref<16x64xf32, #tpu.memory_space<vmem>>
    %dma_start3A_263 = arith.constant 5 : i32
    %dma_start3A_264 = arith.constant 0 : i32
    %dma_start3A_265 = tpu.memref_slice %dma_start3A_262[%dma_start3A_263, %dma_start3A_264] : memref<16x64xf32, #tpu.memory_space<vmem>> -> memref<1x64xf32, #tpu.memory_space<vmem>>
    %dma_start3A_266 = arith.constant 0 : i32
    %dma_start3A_267 = tpu.memref_slice %arg4[%squeeze3A_245, %dma_start3A_266] : memref<1000000x64xf32, #tpu.memory_space<hbm>> -> memref<1x64xf32, #tpu.memory_space<hbm>>
    tpu.enqueue_dma source(%dma_start3A_267 : memref<1x64xf32, #tpu.memory_space<hbm>>) target(%dma_start3A_265 : memref<1x64xf32, #tpu.memory_space<vmem>>) target_semaphore(%dma_start3A_258 : memref<!tpu.dma_semaphore, #tpu.memory_space<semaphore_mem>>)
    %slice3A_268 = vector.extract_strided_slice %get3A_6 {offsets = [5], sizes = [1], strides = [1]} : vector<16xi32> to vector<1xi32>
    %squeeze3A_269 = vector.extract %slice3A_268[0] : i32 from vector<1xi32>
    %dma_start3A_270 = arith.constant 0 : i32
    %dma_start3A_271 = arith.constant 0 : i32
    %dma_start3A_272 = arith.constant 0 : i32
    %dma_start3A_273 = arith.constant 0 : i32
    %dma_start3A_274 = tpu.memref_slice %arg10[%dma_start3A_270, %dma_start3A_272, %dma_start3A_273] : memref<2x16x64xf32, #tpu.memory_space<vmem>> -> memref<1x16x64xf32, #tpu.memory_space<vmem>>
    %dma_start3A_275 = tpu.memref_squeeze %dma_start3A_274 : memref<1x16x64xf32, #tpu.memory_space<vmem>> -> memref<16x64xf32, #tpu.memory_space<vmem>>
    %dma_start3A_276 = arith.constant 5 : i32
    %dma_start3A_277 = arith.constant 0 : i32
    %dma_start3A_278 = tpu.memref_slice %dma_start3A_275[%dma_start3A_276, %dma_start3A_277] : memref<16x64xf32, #tpu.memory_space<vmem>> -> memref<1x64xf32, #tpu.memory_space<vmem>>
    %dma_start3A_279 = arith.constant 0 : i32
    %dma_start3A_280 = tpu.memref_slice %arg5[%squeeze3A_269, %dma_start3A_279] : memref<100000x64xf32, #tpu.memory_space<hbm>> -> memref<1x64xf32, #tpu.memory_space<hbm>>
    %dma_start3A_281 = tpu.memref_slice %arg12[%dma_start3A_271] : memref<2x!tpu.dma_semaphore, #tpu.memory_space<semaphore_mem>> -> memref<1x!tpu.dma_semaphore, #tpu.memory_space<semaphore_mem>>
    %dma_start3A_282 = tpu.memref_squeeze %dma_start3A_281 : memref<1x!tpu.dma_semaphore, #tpu.memory_space<semaphore_mem>> -> memref<!tpu.dma_semaphore, #tpu.memory_space<semaphore_mem>>
    %dma_start3A_283 = arith.constant 0 : i32
    %dma_start3A_284 = arith.constant 0 : i32
    %dma_start3A_285 = tpu.memref_slice %arg10[%dma_start3A_270, %dma_start3A_283, %dma_start3A_284] : memref<2x16x64xf32, #tpu.memory_space<vmem>> -> memref<1x16x64xf32, #tpu.memory_space<vmem>>
    %dma_start3A_286 = tpu.memref_squeeze %dma_start3A_285 : memref<1x16x64xf32, #tpu.memory_space<vmem>> -> memref<16x64xf32, #tpu.memory_space<vmem>>
    %dma_start3A_287 = arith.constant 5 : i32
    %dma_start3A_288 = arith.constant 0 : i32
    %dma_start3A_289 = tpu.memref_slice %dma_start3A_286[%dma_start3A_287, %dma_start3A_288] : memref<16x64xf32, #tpu.memory_space<vmem>> -> memref<1x64xf32, #tpu.memory_space<vmem>>
    %dma_start3A_290 = arith.constant 0 : i32
    %dma_start3A_291 = tpu.memref_slice %arg5[%squeeze3A_269, %dma_start3A_290] : memref<100000x64xf32, #tpu.memory_space<hbm>> -> memref<1x64xf32, #tpu.memory_space<hbm>>
    tpu.enqueue_dma source(%dma_start3A_291 : memref<1x64xf32, #tpu.memory_space<hbm>>) target(%dma_start3A_289 : memref<1x64xf32, #tpu.memory_space<vmem>>) target_semaphore(%dma_start3A_282 : memref<!tpu.dma_semaphore, #tpu.memory_space<semaphore_mem>>)
    %slice3A_292 = vector.extract_strided_slice %get3A_4 {offsets = [6], sizes = [1], strides = [1]} : vector<16xi32> to vector<1xi32>
    %squeeze3A_293 = vector.extract %slice3A_292[0] : i32 from vector<1xi32>
    %dma_start3A_294 = arith.constant 0 : i32
    %dma_start3A_295 = arith.constant 0 : i32
    %dma_start3A_296 = arith.constant 0 : i32
    %dma_start3A_297 = arith.constant 0 : i32
    %dma_start3A_298 = tpu.memref_slice %arg9[%dma_start3A_294, %dma_start3A_296, %dma_start3A_297] : memref<2x16x64xf32, #tpu.memory_space<vmem>> -> memref<1x16x64xf32, #tpu.memory_space<vmem>>
    %dma_start3A_299 = tpu.memref_squeeze %dma_start3A_298 : memref<1x16x64xf32, #tpu.memory_space<vmem>> -> memref<16x64xf32, #tpu.memory_space<vmem>>
    %dma_start3A_300 = arith.constant 6 : i32
    %dma_start3A_301 = arith.constant 0 : i32
    %dma_start3A_302 = tpu.memref_slice %dma_start3A_299[%dma_start3A_300, %dma_start3A_301] : memref<16x64xf32, #tpu.memory_space<vmem>> -> memref<1x64xf32, #tpu.memory_space<vmem>>
    %dma_start3A_303 = arith.constant 0 : i32
    %dma_start3A_304 = tpu.memref_slice %arg4[%squeeze3A_293, %dma_start3A_303] : memref<1000000x64xf32, #tpu.memory_space<hbm>> -> memref<1x64xf32, #tpu.memory_space<hbm>>
    %dma_start3A_305 = tpu.memref_slice %arg12[%dma_start3A_295] : memref<2x!tpu.dma_semaphore, #tpu.memory_space<semaphore_mem>> -> memref<1x!tpu.dma_semaphore, #tpu.memory_space<semaphore_mem>>
    %dma_start3A_306 = tpu.memref_squeeze %dma_start3A_305 : memref<1x!tpu.dma_semaphore, #tpu.memory_space<semaphore_mem>> -> memref<!tpu.dma_semaphore, #tpu.memory_space<semaphore_mem>>
    %dma_start3A_307 = arith.constant 0 : i32
    %dma_start3A_308 = arith.constant 0 : i32
    %dma_start3A_309 = tpu.memref_slice %arg9[%dma_start3A_294, %dma_start3A_307, %dma_start3A_308] : memref<2x16x64xf32, #tpu.memory_space<vmem>> -> memref<1x16x64xf32, #tpu.memory_space<vmem>>
    %dma_start3A_310 = tpu.memref_squeeze %dma_start3A_309 : memref<1x16x64xf32, #tpu.memory_space<vmem>> -> memref<16x64xf32, #tpu.memory_space<vmem>>
    %dma_start3A_311 = arith.constant 6 : i32
    %dma_start3A_312 = arith.constant 0 : i32
    %dma_start3A_313 = tpu.memref_slice %dma_start3A_310[%dma_start3A_311, %dma_start3A_312] : memref<16x64xf32, #tpu.memory_space<vmem>> -> memref<1x64xf32, #tpu.memory_space<vmem>>
    %dma_start3A_314 = arith.constant 0 : i32
    %dma_start3A_315 = tpu.memref_slice %arg4[%squeeze3A_293, %dma_start3A_314] : memref<1000000x64xf32, #tpu.memory_space<hbm>> -> memref<1x64xf32, #tpu.memory_space<hbm>>
    tpu.enqueue_dma source(%dma_start3A_315 : memref<1x64xf32, #tpu.memory_space<hbm>>) target(%dma_start3A_313 : memref<1x64xf32, #tpu.memory_space<vmem>>) target_semaphore(%dma_start3A_306 : memref<!tpu.dma_semaphore, #tpu.memory_space<semaphore_mem>>)
    %slice3A_316 = vector.extract_strided_slice %get3A_6 {offsets = [6], sizes = [1], strides = [1]} : vector<16xi32> to vector<1xi32>
    %squeeze3A_317 = vector.extract %slice3A_316[0] : i32 from vector<1xi32>
    %dma_start3A_318 = arith.constant 0 : i32
    %dma_start3A_319 = arith.constant 0 : i32
    %dma_start3A_320 = arith.constant 0 : i32
    %dma_start3A_321 = arith.constant 0 : i32
    %dma_start3A_322 = tpu.memref_slice %arg10[%dma_start3A_318, %dma_start3A_320, %dma_start3A_321] : memref<2x16x64xf32, #tpu.memory_space<vmem>> -> memref<1x16x64xf32, #tpu.memory_space<vmem>>
    %dma_start3A_323 = tpu.memref_squeeze %dma_start3A_322 : memref<1x16x64xf32, #tpu.memory_space<vmem>> -> memref<16x64xf32, #tpu.memory_space<vmem>>
    %dma_start3A_324 = arith.constant 6 : i32
    %dma_start3A_325 = arith.constant 0 : i32
    %dma_start3A_326 = tpu.memref_slice %dma_start3A_323[%dma_start3A_324, %dma_start3A_325] : memref<16x64xf32, #tpu.memory_space<vmem>> -> memref<1x64xf32, #tpu.memory_space<vmem>>
    %dma_start3A_327 = arith.constant 0 : i32
    %dma_start3A_328 = tpu.memref_slice %arg5[%squeeze3A_317, %dma_start3A_327] : memref<100000x64xf32, #tpu.memory_space<hbm>> -> memref<1x64xf32, #tpu.memory_space<hbm>>
    %dma_start3A_329 = tpu.memref_slice %arg12[%dma_start3A_319] : memref<2x!tpu.dma_semaphore, #tpu.memory_space<semaphore_mem>> -> memref<1x!tpu.dma_semaphore, #tpu.memory_space<semaphore_mem>>
    %dma_start3A_330 = tpu.memref_squeeze %dma_start3A_329 : memref<1x!tpu.dma_semaphore, #tpu.memory_space<semaphore_mem>> -> memref<!tpu.dma_semaphore, #tpu.memory_space<semaphore_mem>>
    %dma_start3A_331 = arith.constant 0 : i32
    %dma_start3A_332 = arith.constant 0 : i32
    %dma_start3A_333 = tpu.memref_slice %arg10[%dma_start3A_318, %dma_start3A_331, %dma_start3A_332] : memref<2x16x64xf32, #tpu.memory_space<vmem>> -> memref<1x16x64xf32, #tpu.memory_space<vmem>>
    %dma_start3A_334 = tpu.memref_squeeze %dma_start3A_333 : memref<1x16x64xf32, #tpu.memory_space<vmem>> -> memref<16x64xf32, #tpu.memory_space<vmem>>
    %dma_start3A_335 = arith.constant 6 : i32
    %dma_start3A_336 = arith.constant 0 : i32
    %dma_start3A_337 = tpu.memref_slice %dma_start3A_334[%dma_start3A_335, %dma_start3A_336] : memref<16x64xf32, #tpu.memory_space<vmem>> -> memref<1x64xf32, #tpu.memory_space<vmem>>
    %dma_start3A_338 = arith.constant 0 : i32
    %dma_start3A_339 = tpu.memref_slice %arg5[%squeeze3A_317, %dma_start3A_338] : memref<100000x64xf32, #tpu.memory_space<hbm>> -> memref<1x64xf32, #tpu.memory_space<hbm>>
    tpu.enqueue_dma source(%dma_start3A_339 : memref<1x64xf32, #tpu.memory_space<hbm>>) target(%dma_start3A_337 : memref<1x64xf32, #tpu.memory_space<vmem>>) target_semaphore(%dma_start3A_330 : memref<!tpu.dma_semaphore, #tpu.memory_space<semaphore_mem>>)
    %slice3A_340 = vector.extract_strided_slice %get3A_4 {offsets = [7], sizes = [1], strides = [1]} : vector<16xi32> to vector<1xi32>
    %squeeze3A_341 = vector.extract %slice3A_340[0] : i32 from vector<1xi32>
    %dma_start3A_342 = arith.constant 0 : i32
    %dma_start3A_343 = arith.constant 0 : i32
    %dma_start3A_344 = arith.constant 0 : i32
    %dma_start3A_345 = arith.constant 0 : i32
    %dma_start3A_346 = tpu.memref_slice %arg9[%dma_start3A_342, %dma_start3A_344, %dma_start3A_345] : memref<2x16x64xf32, #tpu.memory_space<vmem>> -> memref<1x16x64xf32, #tpu.memory_space<vmem>>
    %dma_start3A_347 = tpu.memref_squeeze %dma_start3A_346 : memref<1x16x64xf32, #tpu.memory_space<vmem>> -> memref<16x64xf32, #tpu.memory_space<vmem>>
    %dma_start3A_348 = arith.constant 7 : i32
    %dma_start3A_349 = arith.constant 0 : i32
    %dma_start3A_350 = tpu.memref_slice %dma_start3A_347[%dma_start3A_348, %dma_start3A_349] : memref<16x64xf32, #tpu.memory_space<vmem>> -> memref<1x64xf32, #tpu.memory_space<vmem>>
    %dma_start3A_351 = arith.constant 0 : i32
    %dma_start3A_352 = tpu.memref_slice %arg4[%squeeze3A_341, %dma_start3A_351] : memref<1000000x64xf32, #tpu.memory_space<hbm>> -> memref<1x64xf32, #tpu.memory_space<hbm>>
    %dma_start3A_353 = tpu.memref_slice %arg12[%dma_start3A_343] : memref<2x!tpu.dma_semaphore, #tpu.memory_space<semaphore_mem>> -> memref<1x!tpu.dma_semaphore, #tpu.memory_space<semaphore_mem>>
    %dma_start3A_354 = tpu.memref_squeeze %dma_start3A_353 : memref<1x!tpu.dma_semaphore, #tpu.memory_space<semaphore_mem>> -> memref<!tpu.dma_semaphore, #tpu.memory_space<semaphore_mem>>
    %dma_start3A_355 = arith.constant 0 : i32
    %dma_start3A_356 = arith.constant 0 : i32
    %dma_start3A_357 = tpu.memref_slice %arg9[%dma_start3A_342, %dma_start3A_355, %dma_start3A_356] : memref<2x16x64xf32, #tpu.memory_space<vmem>> -> memref<1x16x64xf32, #tpu.memory_space<vmem>>
    %dma_start3A_358 = tpu.memref_squeeze %dma_start3A_357 : memref<1x16x64xf32, #tpu.memory_space<vmem>> -> memref<16x64xf32, #tpu.memory_space<vmem>>
    %dma_start3A_359 = arith.constant 7 : i32
    %dma_start3A_360 = arith.constant 0 : i32
    %dma_start3A_361 = tpu.memref_slice %dma_start3A_358[%dma_start3A_359, %dma_start3A_360] : memref<16x64xf32, #tpu.memory_space<vmem>> -> memref<1x64xf32, #tpu.memory_space<vmem>>
    %dma_start3A_362 = arith.constant 0 : i32
    %dma_start3A_363 = tpu.memref_slice %arg4[%squeeze3A_341, %dma_start3A_362] : memref<1000000x64xf32, #tpu.memory_space<hbm>> -> memref<1x64xf32, #tpu.memory_space<hbm>>
    tpu.enqueue_dma source(%dma_start3A_363 : memref<1x64xf32, #tpu.memory_space<hbm>>) target(%dma_start3A_361 : memref<1x64xf32, #tpu.memory_space<vmem>>) target_semaphore(%dma_start3A_354 : memref<!tpu.dma_semaphore, #tpu.memory_space<semaphore_mem>>)
    %slice3A_364 = vector.extract_strided_slice %get3A_6 {offsets = [7], sizes = [1], strides = [1]} : vector<16xi32> to vector<1xi32>
    %squeeze3A_365 = vector.extract %slice3A_364[0] : i32 from vector<1xi32>
    %dma_start3A_366 = arith.constant 0 : i32
    %dma_start3A_367 = arith.constant 0 : i32
    %dma_start3A_368 = arith.constant 0 : i32
    %dma_start3A_369 = arith.constant 0 : i32
    %dma_start3A_370 = tpu.memref_slice %arg10[%dma_start3A_366, %dma_start3A_368, %dma_start3A_369] : memref<2x16x64xf32, #tpu.memory_space<vmem>> -> memref<1x16x64xf32, #tpu.memory_space<vmem>>
    %dma_start3A_371 = tpu.memref_squeeze %dma_start3A_370 : memref<1x16x64xf32, #tpu.memory_space<vmem>> -> memref<16x64xf32, #tpu.memory_space<vmem>>
    %dma_start3A_372 = arith.constant 7 : i32
    %dma_start3A_373 = arith.constant 0 : i32
    %dma_start3A_374 = tpu.memref_slice %dma_start3A_371[%dma_start3A_372, %dma_start3A_373] : memref<16x64xf32, #tpu.memory_space<vmem>> -> memref<1x64xf32, #tpu.memory_space<vmem>>
    %dma_start3A_375 = arith.constant 0 : i32
    %dma_start3A_376 = tpu.memref_slice %arg5[%squeeze3A_365, %dma_start3A_375] : memref<100000x64xf32, #tpu.memory_space<hbm>> -> memref<1x64xf32, #tpu.memory_space<hbm>>
    %dma_start3A_377 = tpu.memref_slice %arg12[%dma_start3A_367] : memref<2x!tpu.dma_semaphore, #tpu.memory_space<semaphore_mem>> -> memref<1x!tpu.dma_semaphore, #tpu.memory_space<semaphore_mem>>
    %dma_start3A_378 = tpu.memref_squeeze %dma_start3A_377 : memref<1x!tpu.dma_semaphore, #tpu.memory_space<semaphore_mem>> -> memref<!tpu.dma_semaphore, #tpu.memory_space<semaphore_mem>>
    %dma_start3A_379 = arith.constant 0 : i32
    %dma_start3A_380 = arith.constant 0 : i32
    %dma_start3A_381 = tpu.memref_slice %arg10[%dma_start3A_366, %dma_start3A_379, %dma_start3A_380] : memref<2x16x64xf32, #tpu.memory_space<vmem>> -> memref<1x16x64xf32, #tpu.memory_space<vmem>>
    %dma_start3A_382 = tpu.memref_squeeze %dma_start3A_381 : memref<1x16x64xf32, #tpu.memory_space<vmem>> -> memref<16x64xf32, #tpu.memory_space<vmem>>
    %dma_start3A_383 = arith.constant 7 : i32
    %dma_start3A_384 = arith.constant 0 : i32
    %dma_start3A_385 = tpu.memref_slice %dma_start3A_382[%dma_start3A_383, %dma_start3A_384] : memref<16x64xf32, #tpu.memory_space<vmem>> -> memref<1x64xf32, #tpu.memory_space<vmem>>
    %dma_start3A_386 = arith.constant 0 : i32
    %dma_start3A_387 = tpu.memref_slice %arg5[%squeeze3A_365, %dma_start3A_386] : memref<100000x64xf32, #tpu.memory_space<hbm>> -> memref<1x64xf32, #tpu.memory_space<hbm>>
    tpu.enqueue_dma source(%dma_start3A_387 : memref<1x64xf32, #tpu.memory_space<hbm>>) target(%dma_start3A_385 : memref<1x64xf32, #tpu.memory_space<vmem>>) target_semaphore(%dma_start3A_378 : memref<!tpu.dma_semaphore, #tpu.memory_space<semaphore_mem>>)
    %slice3A_388 = vector.extract_strided_slice %get3A_4 {offsets = [8], sizes = [1], strides = [1]} : vector<16xi32> to vector<1xi32>
    %squeeze3A_389 = vector.extract %slice3A_388[0] : i32 from vector<1xi32>
    %dma_start3A_390 = arith.constant 0 : i32
    %dma_start3A_391 = arith.constant 0 : i32
    %dma_start3A_392 = arith.constant 0 : i32
    %dma_start3A_393 = arith.constant 0 : i32
    %dma_start3A_394 = tpu.memref_slice %arg9[%dma_start3A_390, %dma_start3A_392, %dma_start3A_393] : memref<2x16x64xf32, #tpu.memory_space<vmem>> -> memref<1x16x64xf32, #tpu.memory_space<vmem>>
    %dma_start3A_395 = tpu.memref_squeeze %dma_start3A_394 : memref<1x16x64xf32, #tpu.memory_space<vmem>> -> memref<16x64xf32, #tpu.memory_space<vmem>>
    %dma_start3A_396 = arith.constant 8 : i32
    %dma_start3A_397 = arith.constant 0 : i32
    %dma_start3A_398 = tpu.memref_slice %dma_start3A_395[%dma_start3A_396, %dma_start3A_397] : memref<16x64xf32, #tpu.memory_space<vmem>> -> memref<1x64xf32, #tpu.memory_space<vmem>>
    %dma_start3A_399 = arith.constant 0 : i32
    %dma_start3A_400 = tpu.memref_slice %arg4[%squeeze3A_389, %dma_start3A_399] : memref<1000000x64xf32, #tpu.memory_space<hbm>> -> memref<1x64xf32, #tpu.memory_space<hbm>>
    %dma_start3A_401 = tpu.memref_slice %arg12[%dma_start3A_391] : memref<2x!tpu.dma_semaphore, #tpu.memory_space<semaphore_mem>> -> memref<1x!tpu.dma_semaphore, #tpu.memory_space<semaphore_mem>>
    %dma_start3A_402 = tpu.memref_squeeze %dma_start3A_401 : memref<1x!tpu.dma_semaphore, #tpu.memory_space<semaphore_mem>> -> memref<!tpu.dma_semaphore, #tpu.memory_space<semaphore_mem>>
    %dma_start3A_403 = arith.constant 0 : i32
    %dma_start3A_404 = arith.constant 0 : i32
    %dma_start3A_405 = tpu.memref_slice %arg9[%dma_start3A_390, %dma_start3A_403, %dma_start3A_404] : memref<2x16x64xf32, #tpu.memory_space<vmem>> -> memref<1x16x64xf32, #tpu.memory_space<vmem>>
    %dma_start3A_406 = tpu.memref_squeeze %dma_start3A_405 : memref<1x16x64xf32, #tpu.memory_space<vmem>> -> memref<16x64xf32, #tpu.memory_space<vmem>>
    %dma_start3A_407 = arith.constant 8 : i32
    %dma_start3A_408 = arith.constant 0 : i32
    %dma_start3A_409 = tpu.memref_slice %dma_start3A_406[%dma_start3A_407, %dma_start3A_408] : memref<16x64xf32, #tpu.memory_space<vmem>> -> memref<1x64xf32, #tpu.memory_space<vmem>>
    %dma_start3A_410 = arith.constant 0 : i32
    %dma_start3A_411 = tpu.memref_slice %arg4[%squeeze3A_389, %dma_start3A_410] : memref<1000000x64xf32, #tpu.memory_space<hbm>> -> memref<1x64xf32, #tpu.memory_space<hbm>>
    tpu.enqueue_dma source(%dma_start3A_411 : memref<1x64xf32, #tpu.memory_space<hbm>>) target(%dma_start3A_409 : memref<1x64xf32, #tpu.memory_space<vmem>>) target_semaphore(%dma_start3A_402 : memref<!tpu.dma_semaphore, #tpu.memory_space<semaphore_mem>>)
    %slice3A_412 = vector.extract_strided_slice %get3A_6 {offsets = [8], sizes = [1], strides = [1]} : vector<16xi32> to vector<1xi32>
    %squeeze3A_413 = vector.extract %slice3A_412[0] : i32 from vector<1xi32>
    %dma_start3A_414 = arith.constant 0 : i32
    %dma_start3A_415 = arith.constant 0 : i32
    %dma_start3A_416 = arith.constant 0 : i32
    %dma_start3A_417 = arith.constant 0 : i32
    %dma_start3A_418 = tpu.memref_slice %arg10[%dma_start3A_414, %dma_start3A_416, %dma_start3A_417] : memref<2x16x64xf32, #tpu.memory_space<vmem>> -> memref<1x16x64xf32, #tpu.memory_space<vmem>>
    %dma_start3A_419 = tpu.memref_squeeze %dma_start3A_418 : memref<1x16x64xf32, #tpu.memory_space<vmem>> -> memref<16x64xf32, #tpu.memory_space<vmem>>
    %dma_start3A_420 = arith.constant 8 : i32
    %dma_start3A_421 = arith.constant 0 : i32
    %dma_start3A_422 = tpu.memref_slice %dma_start3A_419[%dma_start3A_420, %dma_start3A_421] : memref<16x64xf32, #tpu.memory_space<vmem>> -> memref<1x64xf32, #tpu.memory_space<vmem>>
    %dma_start3A_423 = arith.constant 0 : i32
    %dma_start3A_424 = tpu.memref_slice %arg5[%squeeze3A_413, %dma_start3A_423] : memref<100000x64xf32, #tpu.memory_space<hbm>> -> memref<1x64xf32, #tpu.memory_space<hbm>>
    %dma_start3A_425 = tpu.memref_slice %arg12[%dma_start3A_415] : memref<2x!tpu.dma_semaphore, #tpu.memory_space<semaphore_mem>> -> memref<1x!tpu.dma_semaphore, #tpu.memory_space<semaphore_mem>>
    %dma_start3A_426 = tpu.memref_squeeze %dma_start3A_425 : memref<1x!tpu.dma_semaphore, #tpu.memory_space<semaphore_mem>> -> memref<!tpu.dma_semaphore, #tpu.memory_space<semaphore_mem>>
    %dma_start3A_427 = arith.constant 0 : i32
    %dma_start3A_428 = arith.constant 0 : i32
    %dma_start3A_429 = tpu.memref_slice %arg10[%dma_start3A_414, %dma_start3A_427, %dma_start3A_428] : memref<2x16x64xf32, #tpu.memory_space<vmem>> -> memref<1x16x64xf32, #tpu.memory_space<vmem>>
    %dma_start3A_430 = tpu.memref_squeeze %dma_start3A_429 : memref<1x16x64xf32, #tpu.memory_space<vmem>> -> memref<16x64xf32, #tpu.memory_space<vmem>>
    %dma_start3A_431 = arith.constant 8 : i32
    %dma_start3A_432 = arith.constant 0 : i32
    %dma_start3A_433 = tpu.memref_slice %dma_start3A_430[%dma_start3A_431, %dma_start3A_432] : memref<16x64xf32, #tpu.memory_space<vmem>> -> memref<1x64xf32, #tpu.memory_space<vmem>>
    %dma_start3A_434 = arith.constant 0 : i32
    %dma_start3A_435 = tpu.memref_slice %arg5[%squeeze3A_413, %dma_start3A_434] : memref<100000x64xf32, #tpu.memory_space<hbm>> -> memref<1x64xf32, #tpu.memory_space<hbm>>
    tpu.enqueue_dma source(%dma_start3A_435 : memref<1x64xf32, #tpu.memory_space<hbm>>) target(%dma_start3A_433 : memref<1x64xf32, #tpu.memory_space<vmem>>) target_semaphore(%dma_start3A_426 : memref<!tpu.dma_semaphore, #tpu.memory_space<semaphore_mem>>)
    %slice3A_436 = vector.extract_strided_slice %get3A_4 {offsets = [9], sizes = [1], strides = [1]} : vector<16xi32> to vector<1xi32>
    %squeeze3A_437 = vector.extract %slice3A_436[0] : i32 from vector<1xi32>
    %dma_start3A_438 = arith.constant 0 : i32
    %dma_start3A_439 = arith.constant 0 : i32
    %dma_start3A_440 = arith.constant 0 : i32
    %dma_start3A_441 = arith.constant 0 : i32
    %dma_start3A_442 = tpu.memref_slice %arg9[%dma_start3A_438, %dma_start3A_440, %dma_start3A_441] : memref<2x16x64xf32, #tpu.memory_space<vmem>> -> memref<1x16x64xf32, #tpu.memory_space<vmem>>
    %dma_start3A_443 = tpu.memref_squeeze %dma_start3A_442 : memref<1x16x64xf32, #tpu.memory_space<vmem>> -> memref<16x64xf32, #tpu.memory_space<vmem>>
    %dma_start3A_444 = arith.constant 9 : i32
    %dma_start3A_445 = arith.constant 0 : i32
    %dma_start3A_446 = tpu.memref_slice %dma_start3A_443[%dma_start3A_444, %dma_start3A_445] : memref<16x64xf32, #tpu.memory_space<vmem>> -> memref<1x64xf32, #tpu.memory_space<vmem>>
    %dma_start3A_447 = arith.constant 0 : i32
    %dma_start3A_448 = tpu.memref_slice %arg4[%squeeze3A_437, %dma_start3A_447] : memref<1000000x64xf32, #tpu.memory_space<hbm>> -> memref<1x64xf32, #tpu.memory_space<hbm>>
    %dma_start3A_449 = tpu.memref_slice %arg12[%dma_start3A_439] : memref<2x!tpu.dma_semaphore, #tpu.memory_space<semaphore_mem>> -> memref<1x!tpu.dma_semaphore, #tpu.memory_space<semaphore_mem>>
    %dma_start3A_450 = tpu.memref_squeeze %dma_start3A_449 : memref<1x!tpu.dma_semaphore, #tpu.memory_space<semaphore_mem>> -> memref<!tpu.dma_semaphore, #tpu.memory_space<semaphore_mem>>
    %dma_start3A_451 = arith.constant 0 : i32
    %dma_start3A_452 = arith.constant 0 : i32
    %dma_start3A_453 = tpu.memref_slice %arg9[%dma_start3A_438, %dma_start3A_451, %dma_start3A_452] : memref<2x16x64xf32, #tpu.memory_space<vmem>> -> memref<1x16x64xf32, #tpu.memory_space<vmem>>
    %dma_start3A_454 = tpu.memref_squeeze %dma_start3A_453 : memref<1x16x64xf32, #tpu.memory_space<vmem>> -> memref<16x64xf32, #tpu.memory_space<vmem>>
    %dma_start3A_455 = arith.constant 9 : i32
    %dma_start3A_456 = arith.constant 0 : i32
    %dma_start3A_457 = tpu.memref_slice %dma_start3A_454[%dma_start3A_455, %dma_start3A_456] : memref<16x64xf32, #tpu.memory_space<vmem>> -> memref<1x64xf32, #tpu.memory_space<vmem>>
    %dma_start3A_458 = arith.constant 0 : i32
    %dma_start3A_459 = tpu.memref_slice %arg4[%squeeze3A_437, %dma_start3A_458] : memref<1000000x64xf32, #tpu.memory_space<hbm>> -> memref<1x64xf32, #tpu.memory_space<hbm>>
    tpu.enqueue_dma source(%dma_start3A_459 : memref<1x64xf32, #tpu.memory_space<hbm>>) target(%dma_start3A_457 : memref<1x64xf32, #tpu.memory_space<vmem>>) target_semaphore(%dma_start3A_450 : memref<!tpu.dma_semaphore, #tpu.memory_space<semaphore_mem>>)
    %slice3A_460 = vector.extract_strided_slice %get3A_6 {offsets = [9], sizes = [1], strides = [1]} : vector<16xi32> to vector<1xi32>
    %squeeze3A_461 = vector.extract %slice3A_460[0] : i32 from vector<1xi32>
    %dma_start3A_462 = arith.constant 0 : i32
    %dma_start3A_463 = arith.constant 0 : i32
    %dma_start3A_464 = arith.constant 0 : i32
    %dma_start3A_465 = arith.constant 0 : i32
    %dma_start3A_466 = tpu.memref_slice %arg10[%dma_start3A_462, %dma_start3A_464, %dma_start3A_465] : memref<2x16x64xf32, #tpu.memory_space<vmem>> -> memref<1x16x64xf32, #tpu.memory_space<vmem>>
    %dma_start3A_467 = tpu.memref_squeeze %dma_start3A_466 : memref<1x16x64xf32, #tpu.memory_space<vmem>> -> memref<16x64xf32, #tpu.memory_space<vmem>>
    %dma_start3A_468 = arith.constant 9 : i32
    %dma_start3A_469 = arith.constant 0 : i32
    %dma_start3A_470 = tpu.memref_slice %dma_start3A_467[%dma_start3A_468, %dma_start3A_469] : memref<16x64xf32, #tpu.memory_space<vmem>> -> memref<1x64xf32, #tpu.memory_space<vmem>>
    %dma_start3A_471 = arith.constant 0 : i32
    %dma_start3A_472 = tpu.memref_slice %arg5[%squeeze3A_461, %dma_start3A_471] : memref<100000x64xf32, #tpu.memory_space<hbm>> -> memref<1x64xf32, #tpu.memory_space<hbm>>
    %dma_start3A_473 = tpu.memref_slice %arg12[%dma_start3A_463] : memref<2x!tpu.dma_semaphore, #tpu.memory_space<semaphore_mem>> -> memref<1x!tpu.dma_semaphore, #tpu.memory_space<semaphore_mem>>
    %dma_start3A_474 = tpu.memref_squeeze %dma_start3A_473 : memref<1x!tpu.dma_semaphore, #tpu.memory_space<semaphore_mem>> -> memref<!tpu.dma_semaphore, #tpu.memory_space<semaphore_mem>>
    %dma_start3A_475 = arith.constant 0 : i32
    %dma_start3A_476 = arith.constant 0 : i32
    %dma_start3A_477 = tpu.memref_slice %arg10[%dma_start3A_462, %dma_start3A_475, %dma_start3A_476] : memref<2x16x64xf32, #tpu.memory_space<vmem>> -> memref<1x16x64xf32, #tpu.memory_space<vmem>>
    %dma_start3A_478 = tpu.memref_squeeze %dma_start3A_477 : memref<1x16x64xf32, #tpu.memory_space<vmem>> -> memref<16x64xf32, #tpu.memory_space<vmem>>
    %dma_start3A_479 = arith.constant 9 : i32
    %dma_start3A_480 = arith.constant 0 : i32
    %dma_start3A_481 = tpu.memref_slice %dma_start3A_478[%dma_start3A_479, %dma_start3A_480] : memref<16x64xf32, #tpu.memory_space<vmem>> -> memref<1x64xf32, #tpu.memory_space<vmem>>
    %dma_start3A_482 = arith.constant 0 : i32
    %dma_start3A_483 = tpu.memref_slice %arg5[%squeeze3A_461, %dma_start3A_482] : memref<100000x64xf32, #tpu.memory_space<hbm>> -> memref<1x64xf32, #tpu.memory_space<hbm>>
    tpu.enqueue_dma source(%dma_start3A_483 : memref<1x64xf32, #tpu.memory_space<hbm>>) target(%dma_start3A_481 : memref<1x64xf32, #tpu.memory_space<vmem>>) target_semaphore(%dma_start3A_474 : memref<!tpu.dma_semaphore, #tpu.memory_space<semaphore_mem>>)
    %slice3A_484 = vector.extract_strided_slice %get3A_4 {offsets = [10], sizes = [1], strides = [1]} : vector<16xi32> to vector<1xi32>
    %squeeze3A_485 = vector.extract %slice3A_484[0] : i32 from vector<1xi32>
    %dma_start3A_486 = arith.constant 0 : i32
    %dma_start3A_487 = arith.constant 0 : i32
    %dma_start3A_488 = arith.constant 0 : i32
    %dma_start3A_489 = arith.constant 0 : i32
    %dma_start3A_490 = tpu.memref_slice %arg9[%dma_start3A_486, %dma_start3A_488, %dma_start3A_489] : memref<2x16x64xf32, #tpu.memory_space<vmem>> -> memref<1x16x64xf32, #tpu.memory_space<vmem>>
    %dma_start3A_491 = tpu.memref_squeeze %dma_start3A_490 : memref<1x16x64xf32, #tpu.memory_space<vmem>> -> memref<16x64xf32, #tpu.memory_space<vmem>>
    %dma_start3A_492 = arith.constant 10 : i32
    %dma_start3A_493 = arith.constant 0 : i32
    %dma_start3A_494 = tpu.memref_slice %dma_start3A_491[%dma_start3A_492, %dma_start3A_493] : memref<16x64xf32, #tpu.memory_space<vmem>> -> memref<1x64xf32, #tpu.memory_space<vmem>>
    %dma_start3A_495 = arith.constant 0 : i32
    %dma_start3A_496 = tpu.memref_slice %arg4[%squeeze3A_485, %dma_start3A_495] : memref<1000000x64xf32, #tpu.memory_space<hbm>> -> memref<1x64xf32, #tpu.memory_space<hbm>>
    %dma_start3A_497 = tpu.memref_slice %arg12[%dma_start3A_487] : memref<2x!tpu.dma_semaphore, #tpu.memory_space<semaphore_mem>> -> memref<1x!tpu.dma_semaphore, #tpu.memory_space<semaphore_mem>>
    %dma_start3A_498 = tpu.memref_squeeze %dma_start3A_497 : memref<1x!tpu.dma_semaphore, #tpu.memory_space<semaphore_mem>> -> memref<!tpu.dma_semaphore, #tpu.memory_space<semaphore_mem>>
    %dma_start3A_499 = arith.constant 0 : i32
    %dma_start3A_500 = arith.constant 0 : i32
    %dma_start3A_501 = tpu.memref_slice %arg9[%dma_start3A_486, %dma_start3A_499, %dma_start3A_500] : memref<2x16x64xf32, #tpu.memory_space<vmem>> -> memref<1x16x64xf32, #tpu.memory_space<vmem>>
    %dma_start3A_502 = tpu.memref_squeeze %dma_start3A_501 : memref<1x16x64xf32, #tpu.memory_space<vmem>> -> memref<16x64xf32, #tpu.memory_space<vmem>>
    %dma_start3A_503 = arith.constant 10 : i32
    %dma_start3A_504 = arith.constant 0 : i32
    %dma_start3A_505 = tpu.memref_slice %dma_start3A_502[%dma_start3A_503, %dma_start3A_504] : memref<16x64xf32, #tpu.memory_space<vmem>> -> memref<1x64xf32, #tpu.memory_space<vmem>>
    %dma_start3A_506 = arith.constant 0 : i32
    %dma_start3A_507 = tpu.memref_slice %arg4[%squeeze3A_485, %dma_start3A_506] : memref<1000000x64xf32, #tpu.memory_space<hbm>> -> memref<1x64xf32, #tpu.memory_space<hbm>>
    tpu.enqueue_dma source(%dma_start3A_507 : memref<1x64xf32, #tpu.memory_space<hbm>>) target(%dma_start3A_505 : memref<1x64xf32, #tpu.memory_space<vmem>>) target_semaphore(%dma_start3A_498 : memref<!tpu.dma_semaphore, #tpu.memory_space<semaphore_mem>>)
    %slice3A_508 = vector.extract_strided_slice %get3A_6 {offsets = [10], sizes = [1], strides = [1]} : vector<16xi32> to vector<1xi32>
    %squeeze3A_509 = vector.extract %slice3A_508[0] : i32 from vector<1xi32>
    %dma_start3A_510 = arith.constant 0 : i32
    %dma_start3A_511 = arith.constant 0 : i32
    %dma_start3A_512 = arith.constant 0 : i32
    %dma_start3A_513 = arith.constant 0 : i32
    %dma_start3A_514 = tpu.memref_slice %arg10[%dma_start3A_510, %dma_start3A_512, %dma_start3A_513] : memref<2x16x64xf32, #tpu.memory_space<vmem>> -> memref<1x16x64xf32, #tpu.memory_space<vmem>>
    %dma_start3A_515 = tpu.memref_squeeze %dma_start3A_514 : memref<1x16x64xf32, #tpu.memory_space<vmem>> -> memref<16x64xf32, #tpu.memory_space<vmem>>
    %dma_start3A_516 = arith.constant 10 : i32
    %dma_start3A_517 = arith.constant 0 : i32
    %dma_start3A_518 = tpu.memref_slice %dma_start3A_515[%dma_start3A_516, %dma_start3A_517] : memref<16x64xf32, #tpu.memory_space<vmem>> -> memref<1x64xf32, #tpu.memory_space<vmem>>
    %dma_start3A_519 = arith.constant 0 : i32
    %dma_start3A_520 = tpu.memref_slice %arg5[%squeeze3A_509, %dma_start3A_519] : memref<100000x64xf32, #tpu.memory_space<hbm>> -> memref<1x64xf32, #tpu.memory_space<hbm>>
    %dma_start3A_521 = tpu.memref_slice %arg12[%dma_start3A_511] : memref<2x!tpu.dma_semaphore, #tpu.memory_space<semaphore_mem>> -> memref<1x!tpu.dma_semaphore, #tpu.memory_space<semaphore_mem>>
    %dma_start3A_522 = tpu.memref_squeeze %dma_start3A_521 : memref<1x!tpu.dma_semaphore, #tpu.memory_space<semaphore_mem>> -> memref<!tpu.dma_semaphore, #tpu.memory_space<semaphore_mem>>
    %dma_start3A_523 = arith.constant 0 : i32
    %dma_start3A_524 = arith.constant 0 : i32
    %dma_start3A_525 = tpu.memref_slice %arg10[%dma_start3A_510, %dma_start3A_523, %dma_start3A_524] : memref<2x16x64xf32, #tpu.memory_space<vmem>> -> memref<1x16x64xf32, #tpu.memory_space<vmem>>
    %dma_start3A_526 = tpu.memref_squeeze %dma_start3A_525 : memref<1x16x64xf32, #tpu.memory_space<vmem>> -> memref<16x64xf32, #tpu.memory_space<vmem>>
    %dma_start3A_527 = arith.constant 10 : i32
    %dma_start3A_528 = arith.constant 0 : i32
    %dma_start3A_529 = tpu.memref_slice %dma_start3A_526[%dma_start3A_527, %dma_start3A_528] : memref<16x64xf32, #tpu.memory_space<vmem>> -> memref<1x64xf32, #tpu.memory_space<vmem>>
    %dma_start3A_530 = arith.constant 0 : i32
    %dma_start3A_531 = tpu.memref_slice %arg5[%squeeze3A_509, %dma_start3A_530] : memref<100000x64xf32, #tpu.memory_space<hbm>> -> memref<1x64xf32, #tpu.memory_space<hbm>>
    tpu.enqueue_dma source(%dma_start3A_531 : memref<1x64xf32, #tpu.memory_space<hbm>>) target(%dma_start3A_529 : memref<1x64xf32, #tpu.memory_space<vmem>>) target_semaphore(%dma_start3A_522 : memref<!tpu.dma_semaphore, #tpu.memory_space<semaphore_mem>>)
    %slice3A_532 = vector.extract_strided_slice %get3A_4 {offsets = [11], sizes = [1], strides = [1]} : vector<16xi32> to vector<1xi32>
    %squeeze3A_533 = vector.extract %slice3A_532[0] : i32 from vector<1xi32>
    %dma_start3A_534 = arith.constant 0 : i32
    %dma_start3A_535 = arith.constant 0 : i32
    %dma_start3A_536 = arith.constant 0 : i32
    %dma_start3A_537 = arith.constant 0 : i32
    %dma_start3A_538 = tpu.memref_slice %arg9[%dma_start3A_534, %dma_start3A_536, %dma_start3A_537] : memref<2x16x64xf32, #tpu.memory_space<vmem>> -> memref<1x16x64xf32, #tpu.memory_space<vmem>>
    %dma_start3A_539 = tpu.memref_squeeze %dma_start3A_538 : memref<1x16x64xf32, #tpu.memory_space<vmem>> -> memref<16x64xf32, #tpu.memory_space<vmem>>
    %dma_start3A_540 = arith.constant 11 : i32
    %dma_start3A_541 = arith.constant 0 : i32
    %dma_start3A_542 = tpu.memref_slice %dma_start3A_539[%dma_start3A_540, %dma_start3A_541] : memref<16x64xf32, #tpu.memory_space<vmem>> -> memref<1x64xf32, #tpu.memory_space<vmem>>
    %dma_start3A_543 = arith.constant 0 : i32
    %dma_start3A_544 = tpu.memref_slice %arg4[%squeeze3A_533, %dma_start3A_543] : memref<1000000x64xf32, #tpu.memory_space<hbm>> -> memref<1x64xf32, #tpu.memory_space<hbm>>
    %dma_start3A_545 = tpu.memref_slice %arg12[%dma_start3A_535] : memref<2x!tpu.dma_semaphore, #tpu.memory_space<semaphore_mem>> -> memref<1x!tpu.dma_semaphore, #tpu.memory_space<semaphore_mem>>
    %dma_start3A_546 = tpu.memref_squeeze %dma_start3A_545 : memref<1x!tpu.dma_semaphore, #tpu.memory_space<semaphore_mem>> -> memref<!tpu.dma_semaphore, #tpu.memory_space<semaphore_mem>>
    %dma_start3A_547 = arith.constant 0 : i32
    %dma_start3A_548 = arith.constant 0 : i32
    %dma_start3A_549 = tpu.memref_slice %arg9[%dma_start3A_534, %dma_start3A_547, %dma_start3A_548] : memref<2x16x64xf32, #tpu.memory_space<vmem>> -> memref<1x16x64xf32, #tpu.memory_space<vmem>>
    %dma_start3A_550 = tpu.memref_squeeze %dma_start3A_549 : memref<1x16x64xf32, #tpu.memory_space<vmem>> -> memref<16x64xf32, #tpu.memory_space<vmem>>
    %dma_start3A_551 = arith.constant 11 : i32
    %dma_start3A_552 = arith.constant 0 : i32
    %dma_start3A_553 = tpu.memref_slice %dma_start3A_550[%dma_start3A_551, %dma_start3A_552] : memref<16x64xf32, #tpu.memory_space<vmem>> -> memref<1x64xf32, #tpu.memory_space<vmem>>
    %dma_start3A_554 = arith.constant 0 : i32
    %dma_start3A_555 = tpu.memref_slice %arg4[%squeeze3A_533, %dma_start3A_554] : memref<1000000x64xf32, #tpu.memory_space<hbm>> -> memref<1x64xf32, #tpu.memory_space<hbm>>
    tpu.enqueue_dma source(%dma_start3A_555 : memref<1x64xf32, #tpu.memory_space<hbm>>) target(%dma_start3A_553 : memref<1x64xf32, #tpu.memory_space<vmem>>) target_semaphore(%dma_start3A_546 : memref<!tpu.dma_semaphore, #tpu.memory_space<semaphore_mem>>)
    %slice3A_556 = vector.extract_strided_slice %get3A_6 {offsets = [11], sizes = [1], strides = [1]} : vector<16xi32> to vector<1xi32>
    %squeeze3A_557 = vector.extract %slice3A_556[0] : i32 from vector<1xi32>
    %dma_start3A_558 = arith.constant 0 : i32
    %dma_start3A_559 = arith.constant 0 : i32
    %dma_start3A_560 = arith.constant 0 : i32
    %dma_start3A_561 = arith.constant 0 : i32
    %dma_start3A_562 = tpu.memref_slice %arg10[%dma_start3A_558, %dma_start3A_560, %dma_start3A_561] : memref<2x16x64xf32, #tpu.memory_space<vmem>> -> memref<1x16x64xf32, #tpu.memory_space<vmem>>
    %dma_start3A_563 = tpu.memref_squeeze %dma_start3A_562 : memref<1x16x64xf32, #tpu.memory_space<vmem>> -> memref<16x64xf32, #tpu.memory_space<vmem>>
    %dma_start3A_564 = arith.constant 11 : i32
    %dma_start3A_565 = arith.constant 0 : i32
    %dma_start3A_566 = tpu.memref_slice %dma_start3A_563[%dma_start3A_564, %dma_start3A_565] : memref<16x64xf32, #tpu.memory_space<vmem>> -> memref<1x64xf32, #tpu.memory_space<vmem>>
    %dma_start3A_567 = arith.constant 0 : i32
    %dma_start3A_568 = tpu.memref_slice %arg5[%squeeze3A_557, %dma_start3A_567] : memref<100000x64xf32, #tpu.memory_space<hbm>> -> memref<1x64xf32, #tpu.memory_space<hbm>>
    %dma_start3A_569 = tpu.memref_slice %arg12[%dma_start3A_559] : memref<2x!tpu.dma_semaphore, #tpu.memory_space<semaphore_mem>> -> memref<1x!tpu.dma_semaphore, #tpu.memory_space<semaphore_mem>>
    %dma_start3A_570 = tpu.memref_squeeze %dma_start3A_569 : memref<1x!tpu.dma_semaphore, #tpu.memory_space<semaphore_mem>> -> memref<!tpu.dma_semaphore, #tpu.memory_space<semaphore_mem>>
    %dma_start3A_571 = arith.constant 0 : i32
    %dma_start3A_572 = arith.constant 0 : i32
    %dma_start3A_573 = tpu.memref_slice %arg10[%dma_start3A_558, %dma_start3A_571, %dma_start3A_572] : memref<2x16x64xf32, #tpu.memory_space<vmem>> -> memref<1x16x64xf32, #tpu.memory_space<vmem>>
    %dma_start3A_574 = tpu.memref_squeeze %dma_start3A_573 : memref<1x16x64xf32, #tpu.memory_space<vmem>> -> memref<16x64xf32, #tpu.memory_space<vmem>>
    %dma_start3A_575 = arith.constant 11 : i32
    %dma_start3A_576 = arith.constant 0 : i32
    %dma_start3A_577 = tpu.memref_slice %dma_start3A_574[%dma_start3A_575, %dma_start3A_576] : memref<16x64xf32, #tpu.memory_space<vmem>> -> memref<1x64xf32, #tpu.memory_space<vmem>>
    %dma_start3A_578 = arith.constant 0 : i32
    %dma_start3A_579 = tpu.memref_slice %arg5[%squeeze3A_557, %dma_start3A_578] : memref<100000x64xf32, #tpu.memory_space<hbm>> -> memref<1x64xf32, #tpu.memory_space<hbm>>
    tpu.enqueue_dma source(%dma_start3A_579 : memref<1x64xf32, #tpu.memory_space<hbm>>) target(%dma_start3A_577 : memref<1x64xf32, #tpu.memory_space<vmem>>) target_semaphore(%dma_start3A_570 : memref<!tpu.dma_semaphore, #tpu.memory_space<semaphore_mem>>)
    %slice3A_580 = vector.extract_strided_slice %get3A_4 {offsets = [12], sizes = [1], strides = [1]} : vector<16xi32> to vector<1xi32>
    %squeeze3A_581 = vector.extract %slice3A_580[0] : i32 from vector<1xi32>
    %dma_start3A_582 = arith.constant 0 : i32
    %dma_start3A_583 = arith.constant 0 : i32
    %dma_start3A_584 = arith.constant 0 : i32
    %dma_start3A_585 = arith.constant 0 : i32
    %dma_start3A_586 = tpu.memref_slice %arg9[%dma_start3A_582, %dma_start3A_584, %dma_start3A_585] : memref<2x16x64xf32, #tpu.memory_space<vmem>> -> memref<1x16x64xf32, #tpu.memory_space<vmem>>
    %dma_start3A_587 = tpu.memref_squeeze %dma_start3A_586 : memref<1x16x64xf32, #tpu.memory_space<vmem>> -> memref<16x64xf32, #tpu.memory_space<vmem>>
    %dma_start3A_588 = arith.constant 12 : i32
    %dma_start3A_589 = arith.constant 0 : i32
    %dma_start3A_590 = tpu.memref_slice %dma_start3A_587[%dma_start3A_588, %dma_start3A_589] : memref<16x64xf32, #tpu.memory_space<vmem>> -> memref<1x64xf32, #tpu.memory_space<vmem>>
    %dma_start3A_591 = arith.constant 0 : i32
    %dma_start3A_592 = tpu.memref_slice %arg4[%squeeze3A_581, %dma_start3A_591] : memref<1000000x64xf32, #tpu.memory_space<hbm>> -> memref<1x64xf32, #tpu.memory_space<hbm>>
    %dma_start3A_593 = tpu.memref_slice %arg12[%dma_start3A_583] : memref<2x!tpu.dma_semaphore, #tpu.memory_space<semaphore_mem>> -> memref<1x!tpu.dma_semaphore, #tpu.memory_space<semaphore_mem>>
    %dma_start3A_594 = tpu.memref_squeeze %dma_start3A_593 : memref<1x!tpu.dma_semaphore, #tpu.memory_space<semaphore_mem>> -> memref<!tpu.dma_semaphore, #tpu.memory_space<semaphore_mem>>
    %dma_start3A_595 = arith.constant 0 : i32
    %dma_start3A_596 = arith.constant 0 : i32
    %dma_start3A_597 = tpu.memref_slice %arg9[%dma_start3A_582, %dma_start3A_595, %dma_start3A_596] : memref<2x16x64xf32, #tpu.memory_space<vmem>> -> memref<1x16x64xf32, #tpu.memory_space<vmem>>
    %dma_start3A_598 = tpu.memref_squeeze %dma_start3A_597 : memref<1x16x64xf32, #tpu.memory_space<vmem>> -> memref<16x64xf32, #tpu.memory_space<vmem>>
    %dma_start3A_599 = arith.constant 12 : i32
    %dma_start3A_600 = arith.constant 0 : i32
    %dma_start3A_601 = tpu.memref_slice %dma_start3A_598[%dma_start3A_599, %dma_start3A_600] : memref<16x64xf32, #tpu.memory_space<vmem>> -> memref<1x64xf32, #tpu.memory_space<vmem>>
    %dma_start3A_602 = arith.constant 0 : i32
    %dma_start3A_603 = tpu.memref_slice %arg4[%squeeze3A_581, %dma_start3A_602] : memref<1000000x64xf32, #tpu.memory_space<hbm>> -> memref<1x64xf32, #tpu.memory_space<hbm>>
    tpu.enqueue_dma source(%dma_start3A_603 : memref<1x64xf32, #tpu.memory_space<hbm>>) target(%dma_start3A_601 : memref<1x64xf32, #tpu.memory_space<vmem>>) target_semaphore(%dma_start3A_594 : memref<!tpu.dma_semaphore, #tpu.memory_space<semaphore_mem>>)
    %slice3A_604 = vector.extract_strided_slice %get3A_6 {offsets = [12], sizes = [1], strides = [1]} : vector<16xi32> to vector<1xi32>
    %squeeze3A_605 = vector.extract %slice3A_604[0] : i32 from vector<1xi32>
    %dma_start3A_606 = arith.constant 0 : i32
    %dma_start3A_607 = arith.constant 0 : i32
    %dma_start3A_608 = arith.constant 0 : i32
    %dma_start3A_609 = arith.constant 0 : i32
    %dma_start3A_610 = tpu.memref_slice %arg10[%dma_start3A_606, %dma_start3A_608, %dma_start3A_609] : memref<2x16x64xf32, #tpu.memory_space<vmem>> -> memref<1x16x64xf32, #tpu.memory_space<vmem>>
    %dma_start3A_611 = tpu.memref_squeeze %dma_start3A_610 : memref<1x16x64xf32, #tpu.memory_space<vmem>> -> memref<16x64xf32, #tpu.memory_space<vmem>>
    %dma_start3A_612 = arith.constant 12 : i32
    %dma_start3A_613 = arith.constant 0 : i32
    %dma_start3A_614 = tpu.memref_slice %dma_start3A_611[%dma_start3A_612, %dma_start3A_613] : memref<16x64xf32, #tpu.memory_space<vmem>> -> memref<1x64xf32, #tpu.memory_space<vmem>>
    %dma_start3A_615 = arith.constant 0 : i32
    %dma_start3A_616 = tpu.memref_slice %arg5[%squeeze3A_605, %dma_start3A_615] : memref<100000x64xf32, #tpu.memory_space<hbm>> -> memref<1x64xf32, #tpu.memory_space<hbm>>
    %dma_start3A_617 = tpu.memref_slice %arg12[%dma_start3A_607] : memref<2x!tpu.dma_semaphore, #tpu.memory_space<semaphore_mem>> -> memref<1x!tpu.dma_semaphore, #tpu.memory_space<semaphore_mem>>
    %dma_start3A_618 = tpu.memref_squeeze %dma_start3A_617 : memref<1x!tpu.dma_semaphore, #tpu.memory_space<semaphore_mem>> -> memref<!tpu.dma_semaphore, #tpu.memory_space<semaphore_mem>>
    %dma_start3A_619 = arith.constant 0 : i32
    %dma_start3A_620 = arith.constant 0 : i32
    %dma_start3A_621 = tpu.memref_slice %arg10[%dma_start3A_606, %dma_start3A_619, %dma_start3A_620] : memref<2x16x64xf32, #tpu.memory_space<vmem>> -> memref<1x16x64xf32, #tpu.memory_space<vmem>>
    %dma_start3A_622 = tpu.memref_squeeze %dma_start3A_621 : memref<1x16x64xf32, #tpu.memory_space<vmem>> -> memref<16x64xf32, #tpu.memory_space<vmem>>
    %dma_start3A_623 = arith.constant 12 : i32
    %dma_start3A_624 = arith.constant 0 : i32
    %dma_start3A_625 = tpu.memref_slice %dma_start3A_622[%dma_start3A_623, %dma_start3A_624] : memref<16x64xf32, #tpu.memory_space<vmem>> -> memref<1x64xf32, #tpu.memory_space<vmem>>
    %dma_start3A_626 = arith.constant 0 : i32
    %dma_start3A_627 = tpu.memref_slice %arg5[%squeeze3A_605, %dma_start3A_626] : memref<100000x64xf32, #tpu.memory_space<hbm>> -> memref<1x64xf32, #tpu.memory_space<hbm>>
    tpu.enqueue_dma source(%dma_start3A_627 : memref<1x64xf32, #tpu.memory_space<hbm>>) target(%dma_start3A_625 : memref<1x64xf32, #tpu.memory_space<vmem>>) target_semaphore(%dma_start3A_618 : memref<!tpu.dma_semaphore, #tpu.memory_space<semaphore_mem>>)
    %slice3A_628 = vector.extract_strided_slice %get3A_4 {offsets = [13], sizes = [1], strides = [1]} : vector<16xi32> to vector<1xi32>
    %squeeze3A_629 = vector.extract %slice3A_628[0] : i32 from vector<1xi32>
    %dma_start3A_630 = arith.constant 0 : i32
    %dma_start3A_631 = arith.constant 0 : i32
    %dma_start3A_632 = arith.constant 0 : i32
    %dma_start3A_633 = arith.constant 0 : i32
    %dma_start3A_634 = tpu.memref_slice %arg9[%dma_start3A_630, %dma_start3A_632, %dma_start3A_633] : memref<2x16x64xf32, #tpu.memory_space<vmem>> -> memref<1x16x64xf32, #tpu.memory_space<vmem>>
    %dma_start3A_635 = tpu.memref_squeeze %dma_start3A_634 : memref<1x16x64xf32, #tpu.memory_space<vmem>> -> memref<16x64xf32, #tpu.memory_space<vmem>>
    %dma_start3A_636 = arith.constant 13 : i32
    %dma_start3A_637 = arith.constant 0 : i32
    %dma_start3A_638 = tpu.memref_slice %dma_start3A_635[%dma_start3A_636, %dma_start3A_637] : memref<16x64xf32, #tpu.memory_space<vmem>> -> memref<1x64xf32, #tpu.memory_space<vmem>>
    %dma_start3A_639 = arith.constant 0 : i32
    %dma_start3A_640 = tpu.memref_slice %arg4[%squeeze3A_629, %dma_start3A_639] : memref<1000000x64xf32, #tpu.memory_space<hbm>> -> memref<1x64xf32, #tpu.memory_space<hbm>>
    %dma_start3A_641 = tpu.memref_slice %arg12[%dma_start3A_631] : memref<2x!tpu.dma_semaphore, #tpu.memory_space<semaphore_mem>> -> memref<1x!tpu.dma_semaphore, #tpu.memory_space<semaphore_mem>>
    %dma_start3A_642 = tpu.memref_squeeze %dma_start3A_641 : memref<1x!tpu.dma_semaphore, #tpu.memory_space<semaphore_mem>> -> memref<!tpu.dma_semaphore, #tpu.memory_space<semaphore_mem>>
    %dma_start3A_643 = arith.constant 0 : i32
    %dma_start3A_644 = arith.constant 0 : i32
    %dma_start3A_645 = tpu.memref_slice %arg9[%dma_start3A_630, %dma_start3A_643, %dma_start3A_644] : memref<2x16x64xf32, #tpu.memory_space<vmem>> -> memref<1x16x64xf32, #tpu.memory_space<vmem>>
    %dma_start3A_646 = tpu.memref_squeeze %dma_start3A_645 : memref<1x16x64xf32, #tpu.memory_space<vmem>> -> memref<16x64xf32, #tpu.memory_space<vmem>>
    %dma_start3A_647 = arith.constant 13 : i32
    %dma_start3A_648 = arith.constant 0 : i32
    %dma_start3A_649 = tpu.memref_slice %dma_start3A_646[%dma_start3A_647, %dma_start3A_648] : memref<16x64xf32, #tpu.memory_space<vmem>> -> memref<1x64xf32, #tpu.memory_space<vmem>>
    %dma_start3A_650 = arith.constant 0 : i32
    %dma_start3A_651 = tpu.memref_slice %arg4[%squeeze3A_629, %dma_start3A_650] : memref<1000000x64xf32, #tpu.memory_space<hbm>> -> memref<1x64xf32, #tpu.memory_space<hbm>>
    tpu.enqueue_dma source(%dma_start3A_651 : memref<1x64xf32, #tpu.memory_space<hbm>>) target(%dma_start3A_649 : memref<1x64xf32, #tpu.memory_space<vmem>>) target_semaphore(%dma_start3A_642 : memref<!tpu.dma_semaphore, #tpu.memory_space<semaphore_mem>>)
    %slice3A_652 = vector.extract_strided_slice %get3A_6 {offsets = [13], sizes = [1], strides = [1]} : vector<16xi32> to vector<1xi32>
    %squeeze3A_653 = vector.extract %slice3A_652[0] : i32 from vector<1xi32>
    %dma_start3A_654 = arith.constant 0 : i32
    %dma_start3A_655 = arith.constant 0 : i32
    %dma_start3A_656 = arith.constant 0 : i32
    %dma_start3A_657 = arith.constant 0 : i32
    %dma_start3A_658 = tpu.memref_slice %arg10[%dma_start3A_654, %dma_start3A_656, %dma_start3A_657] : memref<2x16x64xf32, #tpu.memory_space<vmem>> -> memref<1x16x64xf32, #tpu.memory_space<vmem>>
    %dma_start3A_659 = tpu.memref_squeeze %dma_start3A_658 : memref<1x16x64xf32, #tpu.memory_space<vmem>> -> memref<16x64xf32, #tpu.memory_space<vmem>>
    %dma_start3A_660 = arith.constant 13 : i32
    %dma_start3A_661 = arith.constant 0 : i32
    %dma_start3A_662 = tpu.memref_slice %dma_start3A_659[%dma_start3A_660, %dma_start3A_661] : memref<16x64xf32, #tpu.memory_space<vmem>> -> memref<1x64xf32, #tpu.memory_space<vmem>>
    %dma_start3A_663 = arith.constant 0 : i32
    %dma_start3A_664 = tpu.memref_slice %arg5[%squeeze3A_653, %dma_start3A_663] : memref<100000x64xf32, #tpu.memory_space<hbm>> -> memref<1x64xf32, #tpu.memory_space<hbm>>
    %dma_start3A_665 = tpu.memref_slice %arg12[%dma_start3A_655] : memref<2x!tpu.dma_semaphore, #tpu.memory_space<semaphore_mem>> -> memref<1x!tpu.dma_semaphore, #tpu.memory_space<semaphore_mem>>
    %dma_start3A_666 = tpu.memref_squeeze %dma_start3A_665 : memref<1x!tpu.dma_semaphore, #tpu.memory_space<semaphore_mem>> -> memref<!tpu.dma_semaphore, #tpu.memory_space<semaphore_mem>>
    %dma_start3A_667 = arith.constant 0 : i32
    %dma_start3A_668 = arith.constant 0 : i32
    %dma_start3A_669 = tpu.memref_slice %arg10[%dma_start3A_654, %dma_start3A_667, %dma_start3A_668] : memref<2x16x64xf32, #tpu.memory_space<vmem>> -> memref<1x16x64xf32, #tpu.memory_space<vmem>>
    %dma_start3A_670 = tpu.memref_squeeze %dma_start3A_669 : memref<1x16x64xf32, #tpu.memory_space<vmem>> -> memref<16x64xf32, #tpu.memory_space<vmem>>
    %dma_start3A_671 = arith.constant 13 : i32
    %dma_start3A_672 = arith.constant 0 : i32
    %dma_start3A_673 = tpu.memref_slice %dma_start3A_670[%dma_start3A_671, %dma_start3A_672] : memref<16x64xf32, #tpu.memory_space<vmem>> -> memref<1x64xf32, #tpu.memory_space<vmem>>
    %dma_start3A_674 = arith.constant 0 : i32
    %dma_start3A_675 = tpu.memref_slice %arg5[%squeeze3A_653, %dma_start3A_674] : memref<100000x64xf32, #tpu.memory_space<hbm>> -> memref<1x64xf32, #tpu.memory_space<hbm>>
    tpu.enqueue_dma source(%dma_start3A_675 : memref<1x64xf32, #tpu.memory_space<hbm>>) target(%dma_start3A_673 : memref<1x64xf32, #tpu.memory_space<vmem>>) target_semaphore(%dma_start3A_666 : memref<!tpu.dma_semaphore, #tpu.memory_space<semaphore_mem>>)
    %slice3A_676 = vector.extract_strided_slice %get3A_4 {offsets = [14], sizes = [1], strides = [1]} : vector<16xi32> to vector<1xi32>
    %squeeze3A_677 = vector.extract %slice3A_676[0] : i32 from vector<1xi32>
    %dma_start3A_678 = arith.constant 0 : i32
    %dma_start3A_679 = arith.constant 0 : i32
    %dma_start3A_680 = arith.constant 0 : i32
    %dma_start3A_681 = arith.constant 0 : i32
    %dma_start3A_682 = tpu.memref_slice %arg9[%dma_start3A_678, %dma_start3A_680, %dma_start3A_681] : memref<2x16x64xf32, #tpu.memory_space<vmem>> -> memref<1x16x64xf32, #tpu.memory_space<vmem>>
    %dma_start3A_683 = tpu.memref_squeeze %dma_start3A_682 : memref<1x16x64xf32, #tpu.memory_space<vmem>> -> memref<16x64xf32, #tpu.memory_space<vmem>>
    %dma_start3A_684 = arith.constant 14 : i32
    %dma_start3A_685 = arith.constant 0 : i32
    %dma_start3A_686 = tpu.memref_slice %dma_start3A_683[%dma_start3A_684, %dma_start3A_685] : memref<16x64xf32, #tpu.memory_space<vmem>> -> memref<1x64xf32, #tpu.memory_space<vmem>>
    %dma_start3A_687 = arith.constant 0 : i32
    %dma_start3A_688 = tpu.memref_slice %arg4[%squeeze3A_677, %dma_start3A_687] : memref<1000000x64xf32, #tpu.memory_space<hbm>> -> memref<1x64xf32, #tpu.memory_space<hbm>>
    %dma_start3A_689 = tpu.memref_slice %arg12[%dma_start3A_679] : memref<2x!tpu.dma_semaphore, #tpu.memory_space<semaphore_mem>> -> memref<1x!tpu.dma_semaphore, #tpu.memory_space<semaphore_mem>>
    %dma_start3A_690 = tpu.memref_squeeze %dma_start3A_689 : memref<1x!tpu.dma_semaphore, #tpu.memory_space<semaphore_mem>> -> memref<!tpu.dma_semaphore, #tpu.memory_space<semaphore_mem>>
    %dma_start3A_691 = arith.constant 0 : i32
    %dma_start3A_692 = arith.constant 0 : i32
    %dma_start3A_693 = tpu.memref_slice %arg9[%dma_start3A_678, %dma_start3A_691, %dma_start3A_692] : memref<2x16x64xf32, #tpu.memory_space<vmem>> -> memref<1x16x64xf32, #tpu.memory_space<vmem>>
    %dma_start3A_694 = tpu.memref_squeeze %dma_start3A_693 : memref<1x16x64xf32, #tpu.memory_space<vmem>> -> memref<16x64xf32, #tpu.memory_space<vmem>>
    %dma_start3A_695 = arith.constant 14 : i32
    %dma_start3A_696 = arith.constant 0 : i32
    %dma_start3A_697 = tpu.memref_slice %dma_start3A_694[%dma_start3A_695, %dma_start3A_696] : memref<16x64xf32, #tpu.memory_space<vmem>> -> memref<1x64xf32, #tpu.memory_space<vmem>>
    %dma_start3A_698 = arith.constant 0 : i32
    %dma_start3A_699 = tpu.memref_slice %arg4[%squeeze3A_677, %dma_start3A_698] : memref<1000000x64xf32, #tpu.memory_space<hbm>> -> memref<1x64xf32, #tpu.memory_space<hbm>>
    tpu.enqueue_dma source(%dma_start3A_699 : memref<1x64xf32, #tpu.memory_space<hbm>>) target(%dma_start3A_697 : memref<1x64xf32, #tpu.memory_space<vmem>>) target_semaphore(%dma_start3A_690 : memref<!tpu.dma_semaphore, #tpu.memory_space<semaphore_mem>>)
    %slice3A_700 = vector.extract_strided_slice %get3A_6 {offsets = [14], sizes = [1], strides = [1]} : vector<16xi32> to vector<1xi32>
    %squeeze3A_701 = vector.extract %slice3A_700[0] : i32 from vector<1xi32>
    %dma_start3A_702 = arith.constant 0 : i32
    %dma_start3A_703 = arith.constant 0 : i32
    %dma_start3A_704 = arith.constant 0 : i32
    %dma_start3A_705 = arith.constant 0 : i32
    %dma_start3A_706 = tpu.memref_slice %arg10[%dma_start3A_702, %dma_start3A_704, %dma_start3A_705] : memref<2x16x64xf32, #tpu.memory_space<vmem>> -> memref<1x16x64xf32, #tpu.memory_space<vmem>>
    %dma_start3A_707 = tpu.memref_squeeze %dma_start3A_706 : memref<1x16x64xf32, #tpu.memory_space<vmem>> -> memref<16x64xf32, #tpu.memory_space<vmem>>
    %dma_start3A_708 = arith.constant 14 : i32
    %dma_start3A_709 = arith.constant 0 : i32
    %dma_start3A_710 = tpu.memref_slice %dma_start3A_707[%dma_start3A_708, %dma_start3A_709] : memref<16x64xf32, #tpu.memory_space<vmem>> -> memref<1x64xf32, #tpu.memory_space<vmem>>
    %dma_start3A_711 = arith.constant 0 : i32
    %dma_start3A_712 = tpu.memref_slice %arg5[%squeeze3A_701, %dma_start3A_711] : memref<100000x64xf32, #tpu.memory_space<hbm>> -> memref<1x64xf32, #tpu.memory_space<hbm>>
    %dma_start3A_713 = tpu.memref_slice %arg12[%dma_start3A_703] : memref<2x!tpu.dma_semaphore, #tpu.memory_space<semaphore_mem>> -> memref<1x!tpu.dma_semaphore, #tpu.memory_space<semaphore_mem>>
    %dma_start3A_714 = tpu.memref_squeeze %dma_start3A_713 : memref<1x!tpu.dma_semaphore, #tpu.memory_space<semaphore_mem>> -> memref<!tpu.dma_semaphore, #tpu.memory_space<semaphore_mem>>
    %dma_start3A_715 = arith.constant 0 : i32
    %dma_start3A_716 = arith.constant 0 : i32
    %dma_start3A_717 = tpu.memref_slice %arg10[%dma_start3A_702, %dma_start3A_715, %dma_start3A_716] : memref<2x16x64xf32, #tpu.memory_space<vmem>> -> memref<1x16x64xf32, #tpu.memory_space<vmem>>
    %dma_start3A_718 = tpu.memref_squeeze %dma_start3A_717 : memref<1x16x64xf32, #tpu.memory_space<vmem>> -> memref<16x64xf32, #tpu.memory_space<vmem>>
    %dma_start3A_719 = arith.constant 14 : i32
    %dma_start3A_720 = arith.constant 0 : i32
    %dma_start3A_721 = tpu.memref_slice %dma_start3A_718[%dma_start3A_719, %dma_start3A_720] : memref<16x64xf32, #tpu.memory_space<vmem>> -> memref<1x64xf32, #tpu.memory_space<vmem>>
    %dma_start3A_722 = arith.constant 0 : i32
    %dma_start3A_723 = tpu.memref_slice %arg5[%squeeze3A_701, %dma_start3A_722] : memref<100000x64xf32, #tpu.memory_space<hbm>> -> memref<1x64xf32, #tpu.memory_space<hbm>>
    tpu.enqueue_dma source(%dma_start3A_723 : memref<1x64xf32, #tpu.memory_space<hbm>>) target(%dma_start3A_721 : memref<1x64xf32, #tpu.memory_space<vmem>>) target_semaphore(%dma_start3A_714 : memref<!tpu.dma_semaphore, #tpu.memory_space<semaphore_mem>>)
    %slice3A_724 = vector.extract_strided_slice %get3A_4 {offsets = [15], sizes = [1], strides = [1]} : vector<16xi32> to vector<1xi32>
    %squeeze3A_725 = vector.extract %slice3A_724[0] : i32 from vector<1xi32>
    %dma_start3A_726 = arith.constant 0 : i32
    %dma_start3A_727 = arith.constant 0 : i32
    %dma_start3A_728 = arith.constant 0 : i32
    %dma_start3A_729 = arith.constant 0 : i32
    %dma_start3A_730 = tpu.memref_slice %arg9[%dma_start3A_726, %dma_start3A_728, %dma_start3A_729] : memref<2x16x64xf32, #tpu.memory_space<vmem>> -> memref<1x16x64xf32, #tpu.memory_space<vmem>>
    %dma_start3A_731 = tpu.memref_squeeze %dma_start3A_730 : memref<1x16x64xf32, #tpu.memory_space<vmem>> -> memref<16x64xf32, #tpu.memory_space<vmem>>
    %dma_start3A_732 = arith.constant 15 : i32
    %dma_start3A_733 = arith.constant 0 : i32
    %dma_start3A_734 = tpu.memref_slice %dma_start3A_731[%dma_start3A_732, %dma_start3A_733] : memref<16x64xf32, #tpu.memory_space<vmem>> -> memref<1x64xf32, #tpu.memory_space<vmem>>
    %dma_start3A_735 = arith.constant 0 : i32
    %dma_start3A_736 = tpu.memref_slice %arg4[%squeeze3A_725, %dma_start3A_735] : memref<1000000x64xf32, #tpu.memory_space<hbm>> -> memref<1x64xf32, #tpu.memory_space<hbm>>
    %dma_start3A_737 = tpu.memref_slice %arg12[%dma_start3A_727] : memref<2x!tpu.dma_semaphore, #tpu.memory_space<semaphore_mem>> -> memref<1x!tpu.dma_semaphore, #tpu.memory_space<semaphore_mem>>
    %dma_start3A_738 = tpu.memref_squeeze %dma_start3A_737 : memref<1x!tpu.dma_semaphore, #tpu.memory_space<semaphore_mem>> -> memref<!tpu.dma_semaphore, #tpu.memory_space<semaphore_mem>>
    %dma_start3A_739 = arith.constant 0 : i32
    %dma_start3A_740 = arith.constant 0 : i32
    %dma_start3A_741 = tpu.memref_slice %arg9[%dma_start3A_726, %dma_start3A_739, %dma_start3A_740] : memref<2x16x64xf32, #tpu.memory_space<vmem>> -> memref<1x16x64xf32, #tpu.memory_space<vmem>>
    %dma_start3A_742 = tpu.memref_squeeze %dma_start3A_741 : memref<1x16x64xf32, #tpu.memory_space<vmem>> -> memref<16x64xf32, #tpu.memory_space<vmem>>
    %dma_start3A_743 = arith.constant 15 : i32
    %dma_start3A_744 = arith.constant 0 : i32
    %dma_start3A_745 = tpu.memref_slice %dma_start3A_742[%dma_start3A_743, %dma_start3A_744] : memref<16x64xf32, #tpu.memory_space<vmem>> -> memref<1x64xf32, #tpu.memory_space<vmem>>
    %dma_start3A_746 = arith.constant 0 : i32
    %dma_start3A_747 = tpu.memref_slice %arg4[%squeeze3A_725, %dma_start3A_746] : memref<1000000x64xf32, #tpu.memory_space<hbm>> -> memref<1x64xf32, #tpu.memory_space<hbm>>
    tpu.enqueue_dma source(%dma_start3A_747 : memref<1x64xf32, #tpu.memory_space<hbm>>) target(%dma_start3A_745 : memref<1x64xf32, #tpu.memory_space<vmem>>) target_semaphore(%dma_start3A_738 : memref<!tpu.dma_semaphore, #tpu.memory_space<semaphore_mem>>)
    %slice3A_748 = vector.extract_strided_slice %get3A_6 {offsets = [15], sizes = [1], strides = [1]} : vector<16xi32> to vector<1xi32>
    %squeeze3A_749 = vector.extract %slice3A_748[0] : i32 from vector<1xi32>
    %dma_start3A_750 = arith.constant 0 : i32
    %dma_start3A_751 = arith.constant 0 : i32
    %dma_start3A_752 = arith.constant 0 : i32
    %dma_start3A_753 = arith.constant 0 : i32
    %dma_start3A_754 = tpu.memref_slice %arg10[%dma_start3A_750, %dma_start3A_752, %dma_start3A_753] : memref<2x16x64xf32, #tpu.memory_space<vmem>> -> memref<1x16x64xf32, #tpu.memory_space<vmem>>
    %dma_start3A_755 = tpu.memref_squeeze %dma_start3A_754 : memref<1x16x64xf32, #tpu.memory_space<vmem>> -> memref<16x64xf32, #tpu.memory_space<vmem>>
    %dma_start3A_756 = arith.constant 15 : i32
    %dma_start3A_757 = arith.constant 0 : i32
    %dma_start3A_758 = tpu.memref_slice %dma_start3A_755[%dma_start3A_756, %dma_start3A_757] : memref<16x64xf32, #tpu.memory_space<vmem>> -> memref<1x64xf32, #tpu.memory_space<vmem>>
    %dma_start3A_759 = arith.constant 0 : i32
    %dma_start3A_760 = tpu.memref_slice %arg5[%squeeze3A_749, %dma_start3A_759] : memref<100000x64xf32, #tpu.memory_space<hbm>> -> memref<1x64xf32, #tpu.memory_space<hbm>>
    %dma_start3A_761 = tpu.memref_slice %arg12[%dma_start3A_751] : memref<2x!tpu.dma_semaphore, #tpu.memory_space<semaphore_mem>> -> memref<1x!tpu.dma_semaphore, #tpu.memory_space<semaphore_mem>>
    %dma_start3A_762 = tpu.memref_squeeze %dma_start3A_761 : memref<1x!tpu.dma_semaphore, #tpu.memory_space<semaphore_mem>> -> memref<!tpu.dma_semaphore, #tpu.memory_space<semaphore_mem>>
    %dma_start3A_763 = arith.constant 0 : i32
    %dma_start3A_764 = arith.constant 0 : i32
    %dma_start3A_765 = tpu.memref_slice %arg10[%dma_start3A_750, %dma_start3A_763, %dma_start3A_764] : memref<2x16x64xf32, #tpu.memory_space<vmem>> -> memref<1x16x64xf32, #tpu.memory_space<vmem>>
    %dma_start3A_766 = tpu.memref_squeeze %dma_start3A_765 : memref<1x16x64xf32, #tpu.memory_space<vmem>> -> memref<16x64xf32, #tpu.memory_space<vmem>>
    %dma_start3A_767 = arith.constant 15 : i32
    %dma_start3A_768 = arith.constant 0 : i32
    %dma_start3A_769 = tpu.memref_slice %dma_start3A_766[%dma_start3A_767, %dma_start3A_768] : memref<16x64xf32, #tpu.memory_space<vmem>> -> memref<1x64xf32, #tpu.memory_space<vmem>>
    %dma_start3A_770 = arith.constant 0 : i32
    %dma_start3A_771 = tpu.memref_slice %arg5[%squeeze3A_749, %dma_start3A_770] : memref<100000x64xf32, #tpu.memory_space<hbm>> -> memref<1x64xf32, #tpu.memory_space<hbm>>
    tpu.enqueue_dma source(%dma_start3A_771 : memref<1x64xf32, #tpu.memory_space<hbm>>) target(%dma_start3A_769 : memref<1x64xf32, #tpu.memory_space<vmem>>) target_semaphore(%dma_start3A_762 : memref<!tpu.dma_semaphore, #tpu.memory_space<semaphore_mem>>)
    %scan3A = arith.constant 0 : i32
    %scan3A_772 = arith.constant 0 : i32
    %scan3A_773 = arith.constant 16 : i32
    %scan3A_774 = arith.addi %scan3A_772, %scan3A_773 : i32
    %scan3A_775 = arith.constant 1 : i32
    %scan3A_776 = scf.for %scan3A_778 = %scan3A_772 to %scan3A_774 step %scan3A_775 iter_args(%scan3A_779 = %scan3A) -> (i32)  : i32 {
      %mul3A_780 = arith.constant 2 : i32
      %mul3A_781 = arith.muli %scan3A_778, %mul3A_780 : i32
      %dma_wait3A = arith.constant 0 : i32
      %dma_wait3A_782 = arith.constant 0 : i32
      %dma_wait3A_783 = arith.constant 0 : i32
      %dma_wait3A_784 = arith.constant 0 : i32
      %dma_wait3A_785 = tpu.memref_slice %arg9[%dma_wait3A, %dma_wait3A_783, %dma_wait3A_784] : memref<2x16x64xf32, #tpu.memory_space<vmem>> -> memref<1x16x64xf32, #tpu.memory_space<vmem>>
      %dma_wait3A_786 = tpu.memref_squeeze %dma_wait3A_785 : memref<1x16x64xf32, #tpu.memory_space<vmem>> -> memref<16x64xf32, #tpu.memory_space<vmem>>
      %dma_wait3A_787 = arith.constant 0 : i32
      %dma_wait3A_788 = arith.constant 0 : i32
      %dma_wait3A_789 = tpu.memref_slice %dma_wait3A_786[%dma_wait3A_787, %dma_wait3A_788] : memref<16x64xf32, #tpu.memory_space<vmem>> -> memref<1x64xf32, #tpu.memory_space<vmem>>
      %dma_wait3A_790 = arith.constant 0 : i32
      %dma_wait3A_791 = arith.constant 0 : i32
      %dma_wait3A_792 = tpu.memref_slice %arg4[%dma_wait3A_790, %dma_wait3A_791] : memref<1000000x64xf32, #tpu.memory_space<hbm>> -> memref<1x64xf32, #tpu.memory_space<hbm>>
      %dma_wait3A_793 = tpu.memref_slice %arg12[%dma_wait3A_782] : memref<2x!tpu.dma_semaphore, #tpu.memory_space<semaphore_mem>> -> memref<1x!tpu.dma_semaphore, #tpu.memory_space<semaphore_mem>>
      %dma_wait3A_794 = tpu.memref_squeeze %dma_wait3A_793 : memref<1x!tpu.dma_semaphore, #tpu.memory_space<semaphore_mem>> -> memref<!tpu.dma_semaphore, #tpu.memory_space<semaphore_mem>>
      %dma_wait3A_795 = arith.constant 0 : i32
      %dma_wait3A_796 = arith.constant 0 : i32
      %dma_wait3A_797 = tpu.memref_slice %arg9[%dma_wait3A, %dma_wait3A_795, %dma_wait3A_796] : memref<2x16x64xf32, #tpu.memory_space<vmem>> -> memref<1x16x64xf32, #tpu.memory_space<vmem>>
      %dma_wait3A_798 = tpu.memref_squeeze %dma_wait3A_797 : memref<1x16x64xf32, #tpu.memory_space<vmem>> -> memref<16x64xf32, #tpu.memory_space<vmem>>
      %dma_wait3A_799 = arith.constant 0 : i32
      %dma_wait3A_800 = arith.constant 0 : i32
      %dma_wait3A_801 = tpu.memref_slice %dma_wait3A_798[%dma_wait3A_799, %dma_wait3A_800] : memref<16x64xf32, #tpu.memory_space<vmem>> -> memref<1x64xf32, #tpu.memory_space<vmem>>
      %dma_wait3A_802 = arith.constant 0 : i32
      %dma_wait3A_803 = arith.constant 0 : i32
      %dma_wait3A_804 = tpu.memref_slice %arg4[%dma_wait3A_802, %dma_wait3A_803] : memref<1000000x64xf32, #tpu.memory_space<hbm>> -> memref<1x64xf32, #tpu.memory_space<hbm>>
      tpu.wait_dma2 semaphore(%dma_wait3A_794 : memref<!tpu.dma_semaphore, #tpu.memory_space<semaphore_mem>>) src(%dma_wait3A_804 : memref<1x64xf32, #tpu.memory_space<hbm>>) dst(%dma_wait3A_801 : memref<1x64xf32, #tpu.memory_space<vmem>>)
      %dma_wait3A_805 = arith.constant 0 : i32
      %dma_wait3A_806 = arith.constant 0 : i32
      %dma_wait3A_807 = arith.constant 0 : i32
      %dma_wait3A_808 = arith.constant 0 : i32
      %dma_wait3A_809 = tpu.memref_slice %arg10[%dma_wait3A_805, %dma_wait3A_807, %dma_wait3A_808] : memref<2x16x64xf32, #tpu.memory_space<vmem>> -> memref<1x16x64xf32, #tpu.memory_space<vmem>>
      %dma_wait3A_810 = tpu.memref_squeeze %dma_wait3A_809 : memref<1x16x64xf32, #tpu.memory_space<vmem>> -> memref<16x64xf32, #tpu.memory_space<vmem>>
      %dma_wait3A_811 = arith.constant 0 : i32
      %dma_wait3A_812 = arith.constant 0 : i32
      %dma_wait3A_813 = tpu.memref_slice %dma_wait3A_810[%dma_wait3A_811, %dma_wait3A_812] : memref<16x64xf32, #tpu.memory_space<vmem>> -> memref<1x64xf32, #tpu.memory_space<vmem>>
      %dma_wait3A_814 = arith.constant 0 : i32
      %dma_wait3A_815 = arith.constant 0 : i32
      %dma_wait3A_816 = tpu.memref_slice %arg5[%dma_wait3A_814, %dma_wait3A_815] : memref<100000x64xf32, #tpu.memory_space<hbm>> -> memref<1x64xf32, #tpu.memory_space<hbm>>
      %dma_wait3A_817 = tpu.memref_slice %arg12[%dma_wait3A_806] : memref<2x!tpu.dma_semaphore, #tpu.memory_space<semaphore_mem>> -> memref<1x!tpu.dma_semaphore, #tpu.memory_space<semaphore_mem>>
      %dma_wait3A_818 = tpu.memref_squeeze %dma_wait3A_817 : memref<1x!tpu.dma_semaphore, #tpu.memory_space<semaphore_mem>> -> memref<!tpu.dma_semaphore, #tpu.memory_space<semaphore_mem>>
      %dma_wait3A_819 = arith.constant 0 : i32
      %dma_wait3A_820 = arith.constant 0 : i32
      %dma_wait3A_821 = tpu.memref_slice %arg10[%dma_wait3A_805, %dma_wait3A_819, %dma_wait3A_820] : memref<2x16x64xf32, #tpu.memory_space<vmem>> -> memref<1x16x64xf32, #tpu.memory_space<vmem>>
      %dma_wait3A_822 = tpu.memref_squeeze %dma_wait3A_821 : memref<1x16x64xf32, #tpu.memory_space<vmem>> -> memref<16x64xf32, #tpu.memory_space<vmem>>
      %dma_wait3A_823 = arith.constant 0 : i32
      %dma_wait3A_824 = arith.constant 0 : i32
      %dma_wait3A_825 = tpu.memref_slice %dma_wait3A_822[%dma_wait3A_823, %dma_wait3A_824] : memref<16x64xf32, #tpu.memory_space<vmem>> -> memref<1x64xf32, #tpu.memory_space<vmem>>
      %dma_wait3A_826 = arith.constant 0 : i32
      %dma_wait3A_827 = arith.constant 0 : i32
      %dma_wait3A_828 = tpu.memref_slice %arg5[%dma_wait3A_826, %dma_wait3A_827] : memref<100000x64xf32, #tpu.memory_space<hbm>> -> memref<1x64xf32, #tpu.memory_space<hbm>>
      tpu.wait_dma2 semaphore(%dma_wait3A_818 : memref<!tpu.dma_semaphore, #tpu.memory_space<semaphore_mem>>) src(%dma_wait3A_828 : memref<1x64xf32, #tpu.memory_space<hbm>>) dst(%dma_wait3A_825 : memref<1x64xf32, #tpu.memory_space<vmem>>)
      %dma_wait3A_829 = arith.constant 0 : i32
      %dma_wait3A_830 = arith.constant 0 : i32
      %dma_wait3A_831 = arith.constant 0 : i32
      %dma_wait3A_832 = arith.constant 0 : i32
      %dma_wait3A_833 = tpu.memref_slice %arg9[%dma_wait3A_829, %dma_wait3A_831, %dma_wait3A_832] : memref<2x16x64xf32, #tpu.memory_space<vmem>> -> memref<1x16x64xf32, #tpu.memory_space<vmem>>
      %dma_wait3A_834 = tpu.memref_squeeze %dma_wait3A_833 : memref<1x16x64xf32, #tpu.memory_space<vmem>> -> memref<16x64xf32, #tpu.memory_space<vmem>>
      %dma_wait3A_835 = arith.constant 1 : i32
      %dma_wait3A_836 = arith.constant 0 : i32
      %dma_wait3A_837 = tpu.memref_slice %dma_wait3A_834[%dma_wait3A_835, %dma_wait3A_836] : memref<16x64xf32, #tpu.memory_space<vmem>> -> memref<1x64xf32, #tpu.memory_space<vmem>>
      %dma_wait3A_838 = arith.constant 0 : i32
      %dma_wait3A_839 = arith.constant 0 : i32
      %dma_wait3A_840 = tpu.memref_slice %arg4[%dma_wait3A_838, %dma_wait3A_839] : memref<1000000x64xf32, #tpu.memory_space<hbm>> -> memref<1x64xf32, #tpu.memory_space<hbm>>
      %dma_wait3A_841 = tpu.memref_slice %arg12[%dma_wait3A_830] : memref<2x!tpu.dma_semaphore, #tpu.memory_space<semaphore_mem>> -> memref<1x!tpu.dma_semaphore, #tpu.memory_space<semaphore_mem>>
      %dma_wait3A_842 = tpu.memref_squeeze %dma_wait3A_841 : memref<1x!tpu.dma_semaphore, #tpu.memory_space<semaphore_mem>> -> memref<!tpu.dma_semaphore, #tpu.memory_space<semaphore_mem>>
      %dma_wait3A_843 = arith.constant 0 : i32
      %dma_wait3A_844 = arith.constant 0 : i32
      %dma_wait3A_845 = tpu.memref_slice %arg9[%dma_wait3A_829, %dma_wait3A_843, %dma_wait3A_844] : memref<2x16x64xf32, #tpu.memory_space<vmem>> -> memref<1x16x64xf32, #tpu.memory_space<vmem>>
      %dma_wait3A_846 = tpu.memref_squeeze %dma_wait3A_845 : memref<1x16x64xf32, #tpu.memory_space<vmem>> -> memref<16x64xf32, #tpu.memory_space<vmem>>
      %dma_wait3A_847 = arith.constant 1 : i32
      %dma_wait3A_848 = arith.constant 0 : i32
      %dma_wait3A_849 = tpu.memref_slice %dma_wait3A_846[%dma_wait3A_847, %dma_wait3A_848] : memref<16x64xf32, #tpu.memory_space<vmem>> -> memref<1x64xf32, #tpu.memory_space<vmem>>
      %dma_wait3A_850 = arith.constant 0 : i32
      %dma_wait3A_851 = arith.constant 0 : i32
      %dma_wait3A_852 = tpu.memref_slice %arg4[%dma_wait3A_850, %dma_wait3A_851] : memref<1000000x64xf32, #tpu.memory_space<hbm>> -> memref<1x64xf32, #tpu.memory_space<hbm>>
      tpu.wait_dma2 semaphore(%dma_wait3A_842 : memref<!tpu.dma_semaphore, #tpu.memory_space<semaphore_mem>>) src(%dma_wait3A_852 : memref<1x64xf32, #tpu.memory_space<hbm>>) dst(%dma_wait3A_849 : memref<1x64xf32, #tpu.memory_space<vmem>>)
      %dma_wait3A_853 = arith.constant 0 : i32
      %dma_wait3A_854 = arith.constant 0 : i32
      %dma_wait3A_855 = arith.constant 0 : i32
      %dma_wait3A_856 = arith.constant 0 : i32
      %dma_wait3A_857 = tpu.memref_slice %arg10[%dma_wait3A_853, %dma_wait3A_855, %dma_wait3A_856] : memref<2x16x64xf32, #tpu.memory_space<vmem>> -> memref<1x16x64xf32, #tpu.memory_space<vmem>>
      %dma_wait3A_858 = tpu.memref_squeeze %dma_wait3A_857 : memref<1x16x64xf32, #tpu.memory_space<vmem>> -> memref<16x64xf32, #tpu.memory_space<vmem>>
      %dma_wait3A_859 = arith.constant 1 : i32
      %dma_wait3A_860 = arith.constant 0 : i32
      %dma_wait3A_861 = tpu.memref_slice %dma_wait3A_858[%dma_wait3A_859, %dma_wait3A_860] : memref<16x64xf32, #tpu.memory_space<vmem>> -> memref<1x64xf32, #tpu.memory_space<vmem>>
      %dma_wait3A_862 = arith.constant 0 : i32
      %dma_wait3A_863 = arith.constant 0 : i32
      %dma_wait3A_864 = tpu.memref_slice %arg5[%dma_wait3A_862, %dma_wait3A_863] : memref<100000x64xf32, #tpu.memory_space<hbm>> -> memref<1x64xf32, #tpu.memory_space<hbm>>
      %dma_wait3A_865 = tpu.memref_slice %arg12[%dma_wait3A_854] : memref<2x!tpu.dma_semaphore, #tpu.memory_space<semaphore_mem>> -> memref<1x!tpu.dma_semaphore, #tpu.memory_space<semaphore_mem>>
      %dma_wait3A_866 = tpu.memref_squeeze %dma_wait3A_865 : memref<1x!tpu.dma_semaphore, #tpu.memory_space<semaphore_mem>> -> memref<!tpu.dma_semaphore, #tpu.memory_space<semaphore_mem>>
      %dma_wait3A_867 = arith.constant 0 : i32
      %dma_wait3A_868 = arith.constant 0 : i32
      %dma_wait3A_869 = tpu.memref_slice %arg10[%dma_wait3A_853, %dma_wait3A_867, %dma_wait3A_868] : memref<2x16x64xf32, #tpu.memory_space<vmem>> -> memref<1x16x64xf32, #tpu.memory_space<vmem>>
      %dma_wait3A_870 = tpu.memref_squeeze %dma_wait3A_869 : memref<1x16x64xf32, #tpu.memory_space<vmem>> -> memref<16x64xf32, #tpu.memory_space<vmem>>
      %dma_wait3A_871 = arith.constant 1 : i32
      %dma_wait3A_872 = arith.constant 0 : i32
      %dma_wait3A_873 = tpu.memref_slice %dma_wait3A_870[%dma_wait3A_871, %dma_wait3A_872] : memref<16x64xf32, #tpu.memory_space<vmem>> -> memref<1x64xf32, #tpu.memory_space<vmem>>
      %dma_wait3A_874 = arith.constant 0 : i32
      %dma_wait3A_875 = arith.constant 0 : i32
      %dma_wait3A_876 = tpu.memref_slice %arg5[%dma_wait3A_874, %dma_wait3A_875] : memref<100000x64xf32, #tpu.memory_space<hbm>> -> memref<1x64xf32, #tpu.memory_space<hbm>>
      tpu.wait_dma2 semaphore(%dma_wait3A_866 : memref<!tpu.dma_semaphore, #tpu.memory_space<semaphore_mem>>) src(%dma_wait3A_876 : memref<1x64xf32, #tpu.memory_space<hbm>>) dst(%dma_wait3A_873 : memref<1x64xf32, #tpu.memory_space<vmem>>)
      %dma_wait3A_877 = arith.constant 0 : i32
      %dma_wait3A_878 = arith.constant 0 : i32
      %dma_wait3A_879 = arith.constant 0 : i32
      %dma_wait3A_880 = arith.constant 0 : i32
      %dma_wait3A_881 = tpu.memref_slice %arg9[%dma_wait3A_877, %dma_wait3A_879, %dma_wait3A_880] : memref<2x16x64xf32, #tpu.memory_space<vmem>> -> memref<1x16x64xf32, #tpu.memory_space<vmem>>
      %dma_wait3A_882 = tpu.memref_squeeze %dma_wait3A_881 : memref<1x16x64xf32, #tpu.memory_space<vmem>> -> memref<16x64xf32, #tpu.memory_space<vmem>>
      %dma_wait3A_883 = arith.constant 2 : i32
      %dma_wait3A_884 = arith.constant 0 : i32
      %dma_wait3A_885 = tpu.memref_slice %dma_wait3A_882[%dma_wait3A_883, %dma_wait3A_884] : memref<16x64xf32, #tpu.memory_space<vmem>> -> memref<1x64xf32, #tpu.memory_space<vmem>>
      %dma_wait3A_886 = arith.constant 0 : i32
      %dma_wait3A_887 = arith.constant 0 : i32
      %dma_wait3A_888 = tpu.memref_slice %arg4[%dma_wait3A_886, %dma_wait3A_887] : memref<1000000x64xf32, #tpu.memory_space<hbm>> -> memref<1x64xf32, #tpu.memory_space<hbm>>
      %dma_wait3A_889 = tpu.memref_slice %arg12[%dma_wait3A_878] : memref<2x!tpu.dma_semaphore, #tpu.memory_space<semaphore_mem>> -> memref<1x!tpu.dma_semaphore, #tpu.memory_space<semaphore_mem>>
      %dma_wait3A_890 = tpu.memref_squeeze %dma_wait3A_889 : memref<1x!tpu.dma_semaphore, #tpu.memory_space<semaphore_mem>> -> memref<!tpu.dma_semaphore, #tpu.memory_space<semaphore_mem>>
      %dma_wait3A_891 = arith.constant 0 : i32
      %dma_wait3A_892 = arith.constant 0 : i32
      %dma_wait3A_893 = tpu.memref_slice %arg9[%dma_wait3A_877, %dma_wait3A_891, %dma_wait3A_892] : memref<2x16x64xf32, #tpu.memory_space<vmem>> -> memref<1x16x64xf32, #tpu.memory_space<vmem>>
      %dma_wait3A_894 = tpu.memref_squeeze %dma_wait3A_893 : memref<1x16x64xf32, #tpu.memory_space<vmem>> -> memref<16x64xf32, #tpu.memory_space<vmem>>
      %dma_wait3A_895 = arith.constant 2 : i32
      %dma_wait3A_896 = arith.constant 0 : i32
      %dma_wait3A_897 = tpu.memref_slice %dma_wait3A_894[%dma_wait3A_895, %dma_wait3A_896] : memref<16x64xf32, #tpu.memory_space<vmem>> -> memref<1x64xf32, #tpu.memory_space<vmem>>
      %dma_wait3A_898 = arith.constant 0 : i32
      %dma_wait3A_899 = arith.constant 0 : i32
      %dma_wait3A_900 = tpu.memref_slice %arg4[%dma_wait3A_898, %dma_wait3A_899] : memref<1000000x64xf32, #tpu.memory_space<hbm>> -> memref<1x64xf32, #tpu.memory_space<hbm>>
      tpu.wait_dma2 semaphore(%dma_wait3A_890 : memref<!tpu.dma_semaphore, #tpu.memory_space<semaphore_mem>>) src(%dma_wait3A_900 : memref<1x64xf32, #tpu.memory_space<hbm>>) dst(%dma_wait3A_897 : memref<1x64xf32, #tpu.memory_space<vmem>>)
      %dma_wait3A_901 = arith.constant 0 : i32
      %dma_wait3A_902 = arith.constant 0 : i32
      %dma_wait3A_903 = arith.constant 0 : i32
      %dma_wait3A_904 = arith.constant 0 : i32
      %dma_wait3A_905 = tpu.memref_slice %arg10[%dma_wait3A_901, %dma_wait3A_903, %dma_wait3A_904] : memref<2x16x64xf32, #tpu.memory_space<vmem>> -> memref<1x16x64xf32, #tpu.memory_space<vmem>>
      %dma_wait3A_906 = tpu.memref_squeeze %dma_wait3A_905 : memref<1x16x64xf32, #tpu.memory_space<vmem>> -> memref<16x64xf32, #tpu.memory_space<vmem>>
      %dma_wait3A_907 = arith.constant 2 : i32
      %dma_wait3A_908 = arith.constant 0 : i32
      %dma_wait3A_909 = tpu.memref_slice %dma_wait3A_906[%dma_wait3A_907, %dma_wait3A_908] : memref<16x64xf32, #tpu.memory_space<vmem>> -> memref<1x64xf32, #tpu.memory_space<vmem>>
      %dma_wait3A_910 = arith.constant 0 : i32
      %dma_wait3A_911 = arith.constant 0 : i32
      %dma_wait3A_912 = tpu.memref_slice %arg5[%dma_wait3A_910, %dma_wait3A_911] : memref<100000x64xf32, #tpu.memory_space<hbm>> -> memref<1x64xf32, #tpu.memory_space<hbm>>
      %dma_wait3A_913 = tpu.memref_slice %arg12[%dma_wait3A_902] : memref<2x!tpu.dma_semaphore, #tpu.memory_space<semaphore_mem>> -> memref<1x!tpu.dma_semaphore, #tpu.memory_space<semaphore_mem>>
      %dma_wait3A_914 = tpu.memref_squeeze %dma_wait3A_913 : memref<1x!tpu.dma_semaphore, #tpu.memory_space<semaphore_mem>> -> memref<!tpu.dma_semaphore, #tpu.memory_space<semaphore_mem>>
      %dma_wait3A_915 = arith.constant 0 : i32
      %dma_wait3A_916 = arith.constant 0 : i32
      %dma_wait3A_917 = tpu.memref_slice %arg10[%dma_wait3A_901, %dma_wait3A_915, %dma_wait3A_916] : memref<2x16x64xf32, #tpu.memory_space<vmem>> -> memref<1x16x64xf32, #tpu.memory_space<vmem>>
      %dma_wait3A_918 = tpu.memref_squeeze %dma_wait3A_917 : memref<1x16x64xf32, #tpu.memory_space<vmem>> -> memref<16x64xf32, #tpu.memory_space<vmem>>
      %dma_wait3A_919 = arith.constant 2 : i32
      %dma_wait3A_920 = arith.constant 0 : i32
      %dma_wait3A_921 = tpu.memref_slice %dma_wait3A_918[%dma_wait3A_919, %dma_wait3A_920] : memref<16x64xf32, #tpu.memory_space<vmem>> -> memref<1x64xf32, #tpu.memory_space<vmem>>
      %dma_wait3A_922 = arith.constant 0 : i32
      %dma_wait3A_923 = arith.constant 0 : i32
      %dma_wait3A_924 = tpu.memref_slice %arg5[%dma_wait3A_922, %dma_wait3A_923] : memref<100000x64xf32, #tpu.memory_space<hbm>> -> memref<1x64xf32, #tpu.memory_space<hbm>>
      tpu.wait_dma2 semaphore(%dma_wait3A_914 : memref<!tpu.dma_semaphore, #tpu.memory_space<semaphore_mem>>) src(%dma_wait3A_924 : memref<1x64xf32, #tpu.memory_space<hbm>>) dst(%dma_wait3A_921 : memref<1x64xf32, #tpu.memory_space<vmem>>)
      %dma_wait3A_925 = arith.constant 0 : i32
      %dma_wait3A_926 = arith.constant 0 : i32
      %dma_wait3A_927 = arith.constant 0 : i32
      %dma_wait3A_928 = arith.constant 0 : i32
      %dma_wait3A_929 = tpu.memref_slice %arg9[%dma_wait3A_925, %dma_wait3A_927, %dma_wait3A_928] : memref<2x16x64xf32, #tpu.memory_space<vmem>> -> memref<1x16x64xf32, #tpu.memory_space<vmem>>
      %dma_wait3A_930 = tpu.memref_squeeze %dma_wait3A_929 : memref<1x16x64xf32, #tpu.memory_space<vmem>> -> memref<16x64xf32, #tpu.memory_space<vmem>>
      %dma_wait3A_931 = arith.constant 3 : i32
      %dma_wait3A_932 = arith.constant 0 : i32
      %dma_wait3A_933 = tpu.memref_slice %dma_wait3A_930[%dma_wait3A_931, %dma_wait3A_932] : memref<16x64xf32, #tpu.memory_space<vmem>> -> memref<1x64xf32, #tpu.memory_space<vmem>>
      %dma_wait3A_934 = arith.constant 0 : i32
      %dma_wait3A_935 = arith.constant 0 : i32
      %dma_wait3A_936 = tpu.memref_slice %arg4[%dma_wait3A_934, %dma_wait3A_935] : memref<1000000x64xf32, #tpu.memory_space<hbm>> -> memref<1x64xf32, #tpu.memory_space<hbm>>
      %dma_wait3A_937 = tpu.memref_slice %arg12[%dma_wait3A_926] : memref<2x!tpu.dma_semaphore, #tpu.memory_space<semaphore_mem>> -> memref<1x!tpu.dma_semaphore, #tpu.memory_space<semaphore_mem>>
      %dma_wait3A_938 = tpu.memref_squeeze %dma_wait3A_937 : memref<1x!tpu.dma_semaphore, #tpu.memory_space<semaphore_mem>> -> memref<!tpu.dma_semaphore, #tpu.memory_space<semaphore_mem>>
      %dma_wait3A_939 = arith.constant 0 : i32
      %dma_wait3A_940 = arith.constant 0 : i32
      %dma_wait3A_941 = tpu.memref_slice %arg9[%dma_wait3A_925, %dma_wait3A_939, %dma_wait3A_940] : memref<2x16x64xf32, #tpu.memory_space<vmem>> -> memref<1x16x64xf32, #tpu.memory_space<vmem>>
      %dma_wait3A_942 = tpu.memref_squeeze %dma_wait3A_941 : memref<1x16x64xf32, #tpu.memory_space<vmem>> -> memref<16x64xf32, #tpu.memory_space<vmem>>
      %dma_wait3A_943 = arith.constant 3 : i32
      %dma_wait3A_944 = arith.constant 0 : i32
      %dma_wait3A_945 = tpu.memref_slice %dma_wait3A_942[%dma_wait3A_943, %dma_wait3A_944] : memref<16x64xf32, #tpu.memory_space<vmem>> -> memref<1x64xf32, #tpu.memory_space<vmem>>
      %dma_wait3A_946 = arith.constant 0 : i32
      %dma_wait3A_947 = arith.constant 0 : i32
      %dma_wait3A_948 = tpu.memref_slice %arg4[%dma_wait3A_946, %dma_wait3A_947] : memref<1000000x64xf32, #tpu.memory_space<hbm>> -> memref<1x64xf32, #tpu.memory_space<hbm>>
      tpu.wait_dma2 semaphore(%dma_wait3A_938 : memref<!tpu.dma_semaphore, #tpu.memory_space<semaphore_mem>>) src(%dma_wait3A_948 : memref<1x64xf32, #tpu.memory_space<hbm>>) dst(%dma_wait3A_945 : memref<1x64xf32, #tpu.memory_space<vmem>>)
      %dma_wait3A_949 = arith.constant 0 : i32
      %dma_wait3A_950 = arith.constant 0 : i32
      %dma_wait3A_951 = arith.constant 0 : i32
      %dma_wait3A_952 = arith.constant 0 : i32
      %dma_wait3A_953 = tpu.memref_slice %arg10[%dma_wait3A_949, %dma_wait3A_951, %dma_wait3A_952] : memref<2x16x64xf32, #tpu.memory_space<vmem>> -> memref<1x16x64xf32, #tpu.memory_space<vmem>>
      %dma_wait3A_954 = tpu.memref_squeeze %dma_wait3A_953 : memref<1x16x64xf32, #tpu.memory_space<vmem>> -> memref<16x64xf32, #tpu.memory_space<vmem>>
      %dma_wait3A_955 = arith.constant 3 : i32
      %dma_wait3A_956 = arith.constant 0 : i32
      %dma_wait3A_957 = tpu.memref_slice %dma_wait3A_954[%dma_wait3A_955, %dma_wait3A_956] : memref<16x64xf32, #tpu.memory_space<vmem>> -> memref<1x64xf32, #tpu.memory_space<vmem>>
      %dma_wait3A_958 = arith.constant 0 : i32
      %dma_wait3A_959 = arith.constant 0 : i32
      %dma_wait3A_960 = tpu.memref_slice %arg5[%dma_wait3A_958, %dma_wait3A_959] : memref<100000x64xf32, #tpu.memory_space<hbm>> -> memref<1x64xf32, #tpu.memory_space<hbm>>
      %dma_wait3A_961 = tpu.memref_slice %arg12[%dma_wait3A_950] : memref<2x!tpu.dma_semaphore, #tpu.memory_space<semaphore_mem>> -> memref<1x!tpu.dma_semaphore, #tpu.memory_space<semaphore_mem>>
      %dma_wait3A_962 = tpu.memref_squeeze %dma_wait3A_961 : memref<1x!tpu.dma_semaphore, #tpu.memory_space<semaphore_mem>> -> memref<!tpu.dma_semaphore, #tpu.memory_space<semaphore_mem>>
      %dma_wait3A_963 = arith.constant 0 : i32
      %dma_wait3A_964 = arith.constant 0 : i32
      %dma_wait3A_965 = tpu.memref_slice %arg10[%dma_wait3A_949, %dma_wait3A_963, %dma_wait3A_964] : memref<2x16x64xf32, #tpu.memory_space<vmem>> -> memref<1x16x64xf32, #tpu.memory_space<vmem>>
      %dma_wait3A_966 = tpu.memref_squeeze %dma_wait3A_965 : memref<1x16x64xf32, #tpu.memory_space<vmem>> -> memref<16x64xf32, #tpu.memory_space<vmem>>
      %dma_wait3A_967 = arith.constant 3 : i32
      %dma_wait3A_968 = arith.constant 0 : i32
      %dma_wait3A_969 = tpu.memref_slice %dma_wait3A_966[%dma_wait3A_967, %dma_wait3A_968] : memref<16x64xf32, #tpu.memory_space<vmem>> -> memref<1x64xf32, #tpu.memory_space<vmem>>
      %dma_wait3A_970 = arith.constant 0 : i32
      %dma_wait3A_971 = arith.constant 0 : i32
      %dma_wait3A_972 = tpu.memref_slice %arg5[%dma_wait3A_970, %dma_wait3A_971] : memref<100000x64xf32, #tpu.memory_space<hbm>> -> memref<1x64xf32, #tpu.memory_space<hbm>>
      tpu.wait_dma2 semaphore(%dma_wait3A_962 : memref<!tpu.dma_semaphore, #tpu.memory_space<semaphore_mem>>) src(%dma_wait3A_972 : memref<1x64xf32, #tpu.memory_space<hbm>>) dst(%dma_wait3A_969 : memref<1x64xf32, #tpu.memory_space<vmem>>)
      %dma_wait3A_973 = arith.constant 0 : i32
      %dma_wait3A_974 = arith.constant 0 : i32
      %dma_wait3A_975 = arith.constant 0 : i32
      %dma_wait3A_976 = arith.constant 0 : i32
      %dma_wait3A_977 = tpu.memref_slice %arg9[%dma_wait3A_973, %dma_wait3A_975, %dma_wait3A_976] : memref<2x16x64xf32, #tpu.memory_space<vmem>> -> memref<1x16x64xf32, #tpu.memory_space<vmem>>
      %dma_wait3A_978 = tpu.memref_squeeze %dma_wait3A_977 : memref<1x16x64xf32, #tpu.memory_space<vmem>> -> memref<16x64xf32, #tpu.memory_space<vmem>>
      %dma_wait3A_979 = arith.constant 4 : i32
      %dma_wait3A_980 = arith.constant 0 : i32
      %dma_wait3A_981 = tpu.memref_slice %dma_wait3A_978[%dma_wait3A_979, %dma_wait3A_980] : memref<16x64xf32, #tpu.memory_space<vmem>> -> memref<1x64xf32, #tpu.memory_space<vmem>>
      %dma_wait3A_982 = arith.constant 0 : i32
      %dma_wait3A_983 = arith.constant 0 : i32
      %dma_wait3A_984 = tpu.memref_slice %arg4[%dma_wait3A_982, %dma_wait3A_983] : memref<1000000x64xf32, #tpu.memory_space<hbm>> -> memref<1x64xf32, #tpu.memory_space<hbm>>
      %dma_wait3A_985 = tpu.memref_slice %arg12[%dma_wait3A_974] : memref<2x!tpu.dma_semaphore, #tpu.memory_space<semaphore_mem>> -> memref<1x!tpu.dma_semaphore, #tpu.memory_space<semaphore_mem>>
      %dma_wait3A_986 = tpu.memref_squeeze %dma_wait3A_985 : memref<1x!tpu.dma_semaphore, #tpu.memory_space<semaphore_mem>> -> memref<!tpu.dma_semaphore, #tpu.memory_space<semaphore_mem>>
      %dma_wait3A_987 = arith.constant 0 : i32
      %dma_wait3A_988 = arith.constant 0 : i32
      %dma_wait3A_989 = tpu.memref_slice %arg9[%dma_wait3A_973, %dma_wait3A_987, %dma_wait3A_988] : memref<2x16x64xf32, #tpu.memory_space<vmem>> -> memref<1x16x64xf32, #tpu.memory_space<vmem>>
      %dma_wait3A_990 = tpu.memref_squeeze %dma_wait3A_989 : memref<1x16x64xf32, #tpu.memory_space<vmem>> -> memref<16x64xf32, #tpu.memory_space<vmem>>
      %dma_wait3A_991 = arith.constant 4 : i32
      %dma_wait3A_992 = arith.constant 0 : i32
      %dma_wait3A_993 = tpu.memref_slice %dma_wait3A_990[%dma_wait3A_991, %dma_wait3A_992] : memref<16x64xf32, #tpu.memory_space<vmem>> -> memref<1x64xf32, #tpu.memory_space<vmem>>
      %dma_wait3A_994 = arith.constant 0 : i32
      %dma_wait3A_995 = arith.constant 0 : i32
      %dma_wait3A_996 = tpu.memref_slice %arg4[%dma_wait3A_994, %dma_wait3A_995] : memref<1000000x64xf32, #tpu.memory_space<hbm>> -> memref<1x64xf32, #tpu.memory_space<hbm>>
      tpu.wait_dma2 semaphore(%dma_wait3A_986 : memref<!tpu.dma_semaphore, #tpu.memory_space<semaphore_mem>>) src(%dma_wait3A_996 : memref<1x64xf32, #tpu.memory_space<hbm>>) dst(%dma_wait3A_993 : memref<1x64xf32, #tpu.memory_space<vmem>>)
      %dma_wait3A_997 = arith.constant 0 : i32
      %dma_wait3A_998 = arith.constant 0 : i32
      %dma_wait3A_999 = arith.constant 0 : i32
      %dma_wait3A_1000 = arith.constant 0 : i32
      %dma_wait3A_1001 = tpu.memref_slice %arg10[%dma_wait3A_997, %dma_wait3A_999, %dma_wait3A_1000] : memref<2x16x64xf32, #tpu.memory_space<vmem>> -> memref<1x16x64xf32, #tpu.memory_space<vmem>>
      %dma_wait3A_1002 = tpu.memref_squeeze %dma_wait3A_1001 : memref<1x16x64xf32, #tpu.memory_space<vmem>> -> memref<16x64xf32, #tpu.memory_space<vmem>>
      %dma_wait3A_1003 = arith.constant 4 : i32
      %dma_wait3A_1004 = arith.constant 0 : i32
      %dma_wait3A_1005 = tpu.memref_slice %dma_wait3A_1002[%dma_wait3A_1003, %dma_wait3A_1004] : memref<16x64xf32, #tpu.memory_space<vmem>> -> memref<1x64xf32, #tpu.memory_space<vmem>>
      %dma_wait3A_1006 = arith.constant 0 : i32
      %dma_wait3A_1007 = arith.constant 0 : i32
      %dma_wait3A_1008 = tpu.memref_slice %arg5[%dma_wait3A_1006, %dma_wait3A_1007] : memref<100000x64xf32, #tpu.memory_space<hbm>> -> memref<1x64xf32, #tpu.memory_space<hbm>>
      %dma_wait3A_1009 = tpu.memref_slice %arg12[%dma_wait3A_998] : memref<2x!tpu.dma_semaphore, #tpu.memory_space<semaphore_mem>> -> memref<1x!tpu.dma_semaphore, #tpu.memory_space<semaphore_mem>>
      %dma_wait3A_1010 = tpu.memref_squeeze %dma_wait3A_1009 : memref<1x!tpu.dma_semaphore, #tpu.memory_space<semaphore_mem>> -> memref<!tpu.dma_semaphore, #tpu.memory_space<semaphore_mem>>
      %dma_wait3A_1011 = arith.constant 0 : i32
      %dma_wait3A_1012 = arith.constant 0 : i32
      %dma_wait3A_1013 = tpu.memref_slice %arg10[%dma_wait3A_997, %dma_wait3A_1011, %dma_wait3A_1012] : memref<2x16x64xf32, #tpu.memory_space<vmem>> -> memref<1x16x64xf32, #tpu.memory_space<vmem>>
      %dma_wait3A_1014 = tpu.memref_squeeze %dma_wait3A_1013 : memref<1x16x64xf32, #tpu.memory_space<vmem>> -> memref<16x64xf32, #tpu.memory_space<vmem>>
      %dma_wait3A_1015 = arith.constant 4 : i32
      %dma_wait3A_1016 = arith.constant 0 : i32
      %dma_wait3A_1017 = tpu.memref_slice %dma_wait3A_1014[%dma_wait3A_1015, %dma_wait3A_1016] : memref<16x64xf32, #tpu.memory_space<vmem>> -> memref<1x64xf32, #tpu.memory_space<vmem>>
      %dma_wait3A_1018 = arith.constant 0 : i32
      %dma_wait3A_1019 = arith.constant 0 : i32
      %dma_wait3A_1020 = tpu.memref_slice %arg5[%dma_wait3A_1018, %dma_wait3A_1019] : memref<100000x64xf32, #tpu.memory_space<hbm>> -> memref<1x64xf32, #tpu.memory_space<hbm>>
      tpu.wait_dma2 semaphore(%dma_wait3A_1010 : memref<!tpu.dma_semaphore, #tpu.memory_space<semaphore_mem>>) src(%dma_wait3A_1020 : memref<1x64xf32, #tpu.memory_space<hbm>>) dst(%dma_wait3A_1017 : memref<1x64xf32, #tpu.memory_space<vmem>>)
      %dma_wait3A_1021 = arith.constant 0 : i32
      %dma_wait3A_1022 = arith.constant 0 : i32
      %dma_wait3A_1023 = arith.constant 0 : i32
      %dma_wait3A_1024 = arith.constant 0 : i32
      %dma_wait3A_1025 = tpu.memref_slice %arg9[%dma_wait3A_1021, %dma_wait3A_1023, %dma_wait3A_1024] : memref<2x16x64xf32, #tpu.memory_space<vmem>> -> memref<1x16x64xf32, #tpu.memory_space<vmem>>
      %dma_wait3A_1026 = tpu.memref_squeeze %dma_wait3A_1025 : memref<1x16x64xf32, #tpu.memory_space<vmem>> -> memref<16x64xf32, #tpu.memory_space<vmem>>
      %dma_wait3A_1027 = arith.constant 5 : i32
      %dma_wait3A_1028 = arith.constant 0 : i32
      %dma_wait3A_1029 = tpu.memref_slice %dma_wait3A_1026[%dma_wait3A_1027, %dma_wait3A_1028] : memref<16x64xf32, #tpu.memory_space<vmem>> -> memref<1x64xf32, #tpu.memory_space<vmem>>
      %dma_wait3A_1030 = arith.constant 0 : i32
      %dma_wait3A_1031 = arith.constant 0 : i32
      %dma_wait3A_1032 = tpu.memref_slice %arg4[%dma_wait3A_1030, %dma_wait3A_1031] : memref<1000000x64xf32, #tpu.memory_space<hbm>> -> memref<1x64xf32, #tpu.memory_space<hbm>>
      %dma_wait3A_1033 = tpu.memref_slice %arg12[%dma_wait3A_1022] : memref<2x!tpu.dma_semaphore, #tpu.memory_space<semaphore_mem>> -> memref<1x!tpu.dma_semaphore, #tpu.memory_space<semaphore_mem>>
      %dma_wait3A_1034 = tpu.memref_squeeze %dma_wait3A_1033 : memref<1x!tpu.dma_semaphore, #tpu.memory_space<semaphore_mem>> -> memref<!tpu.dma_semaphore, #tpu.memory_space<semaphore_mem>>
      %dma_wait3A_1035 = arith.constant 0 : i32
      %dma_wait3A_1036 = arith.constant 0 : i32
      %dma_wait3A_1037 = tpu.memref_slice %arg9[%dma_wait3A_1021, %dma_wait3A_1035, %dma_wait3A_1036] : memref<2x16x64xf32, #tpu.memory_space<vmem>> -> memref<1x16x64xf32, #tpu.memory_space<vmem>>
      %dma_wait3A_1038 = tpu.memref_squeeze %dma_wait3A_1037 : memref<1x16x64xf32, #tpu.memory_space<vmem>> -> memref<16x64xf32, #tpu.memory_space<vmem>>
      %dma_wait3A_1039 = arith.constant 5 : i32
      %dma_wait3A_1040 = arith.constant 0 : i32
      %dma_wait3A_1041 = tpu.memref_slice %dma_wait3A_1038[%dma_wait3A_1039, %dma_wait3A_1040] : memref<16x64xf32, #tpu.memory_space<vmem>> -> memref<1x64xf32, #tpu.memory_space<vmem>>
      %dma_wait3A_1042 = arith.constant 0 : i32
      %dma_wait3A_1043 = arith.constant 0 : i32
      %dma_wait3A_1044 = tpu.memref_slice %arg4[%dma_wait3A_1042, %dma_wait3A_1043] : memref<1000000x64xf32, #tpu.memory_space<hbm>> -> memref<1x64xf32, #tpu.memory_space<hbm>>
      tpu.wait_dma2 semaphore(%dma_wait3A_1034 : memref<!tpu.dma_semaphore, #tpu.memory_space<semaphore_mem>>) src(%dma_wait3A_1044 : memref<1x64xf32, #tpu.memory_space<hbm>>) dst(%dma_wait3A_1041 : memref<1x64xf32, #tpu.memory_space<vmem>>)
      %dma_wait3A_1045 = arith.constant 0 : i32
      %dma_wait3A_1046 = arith.constant 0 : i32
      %dma_wait3A_1047 = arith.constant 0 : i32
      %dma_wait3A_1048 = arith.constant 0 : i32
      %dma_wait3A_1049 = tpu.memref_slice %arg10[%dma_wait3A_1045, %dma_wait3A_1047, %dma_wait3A_1048] : memref<2x16x64xf32, #tpu.memory_space<vmem>> -> memref<1x16x64xf32, #tpu.memory_space<vmem>>
      %dma_wait3A_1050 = tpu.memref_squeeze %dma_wait3A_1049 : memref<1x16x64xf32, #tpu.memory_space<vmem>> -> memref<16x64xf32, #tpu.memory_space<vmem>>
      %dma_wait3A_1051 = arith.constant 5 : i32
      %dma_wait3A_1052 = arith.constant 0 : i32
      %dma_wait3A_1053 = tpu.memref_slice %dma_wait3A_1050[%dma_wait3A_1051, %dma_wait3A_1052] : memref<16x64xf32, #tpu.memory_space<vmem>> -> memref<1x64xf32, #tpu.memory_space<vmem>>
      %dma_wait3A_1054 = arith.constant 0 : i32
      %dma_wait3A_1055 = arith.constant 0 : i32
      %dma_wait3A_1056 = tpu.memref_slice %arg5[%dma_wait3A_1054, %dma_wait3A_1055] : memref<100000x64xf32, #tpu.memory_space<hbm>> -> memref<1x64xf32, #tpu.memory_space<hbm>>
      %dma_wait3A_1057 = tpu.memref_slice %arg12[%dma_wait3A_1046] : memref<2x!tpu.dma_semaphore, #tpu.memory_space<semaphore_mem>> -> memref<1x!tpu.dma_semaphore, #tpu.memory_space<semaphore_mem>>
      %dma_wait3A_1058 = tpu.memref_squeeze %dma_wait3A_1057 : memref<1x!tpu.dma_semaphore, #tpu.memory_space<semaphore_mem>> -> memref<!tpu.dma_semaphore, #tpu.memory_space<semaphore_mem>>
      %dma_wait3A_1059 = arith.constant 0 : i32
      %dma_wait3A_1060 = arith.constant 0 : i32
      %dma_wait3A_1061 = tpu.memref_slice %arg10[%dma_wait3A_1045, %dma_wait3A_1059, %dma_wait3A_1060] : memref<2x16x64xf32, #tpu.memory_space<vmem>> -> memref<1x16x64xf32, #tpu.memory_space<vmem>>
      %dma_wait3A_1062 = tpu.memref_squeeze %dma_wait3A_1061 : memref<1x16x64xf32, #tpu.memory_space<vmem>> -> memref<16x64xf32, #tpu.memory_space<vmem>>
      %dma_wait3A_1063 = arith.constant 5 : i32
      %dma_wait3A_1064 = arith.constant 0 : i32
      %dma_wait3A_1065 = tpu.memref_slice %dma_wait3A_1062[%dma_wait3A_1063, %dma_wait3A_1064] : memref<16x64xf32, #tpu.memory_space<vmem>> -> memref<1x64xf32, #tpu.memory_space<vmem>>
      %dma_wait3A_1066 = arith.constant 0 : i32
      %dma_wait3A_1067 = arith.constant 0 : i32
      %dma_wait3A_1068 = tpu.memref_slice %arg5[%dma_wait3A_1066, %dma_wait3A_1067] : memref<100000x64xf32, #tpu.memory_space<hbm>> -> memref<1x64xf32, #tpu.memory_space<hbm>>
      tpu.wait_dma2 semaphore(%dma_wait3A_1058 : memref<!tpu.dma_semaphore, #tpu.memory_space<semaphore_mem>>) src(%dma_wait3A_1068 : memref<1x64xf32, #tpu.memory_space<hbm>>) dst(%dma_wait3A_1065 : memref<1x64xf32, #tpu.memory_space<vmem>>)
      %dma_wait3A_1069 = arith.constant 0 : i32
      %dma_wait3A_1070 = arith.constant 0 : i32
      %dma_wait3A_1071 = arith.constant 0 : i32
      %dma_wait3A_1072 = arith.constant 0 : i32
      %dma_wait3A_1073 = tpu.memref_slice %arg9[%dma_wait3A_1069, %dma_wait3A_1071, %dma_wait3A_1072] : memref<2x16x64xf32, #tpu.memory_space<vmem>> -> memref<1x16x64xf32, #tpu.memory_space<vmem>>
      %dma_wait3A_1074 = tpu.memref_squeeze %dma_wait3A_1073 : memref<1x16x64xf32, #tpu.memory_space<vmem>> -> memref<16x64xf32, #tpu.memory_space<vmem>>
      %dma_wait3A_1075 = arith.constant 6 : i32
      %dma_wait3A_1076 = arith.constant 0 : i32
      %dma_wait3A_1077 = tpu.memref_slice %dma_wait3A_1074[%dma_wait3A_1075, %dma_wait3A_1076] : memref<16x64xf32, #tpu.memory_space<vmem>> -> memref<1x64xf32, #tpu.memory_space<vmem>>
      %dma_wait3A_1078 = arith.constant 0 : i32
      %dma_wait3A_1079 = arith.constant 0 : i32
      %dma_wait3A_1080 = tpu.memref_slice %arg4[%dma_wait3A_1078, %dma_wait3A_1079] : memref<1000000x64xf32, #tpu.memory_space<hbm>> -> memref<1x64xf32, #tpu.memory_space<hbm>>
      %dma_wait3A_1081 = tpu.memref_slice %arg12[%dma_wait3A_1070] : memref<2x!tpu.dma_semaphore, #tpu.memory_space<semaphore_mem>> -> memref<1x!tpu.dma_semaphore, #tpu.memory_space<semaphore_mem>>
      %dma_wait3A_1082 = tpu.memref_squeeze %dma_wait3A_1081 : memref<1x!tpu.dma_semaphore, #tpu.memory_space<semaphore_mem>> -> memref<!tpu.dma_semaphore, #tpu.memory_space<semaphore_mem>>
      %dma_wait3A_1083 = arith.constant 0 : i32
      %dma_wait3A_1084 = arith.constant 0 : i32
      %dma_wait3A_1085 = tpu.memref_slice %arg9[%dma_wait3A_1069, %dma_wait3A_1083, %dma_wait3A_1084] : memref<2x16x64xf32, #tpu.memory_space<vmem>> -> memref<1x16x64xf32, #tpu.memory_space<vmem>>
      %dma_wait3A_1086 = tpu.memref_squeeze %dma_wait3A_1085 : memref<1x16x64xf32, #tpu.memory_space<vmem>> -> memref<16x64xf32, #tpu.memory_space<vmem>>
      %dma_wait3A_1087 = arith.constant 6 : i32
      %dma_wait3A_1088 = arith.constant 0 : i32
      %dma_wait3A_1089 = tpu.memref_slice %dma_wait3A_1086[%dma_wait3A_1087, %dma_wait3A_1088] : memref<16x64xf32, #tpu.memory_space<vmem>> -> memref<1x64xf32, #tpu.memory_space<vmem>>
      %dma_wait3A_1090 = arith.constant 0 : i32
      %dma_wait3A_1091 = arith.constant 0 : i32
      %dma_wait3A_1092 = tpu.memref_slice %arg4[%dma_wait3A_1090, %dma_wait3A_1091] : memref<1000000x64xf32, #tpu.memory_space<hbm>> -> memref<1x64xf32, #tpu.memory_space<hbm>>
      tpu.wait_dma2 semaphore(%dma_wait3A_1082 : memref<!tpu.dma_semaphore, #tpu.memory_space<semaphore_mem>>) src(%dma_wait3A_1092 : memref<1x64xf32, #tpu.memory_space<hbm>>) dst(%dma_wait3A_1089 : memref<1x64xf32, #tpu.memory_space<vmem>>)
      %dma_wait3A_1093 = arith.constant 0 : i32
      %dma_wait3A_1094 = arith.constant 0 : i32
      %dma_wait3A_1095 = arith.constant 0 : i32
      %dma_wait3A_1096 = arith.constant 0 : i32
      %dma_wait3A_1097 = tpu.memref_slice %arg10[%dma_wait3A_1093, %dma_wait3A_1095, %dma_wait3A_1096] : memref<2x16x64xf32, #tpu.memory_space<vmem>> -> memref<1x16x64xf32, #tpu.memory_space<vmem>>
      %dma_wait3A_1098 = tpu.memref_squeeze %dma_wait3A_1097 : memref<1x16x64xf32, #tpu.memory_space<vmem>> -> memref<16x64xf32, #tpu.memory_space<vmem>>
      %dma_wait3A_1099 = arith.constant 6 : i32
      %dma_wait3A_1100 = arith.constant 0 : i32
      %dma_wait3A_1101 = tpu.memref_slice %dma_wait3A_1098[%dma_wait3A_1099, %dma_wait3A_1100] : memref<16x64xf32, #tpu.memory_space<vmem>> -> memref<1x64xf32, #tpu.memory_space<vmem>>
      %dma_wait3A_1102 = arith.constant 0 : i32
      %dma_wait3A_1103 = arith.constant 0 : i32
      %dma_wait3A_1104 = tpu.memref_slice %arg5[%dma_wait3A_1102, %dma_wait3A_1103] : memref<100000x64xf32, #tpu.memory_space<hbm>> -> memref<1x64xf32, #tpu.memory_space<hbm>>
      %dma_wait3A_1105 = tpu.memref_slice %arg12[%dma_wait3A_1094] : memref<2x!tpu.dma_semaphore, #tpu.memory_space<semaphore_mem>> -> memref<1x!tpu.dma_semaphore, #tpu.memory_space<semaphore_mem>>
      %dma_wait3A_1106 = tpu.memref_squeeze %dma_wait3A_1105 : memref<1x!tpu.dma_semaphore, #tpu.memory_space<semaphore_mem>> -> memref<!tpu.dma_semaphore, #tpu.memory_space<semaphore_mem>>
      %dma_wait3A_1107 = arith.constant 0 : i32
      %dma_wait3A_1108 = arith.constant 0 : i32
      %dma_wait3A_1109 = tpu.memref_slice %arg10[%dma_wait3A_1093, %dma_wait3A_1107, %dma_wait3A_1108] : memref<2x16x64xf32, #tpu.memory_space<vmem>> -> memref<1x16x64xf32, #tpu.memory_space<vmem>>
      %dma_wait3A_1110 = tpu.memref_squeeze %dma_wait3A_1109 : memref<1x16x64xf32, #tpu.memory_space<vmem>> -> memref<16x64xf32, #tpu.memory_space<vmem>>
      %dma_wait3A_1111 = arith.constant 6 : i32
      %dma_wait3A_1112 = arith.constant 0 : i32
      %dma_wait3A_1113 = tpu.memref_slice %dma_wait3A_1110[%dma_wait3A_1111, %dma_wait3A_1112] : memref<16x64xf32, #tpu.memory_space<vmem>> -> memref<1x64xf32, #tpu.memory_space<vmem>>
      %dma_wait3A_1114 = arith.constant 0 : i32
      %dma_wait3A_1115 = arith.constant 0 : i32
      %dma_wait3A_1116 = tpu.memref_slice %arg5[%dma_wait3A_1114, %dma_wait3A_1115] : memref<100000x64xf32, #tpu.memory_space<hbm>> -> memref<1x64xf32, #tpu.memory_space<hbm>>
      tpu.wait_dma2 semaphore(%dma_wait3A_1106 : memref<!tpu.dma_semaphore, #tpu.memory_space<semaphore_mem>>) src(%dma_wait3A_1116 : memref<1x64xf32, #tpu.memory_space<hbm>>) dst(%dma_wait3A_1113 : memref<1x64xf32, #tpu.memory_space<vmem>>)
      %dma_wait3A_1117 = arith.constant 0 : i32
      %dma_wait3A_1118 = arith.constant 0 : i32
      %dma_wait3A_1119 = arith.constant 0 : i32
      %dma_wait3A_1120 = arith.constant 0 : i32
      %dma_wait3A_1121 = tpu.memref_slice %arg9[%dma_wait3A_1117, %dma_wait3A_1119, %dma_wait3A_1120] : memref<2x16x64xf32, #tpu.memory_space<vmem>> -> memref<1x16x64xf32, #tpu.memory_space<vmem>>
      %dma_wait3A_1122 = tpu.memref_squeeze %dma_wait3A_1121 : memref<1x16x64xf32, #tpu.memory_space<vmem>> -> memref<16x64xf32, #tpu.memory_space<vmem>>
      %dma_wait3A_1123 = arith.constant 7 : i32
      %dma_wait3A_1124 = arith.constant 0 : i32
      %dma_wait3A_1125 = tpu.memref_slice %dma_wait3A_1122[%dma_wait3A_1123, %dma_wait3A_1124] : memref<16x64xf32, #tpu.memory_space<vmem>> -> memref<1x64xf32, #tpu.memory_space<vmem>>
      %dma_wait3A_1126 = arith.constant 0 : i32
      %dma_wait3A_1127 = arith.constant 0 : i32
      %dma_wait3A_1128 = tpu.memref_slice %arg4[%dma_wait3A_1126, %dma_wait3A_1127] : memref<1000000x64xf32, #tpu.memory_space<hbm>> -> memref<1x64xf32, #tpu.memory_space<hbm>>
      %dma_wait3A_1129 = tpu.memref_slice %arg12[%dma_wait3A_1118] : memref<2x!tpu.dma_semaphore, #tpu.memory_space<semaphore_mem>> -> memref<1x!tpu.dma_semaphore, #tpu.memory_space<semaphore_mem>>
      %dma_wait3A_1130 = tpu.memref_squeeze %dma_wait3A_1129 : memref<1x!tpu.dma_semaphore, #tpu.memory_space<semaphore_mem>> -> memref<!tpu.dma_semaphore, #tpu.memory_space<semaphore_mem>>
      %dma_wait3A_1131 = arith.constant 0 : i32
      %dma_wait3A_1132 = arith.constant 0 : i32
      %dma_wait3A_1133 = tpu.memref_slice %arg9[%dma_wait3A_1117, %dma_wait3A_1131, %dma_wait3A_1132] : memref<2x16x64xf32, #tpu.memory_space<vmem>> -> memref<1x16x64xf32, #tpu.memory_space<vmem>>
      %dma_wait3A_1134 = tpu.memref_squeeze %dma_wait3A_1133 : memref<1x16x64xf32, #tpu.memory_space<vmem>> -> memref<16x64xf32, #tpu.memory_space<vmem>>
      %dma_wait3A_1135 = arith.constant 7 : i32
      %dma_wait3A_1136 = arith.constant 0 : i32
      %dma_wait3A_1137 = tpu.memref_slice %dma_wait3A_1134[%dma_wait3A_1135, %dma_wait3A_1136] : memref<16x64xf32, #tpu.memory_space<vmem>> -> memref<1x64xf32, #tpu.memory_space<vmem>>
      %dma_wait3A_1138 = arith.constant 0 : i32
      %dma_wait3A_1139 = arith.constant 0 : i32
      %dma_wait3A_1140 = tpu.memref_slice %arg4[%dma_wait3A_1138, %dma_wait3A_1139] : memref<1000000x64xf32, #tpu.memory_space<hbm>> -> memref<1x64xf32, #tpu.memory_space<hbm>>
      tpu.wait_dma2 semaphore(%dma_wait3A_1130 : memref<!tpu.dma_semaphore, #tpu.memory_space<semaphore_mem>>) src(%dma_wait3A_1140 : memref<1x64xf32, #tpu.memory_space<hbm>>) dst(%dma_wait3A_1137 : memref<1x64xf32, #tpu.memory_space<vmem>>)
      %dma_wait3A_1141 = arith.constant 0 : i32
      %dma_wait3A_1142 = arith.constant 0 : i32
      %dma_wait3A_1143 = arith.constant 0 : i32
      %dma_wait3A_1144 = arith.constant 0 : i32
      %dma_wait3A_1145 = tpu.memref_slice %arg10[%dma_wait3A_1141, %dma_wait3A_1143, %dma_wait3A_1144] : memref<2x16x64xf32, #tpu.memory_space<vmem>> -> memref<1x16x64xf32, #tpu.memory_space<vmem>>
      %dma_wait3A_1146 = tpu.memref_squeeze %dma_wait3A_1145 : memref<1x16x64xf32, #tpu.memory_space<vmem>> -> memref<16x64xf32, #tpu.memory_space<vmem>>
      %dma_wait3A_1147 = arith.constant 7 : i32
      %dma_wait3A_1148 = arith.constant 0 : i32
      %dma_wait3A_1149 = tpu.memref_slice %dma_wait3A_1146[%dma_wait3A_1147, %dma_wait3A_1148] : memref<16x64xf32, #tpu.memory_space<vmem>> -> memref<1x64xf32, #tpu.memory_space<vmem>>
      %dma_wait3A_1150 = arith.constant 0 : i32
      %dma_wait3A_1151 = arith.constant 0 : i32
      %dma_wait3A_1152 = tpu.memref_slice %arg5[%dma_wait3A_1150, %dma_wait3A_1151] : memref<100000x64xf32, #tpu.memory_space<hbm>> -> memref<1x64xf32, #tpu.memory_space<hbm>>
      %dma_wait3A_1153 = tpu.memref_slice %arg12[%dma_wait3A_1142] : memref<2x!tpu.dma_semaphore, #tpu.memory_space<semaphore_mem>> -> memref<1x!tpu.dma_semaphore, #tpu.memory_space<semaphore_mem>>
      %dma_wait3A_1154 = tpu.memref_squeeze %dma_wait3A_1153 : memref<1x!tpu.dma_semaphore, #tpu.memory_space<semaphore_mem>> -> memref<!tpu.dma_semaphore, #tpu.memory_space<semaphore_mem>>
      %dma_wait3A_1155 = arith.constant 0 : i32
      %dma_wait3A_1156 = arith.constant 0 : i32
      %dma_wait3A_1157 = tpu.memref_slice %arg10[%dma_wait3A_1141, %dma_wait3A_1155, %dma_wait3A_1156] : memref<2x16x64xf32, #tpu.memory_space<vmem>> -> memref<1x16x64xf32, #tpu.memory_space<vmem>>
      %dma_wait3A_1158 = tpu.memref_squeeze %dma_wait3A_1157 : memref<1x16x64xf32, #tpu.memory_space<vmem>> -> memref<16x64xf32, #tpu.memory_space<vmem>>
      %dma_wait3A_1159 = arith.constant 7 : i32
      %dma_wait3A_1160 = arith.constant 0 : i32
      %dma_wait3A_1161 = tpu.memref_slice %dma_wait3A_1158[%dma_wait3A_1159, %dma_wait3A_1160] : memref<16x64xf32, #tpu.memory_space<vmem>> -> memref<1x64xf32, #tpu.memory_space<vmem>>
      %dma_wait3A_1162 = arith.constant 0 : i32
      %dma_wait3A_1163 = arith.constant 0 : i32
      %dma_wait3A_1164 = tpu.memref_slice %arg5[%dma_wait3A_1162, %dma_wait3A_1163] : memref<100000x64xf32, #tpu.memory_space<hbm>> -> memref<1x64xf32, #tpu.memory_space<hbm>>
      tpu.wait_dma2 semaphore(%dma_wait3A_1154 : memref<!tpu.dma_semaphore, #tpu.memory_space<semaphore_mem>>) src(%dma_wait3A_1164 : memref<1x64xf32, #tpu.memory_space<hbm>>) dst(%dma_wait3A_1161 : memref<1x64xf32, #tpu.memory_space<vmem>>)
      %dma_wait3A_1165 = arith.constant 0 : i32
      %dma_wait3A_1166 = arith.constant 0 : i32
      %dma_wait3A_1167 = arith.constant 0 : i32
      %dma_wait3A_1168 = arith.constant 0 : i32
      %dma_wait3A_1169 = tpu.memref_slice %arg9[%dma_wait3A_1165, %dma_wait3A_1167, %dma_wait3A_1168] : memref<2x16x64xf32, #tpu.memory_space<vmem>> -> memref<1x16x64xf32, #tpu.memory_space<vmem>>
      %dma_wait3A_1170 = tpu.memref_squeeze %dma_wait3A_1169 : memref<1x16x64xf32, #tpu.memory_space<vmem>> -> memref<16x64xf32, #tpu.memory_space<vmem>>
      %dma_wait3A_1171 = arith.constant 8 : i32
      %dma_wait3A_1172 = arith.constant 0 : i32
      %dma_wait3A_1173 = tpu.memref_slice %dma_wait3A_1170[%dma_wait3A_1171, %dma_wait3A_1172] : memref<16x64xf32, #tpu.memory_space<vmem>> -> memref<1x64xf32, #tpu.memory_space<vmem>>
      %dma_wait3A_1174 = arith.constant 0 : i32
      %dma_wait3A_1175 = arith.constant 0 : i32
      %dma_wait3A_1176 = tpu.memref_slice %arg4[%dma_wait3A_1174, %dma_wait3A_1175] : memref<1000000x64xf32, #tpu.memory_space<hbm>> -> memref<1x64xf32, #tpu.memory_space<hbm>>
      %dma_wait3A_1177 = tpu.memref_slice %arg12[%dma_wait3A_1166] : memref<2x!tpu.dma_semaphore, #tpu.memory_space<semaphore_mem>> -> memref<1x!tpu.dma_semaphore, #tpu.memory_space<semaphore_mem>>
      %dma_wait3A_1178 = tpu.memref_squeeze %dma_wait3A_1177 : memref<1x!tpu.dma_semaphore, #tpu.memory_space<semaphore_mem>> -> memref<!tpu.dma_semaphore, #tpu.memory_space<semaphore_mem>>
      %dma_wait3A_1179 = arith.constant 0 : i32
      %dma_wait3A_1180 = arith.constant 0 : i32
      %dma_wait3A_1181 = tpu.memref_slice %arg9[%dma_wait3A_1165, %dma_wait3A_1179, %dma_wait3A_1180] : memref<2x16x64xf32, #tpu.memory_space<vmem>> -> memref<1x16x64xf32, #tpu.memory_space<vmem>>
      %dma_wait3A_1182 = tpu.memref_squeeze %dma_wait3A_1181 : memref<1x16x64xf32, #tpu.memory_space<vmem>> -> memref<16x64xf32, #tpu.memory_space<vmem>>
      %dma_wait3A_1183 = arith.constant 8 : i32
      %dma_wait3A_1184 = arith.constant 0 : i32
      %dma_wait3A_1185 = tpu.memref_slice %dma_wait3A_1182[%dma_wait3A_1183, %dma_wait3A_1184] : memref<16x64xf32, #tpu.memory_space<vmem>> -> memref<1x64xf32, #tpu.memory_space<vmem>>
      %dma_wait3A_1186 = arith.constant 0 : i32
      %dma_wait3A_1187 = arith.constant 0 : i32
      %dma_wait3A_1188 = tpu.memref_slice %arg4[%dma_wait3A_1186, %dma_wait3A_1187] : memref<1000000x64xf32, #tpu.memory_space<hbm>> -> memref<1x64xf32, #tpu.memory_space<hbm>>
      tpu.wait_dma2 semaphore(%dma_wait3A_1178 : memref<!tpu.dma_semaphore, #tpu.memory_space<semaphore_mem>>) src(%dma_wait3A_1188 : memref<1x64xf32, #tpu.memory_space<hbm>>) dst(%dma_wait3A_1185 : memref<1x64xf32, #tpu.memory_space<vmem>>)
      %dma_wait3A_1189 = arith.constant 0 : i32
      %dma_wait3A_1190 = arith.constant 0 : i32
      %dma_wait3A_1191 = arith.constant 0 : i32
      %dma_wait3A_1192 = arith.constant 0 : i32
      %dma_wait3A_1193 = tpu.memref_slice %arg10[%dma_wait3A_1189, %dma_wait3A_1191, %dma_wait3A_1192] : memref<2x16x64xf32, #tpu.memory_space<vmem>> -> memref<1x16x64xf32, #tpu.memory_space<vmem>>
      %dma_wait3A_1194 = tpu.memref_squeeze %dma_wait3A_1193 : memref<1x16x64xf32, #tpu.memory_space<vmem>> -> memref<16x64xf32, #tpu.memory_space<vmem>>
      %dma_wait3A_1195 = arith.constant 8 : i32
      %dma_wait3A_1196 = arith.constant 0 : i32
      %dma_wait3A_1197 = tpu.memref_slice %dma_wait3A_1194[%dma_wait3A_1195, %dma_wait3A_1196] : memref<16x64xf32, #tpu.memory_space<vmem>> -> memref<1x64xf32, #tpu.memory_space<vmem>>
      %dma_wait3A_1198 = arith.constant 0 : i32
      %dma_wait3A_1199 = arith.constant 0 : i32
      %dma_wait3A_1200 = tpu.memref_slice %arg5[%dma_wait3A_1198, %dma_wait3A_1199] : memref<100000x64xf32, #tpu.memory_space<hbm>> -> memref<1x64xf32, #tpu.memory_space<hbm>>
      %dma_wait3A_1201 = tpu.memref_slice %arg12[%dma_wait3A_1190] : memref<2x!tpu.dma_semaphore, #tpu.memory_space<semaphore_mem>> -> memref<1x!tpu.dma_semaphore, #tpu.memory_space<semaphore_mem>>
      %dma_wait3A_1202 = tpu.memref_squeeze %dma_wait3A_1201 : memref<1x!tpu.dma_semaphore, #tpu.memory_space<semaphore_mem>> -> memref<!tpu.dma_semaphore, #tpu.memory_space<semaphore_mem>>
      %dma_wait3A_1203 = arith.constant 0 : i32
      %dma_wait3A_1204 = arith.constant 0 : i32
      %dma_wait3A_1205 = tpu.memref_slice %arg10[%dma_wait3A_1189, %dma_wait3A_1203, %dma_wait3A_1204] : memref<2x16x64xf32, #tpu.memory_space<vmem>> -> memref<1x16x64xf32, #tpu.memory_space<vmem>>
      %dma_wait3A_1206 = tpu.memref_squeeze %dma_wait3A_1205 : memref<1x16x64xf32, #tpu.memory_space<vmem>> -> memref<16x64xf32, #tpu.memory_space<vmem>>
      %dma_wait3A_1207 = arith.constant 8 : i32
      %dma_wait3A_1208 = arith.constant 0 : i32
      %dma_wait3A_1209 = tpu.memref_slice %dma_wait3A_1206[%dma_wait3A_1207, %dma_wait3A_1208] : memref<16x64xf32, #tpu.memory_space<vmem>> -> memref<1x64xf32, #tpu.memory_space<vmem>>
      %dma_wait3A_1210 = arith.constant 0 : i32
      %dma_wait3A_1211 = arith.constant 0 : i32
      %dma_wait3A_1212 = tpu.memref_slice %arg5[%dma_wait3A_1210, %dma_wait3A_1211] : memref<100000x64xf32, #tpu.memory_space<hbm>> -> memref<1x64xf32, #tpu.memory_space<hbm>>
      tpu.wait_dma2 semaphore(%dma_wait3A_1202 : memref<!tpu.dma_semaphore, #tpu.memory_space<semaphore_mem>>) src(%dma_wait3A_1212 : memref<1x64xf32, #tpu.memory_space<hbm>>) dst(%dma_wait3A_1209 : memref<1x64xf32, #tpu.memory_space<vmem>>)
      %dma_wait3A_1213 = arith.constant 0 : i32
      %dma_wait3A_1214 = arith.constant 0 : i32
      %dma_wait3A_1215 = arith.constant 0 : i32
      %dma_wait3A_1216 = arith.constant 0 : i32
      %dma_wait3A_1217 = tpu.memref_slice %arg9[%dma_wait3A_1213, %dma_wait3A_1215, %dma_wait3A_1216] : memref<2x16x64xf32, #tpu.memory_space<vmem>> -> memref<1x16x64xf32, #tpu.memory_space<vmem>>
      %dma_wait3A_1218 = tpu.memref_squeeze %dma_wait3A_1217 : memref<1x16x64xf32, #tpu.memory_space<vmem>> -> memref<16x64xf32, #tpu.memory_space<vmem>>
      %dma_wait3A_1219 = arith.constant 9 : i32
      %dma_wait3A_1220 = arith.constant 0 : i32
      %dma_wait3A_1221 = tpu.memref_slice %dma_wait3A_1218[%dma_wait3A_1219, %dma_wait3A_1220] : memref<16x64xf32, #tpu.memory_space<vmem>> -> memref<1x64xf32, #tpu.memory_space<vmem>>
      %dma_wait3A_1222 = arith.constant 0 : i32
      %dma_wait3A_1223 = arith.constant 0 : i32
      %dma_wait3A_1224 = tpu.memref_slice %arg4[%dma_wait3A_1222, %dma_wait3A_1223] : memref<1000000x64xf32, #tpu.memory_space<hbm>> -> memref<1x64xf32, #tpu.memory_space<hbm>>
      %dma_wait3A_1225 = tpu.memref_slice %arg12[%dma_wait3A_1214] : memref<2x!tpu.dma_semaphore, #tpu.memory_space<semaphore_mem>> -> memref<1x!tpu.dma_semaphore, #tpu.memory_space<semaphore_mem>>
      %dma_wait3A_1226 = tpu.memref_squeeze %dma_wait3A_1225 : memref<1x!tpu.dma_semaphore, #tpu.memory_space<semaphore_mem>> -> memref<!tpu.dma_semaphore, #tpu.memory_space<semaphore_mem>>
      %dma_wait3A_1227 = arith.constant 0 : i32
      %dma_wait3A_1228 = arith.constant 0 : i32
      %dma_wait3A_1229 = tpu.memref_slice %arg9[%dma_wait3A_1213, %dma_wait3A_1227, %dma_wait3A_1228] : memref<2x16x64xf32, #tpu.memory_space<vmem>> -> memref<1x16x64xf32, #tpu.memory_space<vmem>>
      %dma_wait3A_1230 = tpu.memref_squeeze %dma_wait3A_1229 : memref<1x16x64xf32, #tpu.memory_space<vmem>> -> memref<16x64xf32, #tpu.memory_space<vmem>>
      %dma_wait3A_1231 = arith.constant 9 : i32
      %dma_wait3A_1232 = arith.constant 0 : i32
      %dma_wait3A_1233 = tpu.memref_slice %dma_wait3A_1230[%dma_wait3A_1231, %dma_wait3A_1232] : memref<16x64xf32, #tpu.memory_space<vmem>> -> memref<1x64xf32, #tpu.memory_space<vmem>>
      %dma_wait3A_1234 = arith.constant 0 : i32
      %dma_wait3A_1235 = arith.constant 0 : i32
      %dma_wait3A_1236 = tpu.memref_slice %arg4[%dma_wait3A_1234, %dma_wait3A_1235] : memref<1000000x64xf32, #tpu.memory_space<hbm>> -> memref<1x64xf32, #tpu.memory_space<hbm>>
      tpu.wait_dma2 semaphore(%dma_wait3A_1226 : memref<!tpu.dma_semaphore, #tpu.memory_space<semaphore_mem>>) src(%dma_wait3A_1236 : memref<1x64xf32, #tpu.memory_space<hbm>>) dst(%dma_wait3A_1233 : memref<1x64xf32, #tpu.memory_space<vmem>>)
      %dma_wait3A_1237 = arith.constant 0 : i32
      %dma_wait3A_1238 = arith.constant 0 : i32
      %dma_wait3A_1239 = arith.constant 0 : i32
      %dma_wait3A_1240 = arith.constant 0 : i32
      %dma_wait3A_1241 = tpu.memref_slice %arg10[%dma_wait3A_1237, %dma_wait3A_1239, %dma_wait3A_1240] : memref<2x16x64xf32, #tpu.memory_space<vmem>> -> memref<1x16x64xf32, #tpu.memory_space<vmem>>
      %dma_wait3A_1242 = tpu.memref_squeeze %dma_wait3A_1241 : memref<1x16x64xf32, #tpu.memory_space<vmem>> -> memref<16x64xf32, #tpu.memory_space<vmem>>
      %dma_wait3A_1243 = arith.constant 9 : i32
      %dma_wait3A_1244 = arith.constant 0 : i32
      %dma_wait3A_1245 = tpu.memref_slice %dma_wait3A_1242[%dma_wait3A_1243, %dma_wait3A_1244] : memref<16x64xf32, #tpu.memory_space<vmem>> -> memref<1x64xf32, #tpu.memory_space<vmem>>
      %dma_wait3A_1246 = arith.constant 0 : i32
      %dma_wait3A_1247 = arith.constant 0 : i32
      %dma_wait3A_1248 = tpu.memref_slice %arg5[%dma_wait3A_1246, %dma_wait3A_1247] : memref<100000x64xf32, #tpu.memory_space<hbm>> -> memref<1x64xf32, #tpu.memory_space<hbm>>
      %dma_wait3A_1249 = tpu.memref_slice %arg12[%dma_wait3A_1238] : memref<2x!tpu.dma_semaphore, #tpu.memory_space<semaphore_mem>> -> memref<1x!tpu.dma_semaphore, #tpu.memory_space<semaphore_mem>>
      %dma_wait3A_1250 = tpu.memref_squeeze %dma_wait3A_1249 : memref<1x!tpu.dma_semaphore, #tpu.memory_space<semaphore_mem>> -> memref<!tpu.dma_semaphore, #tpu.memory_space<semaphore_mem>>
      %dma_wait3A_1251 = arith.constant 0 : i32
      %dma_wait3A_1252 = arith.constant 0 : i32
      %dma_wait3A_1253 = tpu.memref_slice %arg10[%dma_wait3A_1237, %dma_wait3A_1251, %dma_wait3A_1252] : memref<2x16x64xf32, #tpu.memory_space<vmem>> -> memref<1x16x64xf32, #tpu.memory_space<vmem>>
      %dma_wait3A_1254 = tpu.memref_squeeze %dma_wait3A_1253 : memref<1x16x64xf32, #tpu.memory_space<vmem>> -> memref<16x64xf32, #tpu.memory_space<vmem>>
      %dma_wait3A_1255 = arith.constant 9 : i32
      %dma_wait3A_1256 = arith.constant 0 : i32
      %dma_wait3A_1257 = tpu.memref_slice %dma_wait3A_1254[%dma_wait3A_1255, %dma_wait3A_1256] : memref<16x64xf32, #tpu.memory_space<vmem>> -> memref<1x64xf32, #tpu.memory_space<vmem>>
      %dma_wait3A_1258 = arith.constant 0 : i32
      %dma_wait3A_1259 = arith.constant 0 : i32
      %dma_wait3A_1260 = tpu.memref_slice %arg5[%dma_wait3A_1258, %dma_wait3A_1259] : memref<100000x64xf32, #tpu.memory_space<hbm>> -> memref<1x64xf32, #tpu.memory_space<hbm>>
      tpu.wait_dma2 semaphore(%dma_wait3A_1250 : memref<!tpu.dma_semaphore, #tpu.memory_space<semaphore_mem>>) src(%dma_wait3A_1260 : memref<1x64xf32, #tpu.memory_space<hbm>>) dst(%dma_wait3A_1257 : memref<1x64xf32, #tpu.memory_space<vmem>>)
      %dma_wait3A_1261 = arith.constant 0 : i32
      %dma_wait3A_1262 = arith.constant 0 : i32
      %dma_wait3A_1263 = arith.constant 0 : i32
      %dma_wait3A_1264 = arith.constant 0 : i32
      %dma_wait3A_1265 = tpu.memref_slice %arg9[%dma_wait3A_1261, %dma_wait3A_1263, %dma_wait3A_1264] : memref<2x16x64xf32, #tpu.memory_space<vmem>> -> memref<1x16x64xf32, #tpu.memory_space<vmem>>
      %dma_wait3A_1266 = tpu.memref_squeeze %dma_wait3A_1265 : memref<1x16x64xf32, #tpu.memory_space<vmem>> -> memref<16x64xf32, #tpu.memory_space<vmem>>
      %dma_wait3A_1267 = arith.constant 10 : i32
      %dma_wait3A_1268 = arith.constant 0 : i32
      %dma_wait3A_1269 = tpu.memref_slice %dma_wait3A_1266[%dma_wait3A_1267, %dma_wait3A_1268] : memref<16x64xf32, #tpu.memory_space<vmem>> -> memref<1x64xf32, #tpu.memory_space<vmem>>
      %dma_wait3A_1270 = arith.constant 0 : i32
      %dma_wait3A_1271 = arith.constant 0 : i32
      %dma_wait3A_1272 = tpu.memref_slice %arg4[%dma_wait3A_1270, %dma_wait3A_1271] : memref<1000000x64xf32, #tpu.memory_space<hbm>> -> memref<1x64xf32, #tpu.memory_space<hbm>>
      %dma_wait3A_1273 = tpu.memref_slice %arg12[%dma_wait3A_1262] : memref<2x!tpu.dma_semaphore, #tpu.memory_space<semaphore_mem>> -> memref<1x!tpu.dma_semaphore, #tpu.memory_space<semaphore_mem>>
      %dma_wait3A_1274 = tpu.memref_squeeze %dma_wait3A_1273 : memref<1x!tpu.dma_semaphore, #tpu.memory_space<semaphore_mem>> -> memref<!tpu.dma_semaphore, #tpu.memory_space<semaphore_mem>>
      %dma_wait3A_1275 = arith.constant 0 : i32
      %dma_wait3A_1276 = arith.constant 0 : i32
      %dma_wait3A_1277 = tpu.memref_slice %arg9[%dma_wait3A_1261, %dma_wait3A_1275, %dma_wait3A_1276] : memref<2x16x64xf32, #tpu.memory_space<vmem>> -> memref<1x16x64xf32, #tpu.memory_space<vmem>>
      %dma_wait3A_1278 = tpu.memref_squeeze %dma_wait3A_1277 : memref<1x16x64xf32, #tpu.memory_space<vmem>> -> memref<16x64xf32, #tpu.memory_space<vmem>>
      %dma_wait3A_1279 = arith.constant 10 : i32
      %dma_wait3A_1280 = arith.constant 0 : i32
      %dma_wait3A_1281 = tpu.memref_slice %dma_wait3A_1278[%dma_wait3A_1279, %dma_wait3A_1280] : memref<16x64xf32, #tpu.memory_space<vmem>> -> memref<1x64xf32, #tpu.memory_space<vmem>>
      %dma_wait3A_1282 = arith.constant 0 : i32
      %dma_wait3A_1283 = arith.constant 0 : i32
      %dma_wait3A_1284 = tpu.memref_slice %arg4[%dma_wait3A_1282, %dma_wait3A_1283] : memref<1000000x64xf32, #tpu.memory_space<hbm>> -> memref<1x64xf32, #tpu.memory_space<hbm>>
      tpu.wait_dma2 semaphore(%dma_wait3A_1274 : memref<!tpu.dma_semaphore, #tpu.memory_space<semaphore_mem>>) src(%dma_wait3A_1284 : memref<1x64xf32, #tpu.memory_space<hbm>>) dst(%dma_wait3A_1281 : memref<1x64xf32, #tpu.memory_space<vmem>>)
      %dma_wait3A_1285 = arith.constant 0 : i32
      %dma_wait3A_1286 = arith.constant 0 : i32
      %dma_wait3A_1287 = arith.constant 0 : i32
      %dma_wait3A_1288 = arith.constant 0 : i32
      %dma_wait3A_1289 = tpu.memref_slice %arg10[%dma_wait3A_1285, %dma_wait3A_1287, %dma_wait3A_1288] : memref<2x16x64xf32, #tpu.memory_space<vmem>> -> memref<1x16x64xf32, #tpu.memory_space<vmem>>
      %dma_wait3A_1290 = tpu.memref_squeeze %dma_wait3A_1289 : memref<1x16x64xf32, #tpu.memory_space<vmem>> -> memref<16x64xf32, #tpu.memory_space<vmem>>
      %dma_wait3A_1291 = arith.constant 10 : i32
      %dma_wait3A_1292 = arith.constant 0 : i32
      %dma_wait3A_1293 = tpu.memref_slice %dma_wait3A_1290[%dma_wait3A_1291, %dma_wait3A_1292] : memref<16x64xf32, #tpu.memory_space<vmem>> -> memref<1x64xf32, #tpu.memory_space<vmem>>
      %dma_wait3A_1294 = arith.constant 0 : i32
      %dma_wait3A_1295 = arith.constant 0 : i32
      %dma_wait3A_1296 = tpu.memref_slice %arg5[%dma_wait3A_1294, %dma_wait3A_1295] : memref<100000x64xf32, #tpu.memory_space<hbm>> -> memref<1x64xf32, #tpu.memory_space<hbm>>
      %dma_wait3A_1297 = tpu.memref_slice %arg12[%dma_wait3A_1286] : memref<2x!tpu.dma_semaphore, #tpu.memory_space<semaphore_mem>> -> memref<1x!tpu.dma_semaphore, #tpu.memory_space<semaphore_mem>>
      %dma_wait3A_1298 = tpu.memref_squeeze %dma_wait3A_1297 : memref<1x!tpu.dma_semaphore, #tpu.memory_space<semaphore_mem>> -> memref<!tpu.dma_semaphore, #tpu.memory_space<semaphore_mem>>
      %dma_wait3A_1299 = arith.constant 0 : i32
      %dma_wait3A_1300 = arith.constant 0 : i32
      %dma_wait3A_1301 = tpu.memref_slice %arg10[%dma_wait3A_1285, %dma_wait3A_1299, %dma_wait3A_1300] : memref<2x16x64xf32, #tpu.memory_space<vmem>> -> memref<1x16x64xf32, #tpu.memory_space<vmem>>
      %dma_wait3A_1302 = tpu.memref_squeeze %dma_wait3A_1301 : memref<1x16x64xf32, #tpu.memory_space<vmem>> -> memref<16x64xf32, #tpu.memory_space<vmem>>
      %dma_wait3A_1303 = arith.constant 10 : i32
      %dma_wait3A_1304 = arith.constant 0 : i32
      %dma_wait3A_1305 = tpu.memref_slice %dma_wait3A_1302[%dma_wait3A_1303, %dma_wait3A_1304] : memref<16x64xf32, #tpu.memory_space<vmem>> -> memref<1x64xf32, #tpu.memory_space<vmem>>
      %dma_wait3A_1306 = arith.constant 0 : i32
      %dma_wait3A_1307 = arith.constant 0 : i32
      %dma_wait3A_1308 = tpu.memref_slice %arg5[%dma_wait3A_1306, %dma_wait3A_1307] : memref<100000x64xf32, #tpu.memory_space<hbm>> -> memref<1x64xf32, #tpu.memory_space<hbm>>
      tpu.wait_dma2 semaphore(%dma_wait3A_1298 : memref<!tpu.dma_semaphore, #tpu.memory_space<semaphore_mem>>) src(%dma_wait3A_1308 : memref<1x64xf32, #tpu.memory_space<hbm>>) dst(%dma_wait3A_1305 : memref<1x64xf32, #tpu.memory_space<vmem>>)
      %dma_wait3A_1309 = arith.constant 0 : i32
      %dma_wait3A_1310 = arith.constant 0 : i32
      %dma_wait3A_1311 = arith.constant 0 : i32
      %dma_wait3A_1312 = arith.constant 0 : i32
      %dma_wait3A_1313 = tpu.memref_slice %arg9[%dma_wait3A_1309, %dma_wait3A_1311, %dma_wait3A_1312] : memref<2x16x64xf32, #tpu.memory_space<vmem>> -> memref<1x16x64xf32, #tpu.memory_space<vmem>>
      %dma_wait3A_1314 = tpu.memref_squeeze %dma_wait3A_1313 : memref<1x16x64xf32, #tpu.memory_space<vmem>> -> memref<16x64xf32, #tpu.memory_space<vmem>>
      %dma_wait3A_1315 = arith.constant 11 : i32
      %dma_wait3A_1316 = arith.constant 0 : i32
      %dma_wait3A_1317 = tpu.memref_slice %dma_wait3A_1314[%dma_wait3A_1315, %dma_wait3A_1316] : memref<16x64xf32, #tpu.memory_space<vmem>> -> memref<1x64xf32, #tpu.memory_space<vmem>>
      %dma_wait3A_1318 = arith.constant 0 : i32
      %dma_wait3A_1319 = arith.constant 0 : i32
      %dma_wait3A_1320 = tpu.memref_slice %arg4[%dma_wait3A_1318, %dma_wait3A_1319] : memref<1000000x64xf32, #tpu.memory_space<hbm>> -> memref<1x64xf32, #tpu.memory_space<hbm>>
      %dma_wait3A_1321 = tpu.memref_slice %arg12[%dma_wait3A_1310] : memref<2x!tpu.dma_semaphore, #tpu.memory_space<semaphore_mem>> -> memref<1x!tpu.dma_semaphore, #tpu.memory_space<semaphore_mem>>
      %dma_wait3A_1322 = tpu.memref_squeeze %dma_wait3A_1321 : memref<1x!tpu.dma_semaphore, #tpu.memory_space<semaphore_mem>> -> memref<!tpu.dma_semaphore, #tpu.memory_space<semaphore_mem>>
      %dma_wait3A_1323 = arith.constant 0 : i32
      %dma_wait3A_1324 = arith.constant 0 : i32
      %dma_wait3A_1325 = tpu.memref_slice %arg9[%dma_wait3A_1309, %dma_wait3A_1323, %dma_wait3A_1324] : memref<2x16x64xf32, #tpu.memory_space<vmem>> -> memref<1x16x64xf32, #tpu.memory_space<vmem>>
      %dma_wait3A_1326 = tpu.memref_squeeze %dma_wait3A_1325 : memref<1x16x64xf32, #tpu.memory_space<vmem>> -> memref<16x64xf32, #tpu.memory_space<vmem>>
      %dma_wait3A_1327 = arith.constant 11 : i32
      %dma_wait3A_1328 = arith.constant 0 : i32
      %dma_wait3A_1329 = tpu.memref_slice %dma_wait3A_1326[%dma_wait3A_1327, %dma_wait3A_1328] : memref<16x64xf32, #tpu.memory_space<vmem>> -> memref<1x64xf32, #tpu.memory_space<vmem>>
      %dma_wait3A_1330 = arith.constant 0 : i32
      %dma_wait3A_1331 = arith.constant 0 : i32
      %dma_wait3A_1332 = tpu.memref_slice %arg4[%dma_wait3A_1330, %dma_wait3A_1331] : memref<1000000x64xf32, #tpu.memory_space<hbm>> -> memref<1x64xf32, #tpu.memory_space<hbm>>
      tpu.wait_dma2 semaphore(%dma_wait3A_1322 : memref<!tpu.dma_semaphore, #tpu.memory_space<semaphore_mem>>) src(%dma_wait3A_1332 : memref<1x64xf32, #tpu.memory_space<hbm>>) dst(%dma_wait3A_1329 : memref<1x64xf32, #tpu.memory_space<vmem>>)
      %dma_wait3A_1333 = arith.constant 0 : i32
      %dma_wait3A_1334 = arith.constant 0 : i32
      %dma_wait3A_1335 = arith.constant 0 : i32
      %dma_wait3A_1336 = arith.constant 0 : i32
      %dma_wait3A_1337 = tpu.memref_slice %arg10[%dma_wait3A_1333, %dma_wait3A_1335, %dma_wait3A_1336] : memref<2x16x64xf32, #tpu.memory_space<vmem>> -> memref<1x16x64xf32, #tpu.memory_space<vmem>>
      %dma_wait3A_1338 = tpu.memref_squeeze %dma_wait3A_1337 : memref<1x16x64xf32, #tpu.memory_space<vmem>> -> memref<16x64xf32, #tpu.memory_space<vmem>>
      %dma_wait3A_1339 = arith.constant 11 : i32
      %dma_wait3A_1340 = arith.constant 0 : i32
      %dma_wait3A_1341 = tpu.memref_slice %dma_wait3A_1338[%dma_wait3A_1339, %dma_wait3A_1340] : memref<16x64xf32, #tpu.memory_space<vmem>> -> memref<1x64xf32, #tpu.memory_space<vmem>>
      %dma_wait3A_1342 = arith.constant 0 : i32
      %dma_wait3A_1343 = arith.constant 0 : i32
      %dma_wait3A_1344 = tpu.memref_slice %arg5[%dma_wait3A_1342, %dma_wait3A_1343] : memref<100000x64xf32, #tpu.memory_space<hbm>> -> memref<1x64xf32, #tpu.memory_space<hbm>>
      %dma_wait3A_1345 = tpu.memref_slice %arg12[%dma_wait3A_1334] : memref<2x!tpu.dma_semaphore, #tpu.memory_space<semaphore_mem>> -> memref<1x!tpu.dma_semaphore, #tpu.memory_space<semaphore_mem>>
      %dma_wait3A_1346 = tpu.memref_squeeze %dma_wait3A_1345 : memref<1x!tpu.dma_semaphore, #tpu.memory_space<semaphore_mem>> -> memref<!tpu.dma_semaphore, #tpu.memory_space<semaphore_mem>>
      %dma_wait3A_1347 = arith.constant 0 : i32
      %dma_wait3A_1348 = arith.constant 0 : i32
      %dma_wait3A_1349 = tpu.memref_slice %arg10[%dma_wait3A_1333, %dma_wait3A_1347, %dma_wait3A_1348] : memref<2x16x64xf32, #tpu.memory_space<vmem>> -> memref<1x16x64xf32, #tpu.memory_space<vmem>>
      %dma_wait3A_1350 = tpu.memref_squeeze %dma_wait3A_1349 : memref<1x16x64xf32, #tpu.memory_space<vmem>> -> memref<16x64xf32, #tpu.memory_space<vmem>>
      %dma_wait3A_1351 = arith.constant 11 : i32
      %dma_wait3A_1352 = arith.constant 0 : i32
      %dma_wait3A_1353 = tpu.memref_slice %dma_wait3A_1350[%dma_wait3A_1351, %dma_wait3A_1352] : memref<16x64xf32, #tpu.memory_space<vmem>> -> memref<1x64xf32, #tpu.memory_space<vmem>>
      %dma_wait3A_1354 = arith.constant 0 : i32
      %dma_wait3A_1355 = arith.constant 0 : i32
      %dma_wait3A_1356 = tpu.memref_slice %arg5[%dma_wait3A_1354, %dma_wait3A_1355] : memref<100000x64xf32, #tpu.memory_space<hbm>> -> memref<1x64xf32, #tpu.memory_space<hbm>>
      tpu.wait_dma2 semaphore(%dma_wait3A_1346 : memref<!tpu.dma_semaphore, #tpu.memory_space<semaphore_mem>>) src(%dma_wait3A_1356 : memref<1x64xf32, #tpu.memory_space<hbm>>) dst(%dma_wait3A_1353 : memref<1x64xf32, #tpu.memory_space<vmem>>)
      %dma_wait3A_1357 = arith.constant 0 : i32
      %dma_wait3A_1358 = arith.constant 0 : i32
      %dma_wait3A_1359 = arith.constant 0 : i32
      %dma_wait3A_1360 = arith.constant 0 : i32
      %dma_wait3A_1361 = tpu.memref_slice %arg9[%dma_wait3A_1357, %dma_wait3A_1359, %dma_wait3A_1360] : memref<2x16x64xf32, #tpu.memory_space<vmem>> -> memref<1x16x64xf32, #tpu.memory_space<vmem>>
      %dma_wait3A_1362 = tpu.memref_squeeze %dma_wait3A_1361 : memref<1x16x64xf32, #tpu.memory_space<vmem>> -> memref<16x64xf32, #tpu.memory_space<vmem>>
      %dma_wait3A_1363 = arith.constant 12 : i32
      %dma_wait3A_1364 = arith.constant 0 : i32
      %dma_wait3A_1365 = tpu.memref_slice %dma_wait3A_1362[%dma_wait3A_1363, %dma_wait3A_1364] : memref<16x64xf32, #tpu.memory_space<vmem>> -> memref<1x64xf32, #tpu.memory_space<vmem>>
      %dma_wait3A_1366 = arith.constant 0 : i32
      %dma_wait3A_1367 = arith.constant 0 : i32
      %dma_wait3A_1368 = tpu.memref_slice %arg4[%dma_wait3A_1366, %dma_wait3A_1367] : memref<1000000x64xf32, #tpu.memory_space<hbm>> -> memref<1x64xf32, #tpu.memory_space<hbm>>
      %dma_wait3A_1369 = tpu.memref_slice %arg12[%dma_wait3A_1358] : memref<2x!tpu.dma_semaphore, #tpu.memory_space<semaphore_mem>> -> memref<1x!tpu.dma_semaphore, #tpu.memory_space<semaphore_mem>>
      %dma_wait3A_1370 = tpu.memref_squeeze %dma_wait3A_1369 : memref<1x!tpu.dma_semaphore, #tpu.memory_space<semaphore_mem>> -> memref<!tpu.dma_semaphore, #tpu.memory_space<semaphore_mem>>
      %dma_wait3A_1371 = arith.constant 0 : i32
      %dma_wait3A_1372 = arith.constant 0 : i32
      %dma_wait3A_1373 = tpu.memref_slice %arg9[%dma_wait3A_1357, %dma_wait3A_1371, %dma_wait3A_1372] : memref<2x16x64xf32, #tpu.memory_space<vmem>> -> memref<1x16x64xf32, #tpu.memory_space<vmem>>
      %dma_wait3A_1374 = tpu.memref_squeeze %dma_wait3A_1373 : memref<1x16x64xf32, #tpu.memory_space<vmem>> -> memref<16x64xf32, #tpu.memory_space<vmem>>
      %dma_wait3A_1375 = arith.constant 12 : i32
      %dma_wait3A_1376 = arith.constant 0 : i32
      %dma_wait3A_1377 = tpu.memref_slice %dma_wait3A_1374[%dma_wait3A_1375, %dma_wait3A_1376] : memref<16x64xf32, #tpu.memory_space<vmem>> -> memref<1x64xf32, #tpu.memory_space<vmem>>
      %dma_wait3A_1378 = arith.constant 0 : i32
      %dma_wait3A_1379 = arith.constant 0 : i32
      %dma_wait3A_1380 = tpu.memref_slice %arg4[%dma_wait3A_1378, %dma_wait3A_1379] : memref<1000000x64xf32, #tpu.memory_space<hbm>> -> memref<1x64xf32, #tpu.memory_space<hbm>>
      tpu.wait_dma2 semaphore(%dma_wait3A_1370 : memref<!tpu.dma_semaphore, #tpu.memory_space<semaphore_mem>>) src(%dma_wait3A_1380 : memref<1x64xf32, #tpu.memory_space<hbm>>) dst(%dma_wait3A_1377 : memref<1x64xf32, #tpu.memory_space<vmem>>)
      %dma_wait3A_1381 = arith.constant 0 : i32
      %dma_wait3A_1382 = arith.constant 0 : i32
      %dma_wait3A_1383 = arith.constant 0 : i32
      %dma_wait3A_1384 = arith.constant 0 : i32
      %dma_wait3A_1385 = tpu.memref_slice %arg10[%dma_wait3A_1381, %dma_wait3A_1383, %dma_wait3A_1384] : memref<2x16x64xf32, #tpu.memory_space<vmem>> -> memref<1x16x64xf32, #tpu.memory_space<vmem>>
      %dma_wait3A_1386 = tpu.memref_squeeze %dma_wait3A_1385 : memref<1x16x64xf32, #tpu.memory_space<vmem>> -> memref<16x64xf32, #tpu.memory_space<vmem>>
      %dma_wait3A_1387 = arith.constant 12 : i32
      %dma_wait3A_1388 = arith.constant 0 : i32
      %dma_wait3A_1389 = tpu.memref_slice %dma_wait3A_1386[%dma_wait3A_1387, %dma_wait3A_1388] : memref<16x64xf32, #tpu.memory_space<vmem>> -> memref<1x64xf32, #tpu.memory_space<vmem>>
      %dma_wait3A_1390 = arith.constant 0 : i32
      %dma_wait3A_1391 = arith.constant 0 : i32
      %dma_wait3A_1392 = tpu.memref_slice %arg5[%dma_wait3A_1390, %dma_wait3A_1391] : memref<100000x64xf32, #tpu.memory_space<hbm>> -> memref<1x64xf32, #tpu.memory_space<hbm>>
      %dma_wait3A_1393 = tpu.memref_slice %arg12[%dma_wait3A_1382] : memref<2x!tpu.dma_semaphore, #tpu.memory_space<semaphore_mem>> -> memref<1x!tpu.dma_semaphore, #tpu.memory_space<semaphore_mem>>
      %dma_wait3A_1394 = tpu.memref_squeeze %dma_wait3A_1393 : memref<1x!tpu.dma_semaphore, #tpu.memory_space<semaphore_mem>> -> memref<!tpu.dma_semaphore, #tpu.memory_space<semaphore_mem>>
      %dma_wait3A_1395 = arith.constant 0 : i32
      %dma_wait3A_1396 = arith.constant 0 : i32
      %dma_wait3A_1397 = tpu.memref_slice %arg10[%dma_wait3A_1381, %dma_wait3A_1395, %dma_wait3A_1396] : memref<2x16x64xf32, #tpu.memory_space<vmem>> -> memref<1x16x64xf32, #tpu.memory_space<vmem>>
      %dma_wait3A_1398 = tpu.memref_squeeze %dma_wait3A_1397 : memref<1x16x64xf32, #tpu.memory_space<vmem>> -> memref<16x64xf32, #tpu.memory_space<vmem>>
      %dma_wait3A_1399 = arith.constant 12 : i32
      %dma_wait3A_1400 = arith.constant 0 : i32
      %dma_wait3A_1401 = tpu.memref_slice %dma_wait3A_1398[%dma_wait3A_1399, %dma_wait3A_1400] : memref<16x64xf32, #tpu.memory_space<vmem>> -> memref<1x64xf32, #tpu.memory_space<vmem>>
      %dma_wait3A_1402 = arith.constant 0 : i32
      %dma_wait3A_1403 = arith.constant 0 : i32
      %dma_wait3A_1404 = tpu.memref_slice %arg5[%dma_wait3A_1402, %dma_wait3A_1403] : memref<100000x64xf32, #tpu.memory_space<hbm>> -> memref<1x64xf32, #tpu.memory_space<hbm>>
      tpu.wait_dma2 semaphore(%dma_wait3A_1394 : memref<!tpu.dma_semaphore, #tpu.memory_space<semaphore_mem>>) src(%dma_wait3A_1404 : memref<1x64xf32, #tpu.memory_space<hbm>>) dst(%dma_wait3A_1401 : memref<1x64xf32, #tpu.memory_space<vmem>>)
      %dma_wait3A_1405 = arith.constant 0 : i32
      %dma_wait3A_1406 = arith.constant 0 : i32
      %dma_wait3A_1407 = arith.constant 0 : i32
      %dma_wait3A_1408 = arith.constant 0 : i32
      %dma_wait3A_1409 = tpu.memref_slice %arg9[%dma_wait3A_1405, %dma_wait3A_1407, %dma_wait3A_1408] : memref<2x16x64xf32, #tpu.memory_space<vmem>> -> memref<1x16x64xf32, #tpu.memory_space<vmem>>
      %dma_wait3A_1410 = tpu.memref_squeeze %dma_wait3A_1409 : memref<1x16x64xf32, #tpu.memory_space<vmem>> -> memref<16x64xf32, #tpu.memory_space<vmem>>
      %dma_wait3A_1411 = arith.constant 13 : i32
      %dma_wait3A_1412 = arith.constant 0 : i32
      %dma_wait3A_1413 = tpu.memref_slice %dma_wait3A_1410[%dma_wait3A_1411, %dma_wait3A_1412] : memref<16x64xf32, #tpu.memory_space<vmem>> -> memref<1x64xf32, #tpu.memory_space<vmem>>
      %dma_wait3A_1414 = arith.constant 0 : i32
      %dma_wait3A_1415 = arith.constant 0 : i32
      %dma_wait3A_1416 = tpu.memref_slice %arg4[%dma_wait3A_1414, %dma_wait3A_1415] : memref<1000000x64xf32, #tpu.memory_space<hbm>> -> memref<1x64xf32, #tpu.memory_space<hbm>>
      %dma_wait3A_1417 = tpu.memref_slice %arg12[%dma_wait3A_1406] : memref<2x!tpu.dma_semaphore, #tpu.memory_space<semaphore_mem>> -> memref<1x!tpu.dma_semaphore, #tpu.memory_space<semaphore_mem>>
      %dma_wait3A_1418 = tpu.memref_squeeze %dma_wait3A_1417 : memref<1x!tpu.dma_semaphore, #tpu.memory_space<semaphore_mem>> -> memref<!tpu.dma_semaphore, #tpu.memory_space<semaphore_mem>>
      %dma_wait3A_1419 = arith.constant 0 : i32
      %dma_wait3A_1420 = arith.constant 0 : i32
      %dma_wait3A_1421 = tpu.memref_slice %arg9[%dma_wait3A_1405, %dma_wait3A_1419, %dma_wait3A_1420] : memref<2x16x64xf32, #tpu.memory_space<vmem>> -> memref<1x16x64xf32, #tpu.memory_space<vmem>>
      %dma_wait3A_1422 = tpu.memref_squeeze %dma_wait3A_1421 : memref<1x16x64xf32, #tpu.memory_space<vmem>> -> memref<16x64xf32, #tpu.memory_space<vmem>>
      %dma_wait3A_1423 = arith.constant 13 : i32
      %dma_wait3A_1424 = arith.constant 0 : i32
      %dma_wait3A_1425 = tpu.memref_slice %dma_wait3A_1422[%dma_wait3A_1423, %dma_wait3A_1424] : memref<16x64xf32, #tpu.memory_space<vmem>> -> memref<1x64xf32, #tpu.memory_space<vmem>>
      %dma_wait3A_1426 = arith.constant 0 : i32
      %dma_wait3A_1427 = arith.constant 0 : i32
      %dma_wait3A_1428 = tpu.memref_slice %arg4[%dma_wait3A_1426, %dma_wait3A_1427] : memref<1000000x64xf32, #tpu.memory_space<hbm>> -> memref<1x64xf32, #tpu.memory_space<hbm>>
      tpu.wait_dma2 semaphore(%dma_wait3A_1418 : memref<!tpu.dma_semaphore, #tpu.memory_space<semaphore_mem>>) src(%dma_wait3A_1428 : memref<1x64xf32, #tpu.memory_space<hbm>>) dst(%dma_wait3A_1425 : memref<1x64xf32, #tpu.memory_space<vmem>>)
      %dma_wait3A_1429 = arith.constant 0 : i32
      %dma_wait3A_1430 = arith.constant 0 : i32
      %dma_wait3A_1431 = arith.constant 0 : i32
      %dma_wait3A_1432 = arith.constant 0 : i32
      %dma_wait3A_1433 = tpu.memref_slice %arg10[%dma_wait3A_1429, %dma_wait3A_1431, %dma_wait3A_1432] : memref<2x16x64xf32, #tpu.memory_space<vmem>> -> memref<1x16x64xf32, #tpu.memory_space<vmem>>
      %dma_wait3A_1434 = tpu.memref_squeeze %dma_wait3A_1433 : memref<1x16x64xf32, #tpu.memory_space<vmem>> -> memref<16x64xf32, #tpu.memory_space<vmem>>
      %dma_wait3A_1435 = arith.constant 13 : i32
      %dma_wait3A_1436 = arith.constant 0 : i32
      %dma_wait3A_1437 = tpu.memref_slice %dma_wait3A_1434[%dma_wait3A_1435, %dma_wait3A_1436] : memref<16x64xf32, #tpu.memory_space<vmem>> -> memref<1x64xf32, #tpu.memory_space<vmem>>
      %dma_wait3A_1438 = arith.constant 0 : i32
      %dma_wait3A_1439 = arith.constant 0 : i32
      %dma_wait3A_1440 = tpu.memref_slice %arg5[%dma_wait3A_1438, %dma_wait3A_1439] : memref<100000x64xf32, #tpu.memory_space<hbm>> -> memref<1x64xf32, #tpu.memory_space<hbm>>
      %dma_wait3A_1441 = tpu.memref_slice %arg12[%dma_wait3A_1430] : memref<2x!tpu.dma_semaphore, #tpu.memory_space<semaphore_mem>> -> memref<1x!tpu.dma_semaphore, #tpu.memory_space<semaphore_mem>>
      %dma_wait3A_1442 = tpu.memref_squeeze %dma_wait3A_1441 : memref<1x!tpu.dma_semaphore, #tpu.memory_space<semaphore_mem>> -> memref<!tpu.dma_semaphore, #tpu.memory_space<semaphore_mem>>
      %dma_wait3A_1443 = arith.constant 0 : i32
      %dma_wait3A_1444 = arith.constant 0 : i32
      %dma_wait3A_1445 = tpu.memref_slice %arg10[%dma_wait3A_1429, %dma_wait3A_1443, %dma_wait3A_1444] : memref<2x16x64xf32, #tpu.memory_space<vmem>> -> memref<1x16x64xf32, #tpu.memory_space<vmem>>
      %dma_wait3A_1446 = tpu.memref_squeeze %dma_wait3A_1445 : memref<1x16x64xf32, #tpu.memory_space<vmem>> -> memref<16x64xf32, #tpu.memory_space<vmem>>
      %dma_wait3A_1447 = arith.constant 13 : i32
      %dma_wait3A_1448 = arith.constant 0 : i32
      %dma_wait3A_1449 = tpu.memref_slice %dma_wait3A_1446[%dma_wait3A_1447, %dma_wait3A_1448] : memref<16x64xf32, #tpu.memory_space<vmem>> -> memref<1x64xf32, #tpu.memory_space<vmem>>
      %dma_wait3A_1450 = arith.constant 0 : i32
      %dma_wait3A_1451 = arith.constant 0 : i32
      %dma_wait3A_1452 = tpu.memref_slice %arg5[%dma_wait3A_1450, %dma_wait3A_1451] : memref<100000x64xf32, #tpu.memory_space<hbm>> -> memref<1x64xf32, #tpu.memory_space<hbm>>
      tpu.wait_dma2 semaphore(%dma_wait3A_1442 : memref<!tpu.dma_semaphore, #tpu.memory_space<semaphore_mem>>) src(%dma_wait3A_1452 : memref<1x64xf32, #tpu.memory_space<hbm>>) dst(%dma_wait3A_1449 : memref<1x64xf32, #tpu.memory_space<vmem>>)
      %dma_wait3A_1453 = arith.constant 0 : i32
      %dma_wait3A_1454 = arith.constant 0 : i32
      %dma_wait3A_1455 = arith.constant 0 : i32
      %dma_wait3A_1456 = arith.constant 0 : i32
      %dma_wait3A_1457 = tpu.memref_slice %arg9[%dma_wait3A_1453, %dma_wait3A_1455, %dma_wait3A_1456] : memref<2x16x64xf32, #tpu.memory_space<vmem>> -> memref<1x16x64xf32, #tpu.memory_space<vmem>>
      %dma_wait3A_1458 = tpu.memref_squeeze %dma_wait3A_1457 : memref<1x16x64xf32, #tpu.memory_space<vmem>> -> memref<16x64xf32, #tpu.memory_space<vmem>>
      %dma_wait3A_1459 = arith.constant 14 : i32
      %dma_wait3A_1460 = arith.constant 0 : i32
      %dma_wait3A_1461 = tpu.memref_slice %dma_wait3A_1458[%dma_wait3A_1459, %dma_wait3A_1460] : memref<16x64xf32, #tpu.memory_space<vmem>> -> memref<1x64xf32, #tpu.memory_space<vmem>>
      %dma_wait3A_1462 = arith.constant 0 : i32
      %dma_wait3A_1463 = arith.constant 0 : i32
      %dma_wait3A_1464 = tpu.memref_slice %arg4[%dma_wait3A_1462, %dma_wait3A_1463] : memref<1000000x64xf32, #tpu.memory_space<hbm>> -> memref<1x64xf32, #tpu.memory_space<hbm>>
      %dma_wait3A_1465 = tpu.memref_slice %arg12[%dma_wait3A_1454] : memref<2x!tpu.dma_semaphore, #tpu.memory_space<semaphore_mem>> -> memref<1x!tpu.dma_semaphore, #tpu.memory_space<semaphore_mem>>
      %dma_wait3A_1466 = tpu.memref_squeeze %dma_wait3A_1465 : memref<1x!tpu.dma_semaphore, #tpu.memory_space<semaphore_mem>> -> memref<!tpu.dma_semaphore, #tpu.memory_space<semaphore_mem>>
      %dma_wait3A_1467 = arith.constant 0 : i32
      %dma_wait3A_1468 = arith.constant 0 : i32
      %dma_wait3A_1469 = tpu.memref_slice %arg9[%dma_wait3A_1453, %dma_wait3A_1467, %dma_wait3A_1468] : memref<2x16x64xf32, #tpu.memory_space<vmem>> -> memref<1x16x64xf32, #tpu.memory_space<vmem>>
      %dma_wait3A_1470 = tpu.memref_squeeze %dma_wait3A_1469 : memref<1x16x64xf32, #tpu.memory_space<vmem>> -> memref<16x64xf32, #tpu.memory_space<vmem>>
      %dma_wait3A_1471 = arith.constant 14 : i32
      %dma_wait3A_1472 = arith.constant 0 : i32
      %dma_wait3A_1473 = tpu.memref_slice %dma_wait3A_1470[%dma_wait3A_1471, %dma_wait3A_1472] : memref<16x64xf32, #tpu.memory_space<vmem>> -> memref<1x64xf32, #tpu.memory_space<vmem>>
      %dma_wait3A_1474 = arith.constant 0 : i32
      %dma_wait3A_1475 = arith.constant 0 : i32
      %dma_wait3A_1476 = tpu.memref_slice %arg4[%dma_wait3A_1474, %dma_wait3A_1475] : memref<1000000x64xf32, #tpu.memory_space<hbm>> -> memref<1x64xf32, #tpu.memory_space<hbm>>
      tpu.wait_dma2 semaphore(%dma_wait3A_1466 : memref<!tpu.dma_semaphore, #tpu.memory_space<semaphore_mem>>) src(%dma_wait3A_1476 : memref<1x64xf32, #tpu.memory_space<hbm>>) dst(%dma_wait3A_1473 : memref<1x64xf32, #tpu.memory_space<vmem>>)
      %dma_wait3A_1477 = arith.constant 0 : i32
      %dma_wait3A_1478 = arith.constant 0 : i32
      %dma_wait3A_1479 = arith.constant 0 : i32
      %dma_wait3A_1480 = arith.constant 0 : i32
      %dma_wait3A_1481 = tpu.memref_slice %arg10[%dma_wait3A_1477, %dma_wait3A_1479, %dma_wait3A_1480] : memref<2x16x64xf32, #tpu.memory_space<vmem>> -> memref<1x16x64xf32, #tpu.memory_space<vmem>>
      %dma_wait3A_1482 = tpu.memref_squeeze %dma_wait3A_1481 : memref<1x16x64xf32, #tpu.memory_space<vmem>> -> memref<16x64xf32, #tpu.memory_space<vmem>>
      %dma_wait3A_1483 = arith.constant 14 : i32
      %dma_wait3A_1484 = arith.constant 0 : i32
      %dma_wait3A_1485 = tpu.memref_slice %dma_wait3A_1482[%dma_wait3A_1483, %dma_wait3A_1484] : memref<16x64xf32, #tpu.memory_space<vmem>> -> memref<1x64xf32, #tpu.memory_space<vmem>>
      %dma_wait3A_1486 = arith.constant 0 : i32
      %dma_wait3A_1487 = arith.constant 0 : i32
      %dma_wait3A_1488 = tpu.memref_slice %arg5[%dma_wait3A_1486, %dma_wait3A_1487] : memref<100000x64xf32, #tpu.memory_space<hbm>> -> memref<1x64xf32, #tpu.memory_space<hbm>>
      %dma_wait3A_1489 = tpu.memref_slice %arg12[%dma_wait3A_1478] : memref<2x!tpu.dma_semaphore, #tpu.memory_space<semaphore_mem>> -> memref<1x!tpu.dma_semaphore, #tpu.memory_space<semaphore_mem>>
      %dma_wait3A_1490 = tpu.memref_squeeze %dma_wait3A_1489 : memref<1x!tpu.dma_semaphore, #tpu.memory_space<semaphore_mem>> -> memref<!tpu.dma_semaphore, #tpu.memory_space<semaphore_mem>>
      %dma_wait3A_1491 = arith.constant 0 : i32
      %dma_wait3A_1492 = arith.constant 0 : i32
      %dma_wait3A_1493 = tpu.memref_slice %arg10[%dma_wait3A_1477, %dma_wait3A_1491, %dma_wait3A_1492] : memref<2x16x64xf32, #tpu.memory_space<vmem>> -> memref<1x16x64xf32, #tpu.memory_space<vmem>>
      %dma_wait3A_1494 = tpu.memref_squeeze %dma_wait3A_1493 : memref<1x16x64xf32, #tpu.memory_space<vmem>> -> memref<16x64xf32, #tpu.memory_space<vmem>>
      %dma_wait3A_1495 = arith.constant 14 : i32
      %dma_wait3A_1496 = arith.constant 0 : i32
      %dma_wait3A_1497 = tpu.memref_slice %dma_wait3A_1494[%dma_wait3A_1495, %dma_wait3A_1496] : memref<16x64xf32, #tpu.memory_space<vmem>> -> memref<1x64xf32, #tpu.memory_space<vmem>>
      %dma_wait3A_1498 = arith.constant 0 : i32
      %dma_wait3A_1499 = arith.constant 0 : i32
      %dma_wait3A_1500 = tpu.memref_slice %arg5[%dma_wait3A_1498, %dma_wait3A_1499] : memref<100000x64xf32, #tpu.memory_space<hbm>> -> memref<1x64xf32, #tpu.memory_space<hbm>>
      tpu.wait_dma2 semaphore(%dma_wait3A_1490 : memref<!tpu.dma_semaphore, #tpu.memory_space<semaphore_mem>>) src(%dma_wait3A_1500 : memref<1x64xf32, #tpu.memory_space<hbm>>) dst(%dma_wait3A_1497 : memref<1x64xf32, #tpu.memory_space<vmem>>)
      %dma_wait3A_1501 = arith.constant 0 : i32
      %dma_wait3A_1502 = arith.constant 0 : i32
      %dma_wait3A_1503 = arith.constant 0 : i32
      %dma_wait3A_1504 = arith.constant 0 : i32
      %dma_wait3A_1505 = tpu.memref_slice %arg9[%dma_wait3A_1501, %dma_wait3A_1503, %dma_wait3A_1504] : memref<2x16x64xf32, #tpu.memory_space<vmem>> -> memref<1x16x64xf32, #tpu.memory_space<vmem>>
      %dma_wait3A_1506 = tpu.memref_squeeze %dma_wait3A_1505 : memref<1x16x64xf32, #tpu.memory_space<vmem>> -> memref<16x64xf32, #tpu.memory_space<vmem>>
      %dma_wait3A_1507 = arith.constant 15 : i32
      %dma_wait3A_1508 = arith.constant 0 : i32
      %dma_wait3A_1509 = tpu.memref_slice %dma_wait3A_1506[%dma_wait3A_1507, %dma_wait3A_1508] : memref<16x64xf32, #tpu.memory_space<vmem>> -> memref<1x64xf32, #tpu.memory_space<vmem>>
      %dma_wait3A_1510 = arith.constant 0 : i32
      %dma_wait3A_1511 = arith.constant 0 : i32
      %dma_wait3A_1512 = tpu.memref_slice %arg4[%dma_wait3A_1510, %dma_wait3A_1511] : memref<1000000x64xf32, #tpu.memory_space<hbm>> -> memref<1x64xf32, #tpu.memory_space<hbm>>
      %dma_wait3A_1513 = tpu.memref_slice %arg12[%dma_wait3A_1502] : memref<2x!tpu.dma_semaphore, #tpu.memory_space<semaphore_mem>> -> memref<1x!tpu.dma_semaphore, #tpu.memory_space<semaphore_mem>>
      %dma_wait3A_1514 = tpu.memref_squeeze %dma_wait3A_1513 : memref<1x!tpu.dma_semaphore, #tpu.memory_space<semaphore_mem>> -> memref<!tpu.dma_semaphore, #tpu.memory_space<semaphore_mem>>
      %dma_wait3A_1515 = arith.constant 0 : i32
      %dma_wait3A_1516 = arith.constant 0 : i32
      %dma_wait3A_1517 = tpu.memref_slice %arg9[%dma_wait3A_1501, %dma_wait3A_1515, %dma_wait3A_1516] : memref<2x16x64xf32, #tpu.memory_space<vmem>> -> memref<1x16x64xf32, #tpu.memory_space<vmem>>
      %dma_wait3A_1518 = tpu.memref_squeeze %dma_wait3A_1517 : memref<1x16x64xf32, #tpu.memory_space<vmem>> -> memref<16x64xf32, #tpu.memory_space<vmem>>
      %dma_wait3A_1519 = arith.constant 15 : i32
      %dma_wait3A_1520 = arith.constant 0 : i32
      %dma_wait3A_1521 = tpu.memref_slice %dma_wait3A_1518[%dma_wait3A_1519, %dma_wait3A_1520] : memref<16x64xf32, #tpu.memory_space<vmem>> -> memref<1x64xf32, #tpu.memory_space<vmem>>
      %dma_wait3A_1522 = arith.constant 0 : i32
      %dma_wait3A_1523 = arith.constant 0 : i32
      %dma_wait3A_1524 = tpu.memref_slice %arg4[%dma_wait3A_1522, %dma_wait3A_1523] : memref<1000000x64xf32, #tpu.memory_space<hbm>> -> memref<1x64xf32, #tpu.memory_space<hbm>>
      tpu.wait_dma2 semaphore(%dma_wait3A_1514 : memref<!tpu.dma_semaphore, #tpu.memory_space<semaphore_mem>>) src(%dma_wait3A_1524 : memref<1x64xf32, #tpu.memory_space<hbm>>) dst(%dma_wait3A_1521 : memref<1x64xf32, #tpu.memory_space<vmem>>)
      %dma_wait3A_1525 = arith.constant 0 : i32
      %dma_wait3A_1526 = arith.constant 0 : i32
      %dma_wait3A_1527 = arith.constant 0 : i32
      %dma_wait3A_1528 = arith.constant 0 : i32
      %dma_wait3A_1529 = tpu.memref_slice %arg10[%dma_wait3A_1525, %dma_wait3A_1527, %dma_wait3A_1528] : memref<2x16x64xf32, #tpu.memory_space<vmem>> -> memref<1x16x64xf32, #tpu.memory_space<vmem>>
      %dma_wait3A_1530 = tpu.memref_squeeze %dma_wait3A_1529 : memref<1x16x64xf32, #tpu.memory_space<vmem>> -> memref<16x64xf32, #tpu.memory_space<vmem>>
      %dma_wait3A_1531 = arith.constant 15 : i32
      %dma_wait3A_1532 = arith.constant 0 : i32
      %dma_wait3A_1533 = tpu.memref_slice %dma_wait3A_1530[%dma_wait3A_1531, %dma_wait3A_1532] : memref<16x64xf32, #tpu.memory_space<vmem>> -> memref<1x64xf32, #tpu.memory_space<vmem>>
      %dma_wait3A_1534 = arith.constant 0 : i32
      %dma_wait3A_1535 = arith.constant 0 : i32
      %dma_wait3A_1536 = tpu.memref_slice %arg5[%dma_wait3A_1534, %dma_wait3A_1535] : memref<100000x64xf32, #tpu.memory_space<hbm>> -> memref<1x64xf32, #tpu.memory_space<hbm>>
      %dma_wait3A_1537 = tpu.memref_slice %arg12[%dma_wait3A_1526] : memref<2x!tpu.dma_semaphore, #tpu.memory_space<semaphore_mem>> -> memref<1x!tpu.dma_semaphore, #tpu.memory_space<semaphore_mem>>
      %dma_wait3A_1538 = tpu.memref_squeeze %dma_wait3A_1537 : memref<1x!tpu.dma_semaphore, #tpu.memory_space<semaphore_mem>> -> memref<!tpu.dma_semaphore, #tpu.memory_space<semaphore_mem>>
      %dma_wait3A_1539 = arith.constant 0 : i32
      %dma_wait3A_1540 = arith.constant 0 : i32
      %dma_wait3A_1541 = tpu.memref_slice %arg10[%dma_wait3A_1525, %dma_wait3A_1539, %dma_wait3A_1540] : memref<2x16x64xf32, #tpu.memory_space<vmem>> -> memref<1x16x64xf32, #tpu.memory_space<vmem>>
      %dma_wait3A_1542 = tpu.memref_squeeze %dma_wait3A_1541 : memref<1x16x64xf32, #tpu.memory_space<vmem>> -> memref<16x64xf32, #tpu.memory_space<vmem>>
      %dma_wait3A_1543 = arith.constant 15 : i32
      %dma_wait3A_1544 = arith.constant 0 : i32
      %dma_wait3A_1545 = tpu.memref_slice %dma_wait3A_1542[%dma_wait3A_1543, %dma_wait3A_1544] : memref<16x64xf32, #tpu.memory_space<vmem>> -> memref<1x64xf32, #tpu.memory_space<vmem>>
      %dma_wait3A_1546 = arith.constant 0 : i32
      %dma_wait3A_1547 = arith.constant 0 : i32
      %dma_wait3A_1548 = tpu.memref_slice %arg5[%dma_wait3A_1546, %dma_wait3A_1547] : memref<100000x64xf32, #tpu.memory_space<hbm>> -> memref<1x64xf32, #tpu.memory_space<hbm>>
      tpu.wait_dma2 semaphore(%dma_wait3A_1538 : memref<!tpu.dma_semaphore, #tpu.memory_space<semaphore_mem>>) src(%dma_wait3A_1548 : memref<1x64xf32, #tpu.memory_space<hbm>>) dst(%dma_wait3A_1545 : memref<1x64xf32, #tpu.memory_space<vmem>>)
      %add3A_1549 = arith.constant 1 : i32
      %add3A_1550 = arith.addi %mul3A_781, %add3A_1549 : i32
      %mul3A_1551 = arith.constant 16 : i32
      %mul3A_1552 = arith.muli %add3A_1550, %mul3A_1551 : i32
      %multiple_of3A_1553 = tpu.assume_multiple %mul3A_1552, 16 : i32
      %get3A_1554 = arith.index_cast %multiple_of3A_1553 : i32 to index
      %get3A_1555 = tpu.vector_load %arg7[%get3A_1554] {strides = array<i32>} : memref<512xi32, #tpu.memory_space<vmem>>, vector<16xi32>,
      %get3A_1556 = arith.index_cast %multiple_of3A_1553 : i32 to index
      %get3A_1557 = tpu.vector_load %arg8[%get3A_1556] {strides = array<i32>} : memref<512xi32, #tpu.memory_space<vmem>>, vector<16xi32>,
      %slice3A_1558 = vector.extract_strided_slice %get3A_1555 {offsets = [0], sizes = [1], strides = [1]} : vector<16xi32> to vector<1xi32>
      %squeeze3A_1559 = vector.extract %slice3A_1558[0] : i32 from vector<1xi32>
      %dma_start3A_1560 = arith.constant 1 : i32
      %dma_start3A_1561 = arith.constant 1 : i32
      %dma_start3A_1562 = arith.constant 0 : i32
      %dma_start3A_1563 = arith.constant 0 : i32
      %dma_start3A_1564 = tpu.memref_slice %arg9[%dma_start3A_1560, %dma_start3A_1562, %dma_start3A_1563] : memref<2x16x64xf32, #tpu.memory_space<vmem>> -> memref<1x16x64xf32, #tpu.memory_space<vmem>>
      %dma_start3A_1565 = tpu.memref_squeeze %dma_start3A_1564 : memref<1x16x64xf32, #tpu.memory_space<vmem>> -> memref<16x64xf32, #tpu.memory_space<vmem>>
      %dma_start3A_1566 = arith.constant 0 : i32
      %dma_start3A_1567 = arith.constant 0 : i32
      %dma_start3A_1568 = tpu.memref_slice %dma_start3A_1565[%dma_start3A_1566, %dma_start3A_1567] : memref<16x64xf32, #tpu.memory_space<vmem>> -> memref<1x64xf32, #tpu.memory_space<vmem>>
      %dma_start3A_1569 = arith.constant 0 : i32
      %dma_start3A_1570 = tpu.memref_slice %arg4[%squeeze3A_1559, %dma_start3A_1569] : memref<1000000x64xf32, #tpu.memory_space<hbm>> -> memref<1x64xf32, #tpu.memory_space<hbm>>
      %dma_start3A_1571 = tpu.memref_slice %arg12[%dma_start3A_1561] : memref<2x!tpu.dma_semaphore, #tpu.memory_space<semaphore_mem>> -> memref<1x!tpu.dma_semaphore, #tpu.memory_space<semaphore_mem>>
      %dma_start3A_1572 = tpu.memref_squeeze %dma_start3A_1571 : memref<1x!tpu.dma_semaphore, #tpu.memory_space<semaphore_mem>> -> memref<!tpu.dma_semaphore, #tpu.memory_space<semaphore_mem>>
      %dma_start3A_1573 = arith.constant 0 : i32
      %dma_start3A_1574 = arith.constant 0 : i32
      %dma_start3A_1575 = tpu.memref_slice %arg9[%dma_start3A_1560, %dma_start3A_1573, %dma_start3A_1574] : memref<2x16x64xf32, #tpu.memory_space<vmem>> -> memref<1x16x64xf32, #tpu.memory_space<vmem>>
      %dma_start3A_1576 = tpu.memref_squeeze %dma_start3A_1575 : memref<1x16x64xf32, #tpu.memory_space<vmem>> -> memref<16x64xf32, #tpu.memory_space<vmem>>
      %dma_start3A_1577 = arith.constant 0 : i32
      %dma_start3A_1578 = arith.constant 0 : i32
      %dma_start3A_1579 = tpu.memref_slice %dma_start3A_1576[%dma_start3A_1577, %dma_start3A_1578] : memref<16x64xf32, #tpu.memory_space<vmem>> -> memref<1x64xf32, #tpu.memory_space<vmem>>
      %dma_start3A_1580 = arith.constant 0 : i32
      %dma_start3A_1581 = tpu.memref_slice %arg4[%squeeze3A_1559, %dma_start3A_1580] : memref<1000000x64xf32, #tpu.memory_space<hbm>> -> memref<1x64xf32, #tpu.memory_space<hbm>>
      tpu.enqueue_dma source(%dma_start3A_1581 : memref<1x64xf32, #tpu.memory_space<hbm>>) target(%dma_start3A_1579 : memref<1x64xf32, #tpu.memory_space<vmem>>) target_semaphore(%dma_start3A_1572 : memref<!tpu.dma_semaphore, #tpu.memory_space<semaphore_mem>>)
      %slice3A_1582 = vector.extract_strided_slice %get3A_1557 {offsets = [0], sizes = [1], strides = [1]} : vector<16xi32> to vector<1xi32>
      %squeeze3A_1583 = vector.extract %slice3A_1582[0] : i32 from vector<1xi32>
      %dma_start3A_1584 = arith.constant 1 : i32
      %dma_start3A_1585 = arith.constant 1 : i32
      %dma_start3A_1586 = arith.constant 0 : i32
      %dma_start3A_1587 = arith.constant 0 : i32
      %dma_start3A_1588 = tpu.memref_slice %arg10[%dma_start3A_1584, %dma_start3A_1586, %dma_start3A_1587] : memref<2x16x64xf32, #tpu.memory_space<vmem>> -> memref<1x16x64xf32, #tpu.memory_space<vmem>>
      %dma_start3A_1589 = tpu.memref_squeeze %dma_start3A_1588 : memref<1x16x64xf32, #tpu.memory_space<vmem>> -> memref<16x64xf32, #tpu.memory_space<vmem>>
      %dma_start3A_1590 = arith.constant 0 : i32
      %dma_start3A_1591 = arith.constant 0 : i32
      %dma_start3A_1592 = tpu.memref_slice %dma_start3A_1589[%dma_start3A_1590, %dma_start3A_1591] : memref<16x64xf32, #tpu.memory_space<vmem>> -> memref<1x64xf32, #tpu.memory_space<vmem>>
      %dma_start3A_1593 = arith.constant 0 : i32
      %dma_start3A_1594 = tpu.memref_slice %arg5[%squeeze3A_1583, %dma_start3A_1593] : memref<100000x64xf32, #tpu.memory_space<hbm>> -> memref<1x64xf32, #tpu.memory_space<hbm>>
      %dma_start3A_1595 = tpu.memref_slice %arg12[%dma_start3A_1585] : memref<2x!tpu.dma_semaphore, #tpu.memory_space<semaphore_mem>> -> memref<1x!tpu.dma_semaphore, #tpu.memory_space<semaphore_mem>>
      %dma_start3A_1596 = tpu.memref_squeeze %dma_start3A_1595 : memref<1x!tpu.dma_semaphore, #tpu.memory_space<semaphore_mem>> -> memref<!tpu.dma_semaphore, #tpu.memory_space<semaphore_mem>>
      %dma_start3A_1597 = arith.constant 0 : i32
      %dma_start3A_1598 = arith.constant 0 : i32
      %dma_start3A_1599 = tpu.memref_slice %arg10[%dma_start3A_1584, %dma_start3A_1597, %dma_start3A_1598] : memref<2x16x64xf32, #tpu.memory_space<vmem>> -> memref<1x16x64xf32, #tpu.memory_space<vmem>>
      %dma_start3A_1600 = tpu.memref_squeeze %dma_start3A_1599 : memref<1x16x64xf32, #tpu.memory_space<vmem>> -> memref<16x64xf32, #tpu.memory_space<vmem>>
      %dma_start3A_1601 = arith.constant 0 : i32
      %dma_start3A_1602 = arith.constant 0 : i32
      %dma_start3A_1603 = tpu.memref_slice %dma_start3A_1600[%dma_start3A_1601, %dma_start3A_1602] : memref<16x64xf32, #tpu.memory_space<vmem>> -> memref<1x64xf32, #tpu.memory_space<vmem>>
      %dma_start3A_1604 = arith.constant 0 : i32
      %dma_start3A_1605 = tpu.memref_slice %arg5[%squeeze3A_1583, %dma_start3A_1604] : memref<100000x64xf32, #tpu.memory_space<hbm>> -> memref<1x64xf32, #tpu.memory_space<hbm>>
      tpu.enqueue_dma source(%dma_start3A_1605 : memref<1x64xf32, #tpu.memory_space<hbm>>) target(%dma_start3A_1603 : memref<1x64xf32, #tpu.memory_space<vmem>>) target_semaphore(%dma_start3A_1596 : memref<!tpu.dma_semaphore, #tpu.memory_space<semaphore_mem>>)
      %slice3A_1606 = vector.extract_strided_slice %get3A_1555 {offsets = [1], sizes = [1], strides = [1]} : vector<16xi32> to vector<1xi32>
      %squeeze3A_1607 = vector.extract %slice3A_1606[0] : i32 from vector<1xi32>
      %dma_start3A_1608 = arith.constant 1 : i32
      %dma_start3A_1609 = arith.constant 1 : i32
      %dma_start3A_1610 = arith.constant 0 : i32
      %dma_start3A_1611 = arith.constant 0 : i32
      %dma_start3A_1612 = tpu.memref_slice %arg9[%dma_start3A_1608, %dma_start3A_1610, %dma_start3A_1611] : memref<2x16x64xf32, #tpu.memory_space<vmem>> -> memref<1x16x64xf32, #tpu.memory_space<vmem>>
      %dma_start3A_1613 = tpu.memref_squeeze %dma_start3A_1612 : memref<1x16x64xf32, #tpu.memory_space<vmem>> -> memref<16x64xf32, #tpu.memory_space<vmem>>
      %dma_start3A_1614 = arith.constant 1 : i32
      %dma_start3A_1615 = arith.constant 0 : i32
      %dma_start3A_1616 = tpu.memref_slice %dma_start3A_1613[%dma_start3A_1614, %dma_start3A_1615] : memref<16x64xf32, #tpu.memory_space<vmem>> -> memref<1x64xf32, #tpu.memory_space<vmem>>
      %dma_start3A_1617 = arith.constant 0 : i32
      %dma_start3A_1618 = tpu.memref_slice %arg4[%squeeze3A_1607, %dma_start3A_1617] : memref<1000000x64xf32, #tpu.memory_space<hbm>> -> memref<1x64xf32, #tpu.memory_space<hbm>>
      %dma_start3A_1619 = tpu.memref_slice %arg12[%dma_start3A_1609] : memref<2x!tpu.dma_semaphore, #tpu.memory_space<semaphore_mem>> -> memref<1x!tpu.dma_semaphore, #tpu.memory_space<semaphore_mem>>
      %dma_start3A_1620 = tpu.memref_squeeze %dma_start3A_1619 : memref<1x!tpu.dma_semaphore, #tpu.memory_space<semaphore_mem>> -> memref<!tpu.dma_semaphore, #tpu.memory_space<semaphore_mem>>
      %dma_start3A_1621 = arith.constant 0 : i32
      %dma_start3A_1622 = arith.constant 0 : i32
      %dma_start3A_1623 = tpu.memref_slice %arg9[%dma_start3A_1608, %dma_start3A_1621, %dma_start3A_1622] : memref<2x16x64xf32, #tpu.memory_space<vmem>> -> memref<1x16x64xf32, #tpu.memory_space<vmem>>
      %dma_start3A_1624 = tpu.memref_squeeze %dma_start3A_1623 : memref<1x16x64xf32, #tpu.memory_space<vmem>> -> memref<16x64xf32, #tpu.memory_space<vmem>>
      %dma_start3A_1625 = arith.constant 1 : i32
      %dma_start3A_1626 = arith.constant 0 : i32
      %dma_start3A_1627 = tpu.memref_slice %dma_start3A_1624[%dma_start3A_1625, %dma_start3A_1626] : memref<16x64xf32, #tpu.memory_space<vmem>> -> memref<1x64xf32, #tpu.memory_space<vmem>>
      %dma_start3A_1628 = arith.constant 0 : i32
      %dma_start3A_1629 = tpu.memref_slice %arg4[%squeeze3A_1607, %dma_start3A_1628] : memref<1000000x64xf32, #tpu.memory_space<hbm>> -> memref<1x64xf32, #tpu.memory_space<hbm>>
      tpu.enqueue_dma source(%dma_start3A_1629 : memref<1x64xf32, #tpu.memory_space<hbm>>) target(%dma_start3A_1627 : memref<1x64xf32, #tpu.memory_space<vmem>>) target_semaphore(%dma_start3A_1620 : memref<!tpu.dma_semaphore, #tpu.memory_space<semaphore_mem>>)
      %slice3A_1630 = vector.extract_strided_slice %get3A_1557 {offsets = [1], sizes = [1], strides = [1]} : vector<16xi32> to vector<1xi32>
      %squeeze3A_1631 = vector.extract %slice3A_1630[0] : i32 from vector<1xi32>
      %dma_start3A_1632 = arith.constant 1 : i32
      %dma_start3A_1633 = arith.constant 1 : i32
      %dma_start3A_1634 = arith.constant 0 : i32
      %dma_start3A_1635 = arith.constant 0 : i32
      %dma_start3A_1636 = tpu.memref_slice %arg10[%dma_start3A_1632, %dma_start3A_1634, %dma_start3A_1635] : memref<2x16x64xf32, #tpu.memory_space<vmem>> -> memref<1x16x64xf32, #tpu.memory_space<vmem>>
      %dma_start3A_1637 = tpu.memref_squeeze %dma_start3A_1636 : memref<1x16x64xf32, #tpu.memory_space<vmem>> -> memref<16x64xf32, #tpu.memory_space<vmem>>
      %dma_start3A_1638 = arith.constant 1 : i32
      %dma_start3A_1639 = arith.constant 0 : i32
      %dma_start3A_1640 = tpu.memref_slice %dma_start3A_1637[%dma_start3A_1638, %dma_start3A_1639] : memref<16x64xf32, #tpu.memory_space<vmem>> -> memref<1x64xf32, #tpu.memory_space<vmem>>
      %dma_start3A_1641 = arith.constant 0 : i32
      %dma_start3A_1642 = tpu.memref_slice %arg5[%squeeze3A_1631, %dma_start3A_1641] : memref<100000x64xf32, #tpu.memory_space<hbm>> -> memref<1x64xf32, #tpu.memory_space<hbm>>
      %dma_start3A_1643 = tpu.memref_slice %arg12[%dma_start3A_1633] : memref<2x!tpu.dma_semaphore, #tpu.memory_space<semaphore_mem>> -> memref<1x!tpu.dma_semaphore, #tpu.memory_space<semaphore_mem>>
      %dma_start3A_1644 = tpu.memref_squeeze %dma_start3A_1643 : memref<1x!tpu.dma_semaphore, #tpu.memory_space<semaphore_mem>> -> memref<!tpu.dma_semaphore, #tpu.memory_space<semaphore_mem>>
      %dma_start3A_1645 = arith.constant 0 : i32
      %dma_start3A_1646 = arith.constant 0 : i32
      %dma_start3A_1647 = tpu.memref_slice %arg10[%dma_start3A_1632, %dma_start3A_1645, %dma_start3A_1646] : memref<2x16x64xf32, #tpu.memory_space<vmem>> -> memref<1x16x64xf32, #tpu.memory_space<vmem>>
      %dma_start3A_1648 = tpu.memref_squeeze %dma_start3A_1647 : memref<1x16x64xf32, #tpu.memory_space<vmem>> -> memref<16x64xf32, #tpu.memory_space<vmem>>
      %dma_start3A_1649 = arith.constant 1 : i32
      %dma_start3A_1650 = arith.constant 0 : i32
      %dma_start3A_1651 = tpu.memref_slice %dma_start3A_1648[%dma_start3A_1649, %dma_start3A_1650] : memref<16x64xf32, #tpu.memory_space<vmem>> -> memref<1x64xf32, #tpu.memory_space<vmem>>
      %dma_start3A_1652 = arith.constant 0 : i32
      %dma_start3A_1653 = tpu.memref_slice %arg5[%squeeze3A_1631, %dma_start3A_1652] : memref<100000x64xf32, #tpu.memory_space<hbm>> -> memref<1x64xf32, #tpu.memory_space<hbm>>
      tpu.enqueue_dma source(%dma_start3A_1653 : memref<1x64xf32, #tpu.memory_space<hbm>>) target(%dma_start3A_1651 : memref<1x64xf32, #tpu.memory_space<vmem>>) target_semaphore(%dma_start3A_1644 : memref<!tpu.dma_semaphore, #tpu.memory_space<semaphore_mem>>)
      %slice3A_1654 = vector.extract_strided_slice %get3A_1555 {offsets = [2], sizes = [1], strides = [1]} : vector<16xi32> to vector<1xi32>
      %squeeze3A_1655 = vector.extract %slice3A_1654[0] : i32 from vector<1xi32>
      %dma_start3A_1656 = arith.constant 1 : i32
      %dma_start3A_1657 = arith.constant 1 : i32
      %dma_start3A_1658 = arith.constant 0 : i32
      %dma_start3A_1659 = arith.constant 0 : i32
      %dma_start3A_1660 = tpu.memref_slice %arg9[%dma_start3A_1656, %dma_start3A_1658, %dma_start3A_1659] : memref<2x16x64xf32, #tpu.memory_space<vmem>> -> memref<1x16x64xf32, #tpu.memory_space<vmem>>
      %dma_start3A_1661 = tpu.memref_squeeze %dma_start3A_1660 : memref<1x16x64xf32, #tpu.memory_space<vmem>> -> memref<16x64xf32, #tpu.memory_space<vmem>>
      %dma_start3A_1662 = arith.constant 2 : i32
      %dma_start3A_1663 = arith.constant 0 : i32
      %dma_start3A_1664 = tpu.memref_slice %dma_start3A_1661[%dma_start3A_1662, %dma_start3A_1663] : memref<16x64xf32, #tpu.memory_space<vmem>> -> memref<1x64xf32, #tpu.memory_space<vmem>>
      %dma_start3A_1665 = arith.constant 0 : i32
      %dma_start3A_1666 = tpu.memref_slice %arg4[%squeeze3A_1655, %dma_start3A_1665] : memref<1000000x64xf32, #tpu.memory_space<hbm>> -> memref<1x64xf32, #tpu.memory_space<hbm>>
      %dma_start3A_1667 = tpu.memref_slice %arg12[%dma_start3A_1657] : memref<2x!tpu.dma_semaphore, #tpu.memory_space<semaphore_mem>> -> memref<1x!tpu.dma_semaphore, #tpu.memory_space<semaphore_mem>>
      %dma_start3A_1668 = tpu.memref_squeeze %dma_start3A_1667 : memref<1x!tpu.dma_semaphore, #tpu.memory_space<semaphore_mem>> -> memref<!tpu.dma_semaphore, #tpu.memory_space<semaphore_mem>>
      %dma_start3A_1669 = arith.constant 0 : i32
      %dma_start3A_1670 = arith.constant 0 : i32
      %dma_start3A_1671 = tpu.memref_slice %arg9[%dma_start3A_1656, %dma_start3A_1669, %dma_start3A_1670] : memref<2x16x64xf32, #tpu.memory_space<vmem>> -> memref<1x16x64xf32, #tpu.memory_space<vmem>>
      %dma_start3A_1672 = tpu.memref_squeeze %dma_start3A_1671 : memref<1x16x64xf32, #tpu.memory_space<vmem>> -> memref<16x64xf32, #tpu.memory_space<vmem>>
      %dma_start3A_1673 = arith.constant 2 : i32
      %dma_start3A_1674 = arith.constant 0 : i32
      %dma_start3A_1675 = tpu.memref_slice %dma_start3A_1672[%dma_start3A_1673, %dma_start3A_1674] : memref<16x64xf32, #tpu.memory_space<vmem>> -> memref<1x64xf32, #tpu.memory_space<vmem>>
      %dma_start3A_1676 = arith.constant 0 : i32
      %dma_start3A_1677 = tpu.memref_slice %arg4[%squeeze3A_1655, %dma_start3A_1676] : memref<1000000x64xf32, #tpu.memory_space<hbm>> -> memref<1x64xf32, #tpu.memory_space<hbm>>
      tpu.enqueue_dma source(%dma_start3A_1677 : memref<1x64xf32, #tpu.memory_space<hbm>>) target(%dma_start3A_1675 : memref<1x64xf32, #tpu.memory_space<vmem>>) target_semaphore(%dma_start3A_1668 : memref<!tpu.dma_semaphore, #tpu.memory_space<semaphore_mem>>)
      %slice3A_1678 = vector.extract_strided_slice %get3A_1557 {offsets = [2], sizes = [1], strides = [1]} : vector<16xi32> to vector<1xi32>
      %squeeze3A_1679 = vector.extract %slice3A_1678[0] : i32 from vector<1xi32>
      %dma_start3A_1680 = arith.constant 1 : i32
      %dma_start3A_1681 = arith.constant 1 : i32
      %dma_start3A_1682 = arith.constant 0 : i32
      %dma_start3A_1683 = arith.constant 0 : i32
      %dma_start3A_1684 = tpu.memref_slice %arg10[%dma_start3A_1680, %dma_start3A_1682, %dma_start3A_1683] : memref<2x16x64xf32, #tpu.memory_space<vmem>> -> memref<1x16x64xf32, #tpu.memory_space<vmem>>
      %dma_start3A_1685 = tpu.memref_squeeze %dma_start3A_1684 : memref<1x16x64xf32, #tpu.memory_space<vmem>> -> memref<16x64xf32, #tpu.memory_space<vmem>>
      %dma_start3A_1686 = arith.constant 2 : i32
      %dma_start3A_1687 = arith.constant 0 : i32
      %dma_start3A_1688 = tpu.memref_slice %dma_start3A_1685[%dma_start3A_1686, %dma_start3A_1687] : memref<16x64xf32, #tpu.memory_space<vmem>> -> memref<1x64xf32, #tpu.memory_space<vmem>>
      %dma_start3A_1689 = arith.constant 0 : i32
      %dma_start3A_1690 = tpu.memref_slice %arg5[%squeeze3A_1679, %dma_start3A_1689] : memref<100000x64xf32, #tpu.memory_space<hbm>> -> memref<1x64xf32, #tpu.memory_space<hbm>>
      %dma_start3A_1691 = tpu.memref_slice %arg12[%dma_start3A_1681] : memref<2x!tpu.dma_semaphore, #tpu.memory_space<semaphore_mem>> -> memref<1x!tpu.dma_semaphore, #tpu.memory_space<semaphore_mem>>
      %dma_start3A_1692 = tpu.memref_squeeze %dma_start3A_1691 : memref<1x!tpu.dma_semaphore, #tpu.memory_space<semaphore_mem>> -> memref<!tpu.dma_semaphore, #tpu.memory_space<semaphore_mem>>
      %dma_start3A_1693 = arith.constant 0 : i32
      %dma_start3A_1694 = arith.constant 0 : i32
      %dma_start3A_1695 = tpu.memref_slice %arg10[%dma_start3A_1680, %dma_start3A_1693, %dma_start3A_1694] : memref<2x16x64xf32, #tpu.memory_space<vmem>> -> memref<1x16x64xf32, #tpu.memory_space<vmem>>
      %dma_start3A_1696 = tpu.memref_squeeze %dma_start3A_1695 : memref<1x16x64xf32, #tpu.memory_space<vmem>> -> memref<16x64xf32, #tpu.memory_space<vmem>>
      %dma_start3A_1697 = arith.constant 2 : i32
      %dma_start3A_1698 = arith.constant 0 : i32
      %dma_start3A_1699 = tpu.memref_slice %dma_start3A_1696[%dma_start3A_1697, %dma_start3A_1698] : memref<16x64xf32, #tpu.memory_space<vmem>> -> memref<1x64xf32, #tpu.memory_space<vmem>>
      %dma_start3A_1700 = arith.constant 0 : i32
      %dma_start3A_1701 = tpu.memref_slice %arg5[%squeeze3A_1679, %dma_start3A_1700] : memref<100000x64xf32, #tpu.memory_space<hbm>> -> memref<1x64xf32, #tpu.memory_space<hbm>>
      tpu.enqueue_dma source(%dma_start3A_1701 : memref<1x64xf32, #tpu.memory_space<hbm>>) target(%dma_start3A_1699 : memref<1x64xf32, #tpu.memory_space<vmem>>) target_semaphore(%dma_start3A_1692 : memref<!tpu.dma_semaphore, #tpu.memory_space<semaphore_mem>>)
      %slice3A_1702 = vector.extract_strided_slice %get3A_1555 {offsets = [3], sizes = [1], strides = [1]} : vector<16xi32> to vector<1xi32>
      %squeeze3A_1703 = vector.extract %slice3A_1702[0] : i32 from vector<1xi32>
      %dma_start3A_1704 = arith.constant 1 : i32
      %dma_start3A_1705 = arith.constant 1 : i32
      %dma_start3A_1706 = arith.constant 0 : i32
      %dma_start3A_1707 = arith.constant 0 : i32
      %dma_start3A_1708 = tpu.memref_slice %arg9[%dma_start3A_1704, %dma_start3A_1706, %dma_start3A_1707] : memref<2x16x64xf32, #tpu.memory_space<vmem>> -> memref<1x16x64xf32, #tpu.memory_space<vmem>>
      %dma_start3A_1709 = tpu.memref_squeeze %dma_start3A_1708 : memref<1x16x64xf32, #tpu.memory_space<vmem>> -> memref<16x64xf32, #tpu.memory_space<vmem>>
      %dma_start3A_1710 = arith.constant 3 : i32
      %dma_start3A_1711 = arith.constant 0 : i32
      %dma_start3A_1712 = tpu.memref_slice %dma_start3A_1709[%dma_start3A_1710, %dma_start3A_1711] : memref<16x64xf32, #tpu.memory_space<vmem>> -> memref<1x64xf32, #tpu.memory_space<vmem>>
      %dma_start3A_1713 = arith.constant 0 : i32
      %dma_start3A_1714 = tpu.memref_slice %arg4[%squeeze3A_1703, %dma_start3A_1713] : memref<1000000x64xf32, #tpu.memory_space<hbm>> -> memref<1x64xf32, #tpu.memory_space<hbm>>
      %dma_start3A_1715 = tpu.memref_slice %arg12[%dma_start3A_1705] : memref<2x!tpu.dma_semaphore, #tpu.memory_space<semaphore_mem>> -> memref<1x!tpu.dma_semaphore, #tpu.memory_space<semaphore_mem>>
      %dma_start3A_1716 = tpu.memref_squeeze %dma_start3A_1715 : memref<1x!tpu.dma_semaphore, #tpu.memory_space<semaphore_mem>> -> memref<!tpu.dma_semaphore, #tpu.memory_space<semaphore_mem>>
      %dma_start3A_1717 = arith.constant 0 : i32
      %dma_start3A_1718 = arith.constant 0 : i32
      %dma_start3A_1719 = tpu.memref_slice %arg9[%dma_start3A_1704, %dma_start3A_1717, %dma_start3A_1718] : memref<2x16x64xf32, #tpu.memory_space<vmem>> -> memref<1x16x64xf32, #tpu.memory_space<vmem>>
      %dma_start3A_1720 = tpu.memref_squeeze %dma_start3A_1719 : memref<1x16x64xf32, #tpu.memory_space<vmem>> -> memref<16x64xf32, #tpu.memory_space<vmem>>
      %dma_start3A_1721 = arith.constant 3 : i32
      %dma_start3A_1722 = arith.constant 0 : i32
      %dma_start3A_1723 = tpu.memref_slice %dma_start3A_1720[%dma_start3A_1721, %dma_start3A_1722] : memref<16x64xf32, #tpu.memory_space<vmem>> -> memref<1x64xf32, #tpu.memory_space<vmem>>
      %dma_start3A_1724 = arith.constant 0 : i32
      %dma_start3A_1725 = tpu.memref_slice %arg4[%squeeze3A_1703, %dma_start3A_1724] : memref<1000000x64xf32, #tpu.memory_space<hbm>> -> memref<1x64xf32, #tpu.memory_space<hbm>>
      tpu.enqueue_dma source(%dma_start3A_1725 : memref<1x64xf32, #tpu.memory_space<hbm>>) target(%dma_start3A_1723 : memref<1x64xf32, #tpu.memory_space<vmem>>) target_semaphore(%dma_start3A_1716 : memref<!tpu.dma_semaphore, #tpu.memory_space<semaphore_mem>>)
      %slice3A_1726 = vector.extract_strided_slice %get3A_1557 {offsets = [3], sizes = [1], strides = [1]} : vector<16xi32> to vector<1xi32>
      %squeeze3A_1727 = vector.extract %slice3A_1726[0] : i32 from vector<1xi32>
      %dma_start3A_1728 = arith.constant 1 : i32
      %dma_start3A_1729 = arith.constant 1 : i32
      %dma_start3A_1730 = arith.constant 0 : i32
      %dma_start3A_1731 = arith.constant 0 : i32
      %dma_start3A_1732 = tpu.memref_slice %arg10[%dma_start3A_1728, %dma_start3A_1730, %dma_start3A_1731] : memref<2x16x64xf32, #tpu.memory_space<vmem>> -> memref<1x16x64xf32, #tpu.memory_space<vmem>>
      %dma_start3A_1733 = tpu.memref_squeeze %dma_start3A_1732 : memref<1x16x64xf32, #tpu.memory_space<vmem>> -> memref<16x64xf32, #tpu.memory_space<vmem>>
      %dma_start3A_1734 = arith.constant 3 : i32
      %dma_start3A_1735 = arith.constant 0 : i32
      %dma_start3A_1736 = tpu.memref_slice %dma_start3A_1733[%dma_start3A_1734, %dma_start3A_1735] : memref<16x64xf32, #tpu.memory_space<vmem>> -> memref<1x64xf32, #tpu.memory_space<vmem>>
      %dma_start3A_1737 = arith.constant 0 : i32
      %dma_start3A_1738 = tpu.memref_slice %arg5[%squeeze3A_1727, %dma_start3A_1737] : memref<100000x64xf32, #tpu.memory_space<hbm>> -> memref<1x64xf32, #tpu.memory_space<hbm>>
      %dma_start3A_1739 = tpu.memref_slice %arg12[%dma_start3A_1729] : memref<2x!tpu.dma_semaphore, #tpu.memory_space<semaphore_mem>> -> memref<1x!tpu.dma_semaphore, #tpu.memory_space<semaphore_mem>>
      %dma_start3A_1740 = tpu.memref_squeeze %dma_start3A_1739 : memref<1x!tpu.dma_semaphore, #tpu.memory_space<semaphore_mem>> -> memref<!tpu.dma_semaphore, #tpu.memory_space<semaphore_mem>>
      %dma_start3A_1741 = arith.constant 0 : i32
      %dma_start3A_1742 = arith.constant 0 : i32
      %dma_start3A_1743 = tpu.memref_slice %arg10[%dma_start3A_1728, %dma_start3A_1741, %dma_start3A_1742] : memref<2x16x64xf32, #tpu.memory_space<vmem>> -> memref<1x16x64xf32, #tpu.memory_space<vmem>>
      %dma_start3A_1744 = tpu.memref_squeeze %dma_start3A_1743 : memref<1x16x64xf32, #tpu.memory_space<vmem>> -> memref<16x64xf32, #tpu.memory_space<vmem>>
      %dma_start3A_1745 = arith.constant 3 : i32
      %dma_start3A_1746 = arith.constant 0 : i32
      %dma_start3A_1747 = tpu.memref_slice %dma_start3A_1744[%dma_start3A_1745, %dma_start3A_1746] : memref<16x64xf32, #tpu.memory_space<vmem>> -> memref<1x64xf32, #tpu.memory_space<vmem>>
      %dma_start3A_1748 = arith.constant 0 : i32
      %dma_start3A_1749 = tpu.memref_slice %arg5[%squeeze3A_1727, %dma_start3A_1748] : memref<100000x64xf32, #tpu.memory_space<hbm>> -> memref<1x64xf32, #tpu.memory_space<hbm>>
      tpu.enqueue_dma source(%dma_start3A_1749 : memref<1x64xf32, #tpu.memory_space<hbm>>) target(%dma_start3A_1747 : memref<1x64xf32, #tpu.memory_space<vmem>>) target_semaphore(%dma_start3A_1740 : memref<!tpu.dma_semaphore, #tpu.memory_space<semaphore_mem>>)
      %slice3A_1750 = vector.extract_strided_slice %get3A_1555 {offsets = [4], sizes = [1], strides = [1]} : vector<16xi32> to vector<1xi32>
      %squeeze3A_1751 = vector.extract %slice3A_1750[0] : i32 from vector<1xi32>
      %dma_start3A_1752 = arith.constant 1 : i32
      %dma_start3A_1753 = arith.constant 1 : i32
      %dma_start3A_1754 = arith.constant 0 : i32
      %dma_start3A_1755 = arith.constant 0 : i32
      %dma_start3A_1756 = tpu.memref_slice %arg9[%dma_start3A_1752, %dma_start3A_1754, %dma_start3A_1755] : memref<2x16x64xf32, #tpu.memory_space<vmem>> -> memref<1x16x64xf32, #tpu.memory_space<vmem>>
      %dma_start3A_1757 = tpu.memref_squeeze %dma_start3A_1756 : memref<1x16x64xf32, #tpu.memory_space<vmem>> -> memref<16x64xf32, #tpu.memory_space<vmem>>
      %dma_start3A_1758 = arith.constant 4 : i32
      %dma_start3A_1759 = arith.constant 0 : i32
      %dma_start3A_1760 = tpu.memref_slice %dma_start3A_1757[%dma_start3A_1758, %dma_start3A_1759] : memref<16x64xf32, #tpu.memory_space<vmem>> -> memref<1x64xf32, #tpu.memory_space<vmem>>
      %dma_start3A_1761 = arith.constant 0 : i32
      %dma_start3A_1762 = tpu.memref_slice %arg4[%squeeze3A_1751, %dma_start3A_1761] : memref<1000000x64xf32, #tpu.memory_space<hbm>> -> memref<1x64xf32, #tpu.memory_space<hbm>>
      %dma_start3A_1763 = tpu.memref_slice %arg12[%dma_start3A_1753] : memref<2x!tpu.dma_semaphore, #tpu.memory_space<semaphore_mem>> -> memref<1x!tpu.dma_semaphore, #tpu.memory_space<semaphore_mem>>
      %dma_start3A_1764 = tpu.memref_squeeze %dma_start3A_1763 : memref<1x!tpu.dma_semaphore, #tpu.memory_space<semaphore_mem>> -> memref<!tpu.dma_semaphore, #tpu.memory_space<semaphore_mem>>
      %dma_start3A_1765 = arith.constant 0 : i32
      %dma_start3A_1766 = arith.constant 0 : i32
      %dma_start3A_1767 = tpu.memref_slice %arg9[%dma_start3A_1752, %dma_start3A_1765, %dma_start3A_1766] : memref<2x16x64xf32, #tpu.memory_space<vmem>> -> memref<1x16x64xf32, #tpu.memory_space<vmem>>
      %dma_start3A_1768 = tpu.memref_squeeze %dma_start3A_1767 : memref<1x16x64xf32, #tpu.memory_space<vmem>> -> memref<16x64xf32, #tpu.memory_space<vmem>>
      %dma_start3A_1769 = arith.constant 4 : i32
      %dma_start3A_1770 = arith.constant 0 : i32
      %dma_start3A_1771 = tpu.memref_slice %dma_start3A_1768[%dma_start3A_1769, %dma_start3A_1770] : memref<16x64xf32, #tpu.memory_space<vmem>> -> memref<1x64xf32, #tpu.memory_space<vmem>>
      %dma_start3A_1772 = arith.constant 0 : i32
      %dma_start3A_1773 = tpu.memref_slice %arg4[%squeeze3A_1751, %dma_start3A_1772] : memref<1000000x64xf32, #tpu.memory_space<hbm>> -> memref<1x64xf32, #tpu.memory_space<hbm>>
      tpu.enqueue_dma source(%dma_start3A_1773 : memref<1x64xf32, #tpu.memory_space<hbm>>) target(%dma_start3A_1771 : memref<1x64xf32, #tpu.memory_space<vmem>>) target_semaphore(%dma_start3A_1764 : memref<!tpu.dma_semaphore, #tpu.memory_space<semaphore_mem>>)
      %slice3A_1774 = vector.extract_strided_slice %get3A_1557 {offsets = [4], sizes = [1], strides = [1]} : vector<16xi32> to vector<1xi32>
      %squeeze3A_1775 = vector.extract %slice3A_1774[0] : i32 from vector<1xi32>
      %dma_start3A_1776 = arith.constant 1 : i32
      %dma_start3A_1777 = arith.constant 1 : i32
      %dma_start3A_1778 = arith.constant 0 : i32
      %dma_start3A_1779 = arith.constant 0 : i32
      %dma_start3A_1780 = tpu.memref_slice %arg10[%dma_start3A_1776, %dma_start3A_1778, %dma_start3A_1779] : memref<2x16x64xf32, #tpu.memory_space<vmem>> -> memref<1x16x64xf32, #tpu.memory_space<vmem>>
      %dma_start3A_1781 = tpu.memref_squeeze %dma_start3A_1780 : memref<1x16x64xf32, #tpu.memory_space<vmem>> -> memref<16x64xf32, #tpu.memory_space<vmem>>
      %dma_start3A_1782 = arith.constant 4 : i32
      %dma_start3A_1783 = arith.constant 0 : i32
      %dma_start3A_1784 = tpu.memref_slice %dma_start3A_1781[%dma_start3A_1782, %dma_start3A_1783] : memref<16x64xf32, #tpu.memory_space<vmem>> -> memref<1x64xf32, #tpu.memory_space<vmem>>
      %dma_start3A_1785 = arith.constant 0 : i32
      %dma_start3A_1786 = tpu.memref_slice %arg5[%squeeze3A_1775, %dma_start3A_1785] : memref<100000x64xf32, #tpu.memory_space<hbm>> -> memref<1x64xf32, #tpu.memory_space<hbm>>
      %dma_start3A_1787 = tpu.memref_slice %arg12[%dma_start3A_1777] : memref<2x!tpu.dma_semaphore, #tpu.memory_space<semaphore_mem>> -> memref<1x!tpu.dma_semaphore, #tpu.memory_space<semaphore_mem>>
      %dma_start3A_1788 = tpu.memref_squeeze %dma_start3A_1787 : memref<1x!tpu.dma_semaphore, #tpu.memory_space<semaphore_mem>> -> memref<!tpu.dma_semaphore, #tpu.memory_space<semaphore_mem>>
      %dma_start3A_1789 = arith.constant 0 : i32
      %dma_start3A_1790 = arith.constant 0 : i32
      %dma_start3A_1791 = tpu.memref_slice %arg10[%dma_start3A_1776, %dma_start3A_1789, %dma_start3A_1790] : memref<2x16x64xf32, #tpu.memory_space<vmem>> -> memref<1x16x64xf32, #tpu.memory_space<vmem>>
      %dma_start3A_1792 = tpu.memref_squeeze %dma_start3A_1791 : memref<1x16x64xf32, #tpu.memory_space<vmem>> -> memref<16x64xf32, #tpu.memory_space<vmem>>
      %dma_start3A_1793 = arith.constant 4 : i32
      %dma_start3A_1794 = arith.constant 0 : i32
      %dma_start3A_1795 = tpu.memref_slice %dma_start3A_1792[%dma_start3A_1793, %dma_start3A_1794] : memref<16x64xf32, #tpu.memory_space<vmem>> -> memref<1x64xf32, #tpu.memory_space<vmem>>
      %dma_start3A_1796 = arith.constant 0 : i32
      %dma_start3A_1797 = tpu.memref_slice %arg5[%squeeze3A_1775, %dma_start3A_1796] : memref<100000x64xf32, #tpu.memory_space<hbm>> -> memref<1x64xf32, #tpu.memory_space<hbm>>
      tpu.enqueue_dma source(%dma_start3A_1797 : memref<1x64xf32, #tpu.memory_space<hbm>>) target(%dma_start3A_1795 : memref<1x64xf32, #tpu.memory_space<vmem>>) target_semaphore(%dma_start3A_1788 : memref<!tpu.dma_semaphore, #tpu.memory_space<semaphore_mem>>)
      %slice3A_1798 = vector.extract_strided_slice %get3A_1555 {offsets = [5], sizes = [1], strides = [1]} : vector<16xi32> to vector<1xi32>
      %squeeze3A_1799 = vector.extract %slice3A_1798[0] : i32 from vector<1xi32>
      %dma_start3A_1800 = arith.constant 1 : i32
      %dma_start3A_1801 = arith.constant 1 : i32
      %dma_start3A_1802 = arith.constant 0 : i32
      %dma_start3A_1803 = arith.constant 0 : i32
      %dma_start3A_1804 = tpu.memref_slice %arg9[%dma_start3A_1800, %dma_start3A_1802, %dma_start3A_1803] : memref<2x16x64xf32, #tpu.memory_space<vmem>> -> memref<1x16x64xf32, #tpu.memory_space<vmem>>
      %dma_start3A_1805 = tpu.memref_squeeze %dma_start3A_1804 : memref<1x16x64xf32, #tpu.memory_space<vmem>> -> memref<16x64xf32, #tpu.memory_space<vmem>>
      %dma_start3A_1806 = arith.constant 5 : i32
      %dma_start3A_1807 = arith.constant 0 : i32
      %dma_start3A_1808 = tpu.memref_slice %dma_start3A_1805[%dma_start3A_1806, %dma_start3A_1807] : memref<16x64xf32, #tpu.memory_space<vmem>> -> memref<1x64xf32, #tpu.memory_space<vmem>>
      %dma_start3A_1809 = arith.constant 0 : i32
      %dma_start3A_1810 = tpu.memref_slice %arg4[%squeeze3A_1799, %dma_start3A_1809] : memref<1000000x64xf32, #tpu.memory_space<hbm>> -> memref<1x64xf32, #tpu.memory_space<hbm>>
      %dma_start3A_1811 = tpu.memref_slice %arg12[%dma_start3A_1801] : memref<2x!tpu.dma_semaphore, #tpu.memory_space<semaphore_mem>> -> memref<1x!tpu.dma_semaphore, #tpu.memory_space<semaphore_mem>>
      %dma_start3A_1812 = tpu.memref_squeeze %dma_start3A_1811 : memref<1x!tpu.dma_semaphore, #tpu.memory_space<semaphore_mem>> -> memref<!tpu.dma_semaphore, #tpu.memory_space<semaphore_mem>>
      %dma_start3A_1813 = arith.constant 0 : i32
      %dma_start3A_1814 = arith.constant 0 : i32
      %dma_start3A_1815 = tpu.memref_slice %arg9[%dma_start3A_1800, %dma_start3A_1813, %dma_start3A_1814] : memref<2x16x64xf32, #tpu.memory_space<vmem>> -> memref<1x16x64xf32, #tpu.memory_space<vmem>>
      %dma_start3A_1816 = tpu.memref_squeeze %dma_start3A_1815 : memref<1x16x64xf32, #tpu.memory_space<vmem>> -> memref<16x64xf32, #tpu.memory_space<vmem>>
      %dma_start3A_1817 = arith.constant 5 : i32
      %dma_start3A_1818 = arith.constant 0 : i32
      %dma_start3A_1819 = tpu.memref_slice %dma_start3A_1816[%dma_start3A_1817, %dma_start3A_1818] : memref<16x64xf32, #tpu.memory_space<vmem>> -> memref<1x64xf32, #tpu.memory_space<vmem>>
      %dma_start3A_1820 = arith.constant 0 : i32
      %dma_start3A_1821 = tpu.memref_slice %arg4[%squeeze3A_1799, %dma_start3A_1820] : memref<1000000x64xf32, #tpu.memory_space<hbm>> -> memref<1x64xf32, #tpu.memory_space<hbm>>
      tpu.enqueue_dma source(%dma_start3A_1821 : memref<1x64xf32, #tpu.memory_space<hbm>>) target(%dma_start3A_1819 : memref<1x64xf32, #tpu.memory_space<vmem>>) target_semaphore(%dma_start3A_1812 : memref<!tpu.dma_semaphore, #tpu.memory_space<semaphore_mem>>)
      %slice3A_1822 = vector.extract_strided_slice %get3A_1557 {offsets = [5], sizes = [1], strides = [1]} : vector<16xi32> to vector<1xi32>
      %squeeze3A_1823 = vector.extract %slice3A_1822[0] : i32 from vector<1xi32>
      %dma_start3A_1824 = arith.constant 1 : i32
      %dma_start3A_1825 = arith.constant 1 : i32
      %dma_start3A_1826 = arith.constant 0 : i32
      %dma_start3A_1827 = arith.constant 0 : i32
      %dma_start3A_1828 = tpu.memref_slice %arg10[%dma_start3A_1824, %dma_start3A_1826, %dma_start3A_1827] : memref<2x16x64xf32, #tpu.memory_space<vmem>> -> memref<1x16x64xf32, #tpu.memory_space<vmem>>
      %dma_start3A_1829 = tpu.memref_squeeze %dma_start3A_1828 : memref<1x16x64xf32, #tpu.memory_space<vmem>> -> memref<16x64xf32, #tpu.memory_space<vmem>>
      %dma_start3A_1830 = arith.constant 5 : i32
      %dma_start3A_1831 = arith.constant 0 : i32
      %dma_start3A_1832 = tpu.memref_slice %dma_start3A_1829[%dma_start3A_1830, %dma_start3A_1831] : memref<16x64xf32, #tpu.memory_space<vmem>> -> memref<1x64xf32, #tpu.memory_space<vmem>>
      %dma_start3A_1833 = arith.constant 0 : i32
      %dma_start3A_1834 = tpu.memref_slice %arg5[%squeeze3A_1823, %dma_start3A_1833] : memref<100000x64xf32, #tpu.memory_space<hbm>> -> memref<1x64xf32, #tpu.memory_space<hbm>>
      %dma_start3A_1835 = tpu.memref_slice %arg12[%dma_start3A_1825] : memref<2x!tpu.dma_semaphore, #tpu.memory_space<semaphore_mem>> -> memref<1x!tpu.dma_semaphore, #tpu.memory_space<semaphore_mem>>
      %dma_start3A_1836 = tpu.memref_squeeze %dma_start3A_1835 : memref<1x!tpu.dma_semaphore, #tpu.memory_space<semaphore_mem>> -> memref<!tpu.dma_semaphore, #tpu.memory_space<semaphore_mem>>
      %dma_start3A_1837 = arith.constant 0 : i32
      %dma_start3A_1838 = arith.constant 0 : i32
      %dma_start3A_1839 = tpu.memref_slice %arg10[%dma_start3A_1824, %dma_start3A_1837, %dma_start3A_1838] : memref<2x16x64xf32, #tpu.memory_space<vmem>> -> memref<1x16x64xf32, #tpu.memory_space<vmem>>
      %dma_start3A_1840 = tpu.memref_squeeze %dma_start3A_1839 : memref<1x16x64xf32, #tpu.memory_space<vmem>> -> memref<16x64xf32, #tpu.memory_space<vmem>>
      %dma_start3A_1841 = arith.constant 5 : i32
      %dma_start3A_1842 = arith.constant 0 : i32
      %dma_start3A_1843 = tpu.memref_slice %dma_start3A_1840[%dma_start3A_1841, %dma_start3A_1842] : memref<16x64xf32, #tpu.memory_space<vmem>> -> memref<1x64xf32, #tpu.memory_space<vmem>>
      %dma_start3A_1844 = arith.constant 0 : i32
      %dma_start3A_1845 = tpu.memref_slice %arg5[%squeeze3A_1823, %dma_start3A_1844] : memref<100000x64xf32, #tpu.memory_space<hbm>> -> memref<1x64xf32, #tpu.memory_space<hbm>>
      tpu.enqueue_dma source(%dma_start3A_1845 : memref<1x64xf32, #tpu.memory_space<hbm>>) target(%dma_start3A_1843 : memref<1x64xf32, #tpu.memory_space<vmem>>) target_semaphore(%dma_start3A_1836 : memref<!tpu.dma_semaphore, #tpu.memory_space<semaphore_mem>>)
      %slice3A_1846 = vector.extract_strided_slice %get3A_1555 {offsets = [6], sizes = [1], strides = [1]} : vector<16xi32> to vector<1xi32>
      %squeeze3A_1847 = vector.extract %slice3A_1846[0] : i32 from vector<1xi32>
      %dma_start3A_1848 = arith.constant 1 : i32
      %dma_start3A_1849 = arith.constant 1 : i32
      %dma_start3A_1850 = arith.constant 0 : i32
      %dma_start3A_1851 = arith.constant 0 : i32
      %dma_start3A_1852 = tpu.memref_slice %arg9[%dma_start3A_1848, %dma_start3A_1850, %dma_start3A_1851] : memref<2x16x64xf32, #tpu.memory_space<vmem>> -> memref<1x16x64xf32, #tpu.memory_space<vmem>>
      %dma_start3A_1853 = tpu.memref_squeeze %dma_start3A_1852 : memref<1x16x64xf32, #tpu.memory_space<vmem>> -> memref<16x64xf32, #tpu.memory_space<vmem>>
      %dma_start3A_1854 = arith.constant 6 : i32
      %dma_start3A_1855 = arith.constant 0 : i32
      %dma_start3A_1856 = tpu.memref_slice %dma_start3A_1853[%dma_start3A_1854, %dma_start3A_1855] : memref<16x64xf32, #tpu.memory_space<vmem>> -> memref<1x64xf32, #tpu.memory_space<vmem>>
      %dma_start3A_1857 = arith.constant 0 : i32
      %dma_start3A_1858 = tpu.memref_slice %arg4[%squeeze3A_1847, %dma_start3A_1857] : memref<1000000x64xf32, #tpu.memory_space<hbm>> -> memref<1x64xf32, #tpu.memory_space<hbm>>
      %dma_start3A_1859 = tpu.memref_slice %arg12[%dma_start3A_1849] : memref<2x!tpu.dma_semaphore, #tpu.memory_space<semaphore_mem>> -> memref<1x!tpu.dma_semaphore, #tpu.memory_space<semaphore_mem>>
      %dma_start3A_1860 = tpu.memref_squeeze %dma_start3A_1859 : memref<1x!tpu.dma_semaphore, #tpu.memory_space<semaphore_mem>> -> memref<!tpu.dma_semaphore, #tpu.memory_space<semaphore_mem>>
      %dma_start3A_1861 = arith.constant 0 : i32
      %dma_start3A_1862 = arith.constant 0 : i32
      %dma_start3A_1863 = tpu.memref_slice %arg9[%dma_start3A_1848, %dma_start3A_1861, %dma_start3A_1862] : memref<2x16x64xf32, #tpu.memory_space<vmem>> -> memref<1x16x64xf32, #tpu.memory_space<vmem>>
      %dma_start3A_1864 = tpu.memref_squeeze %dma_start3A_1863 : memref<1x16x64xf32, #tpu.memory_space<vmem>> -> memref<16x64xf32, #tpu.memory_space<vmem>>
      %dma_start3A_1865 = arith.constant 6 : i32
      %dma_start3A_1866 = arith.constant 0 : i32
      %dma_start3A_1867 = tpu.memref_slice %dma_start3A_1864[%dma_start3A_1865, %dma_start3A_1866] : memref<16x64xf32, #tpu.memory_space<vmem>> -> memref<1x64xf32, #tpu.memory_space<vmem>>
      %dma_start3A_1868 = arith.constant 0 : i32
      %dma_start3A_1869 = tpu.memref_slice %arg4[%squeeze3A_1847, %dma_start3A_1868] : memref<1000000x64xf32, #tpu.memory_space<hbm>> -> memref<1x64xf32, #tpu.memory_space<hbm>>
      tpu.enqueue_dma source(%dma_start3A_1869 : memref<1x64xf32, #tpu.memory_space<hbm>>) target(%dma_start3A_1867 : memref<1x64xf32, #tpu.memory_space<vmem>>) target_semaphore(%dma_start3A_1860 : memref<!tpu.dma_semaphore, #tpu.memory_space<semaphore_mem>>)
      %slice3A_1870 = vector.extract_strided_slice %get3A_1557 {offsets = [6], sizes = [1], strides = [1]} : vector<16xi32> to vector<1xi32>
      %squeeze3A_1871 = vector.extract %slice3A_1870[0] : i32 from vector<1xi32>
      %dma_start3A_1872 = arith.constant 1 : i32
      %dma_start3A_1873 = arith.constant 1 : i32
      %dma_start3A_1874 = arith.constant 0 : i32
      %dma_start3A_1875 = arith.constant 0 : i32
      %dma_start3A_1876 = tpu.memref_slice %arg10[%dma_start3A_1872, %dma_start3A_1874, %dma_start3A_1875] : memref<2x16x64xf32, #tpu.memory_space<vmem>> -> memref<1x16x64xf32, #tpu.memory_space<vmem>>
      %dma_start3A_1877 = tpu.memref_squeeze %dma_start3A_1876 : memref<1x16x64xf32, #tpu.memory_space<vmem>> -> memref<16x64xf32, #tpu.memory_space<vmem>>
      %dma_start3A_1878 = arith.constant 6 : i32
      %dma_start3A_1879 = arith.constant 0 : i32
      %dma_start3A_1880 = tpu.memref_slice %dma_start3A_1877[%dma_start3A_1878, %dma_start3A_1879] : memref<16x64xf32, #tpu.memory_space<vmem>> -> memref<1x64xf32, #tpu.memory_space<vmem>>
      %dma_start3A_1881 = arith.constant 0 : i32
      %dma_start3A_1882 = tpu.memref_slice %arg5[%squeeze3A_1871, %dma_start3A_1881] : memref<100000x64xf32, #tpu.memory_space<hbm>> -> memref<1x64xf32, #tpu.memory_space<hbm>>
      %dma_start3A_1883 = tpu.memref_slice %arg12[%dma_start3A_1873] : memref<2x!tpu.dma_semaphore, #tpu.memory_space<semaphore_mem>> -> memref<1x!tpu.dma_semaphore, #tpu.memory_space<semaphore_mem>>
      %dma_start3A_1884 = tpu.memref_squeeze %dma_start3A_1883 : memref<1x!tpu.dma_semaphore, #tpu.memory_space<semaphore_mem>> -> memref<!tpu.dma_semaphore, #tpu.memory_space<semaphore_mem>>
      %dma_start3A_1885 = arith.constant 0 : i32
      %dma_start3A_1886 = arith.constant 0 : i32
      %dma_start3A_1887 = tpu.memref_slice %arg10[%dma_start3A_1872, %dma_start3A_1885, %dma_start3A_1886] : memref<2x16x64xf32, #tpu.memory_space<vmem>> -> memref<1x16x64xf32, #tpu.memory_space<vmem>>
      %dma_start3A_1888 = tpu.memref_squeeze %dma_start3A_1887 : memref<1x16x64xf32, #tpu.memory_space<vmem>> -> memref<16x64xf32, #tpu.memory_space<vmem>>
      %dma_start3A_1889 = arith.constant 6 : i32
      %dma_start3A_1890 = arith.constant 0 : i32
      %dma_start3A_1891 = tpu.memref_slice %dma_start3A_1888[%dma_start3A_1889, %dma_start3A_1890] : memref<16x64xf32, #tpu.memory_space<vmem>> -> memref<1x64xf32, #tpu.memory_space<vmem>>
      %dma_start3A_1892 = arith.constant 0 : i32
      %dma_start3A_1893 = tpu.memref_slice %arg5[%squeeze3A_1871, %dma_start3A_1892] : memref<100000x64xf32, #tpu.memory_space<hbm>> -> memref<1x64xf32, #tpu.memory_space<hbm>>
      tpu.enqueue_dma source(%dma_start3A_1893 : memref<1x64xf32, #tpu.memory_space<hbm>>) target(%dma_start3A_1891 : memref<1x64xf32, #tpu.memory_space<vmem>>) target_semaphore(%dma_start3A_1884 : memref<!tpu.dma_semaphore, #tpu.memory_space<semaphore_mem>>)
      %slice3A_1894 = vector.extract_strided_slice %get3A_1555 {offsets = [7], sizes = [1], strides = [1]} : vector<16xi32> to vector<1xi32>
      %squeeze3A_1895 = vector.extract %slice3A_1894[0] : i32 from vector<1xi32>
      %dma_start3A_1896 = arith.constant 1 : i32
      %dma_start3A_1897 = arith.constant 1 : i32
      %dma_start3A_1898 = arith.constant 0 : i32
      %dma_start3A_1899 = arith.constant 0 : i32
      %dma_start3A_1900 = tpu.memref_slice %arg9[%dma_start3A_1896, %dma_start3A_1898, %dma_start3A_1899] : memref<2x16x64xf32, #tpu.memory_space<vmem>> -> memref<1x16x64xf32, #tpu.memory_space<vmem>>
      %dma_start3A_1901 = tpu.memref_squeeze %dma_start3A_1900 : memref<1x16x64xf32, #tpu.memory_space<vmem>> -> memref<16x64xf32, #tpu.memory_space<vmem>>
      %dma_start3A_1902 = arith.constant 7 : i32
      %dma_start3A_1903 = arith.constant 0 : i32
      %dma_start3A_1904 = tpu.memref_slice %dma_start3A_1901[%dma_start3A_1902, %dma_start3A_1903] : memref<16x64xf32, #tpu.memory_space<vmem>> -> memref<1x64xf32, #tpu.memory_space<vmem>>
      %dma_start3A_1905 = arith.constant 0 : i32
      %dma_start3A_1906 = tpu.memref_slice %arg4[%squeeze3A_1895, %dma_start3A_1905] : memref<1000000x64xf32, #tpu.memory_space<hbm>> -> memref<1x64xf32, #tpu.memory_space<hbm>>
      %dma_start3A_1907 = tpu.memref_slice %arg12[%dma_start3A_1897] : memref<2x!tpu.dma_semaphore, #tpu.memory_space<semaphore_mem>> -> memref<1x!tpu.dma_semaphore, #tpu.memory_space<semaphore_mem>>
      %dma_start3A_1908 = tpu.memref_squeeze %dma_start3A_1907 : memref<1x!tpu.dma_semaphore, #tpu.memory_space<semaphore_mem>> -> memref<!tpu.dma_semaphore, #tpu.memory_space<semaphore_mem>>
      %dma_start3A_1909 = arith.constant 0 : i32
      %dma_start3A_1910 = arith.constant 0 : i32
      %dma_start3A_1911 = tpu.memref_slice %arg9[%dma_start3A_1896, %dma_start3A_1909, %dma_start3A_1910] : memref<2x16x64xf32, #tpu.memory_space<vmem>> -> memref<1x16x64xf32, #tpu.memory_space<vmem>>
      %dma_start3A_1912 = tpu.memref_squeeze %dma_start3A_1911 : memref<1x16x64xf32, #tpu.memory_space<vmem>> -> memref<16x64xf32, #tpu.memory_space<vmem>>
      %dma_start3A_1913 = arith.constant 7 : i32
      %dma_start3A_1914 = arith.constant 0 : i32
      %dma_start3A_1915 = tpu.memref_slice %dma_start3A_1912[%dma_start3A_1913, %dma_start3A_1914] : memref<16x64xf32, #tpu.memory_space<vmem>> -> memref<1x64xf32, #tpu.memory_space<vmem>>
      %dma_start3A_1916 = arith.constant 0 : i32
      %dma_start3A_1917 = tpu.memref_slice %arg4[%squeeze3A_1895, %dma_start3A_1916] : memref<1000000x64xf32, #tpu.memory_space<hbm>> -> memref<1x64xf32, #tpu.memory_space<hbm>>
      tpu.enqueue_dma source(%dma_start3A_1917 : memref<1x64xf32, #tpu.memory_space<hbm>>) target(%dma_start3A_1915 : memref<1x64xf32, #tpu.memory_space<vmem>>) target_semaphore(%dma_start3A_1908 : memref<!tpu.dma_semaphore, #tpu.memory_space<semaphore_mem>>)
      %slice3A_1918 = vector.extract_strided_slice %get3A_1557 {offsets = [7], sizes = [1], strides = [1]} : vector<16xi32> to vector<1xi32>
      %squeeze3A_1919 = vector.extract %slice3A_1918[0] : i32 from vector<1xi32>
      %dma_start3A_1920 = arith.constant 1 : i32
      %dma_start3A_1921 = arith.constant 1 : i32
      %dma_start3A_1922 = arith.constant 0 : i32
      %dma_start3A_1923 = arith.constant 0 : i32
      %dma_start3A_1924 = tpu.memref_slice %arg10[%dma_start3A_1920, %dma_start3A_1922, %dma_start3A_1923] : memref<2x16x64xf32, #tpu.memory_space<vmem>> -> memref<1x16x64xf32, #tpu.memory_space<vmem>>
      %dma_start3A_1925 = tpu.memref_squeeze %dma_start3A_1924 : memref<1x16x64xf32, #tpu.memory_space<vmem>> -> memref<16x64xf32, #tpu.memory_space<vmem>>
      %dma_start3A_1926 = arith.constant 7 : i32
      %dma_start3A_1927 = arith.constant 0 : i32
      %dma_start3A_1928 = tpu.memref_slice %dma_start3A_1925[%dma_start3A_1926, %dma_start3A_1927] : memref<16x64xf32, #tpu.memory_space<vmem>> -> memref<1x64xf32, #tpu.memory_space<vmem>>
      %dma_start3A_1929 = arith.constant 0 : i32
      %dma_start3A_1930 = tpu.memref_slice %arg5[%squeeze3A_1919, %dma_start3A_1929] : memref<100000x64xf32, #tpu.memory_space<hbm>> -> memref<1x64xf32, #tpu.memory_space<hbm>>
      %dma_start3A_1931 = tpu.memref_slice %arg12[%dma_start3A_1921] : memref<2x!tpu.dma_semaphore, #tpu.memory_space<semaphore_mem>> -> memref<1x!tpu.dma_semaphore, #tpu.memory_space<semaphore_mem>>
      %dma_start3A_1932 = tpu.memref_squeeze %dma_start3A_1931 : memref<1x!tpu.dma_semaphore, #tpu.memory_space<semaphore_mem>> -> memref<!tpu.dma_semaphore, #tpu.memory_space<semaphore_mem>>
      %dma_start3A_1933 = arith.constant 0 : i32
      %dma_start3A_1934 = arith.constant 0 : i32
      %dma_start3A_1935 = tpu.memref_slice %arg10[%dma_start3A_1920, %dma_start3A_1933, %dma_start3A_1934] : memref<2x16x64xf32, #tpu.memory_space<vmem>> -> memref<1x16x64xf32, #tpu.memory_space<vmem>>
      %dma_start3A_1936 = tpu.memref_squeeze %dma_start3A_1935 : memref<1x16x64xf32, #tpu.memory_space<vmem>> -> memref<16x64xf32, #tpu.memory_space<vmem>>
      %dma_start3A_1937 = arith.constant 7 : i32
      %dma_start3A_1938 = arith.constant 0 : i32
      %dma_start3A_1939 = tpu.memref_slice %dma_start3A_1936[%dma_start3A_1937, %dma_start3A_1938] : memref<16x64xf32, #tpu.memory_space<vmem>> -> memref<1x64xf32, #tpu.memory_space<vmem>>
      %dma_start3A_1940 = arith.constant 0 : i32
      %dma_start3A_1941 = tpu.memref_slice %arg5[%squeeze3A_1919, %dma_start3A_1940] : memref<100000x64xf32, #tpu.memory_space<hbm>> -> memref<1x64xf32, #tpu.memory_space<hbm>>
      tpu.enqueue_dma source(%dma_start3A_1941 : memref<1x64xf32, #tpu.memory_space<hbm>>) target(%dma_start3A_1939 : memref<1x64xf32, #tpu.memory_space<vmem>>) target_semaphore(%dma_start3A_1932 : memref<!tpu.dma_semaphore, #tpu.memory_space<semaphore_mem>>)
      %slice3A_1942 = vector.extract_strided_slice %get3A_1555 {offsets = [8], sizes = [1], strides = [1]} : vector<16xi32> to vector<1xi32>
      %squeeze3A_1943 = vector.extract %slice3A_1942[0] : i32 from vector<1xi32>
      %dma_start3A_1944 = arith.constant 1 : i32
      %dma_start3A_1945 = arith.constant 1 : i32
      %dma_start3A_1946 = arith.constant 0 : i32
      %dma_start3A_1947 = arith.constant 0 : i32
      %dma_start3A_1948 = tpu.memref_slice %arg9[%dma_start3A_1944, %dma_start3A_1946, %dma_start3A_1947] : memref<2x16x64xf32, #tpu.memory_space<vmem>> -> memref<1x16x64xf32, #tpu.memory_space<vmem>>
      %dma_start3A_1949 = tpu.memref_squeeze %dma_start3A_1948 : memref<1x16x64xf32, #tpu.memory_space<vmem>> -> memref<16x64xf32, #tpu.memory_space<vmem>>
      %dma_start3A_1950 = arith.constant 8 : i32
      %dma_start3A_1951 = arith.constant 0 : i32
      %dma_start3A_1952 = tpu.memref_slice %dma_start3A_1949[%dma_start3A_1950, %dma_start3A_1951] : memref<16x64xf32, #tpu.memory_space<vmem>> -> memref<1x64xf32, #tpu.memory_space<vmem>>
      %dma_start3A_1953 = arith.constant 0 : i32
      %dma_start3A_1954 = tpu.memref_slice %arg4[%squeeze3A_1943, %dma_start3A_1953] : memref<1000000x64xf32, #tpu.memory_space<hbm>> -> memref<1x64xf32, #tpu.memory_space<hbm>>
      %dma_start3A_1955 = tpu.memref_slice %arg12[%dma_start3A_1945] : memref<2x!tpu.dma_semaphore, #tpu.memory_space<semaphore_mem>> -> memref<1x!tpu.dma_semaphore, #tpu.memory_space<semaphore_mem>>
      %dma_start3A_1956 = tpu.memref_squeeze %dma_start3A_1955 : memref<1x!tpu.dma_semaphore, #tpu.memory_space<semaphore_mem>> -> memref<!tpu.dma_semaphore, #tpu.memory_space<semaphore_mem>>
      %dma_start3A_1957 = arith.constant 0 : i32
      %dma_start3A_1958 = arith.constant 0 : i32
      %dma_start3A_1959 = tpu.memref_slice %arg9[%dma_start3A_1944, %dma_start3A_1957, %dma_start3A_1958] : memref<2x16x64xf32, #tpu.memory_space<vmem>> -> memref<1x16x64xf32, #tpu.memory_space<vmem>>
      %dma_start3A_1960 = tpu.memref_squeeze %dma_start3A_1959 : memref<1x16x64xf32, #tpu.memory_space<vmem>> -> memref<16x64xf32, #tpu.memory_space<vmem>>
      %dma_start3A_1961 = arith.constant 8 : i32
      %dma_start3A_1962 = arith.constant 0 : i32
      %dma_start3A_1963 = tpu.memref_slice %dma_start3A_1960[%dma_start3A_1961, %dma_start3A_1962] : memref<16x64xf32, #tpu.memory_space<vmem>> -> memref<1x64xf32, #tpu.memory_space<vmem>>
      %dma_start3A_1964 = arith.constant 0 : i32
      %dma_start3A_1965 = tpu.memref_slice %arg4[%squeeze3A_1943, %dma_start3A_1964] : memref<1000000x64xf32, #tpu.memory_space<hbm>> -> memref<1x64xf32, #tpu.memory_space<hbm>>
      tpu.enqueue_dma source(%dma_start3A_1965 : memref<1x64xf32, #tpu.memory_space<hbm>>) target(%dma_start3A_1963 : memref<1x64xf32, #tpu.memory_space<vmem>>) target_semaphore(%dma_start3A_1956 : memref<!tpu.dma_semaphore, #tpu.memory_space<semaphore_mem>>)
      %slice3A_1966 = vector.extract_strided_slice %get3A_1557 {offsets = [8], sizes = [1], strides = [1]} : vector<16xi32> to vector<1xi32>
      %squeeze3A_1967 = vector.extract %slice3A_1966[0] : i32 from vector<1xi32>
      %dma_start3A_1968 = arith.constant 1 : i32
      %dma_start3A_1969 = arith.constant 1 : i32
      %dma_start3A_1970 = arith.constant 0 : i32
      %dma_start3A_1971 = arith.constant 0 : i32
      %dma_start3A_1972 = tpu.memref_slice %arg10[%dma_start3A_1968, %dma_start3A_1970, %dma_start3A_1971] : memref<2x16x64xf32, #tpu.memory_space<vmem>> -> memref<1x16x64xf32, #tpu.memory_space<vmem>>
      %dma_start3A_1973 = tpu.memref_squeeze %dma_start3A_1972 : memref<1x16x64xf32, #tpu.memory_space<vmem>> -> memref<16x64xf32, #tpu.memory_space<vmem>>
      %dma_start3A_1974 = arith.constant 8 : i32
      %dma_start3A_1975 = arith.constant 0 : i32
      %dma_start3A_1976 = tpu.memref_slice %dma_start3A_1973[%dma_start3A_1974, %dma_start3A_1975] : memref<16x64xf32, #tpu.memory_space<vmem>> -> memref<1x64xf32, #tpu.memory_space<vmem>>
      %dma_start3A_1977 = arith.constant 0 : i32
      %dma_start3A_1978 = tpu.memref_slice %arg5[%squeeze3A_1967, %dma_start3A_1977] : memref<100000x64xf32, #tpu.memory_space<hbm>> -> memref<1x64xf32, #tpu.memory_space<hbm>>
      %dma_start3A_1979 = tpu.memref_slice %arg12[%dma_start3A_1969] : memref<2x!tpu.dma_semaphore, #tpu.memory_space<semaphore_mem>> -> memref<1x!tpu.dma_semaphore, #tpu.memory_space<semaphore_mem>>
      %dma_start3A_1980 = tpu.memref_squeeze %dma_start3A_1979 : memref<1x!tpu.dma_semaphore, #tpu.memory_space<semaphore_mem>> -> memref<!tpu.dma_semaphore, #tpu.memory_space<semaphore_mem>>
      %dma_start3A_1981 = arith.constant 0 : i32
      %dma_start3A_1982 = arith.constant 0 : i32
      %dma_start3A_1983 = tpu.memref_slice %arg10[%dma_start3A_1968, %dma_start3A_1981, %dma_start3A_1982] : memref<2x16x64xf32, #tpu.memory_space<vmem>> -> memref<1x16x64xf32, #tpu.memory_space<vmem>>
      %dma_start3A_1984 = tpu.memref_squeeze %dma_start3A_1983 : memref<1x16x64xf32, #tpu.memory_space<vmem>> -> memref<16x64xf32, #tpu.memory_space<vmem>>
      %dma_start3A_1985 = arith.constant 8 : i32
      %dma_start3A_1986 = arith.constant 0 : i32
      %dma_start3A_1987 = tpu.memref_slice %dma_start3A_1984[%dma_start3A_1985, %dma_start3A_1986] : memref<16x64xf32, #tpu.memory_space<vmem>> -> memref<1x64xf32, #tpu.memory_space<vmem>>
      %dma_start3A_1988 = arith.constant 0 : i32
      %dma_start3A_1989 = tpu.memref_slice %arg5[%squeeze3A_1967, %dma_start3A_1988] : memref<100000x64xf32, #tpu.memory_space<hbm>> -> memref<1x64xf32, #tpu.memory_space<hbm>>
      tpu.enqueue_dma source(%dma_start3A_1989 : memref<1x64xf32, #tpu.memory_space<hbm>>) target(%dma_start3A_1987 : memref<1x64xf32, #tpu.memory_space<vmem>>) target_semaphore(%dma_start3A_1980 : memref<!tpu.dma_semaphore, #tpu.memory_space<semaphore_mem>>)
      %slice3A_1990 = vector.extract_strided_slice %get3A_1555 {offsets = [9], sizes = [1], strides = [1]} : vector<16xi32> to vector<1xi32>
      %squeeze3A_1991 = vector.extract %slice3A_1990[0] : i32 from vector<1xi32>
      %dma_start3A_1992 = arith.constant 1 : i32
      %dma_start3A_1993 = arith.constant 1 : i32
      %dma_start3A_1994 = arith.constant 0 : i32
      %dma_start3A_1995 = arith.constant 0 : i32
      %dma_start3A_1996 = tpu.memref_slice %arg9[%dma_start3A_1992, %dma_start3A_1994, %dma_start3A_1995] : memref<2x16x64xf32, #tpu.memory_space<vmem>> -> memref<1x16x64xf32, #tpu.memory_space<vmem>>
      %dma_start3A_1997 = tpu.memref_squeeze %dma_start3A_1996 : memref<1x16x64xf32, #tpu.memory_space<vmem>> -> memref<16x64xf32, #tpu.memory_space<vmem>>
      %dma_start3A_1998 = arith.constant 9 : i32
      %dma_start3A_1999 = arith.constant 0 : i32
      %dma_start3A_2000 = tpu.memref_slice %dma_start3A_1997[%dma_start3A_1998, %dma_start3A_1999] : memref<16x64xf32, #tpu.memory_space<vmem>> -> memref<1x64xf32, #tpu.memory_space<vmem>>
      %dma_start3A_2001 = arith.constant 0 : i32
      %dma_start3A_2002 = tpu.memref_slice %arg4[%squeeze3A_1991, %dma_start3A_2001] : memref<1000000x64xf32, #tpu.memory_space<hbm>> -> memref<1x64xf32, #tpu.memory_space<hbm>>
      %dma_start3A_2003 = tpu.memref_slice %arg12[%dma_start3A_1993] : memref<2x!tpu.dma_semaphore, #tpu.memory_space<semaphore_mem>> -> memref<1x!tpu.dma_semaphore, #tpu.memory_space<semaphore_mem>>
      %dma_start3A_2004 = tpu.memref_squeeze %dma_start3A_2003 : memref<1x!tpu.dma_semaphore, #tpu.memory_space<semaphore_mem>> -> memref<!tpu.dma_semaphore, #tpu.memory_space<semaphore_mem>>
      %dma_start3A_2005 = arith.constant 0 : i32
      %dma_start3A_2006 = arith.constant 0 : i32
      %dma_start3A_2007 = tpu.memref_slice %arg9[%dma_start3A_1992, %dma_start3A_2005, %dma_start3A_2006] : memref<2x16x64xf32, #tpu.memory_space<vmem>> -> memref<1x16x64xf32, #tpu.memory_space<vmem>>
      %dma_start3A_2008 = tpu.memref_squeeze %dma_start3A_2007 : memref<1x16x64xf32, #tpu.memory_space<vmem>> -> memref<16x64xf32, #tpu.memory_space<vmem>>
      %dma_start3A_2009 = arith.constant 9 : i32
      %dma_start3A_2010 = arith.constant 0 : i32
      %dma_start3A_2011 = tpu.memref_slice %dma_start3A_2008[%dma_start3A_2009, %dma_start3A_2010] : memref<16x64xf32, #tpu.memory_space<vmem>> -> memref<1x64xf32, #tpu.memory_space<vmem>>
      %dma_start3A_2012 = arith.constant 0 : i32
      %dma_start3A_2013 = tpu.memref_slice %arg4[%squeeze3A_1991, %dma_start3A_2012] : memref<1000000x64xf32, #tpu.memory_space<hbm>> -> memref<1x64xf32, #tpu.memory_space<hbm>>
      tpu.enqueue_dma source(%dma_start3A_2013 : memref<1x64xf32, #tpu.memory_space<hbm>>) target(%dma_start3A_2011 : memref<1x64xf32, #tpu.memory_space<vmem>>) target_semaphore(%dma_start3A_2004 : memref<!tpu.dma_semaphore, #tpu.memory_space<semaphore_mem>>)
      %slice3A_2014 = vector.extract_strided_slice %get3A_1557 {offsets = [9], sizes = [1], strides = [1]} : vector<16xi32> to vector<1xi32>
      %squeeze3A_2015 = vector.extract %slice3A_2014[0] : i32 from vector<1xi32>
      %dma_start3A_2016 = arith.constant 1 : i32
      %dma_start3A_2017 = arith.constant 1 : i32
      %dma_start3A_2018 = arith.constant 0 : i32
      %dma_start3A_2019 = arith.constant 0 : i32
      %dma_start3A_2020 = tpu.memref_slice %arg10[%dma_start3A_2016, %dma_start3A_2018, %dma_start3A_2019] : memref<2x16x64xf32, #tpu.memory_space<vmem>> -> memref<1x16x64xf32, #tpu.memory_space<vmem>>
      %dma_start3A_2021 = tpu.memref_squeeze %dma_start3A_2020 : memref<1x16x64xf32, #tpu.memory_space<vmem>> -> memref<16x64xf32, #tpu.memory_space<vmem>>
      %dma_start3A_2022 = arith.constant 9 : i32
      %dma_start3A_2023 = arith.constant 0 : i32
      %dma_start3A_2024 = tpu.memref_slice %dma_start3A_2021[%dma_start3A_2022, %dma_start3A_2023] : memref<16x64xf32, #tpu.memory_space<vmem>> -> memref<1x64xf32, #tpu.memory_space<vmem>>
      %dma_start3A_2025 = arith.constant 0 : i32
      %dma_start3A_2026 = tpu.memref_slice %arg5[%squeeze3A_2015, %dma_start3A_2025] : memref<100000x64xf32, #tpu.memory_space<hbm>> -> memref<1x64xf32, #tpu.memory_space<hbm>>
      %dma_start3A_2027 = tpu.memref_slice %arg12[%dma_start3A_2017] : memref<2x!tpu.dma_semaphore, #tpu.memory_space<semaphore_mem>> -> memref<1x!tpu.dma_semaphore, #tpu.memory_space<semaphore_mem>>
      %dma_start3A_2028 = tpu.memref_squeeze %dma_start3A_2027 : memref<1x!tpu.dma_semaphore, #tpu.memory_space<semaphore_mem>> -> memref<!tpu.dma_semaphore, #tpu.memory_space<semaphore_mem>>
      %dma_start3A_2029 = arith.constant 0 : i32
      %dma_start3A_2030 = arith.constant 0 : i32
      %dma_start3A_2031 = tpu.memref_slice %arg10[%dma_start3A_2016, %dma_start3A_2029, %dma_start3A_2030] : memref<2x16x64xf32, #tpu.memory_space<vmem>> -> memref<1x16x64xf32, #tpu.memory_space<vmem>>
      %dma_start3A_2032 = tpu.memref_squeeze %dma_start3A_2031 : memref<1x16x64xf32, #tpu.memory_space<vmem>> -> memref<16x64xf32, #tpu.memory_space<vmem>>
      %dma_start3A_2033 = arith.constant 9 : i32
      %dma_start3A_2034 = arith.constant 0 : i32
      %dma_start3A_2035 = tpu.memref_slice %dma_start3A_2032[%dma_start3A_2033, %dma_start3A_2034] : memref<16x64xf32, #tpu.memory_space<vmem>> -> memref<1x64xf32, #tpu.memory_space<vmem>>
      %dma_start3A_2036 = arith.constant 0 : i32
      %dma_start3A_2037 = tpu.memref_slice %arg5[%squeeze3A_2015, %dma_start3A_2036] : memref<100000x64xf32, #tpu.memory_space<hbm>> -> memref<1x64xf32, #tpu.memory_space<hbm>>
      tpu.enqueue_dma source(%dma_start3A_2037 : memref<1x64xf32, #tpu.memory_space<hbm>>) target(%dma_start3A_2035 : memref<1x64xf32, #tpu.memory_space<vmem>>) target_semaphore(%dma_start3A_2028 : memref<!tpu.dma_semaphore, #tpu.memory_space<semaphore_mem>>)
      %slice3A_2038 = vector.extract_strided_slice %get3A_1555 {offsets = [10], sizes = [1], strides = [1]} : vector<16xi32> to vector<1xi32>
      %squeeze3A_2039 = vector.extract %slice3A_2038[0] : i32 from vector<1xi32>
      %dma_start3A_2040 = arith.constant 1 : i32
      %dma_start3A_2041 = arith.constant 1 : i32
      %dma_start3A_2042 = arith.constant 0 : i32
      %dma_start3A_2043 = arith.constant 0 : i32
      %dma_start3A_2044 = tpu.memref_slice %arg9[%dma_start3A_2040, %dma_start3A_2042, %dma_start3A_2043] : memref<2x16x64xf32, #tpu.memory_space<vmem>> -> memref<1x16x64xf32, #tpu.memory_space<vmem>>
      %dma_start3A_2045 = tpu.memref_squeeze %dma_start3A_2044 : memref<1x16x64xf32, #tpu.memory_space<vmem>> -> memref<16x64xf32, #tpu.memory_space<vmem>>
      %dma_start3A_2046 = arith.constant 10 : i32
      %dma_start3A_2047 = arith.constant 0 : i32
      %dma_start3A_2048 = tpu.memref_slice %dma_start3A_2045[%dma_start3A_2046, %dma_start3A_2047] : memref<16x64xf32, #tpu.memory_space<vmem>> -> memref<1x64xf32, #tpu.memory_space<vmem>>
      %dma_start3A_2049 = arith.constant 0 : i32
      %dma_start3A_2050 = tpu.memref_slice %arg4[%squeeze3A_2039, %dma_start3A_2049] : memref<1000000x64xf32, #tpu.memory_space<hbm>> -> memref<1x64xf32, #tpu.memory_space<hbm>>
      %dma_start3A_2051 = tpu.memref_slice %arg12[%dma_start3A_2041] : memref<2x!tpu.dma_semaphore, #tpu.memory_space<semaphore_mem>> -> memref<1x!tpu.dma_semaphore, #tpu.memory_space<semaphore_mem>>
      %dma_start3A_2052 = tpu.memref_squeeze %dma_start3A_2051 : memref<1x!tpu.dma_semaphore, #tpu.memory_space<semaphore_mem>> -> memref<!tpu.dma_semaphore, #tpu.memory_space<semaphore_mem>>
      %dma_start3A_2053 = arith.constant 0 : i32
      %dma_start3A_2054 = arith.constant 0 : i32
      %dma_start3A_2055 = tpu.memref_slice %arg9[%dma_start3A_2040, %dma_start3A_2053, %dma_start3A_2054] : memref<2x16x64xf32, #tpu.memory_space<vmem>> -> memref<1x16x64xf32, #tpu.memory_space<vmem>>
      %dma_start3A_2056 = tpu.memref_squeeze %dma_start3A_2055 : memref<1x16x64xf32, #tpu.memory_space<vmem>> -> memref<16x64xf32, #tpu.memory_space<vmem>>
      %dma_start3A_2057 = arith.constant 10 : i32
      %dma_start3A_2058 = arith.constant 0 : i32
      %dma_start3A_2059 = tpu.memref_slice %dma_start3A_2056[%dma_start3A_2057, %dma_start3A_2058] : memref<16x64xf32, #tpu.memory_space<vmem>> -> memref<1x64xf32, #tpu.memory_space<vmem>>
      %dma_start3A_2060 = arith.constant 0 : i32
      %dma_start3A_2061 = tpu.memref_slice %arg4[%squeeze3A_2039, %dma_start3A_2060] : memref<1000000x64xf32, #tpu.memory_space<hbm>> -> memref<1x64xf32, #tpu.memory_space<hbm>>
      tpu.enqueue_dma source(%dma_start3A_2061 : memref<1x64xf32, #tpu.memory_space<hbm>>) target(%dma_start3A_2059 : memref<1x64xf32, #tpu.memory_space<vmem>>) target_semaphore(%dma_start3A_2052 : memref<!tpu.dma_semaphore, #tpu.memory_space<semaphore_mem>>)
      %slice3A_2062 = vector.extract_strided_slice %get3A_1557 {offsets = [10], sizes = [1], strides = [1]} : vector<16xi32> to vector<1xi32>
      %squeeze3A_2063 = vector.extract %slice3A_2062[0] : i32 from vector<1xi32>
      %dma_start3A_2064 = arith.constant 1 : i32
      %dma_start3A_2065 = arith.constant 1 : i32
      %dma_start3A_2066 = arith.constant 0 : i32
      %dma_start3A_2067 = arith.constant 0 : i32
      %dma_start3A_2068 = tpu.memref_slice %arg10[%dma_start3A_2064, %dma_start3A_2066, %dma_start3A_2067] : memref<2x16x64xf32, #tpu.memory_space<vmem>> -> memref<1x16x64xf32, #tpu.memory_space<vmem>>
      %dma_start3A_2069 = tpu.memref_squeeze %dma_start3A_2068 : memref<1x16x64xf32, #tpu.memory_space<vmem>> -> memref<16x64xf32, #tpu.memory_space<vmem>>
      %dma_start3A_2070 = arith.constant 10 : i32
      %dma_start3A_2071 = arith.constant 0 : i32
      %dma_start3A_2072 = tpu.memref_slice %dma_start3A_2069[%dma_start3A_2070, %dma_start3A_2071] : memref<16x64xf32, #tpu.memory_space<vmem>> -> memref<1x64xf32, #tpu.memory_space<vmem>>
      %dma_start3A_2073 = arith.constant 0 : i32
      %dma_start3A_2074 = tpu.memref_slice %arg5[%squeeze3A_2063, %dma_start3A_2073] : memref<100000x64xf32, #tpu.memory_space<hbm>> -> memref<1x64xf32, #tpu.memory_space<hbm>>
      %dma_start3A_2075 = tpu.memref_slice %arg12[%dma_start3A_2065] : memref<2x!tpu.dma_semaphore, #tpu.memory_space<semaphore_mem>> -> memref<1x!tpu.dma_semaphore, #tpu.memory_space<semaphore_mem>>
      %dma_start3A_2076 = tpu.memref_squeeze %dma_start3A_2075 : memref<1x!tpu.dma_semaphore, #tpu.memory_space<semaphore_mem>> -> memref<!tpu.dma_semaphore, #tpu.memory_space<semaphore_mem>>
      %dma_start3A_2077 = arith.constant 0 : i32
      %dma_start3A_2078 = arith.constant 0 : i32
      %dma_start3A_2079 = tpu.memref_slice %arg10[%dma_start3A_2064, %dma_start3A_2077, %dma_start3A_2078] : memref<2x16x64xf32, #tpu.memory_space<vmem>> -> memref<1x16x64xf32, #tpu.memory_space<vmem>>
      %dma_start3A_2080 = tpu.memref_squeeze %dma_start3A_2079 : memref<1x16x64xf32, #tpu.memory_space<vmem>> -> memref<16x64xf32, #tpu.memory_space<vmem>>
      %dma_start3A_2081 = arith.constant 10 : i32
      %dma_start3A_2082 = arith.constant 0 : i32
      %dma_start3A_2083 = tpu.memref_slice %dma_start3A_2080[%dma_start3A_2081, %dma_start3A_2082] : memref<16x64xf32, #tpu.memory_space<vmem>> -> memref<1x64xf32, #tpu.memory_space<vmem>>
      %dma_start3A_2084 = arith.constant 0 : i32
      %dma_start3A_2085 = tpu.memref_slice %arg5[%squeeze3A_2063, %dma_start3A_2084] : memref<100000x64xf32, #tpu.memory_space<hbm>> -> memref<1x64xf32, #tpu.memory_space<hbm>>
      tpu.enqueue_dma source(%dma_start3A_2085 : memref<1x64xf32, #tpu.memory_space<hbm>>) target(%dma_start3A_2083 : memref<1x64xf32, #tpu.memory_space<vmem>>) target_semaphore(%dma_start3A_2076 : memref<!tpu.dma_semaphore, #tpu.memory_space<semaphore_mem>>)
      %slice3A_2086 = vector.extract_strided_slice %get3A_1555 {offsets = [11], sizes = [1], strides = [1]} : vector<16xi32> to vector<1xi32>
      %squeeze3A_2087 = vector.extract %slice3A_2086[0] : i32 from vector<1xi32>
      %dma_start3A_2088 = arith.constant 1 : i32
      %dma_start3A_2089 = arith.constant 1 : i32
      %dma_start3A_2090 = arith.constant 0 : i32
      %dma_start3A_2091 = arith.constant 0 : i32
      %dma_start3A_2092 = tpu.memref_slice %arg9[%dma_start3A_2088, %dma_start3A_2090, %dma_start3A_2091] : memref<2x16x64xf32, #tpu.memory_space<vmem>> -> memref<1x16x64xf32, #tpu.memory_space<vmem>>
      %dma_start3A_2093 = tpu.memref_squeeze %dma_start3A_2092 : memref<1x16x64xf32, #tpu.memory_space<vmem>> -> memref<16x64xf32, #tpu.memory_space<vmem>>
      %dma_start3A_2094 = arith.constant 11 : i32
      %dma_start3A_2095 = arith.constant 0 : i32
      %dma_start3A_2096 = tpu.memref_slice %dma_start3A_2093[%dma_start3A_2094, %dma_start3A_2095] : memref<16x64xf32, #tpu.memory_space<vmem>> -> memref<1x64xf32, #tpu.memory_space<vmem>>
      %dma_start3A_2097 = arith.constant 0 : i32
      %dma_start3A_2098 = tpu.memref_slice %arg4[%squeeze3A_2087, %dma_start3A_2097] : memref<1000000x64xf32, #tpu.memory_space<hbm>> -> memref<1x64xf32, #tpu.memory_space<hbm>>
      %dma_start3A_2099 = tpu.memref_slice %arg12[%dma_start3A_2089] : memref<2x!tpu.dma_semaphore, #tpu.memory_space<semaphore_mem>> -> memref<1x!tpu.dma_semaphore, #tpu.memory_space<semaphore_mem>>
      %dma_start3A_2100 = tpu.memref_squeeze %dma_start3A_2099 : memref<1x!tpu.dma_semaphore, #tpu.memory_space<semaphore_mem>> -> memref<!tpu.dma_semaphore, #tpu.memory_space<semaphore_mem>>
      %dma_start3A_2101 = arith.constant 0 : i32
      %dma_start3A_2102 = arith.constant 0 : i32
      %dma_start3A_2103 = tpu.memref_slice %arg9[%dma_start3A_2088, %dma_start3A_2101, %dma_start3A_2102] : memref<2x16x64xf32, #tpu.memory_space<vmem>> -> memref<1x16x64xf32, #tpu.memory_space<vmem>>
      %dma_start3A_2104 = tpu.memref_squeeze %dma_start3A_2103 : memref<1x16x64xf32, #tpu.memory_space<vmem>> -> memref<16x64xf32, #tpu.memory_space<vmem>>
      %dma_start3A_2105 = arith.constant 11 : i32
      %dma_start3A_2106 = arith.constant 0 : i32
      %dma_start3A_2107 = tpu.memref_slice %dma_start3A_2104[%dma_start3A_2105, %dma_start3A_2106] : memref<16x64xf32, #tpu.memory_space<vmem>> -> memref<1x64xf32, #tpu.memory_space<vmem>>
      %dma_start3A_2108 = arith.constant 0 : i32
      %dma_start3A_2109 = tpu.memref_slice %arg4[%squeeze3A_2087, %dma_start3A_2108] : memref<1000000x64xf32, #tpu.memory_space<hbm>> -> memref<1x64xf32, #tpu.memory_space<hbm>>
      tpu.enqueue_dma source(%dma_start3A_2109 : memref<1x64xf32, #tpu.memory_space<hbm>>) target(%dma_start3A_2107 : memref<1x64xf32, #tpu.memory_space<vmem>>) target_semaphore(%dma_start3A_2100 : memref<!tpu.dma_semaphore, #tpu.memory_space<semaphore_mem>>)
      %slice3A_2110 = vector.extract_strided_slice %get3A_1557 {offsets = [11], sizes = [1], strides = [1]} : vector<16xi32> to vector<1xi32>
      %squeeze3A_2111 = vector.extract %slice3A_2110[0] : i32 from vector<1xi32>
      %dma_start3A_2112 = arith.constant 1 : i32
      %dma_start3A_2113 = arith.constant 1 : i32
      %dma_start3A_2114 = arith.constant 0 : i32
      %dma_start3A_2115 = arith.constant 0 : i32
      %dma_start3A_2116 = tpu.memref_slice %arg10[%dma_start3A_2112, %dma_start3A_2114, %dma_start3A_2115] : memref<2x16x64xf32, #tpu.memory_space<vmem>> -> memref<1x16x64xf32, #tpu.memory_space<vmem>>
      %dma_start3A_2117 = tpu.memref_squeeze %dma_start3A_2116 : memref<1x16x64xf32, #tpu.memory_space<vmem>> -> memref<16x64xf32, #tpu.memory_space<vmem>>
      %dma_start3A_2118 = arith.constant 11 : i32
      %dma_start3A_2119 = arith.constant 0 : i32
      %dma_start3A_2120 = tpu.memref_slice %dma_start3A_2117[%dma_start3A_2118, %dma_start3A_2119] : memref<16x64xf32, #tpu.memory_space<vmem>> -> memref<1x64xf32, #tpu.memory_space<vmem>>
      %dma_start3A_2121 = arith.constant 0 : i32
      %dma_start3A_2122 = tpu.memref_slice %arg5[%squeeze3A_2111, %dma_start3A_2121] : memref<100000x64xf32, #tpu.memory_space<hbm>> -> memref<1x64xf32, #tpu.memory_space<hbm>>
      %dma_start3A_2123 = tpu.memref_slice %arg12[%dma_start3A_2113] : memref<2x!tpu.dma_semaphore, #tpu.memory_space<semaphore_mem>> -> memref<1x!tpu.dma_semaphore, #tpu.memory_space<semaphore_mem>>
      %dma_start3A_2124 = tpu.memref_squeeze %dma_start3A_2123 : memref<1x!tpu.dma_semaphore, #tpu.memory_space<semaphore_mem>> -> memref<!tpu.dma_semaphore, #tpu.memory_space<semaphore_mem>>
      %dma_start3A_2125 = arith.constant 0 : i32
      %dma_start3A_2126 = arith.constant 0 : i32
      %dma_start3A_2127 = tpu.memref_slice %arg10[%dma_start3A_2112, %dma_start3A_2125, %dma_start3A_2126] : memref<2x16x64xf32, #tpu.memory_space<vmem>> -> memref<1x16x64xf32, #tpu.memory_space<vmem>>
      %dma_start3A_2128 = tpu.memref_squeeze %dma_start3A_2127 : memref<1x16x64xf32, #tpu.memory_space<vmem>> -> memref<16x64xf32, #tpu.memory_space<vmem>>
      %dma_start3A_2129 = arith.constant 11 : i32
      %dma_start3A_2130 = arith.constant 0 : i32
      %dma_start3A_2131 = tpu.memref_slice %dma_start3A_2128[%dma_start3A_2129, %dma_start3A_2130] : memref<16x64xf32, #tpu.memory_space<vmem>> -> memref<1x64xf32, #tpu.memory_space<vmem>>
      %dma_start3A_2132 = arith.constant 0 : i32
      %dma_start3A_2133 = tpu.memref_slice %arg5[%squeeze3A_2111, %dma_start3A_2132] : memref<100000x64xf32, #tpu.memory_space<hbm>> -> memref<1x64xf32, #tpu.memory_space<hbm>>
      tpu.enqueue_dma source(%dma_start3A_2133 : memref<1x64xf32, #tpu.memory_space<hbm>>) target(%dma_start3A_2131 : memref<1x64xf32, #tpu.memory_space<vmem>>) target_semaphore(%dma_start3A_2124 : memref<!tpu.dma_semaphore, #tpu.memory_space<semaphore_mem>>)
      %slice3A_2134 = vector.extract_strided_slice %get3A_1555 {offsets = [12], sizes = [1], strides = [1]} : vector<16xi32> to vector<1xi32>
      %squeeze3A_2135 = vector.extract %slice3A_2134[0] : i32 from vector<1xi32>
      %dma_start3A_2136 = arith.constant 1 : i32
      %dma_start3A_2137 = arith.constant 1 : i32
      %dma_start3A_2138 = arith.constant 0 : i32
      %dma_start3A_2139 = arith.constant 0 : i32
      %dma_start3A_2140 = tpu.memref_slice %arg9[%dma_start3A_2136, %dma_start3A_2138, %dma_start3A_2139] : memref<2x16x64xf32, #tpu.memory_space<vmem>> -> memref<1x16x64xf32, #tpu.memory_space<vmem>>
      %dma_start3A_2141 = tpu.memref_squeeze %dma_start3A_2140 : memref<1x16x64xf32, #tpu.memory_space<vmem>> -> memref<16x64xf32, #tpu.memory_space<vmem>>
      %dma_start3A_2142 = arith.constant 12 : i32
      %dma_start3A_2143 = arith.constant 0 : i32
      %dma_start3A_2144 = tpu.memref_slice %dma_start3A_2141[%dma_start3A_2142, %dma_start3A_2143] : memref<16x64xf32, #tpu.memory_space<vmem>> -> memref<1x64xf32, #tpu.memory_space<vmem>>
      %dma_start3A_2145 = arith.constant 0 : i32
      %dma_start3A_2146 = tpu.memref_slice %arg4[%squeeze3A_2135, %dma_start3A_2145] : memref<1000000x64xf32, #tpu.memory_space<hbm>> -> memref<1x64xf32, #tpu.memory_space<hbm>>
      %dma_start3A_2147 = tpu.memref_slice %arg12[%dma_start3A_2137] : memref<2x!tpu.dma_semaphore, #tpu.memory_space<semaphore_mem>> -> memref<1x!tpu.dma_semaphore, #tpu.memory_space<semaphore_mem>>
      %dma_start3A_2148 = tpu.memref_squeeze %dma_start3A_2147 : memref<1x!tpu.dma_semaphore, #tpu.memory_space<semaphore_mem>> -> memref<!tpu.dma_semaphore, #tpu.memory_space<semaphore_mem>>
      %dma_start3A_2149 = arith.constant 0 : i32
      %dma_start3A_2150 = arith.constant 0 : i32
      %dma_start3A_2151 = tpu.memref_slice %arg9[%dma_start3A_2136, %dma_start3A_2149, %dma_start3A_2150] : memref<2x16x64xf32, #tpu.memory_space<vmem>> -> memref<1x16x64xf32, #tpu.memory_space<vmem>>
      %dma_start3A_2152 = tpu.memref_squeeze %dma_start3A_2151 : memref<1x16x64xf32, #tpu.memory_space<vmem>> -> memref<16x64xf32, #tpu.memory_space<vmem>>
      %dma_start3A_2153 = arith.constant 12 : i32
      %dma_start3A_2154 = arith.constant 0 : i32
      %dma_start3A_2155 = tpu.memref_slice %dma_start3A_2152[%dma_start3A_2153, %dma_start3A_2154] : memref<16x64xf32, #tpu.memory_space<vmem>> -> memref<1x64xf32, #tpu.memory_space<vmem>>
      %dma_start3A_2156 = arith.constant 0 : i32
      %dma_start3A_2157 = tpu.memref_slice %arg4[%squeeze3A_2135, %dma_start3A_2156] : memref<1000000x64xf32, #tpu.memory_space<hbm>> -> memref<1x64xf32, #tpu.memory_space<hbm>>
      tpu.enqueue_dma source(%dma_start3A_2157 : memref<1x64xf32, #tpu.memory_space<hbm>>) target(%dma_start3A_2155 : memref<1x64xf32, #tpu.memory_space<vmem>>) target_semaphore(%dma_start3A_2148 : memref<!tpu.dma_semaphore, #tpu.memory_space<semaphore_mem>>)
      %slice3A_2158 = vector.extract_strided_slice %get3A_1557 {offsets = [12], sizes = [1], strides = [1]} : vector<16xi32> to vector<1xi32>
      %squeeze3A_2159 = vector.extract %slice3A_2158[0] : i32 from vector<1xi32>
      %dma_start3A_2160 = arith.constant 1 : i32
      %dma_start3A_2161 = arith.constant 1 : i32
      %dma_start3A_2162 = arith.constant 0 : i32
      %dma_start3A_2163 = arith.constant 0 : i32
      %dma_start3A_2164 = tpu.memref_slice %arg10[%dma_start3A_2160, %dma_start3A_2162, %dma_start3A_2163] : memref<2x16x64xf32, #tpu.memory_space<vmem>> -> memref<1x16x64xf32, #tpu.memory_space<vmem>>
      %dma_start3A_2165 = tpu.memref_squeeze %dma_start3A_2164 : memref<1x16x64xf32, #tpu.memory_space<vmem>> -> memref<16x64xf32, #tpu.memory_space<vmem>>
      %dma_start3A_2166 = arith.constant 12 : i32
      %dma_start3A_2167 = arith.constant 0 : i32
      %dma_start3A_2168 = tpu.memref_slice %dma_start3A_2165[%dma_start3A_2166, %dma_start3A_2167] : memref<16x64xf32, #tpu.memory_space<vmem>> -> memref<1x64xf32, #tpu.memory_space<vmem>>
      %dma_start3A_2169 = arith.constant 0 : i32
      %dma_start3A_2170 = tpu.memref_slice %arg5[%squeeze3A_2159, %dma_start3A_2169] : memref<100000x64xf32, #tpu.memory_space<hbm>> -> memref<1x64xf32, #tpu.memory_space<hbm>>
      %dma_start3A_2171 = tpu.memref_slice %arg12[%dma_start3A_2161] : memref<2x!tpu.dma_semaphore, #tpu.memory_space<semaphore_mem>> -> memref<1x!tpu.dma_semaphore, #tpu.memory_space<semaphore_mem>>
      %dma_start3A_2172 = tpu.memref_squeeze %dma_start3A_2171 : memref<1x!tpu.dma_semaphore, #tpu.memory_space<semaphore_mem>> -> memref<!tpu.dma_semaphore, #tpu.memory_space<semaphore_mem>>
      %dma_start3A_2173 = arith.constant 0 : i32
      %dma_start3A_2174 = arith.constant 0 : i32
      %dma_start3A_2175 = tpu.memref_slice %arg10[%dma_start3A_2160, %dma_start3A_2173, %dma_start3A_2174] : memref<2x16x64xf32, #tpu.memory_space<vmem>> -> memref<1x16x64xf32, #tpu.memory_space<vmem>>
      %dma_start3A_2176 = tpu.memref_squeeze %dma_start3A_2175 : memref<1x16x64xf32, #tpu.memory_space<vmem>> -> memref<16x64xf32, #tpu.memory_space<vmem>>
      %dma_start3A_2177 = arith.constant 12 : i32
      %dma_start3A_2178 = arith.constant 0 : i32
      %dma_start3A_2179 = tpu.memref_slice %dma_start3A_2176[%dma_start3A_2177, %dma_start3A_2178] : memref<16x64xf32, #tpu.memory_space<vmem>> -> memref<1x64xf32, #tpu.memory_space<vmem>>
      %dma_start3A_2180 = arith.constant 0 : i32
      %dma_start3A_2181 = tpu.memref_slice %arg5[%squeeze3A_2159, %dma_start3A_2180] : memref<100000x64xf32, #tpu.memory_space<hbm>> -> memref<1x64xf32, #tpu.memory_space<hbm>>
      tpu.enqueue_dma source(%dma_start3A_2181 : memref<1x64xf32, #tpu.memory_space<hbm>>) target(%dma_start3A_2179 : memref<1x64xf32, #tpu.memory_space<vmem>>) target_semaphore(%dma_start3A_2172 : memref<!tpu.dma_semaphore, #tpu.memory_space<semaphore_mem>>)
      %slice3A_2182 = vector.extract_strided_slice %get3A_1555 {offsets = [13], sizes = [1], strides = [1]} : vector<16xi32> to vector<1xi32>
      %squeeze3A_2183 = vector.extract %slice3A_2182[0] : i32 from vector<1xi32>
      %dma_start3A_2184 = arith.constant 1 : i32
      %dma_start3A_2185 = arith.constant 1 : i32
      %dma_start3A_2186 = arith.constant 0 : i32
      %dma_start3A_2187 = arith.constant 0 : i32
      %dma_start3A_2188 = tpu.memref_slice %arg9[%dma_start3A_2184, %dma_start3A_2186, %dma_start3A_2187] : memref<2x16x64xf32, #tpu.memory_space<vmem>> -> memref<1x16x64xf32, #tpu.memory_space<vmem>>
      %dma_start3A_2189 = tpu.memref_squeeze %dma_start3A_2188 : memref<1x16x64xf32, #tpu.memory_space<vmem>> -> memref<16x64xf32, #tpu.memory_space<vmem>>
      %dma_start3A_2190 = arith.constant 13 : i32
      %dma_start3A_2191 = arith.constant 0 : i32
      %dma_start3A_2192 = tpu.memref_slice %dma_start3A_2189[%dma_start3A_2190, %dma_start3A_2191] : memref<16x64xf32, #tpu.memory_space<vmem>> -> memref<1x64xf32, #tpu.memory_space<vmem>>
      %dma_start3A_2193 = arith.constant 0 : i32
      %dma_start3A_2194 = tpu.memref_slice %arg4[%squeeze3A_2183, %dma_start3A_2193] : memref<1000000x64xf32, #tpu.memory_space<hbm>> -> memref<1x64xf32, #tpu.memory_space<hbm>>
      %dma_start3A_2195 = tpu.memref_slice %arg12[%dma_start3A_2185] : memref<2x!tpu.dma_semaphore, #tpu.memory_space<semaphore_mem>> -> memref<1x!tpu.dma_semaphore, #tpu.memory_space<semaphore_mem>>
      %dma_start3A_2196 = tpu.memref_squeeze %dma_start3A_2195 : memref<1x!tpu.dma_semaphore, #tpu.memory_space<semaphore_mem>> -> memref<!tpu.dma_semaphore, #tpu.memory_space<semaphore_mem>>
      %dma_start3A_2197 = arith.constant 0 : i32
      %dma_start3A_2198 = arith.constant 0 : i32
      %dma_start3A_2199 = tpu.memref_slice %arg9[%dma_start3A_2184, %dma_start3A_2197, %dma_start3A_2198] : memref<2x16x64xf32, #tpu.memory_space<vmem>> -> memref<1x16x64xf32, #tpu.memory_space<vmem>>
      %dma_start3A_2200 = tpu.memref_squeeze %dma_start3A_2199 : memref<1x16x64xf32, #tpu.memory_space<vmem>> -> memref<16x64xf32, #tpu.memory_space<vmem>>
      %dma_start3A_2201 = arith.constant 13 : i32
      %dma_start3A_2202 = arith.constant 0 : i32
      %dma_start3A_2203 = tpu.memref_slice %dma_start3A_2200[%dma_start3A_2201, %dma_start3A_2202] : memref<16x64xf32, #tpu.memory_space<vmem>> -> memref<1x64xf32, #tpu.memory_space<vmem>>
      %dma_start3A_2204 = arith.constant 0 : i32
      %dma_start3A_2205 = tpu.memref_slice %arg4[%squeeze3A_2183, %dma_start3A_2204] : memref<1000000x64xf32, #tpu.memory_space<hbm>> -> memref<1x64xf32, #tpu.memory_space<hbm>>
      tpu.enqueue_dma source(%dma_start3A_2205 : memref<1x64xf32, #tpu.memory_space<hbm>>) target(%dma_start3A_2203 : memref<1x64xf32, #tpu.memory_space<vmem>>) target_semaphore(%dma_start3A_2196 : memref<!tpu.dma_semaphore, #tpu.memory_space<semaphore_mem>>)
      %slice3A_2206 = vector.extract_strided_slice %get3A_1557 {offsets = [13], sizes = [1], strides = [1]} : vector<16xi32> to vector<1xi32>
      %squeeze3A_2207 = vector.extract %slice3A_2206[0] : i32 from vector<1xi32>
      %dma_start3A_2208 = arith.constant 1 : i32
      %dma_start3A_2209 = arith.constant 1 : i32
      %dma_start3A_2210 = arith.constant 0 : i32
      %dma_start3A_2211 = arith.constant 0 : i32
      %dma_start3A_2212 = tpu.memref_slice %arg10[%dma_start3A_2208, %dma_start3A_2210, %dma_start3A_2211] : memref<2x16x64xf32, #tpu.memory_space<vmem>> -> memref<1x16x64xf32, #tpu.memory_space<vmem>>
      %dma_start3A_2213 = tpu.memref_squeeze %dma_start3A_2212 : memref<1x16x64xf32, #tpu.memory_space<vmem>> -> memref<16x64xf32, #tpu.memory_space<vmem>>
      %dma_start3A_2214 = arith.constant 13 : i32
      %dma_start3A_2215 = arith.constant 0 : i32
      %dma_start3A_2216 = tpu.memref_slice %dma_start3A_2213[%dma_start3A_2214, %dma_start3A_2215] : memref<16x64xf32, #tpu.memory_space<vmem>> -> memref<1x64xf32, #tpu.memory_space<vmem>>
      %dma_start3A_2217 = arith.constant 0 : i32
      %dma_start3A_2218 = tpu.memref_slice %arg5[%squeeze3A_2207, %dma_start3A_2217] : memref<100000x64xf32, #tpu.memory_space<hbm>> -> memref<1x64xf32, #tpu.memory_space<hbm>>
      %dma_start3A_2219 = tpu.memref_slice %arg12[%dma_start3A_2209] : memref<2x!tpu.dma_semaphore, #tpu.memory_space<semaphore_mem>> -> memref<1x!tpu.dma_semaphore, #tpu.memory_space<semaphore_mem>>
      %dma_start3A_2220 = tpu.memref_squeeze %dma_start3A_2219 : memref<1x!tpu.dma_semaphore, #tpu.memory_space<semaphore_mem>> -> memref<!tpu.dma_semaphore, #tpu.memory_space<semaphore_mem>>
      %dma_start3A_2221 = arith.constant 0 : i32
      %dma_start3A_2222 = arith.constant 0 : i32
      %dma_start3A_2223 = tpu.memref_slice %arg10[%dma_start3A_2208, %dma_start3A_2221, %dma_start3A_2222] : memref<2x16x64xf32, #tpu.memory_space<vmem>> -> memref<1x16x64xf32, #tpu.memory_space<vmem>>
      %dma_start3A_2224 = tpu.memref_squeeze %dma_start3A_2223 : memref<1x16x64xf32, #tpu.memory_space<vmem>> -> memref<16x64xf32, #tpu.memory_space<vmem>>
      %dma_start3A_2225 = arith.constant 13 : i32
      %dma_start3A_2226 = arith.constant 0 : i32
      %dma_start3A_2227 = tpu.memref_slice %dma_start3A_2224[%dma_start3A_2225, %dma_start3A_2226] : memref<16x64xf32, #tpu.memory_space<vmem>> -> memref<1x64xf32, #tpu.memory_space<vmem>>
      %dma_start3A_2228 = arith.constant 0 : i32
      %dma_start3A_2229 = tpu.memref_slice %arg5[%squeeze3A_2207, %dma_start3A_2228] : memref<100000x64xf32, #tpu.memory_space<hbm>> -> memref<1x64xf32, #tpu.memory_space<hbm>>
      tpu.enqueue_dma source(%dma_start3A_2229 : memref<1x64xf32, #tpu.memory_space<hbm>>) target(%dma_start3A_2227 : memref<1x64xf32, #tpu.memory_space<vmem>>) target_semaphore(%dma_start3A_2220 : memref<!tpu.dma_semaphore, #tpu.memory_space<semaphore_mem>>)
      %slice3A_2230 = vector.extract_strided_slice %get3A_1555 {offsets = [14], sizes = [1], strides = [1]} : vector<16xi32> to vector<1xi32>
      %squeeze3A_2231 = vector.extract %slice3A_2230[0] : i32 from vector<1xi32>
      %dma_start3A_2232 = arith.constant 1 : i32
      %dma_start3A_2233 = arith.constant 1 : i32
      %dma_start3A_2234 = arith.constant 0 : i32
      %dma_start3A_2235 = arith.constant 0 : i32
      %dma_start3A_2236 = tpu.memref_slice %arg9[%dma_start3A_2232, %dma_start3A_2234, %dma_start3A_2235] : memref<2x16x64xf32, #tpu.memory_space<vmem>> -> memref<1x16x64xf32, #tpu.memory_space<vmem>>
      %dma_start3A_2237 = tpu.memref_squeeze %dma_start3A_2236 : memref<1x16x64xf32, #tpu.memory_space<vmem>> -> memref<16x64xf32, #tpu.memory_space<vmem>>
      %dma_start3A_2238 = arith.constant 14 : i32
      %dma_start3A_2239 = arith.constant 0 : i32
      %dma_start3A_2240 = tpu.memref_slice %dma_start3A_2237[%dma_start3A_2238, %dma_start3A_2239] : memref<16x64xf32, #tpu.memory_space<vmem>> -> memref<1x64xf32, #tpu.memory_space<vmem>>
      %dma_start3A_2241 = arith.constant 0 : i32
      %dma_start3A_2242 = tpu.memref_slice %arg4[%squeeze3A_2231, %dma_start3A_2241] : memref<1000000x64xf32, #tpu.memory_space<hbm>> -> memref<1x64xf32, #tpu.memory_space<hbm>>
      %dma_start3A_2243 = tpu.memref_slice %arg12[%dma_start3A_2233] : memref<2x!tpu.dma_semaphore, #tpu.memory_space<semaphore_mem>> -> memref<1x!tpu.dma_semaphore, #tpu.memory_space<semaphore_mem>>
      %dma_start3A_2244 = tpu.memref_squeeze %dma_start3A_2243 : memref<1x!tpu.dma_semaphore, #tpu.memory_space<semaphore_mem>> -> memref<!tpu.dma_semaphore, #tpu.memory_space<semaphore_mem>>
      %dma_start3A_2245 = arith.constant 0 : i32
      %dma_start3A_2246 = arith.constant 0 : i32
      %dma_start3A_2247 = tpu.memref_slice %arg9[%dma_start3A_2232, %dma_start3A_2245, %dma_start3A_2246] : memref<2x16x64xf32, #tpu.memory_space<vmem>> -> memref<1x16x64xf32, #tpu.memory_space<vmem>>
      %dma_start3A_2248 = tpu.memref_squeeze %dma_start3A_2247 : memref<1x16x64xf32, #tpu.memory_space<vmem>> -> memref<16x64xf32, #tpu.memory_space<vmem>>
      %dma_start3A_2249 = arith.constant 14 : i32
      %dma_start3A_2250 = arith.constant 0 : i32
      %dma_start3A_2251 = tpu.memref_slice %dma_start3A_2248[%dma_start3A_2249, %dma_start3A_2250] : memref<16x64xf32, #tpu.memory_space<vmem>> -> memref<1x64xf32, #tpu.memory_space<vmem>>
      %dma_start3A_2252 = arith.constant 0 : i32
      %dma_start3A_2253 = tpu.memref_slice %arg4[%squeeze3A_2231, %dma_start3A_2252] : memref<1000000x64xf32, #tpu.memory_space<hbm>> -> memref<1x64xf32, #tpu.memory_space<hbm>>
      tpu.enqueue_dma source(%dma_start3A_2253 : memref<1x64xf32, #tpu.memory_space<hbm>>) target(%dma_start3A_2251 : memref<1x64xf32, #tpu.memory_space<vmem>>) target_semaphore(%dma_start3A_2244 : memref<!tpu.dma_semaphore, #tpu.memory_space<semaphore_mem>>)
      %slice3A_2254 = vector.extract_strided_slice %get3A_1557 {offsets = [14], sizes = [1], strides = [1]} : vector<16xi32> to vector<1xi32>
      %squeeze3A_2255 = vector.extract %slice3A_2254[0] : i32 from vector<1xi32>
      %dma_start3A_2256 = arith.constant 1 : i32
      %dma_start3A_2257 = arith.constant 1 : i32
      %dma_start3A_2258 = arith.constant 0 : i32
      %dma_start3A_2259 = arith.constant 0 : i32
      %dma_start3A_2260 = tpu.memref_slice %arg10[%dma_start3A_2256, %dma_start3A_2258, %dma_start3A_2259] : memref<2x16x64xf32, #tpu.memory_space<vmem>> -> memref<1x16x64xf32, #tpu.memory_space<vmem>>
      %dma_start3A_2261 = tpu.memref_squeeze %dma_start3A_2260 : memref<1x16x64xf32, #tpu.memory_space<vmem>> -> memref<16x64xf32, #tpu.memory_space<vmem>>
      %dma_start3A_2262 = arith.constant 14 : i32
      %dma_start3A_2263 = arith.constant 0 : i32
      %dma_start3A_2264 = tpu.memref_slice %dma_start3A_2261[%dma_start3A_2262, %dma_start3A_2263] : memref<16x64xf32, #tpu.memory_space<vmem>> -> memref<1x64xf32, #tpu.memory_space<vmem>>
      %dma_start3A_2265 = arith.constant 0 : i32
      %dma_start3A_2266 = tpu.memref_slice %arg5[%squeeze3A_2255, %dma_start3A_2265] : memref<100000x64xf32, #tpu.memory_space<hbm>> -> memref<1x64xf32, #tpu.memory_space<hbm>>
      %dma_start3A_2267 = tpu.memref_slice %arg12[%dma_start3A_2257] : memref<2x!tpu.dma_semaphore, #tpu.memory_space<semaphore_mem>> -> memref<1x!tpu.dma_semaphore, #tpu.memory_space<semaphore_mem>>
      %dma_start3A_2268 = tpu.memref_squeeze %dma_start3A_2267 : memref<1x!tpu.dma_semaphore, #tpu.memory_space<semaphore_mem>> -> memref<!tpu.dma_semaphore, #tpu.memory_space<semaphore_mem>>
      %dma_start3A_2269 = arith.constant 0 : i32
      %dma_start3A_2270 = arith.constant 0 : i32
      %dma_start3A_2271 = tpu.memref_slice %arg10[%dma_start3A_2256, %dma_start3A_2269, %dma_start3A_2270] : memref<2x16x64xf32, #tpu.memory_space<vmem>> -> memref<1x16x64xf32, #tpu.memory_space<vmem>>
      %dma_start3A_2272 = tpu.memref_squeeze %dma_start3A_2271 : memref<1x16x64xf32, #tpu.memory_space<vmem>> -> memref<16x64xf32, #tpu.memory_space<vmem>>
      %dma_start3A_2273 = arith.constant 14 : i32
      %dma_start3A_2274 = arith.constant 0 : i32
      %dma_start3A_2275 = tpu.memref_slice %dma_start3A_2272[%dma_start3A_2273, %dma_start3A_2274] : memref<16x64xf32, #tpu.memory_space<vmem>> -> memref<1x64xf32, #tpu.memory_space<vmem>>
      %dma_start3A_2276 = arith.constant 0 : i32
      %dma_start3A_2277 = tpu.memref_slice %arg5[%squeeze3A_2255, %dma_start3A_2276] : memref<100000x64xf32, #tpu.memory_space<hbm>> -> memref<1x64xf32, #tpu.memory_space<hbm>>
      tpu.enqueue_dma source(%dma_start3A_2277 : memref<1x64xf32, #tpu.memory_space<hbm>>) target(%dma_start3A_2275 : memref<1x64xf32, #tpu.memory_space<vmem>>) target_semaphore(%dma_start3A_2268 : memref<!tpu.dma_semaphore, #tpu.memory_space<semaphore_mem>>)
      %slice3A_2278 = vector.extract_strided_slice %get3A_1555 {offsets = [15], sizes = [1], strides = [1]} : vector<16xi32> to vector<1xi32>
      %squeeze3A_2279 = vector.extract %slice3A_2278[0] : i32 from vector<1xi32>
      %dma_start3A_2280 = arith.constant 1 : i32
      %dma_start3A_2281 = arith.constant 1 : i32
      %dma_start3A_2282 = arith.constant 0 : i32
      %dma_start3A_2283 = arith.constant 0 : i32
      %dma_start3A_2284 = tpu.memref_slice %arg9[%dma_start3A_2280, %dma_start3A_2282, %dma_start3A_2283] : memref<2x16x64xf32, #tpu.memory_space<vmem>> -> memref<1x16x64xf32, #tpu.memory_space<vmem>>
      %dma_start3A_2285 = tpu.memref_squeeze %dma_start3A_2284 : memref<1x16x64xf32, #tpu.memory_space<vmem>> -> memref<16x64xf32, #tpu.memory_space<vmem>>
      %dma_start3A_2286 = arith.constant 15 : i32
      %dma_start3A_2287 = arith.constant 0 : i32
      %dma_start3A_2288 = tpu.memref_slice %dma_start3A_2285[%dma_start3A_2286, %dma_start3A_2287] : memref<16x64xf32, #tpu.memory_space<vmem>> -> memref<1x64xf32, #tpu.memory_space<vmem>>
      %dma_start3A_2289 = arith.constant 0 : i32
      %dma_start3A_2290 = tpu.memref_slice %arg4[%squeeze3A_2279, %dma_start3A_2289] : memref<1000000x64xf32, #tpu.memory_space<hbm>> -> memref<1x64xf32, #tpu.memory_space<hbm>>
      %dma_start3A_2291 = tpu.memref_slice %arg12[%dma_start3A_2281] : memref<2x!tpu.dma_semaphore, #tpu.memory_space<semaphore_mem>> -> memref<1x!tpu.dma_semaphore, #tpu.memory_space<semaphore_mem>>
      %dma_start3A_2292 = tpu.memref_squeeze %dma_start3A_2291 : memref<1x!tpu.dma_semaphore, #tpu.memory_space<semaphore_mem>> -> memref<!tpu.dma_semaphore, #tpu.memory_space<semaphore_mem>>
      %dma_start3A_2293 = arith.constant 0 : i32
      %dma_start3A_2294 = arith.constant 0 : i32
      %dma_start3A_2295 = tpu.memref_slice %arg9[%dma_start3A_2280, %dma_start3A_2293, %dma_start3A_2294] : memref<2x16x64xf32, #tpu.memory_space<vmem>> -> memref<1x16x64xf32, #tpu.memory_space<vmem>>
      %dma_start3A_2296 = tpu.memref_squeeze %dma_start3A_2295 : memref<1x16x64xf32, #tpu.memory_space<vmem>> -> memref<16x64xf32, #tpu.memory_space<vmem>>
      %dma_start3A_2297 = arith.constant 15 : i32
      %dma_start3A_2298 = arith.constant 0 : i32
      %dma_start3A_2299 = tpu.memref_slice %dma_start3A_2296[%dma_start3A_2297, %dma_start3A_2298] : memref<16x64xf32, #tpu.memory_space<vmem>> -> memref<1x64xf32, #tpu.memory_space<vmem>>
      %dma_start3A_2300 = arith.constant 0 : i32
      %dma_start3A_2301 = tpu.memref_slice %arg4[%squeeze3A_2279, %dma_start3A_2300] : memref<1000000x64xf32, #tpu.memory_space<hbm>> -> memref<1x64xf32, #tpu.memory_space<hbm>>
      tpu.enqueue_dma source(%dma_start3A_2301 : memref<1x64xf32, #tpu.memory_space<hbm>>) target(%dma_start3A_2299 : memref<1x64xf32, #tpu.memory_space<vmem>>) target_semaphore(%dma_start3A_2292 : memref<!tpu.dma_semaphore, #tpu.memory_space<semaphore_mem>>)
      %slice3A_2302 = vector.extract_strided_slice %get3A_1557 {offsets = [15], sizes = [1], strides = [1]} : vector<16xi32> to vector<1xi32>
      %squeeze3A_2303 = vector.extract %slice3A_2302[0] : i32 from vector<1xi32>
      %dma_start3A_2304 = arith.constant 1 : i32
      %dma_start3A_2305 = arith.constant 1 : i32
      %dma_start3A_2306 = arith.constant 0 : i32
      %dma_start3A_2307 = arith.constant 0 : i32
      %dma_start3A_2308 = tpu.memref_slice %arg10[%dma_start3A_2304, %dma_start3A_2306, %dma_start3A_2307] : memref<2x16x64xf32, #tpu.memory_space<vmem>> -> memref<1x16x64xf32, #tpu.memory_space<vmem>>
      %dma_start3A_2309 = tpu.memref_squeeze %dma_start3A_2308 : memref<1x16x64xf32, #tpu.memory_space<vmem>> -> memref<16x64xf32, #tpu.memory_space<vmem>>
      %dma_start3A_2310 = arith.constant 15 : i32
      %dma_start3A_2311 = arith.constant 0 : i32
      %dma_start3A_2312 = tpu.memref_slice %dma_start3A_2309[%dma_start3A_2310, %dma_start3A_2311] : memref<16x64xf32, #tpu.memory_space<vmem>> -> memref<1x64xf32, #tpu.memory_space<vmem>>
      %dma_start3A_2313 = arith.constant 0 : i32
      %dma_start3A_2314 = tpu.memref_slice %arg5[%squeeze3A_2303, %dma_start3A_2313] : memref<100000x64xf32, #tpu.memory_space<hbm>> -> memref<1x64xf32, #tpu.memory_space<hbm>>
      %dma_start3A_2315 = tpu.memref_slice %arg12[%dma_start3A_2305] : memref<2x!tpu.dma_semaphore, #tpu.memory_space<semaphore_mem>> -> memref<1x!tpu.dma_semaphore, #tpu.memory_space<semaphore_mem>>
      %dma_start3A_2316 = tpu.memref_squeeze %dma_start3A_2315 : memref<1x!tpu.dma_semaphore, #tpu.memory_space<semaphore_mem>> -> memref<!tpu.dma_semaphore, #tpu.memory_space<semaphore_mem>>
      %dma_start3A_2317 = arith.constant 0 : i32
      %dma_start3A_2318 = arith.constant 0 : i32
      %dma_start3A_2319 = tpu.memref_slice %arg10[%dma_start3A_2304, %dma_start3A_2317, %dma_start3A_2318] : memref<2x16x64xf32, #tpu.memory_space<vmem>> -> memref<1x16x64xf32, #tpu.memory_space<vmem>>
      %dma_start3A_2320 = tpu.memref_squeeze %dma_start3A_2319 : memref<1x16x64xf32, #tpu.memory_space<vmem>> -> memref<16x64xf32, #tpu.memory_space<vmem>>
      %dma_start3A_2321 = arith.constant 15 : i32
      %dma_start3A_2322 = arith.constant 0 : i32
      %dma_start3A_2323 = tpu.memref_slice %dma_start3A_2320[%dma_start3A_2321, %dma_start3A_2322] : memref<16x64xf32, #tpu.memory_space<vmem>> -> memref<1x64xf32, #tpu.memory_space<vmem>>
      %dma_start3A_2324 = arith.constant 0 : i32
      %dma_start3A_2325 = tpu.memref_slice %arg5[%squeeze3A_2303, %dma_start3A_2324] : memref<100000x64xf32, #tpu.memory_space<hbm>> -> memref<1x64xf32, #tpu.memory_space<hbm>>
      tpu.enqueue_dma source(%dma_start3A_2325 : memref<1x64xf32, #tpu.memory_space<hbm>>) target(%dma_start3A_2323 : memref<1x64xf32, #tpu.memory_space<vmem>>) target_semaphore(%dma_start3A_2316 : memref<!tpu.dma_semaphore, #tpu.memory_space<semaphore_mem>>)
      %broadcast_in_dim3A = arith.constant 0.000000e+00 : f32
      %broadcast_in_dim3A_2326 = vector.broadcast %broadcast_in_dim3A : f32 to vector<16xf32>
      %scan3A_2327 = arith.constant 0 : i32
      %scan3A_2328 = arith.constant 64 : i32
      %scan3A_2329 = arith.addi %scan3A_2327, %scan3A_2328 : i32
      %scan3A_2330 = arith.constant 1 : i32
      %scan3A_2331 = scf.for %scan3A_3125 = %scan3A_2327 to %scan3A_2329 step %scan3A_2330 iter_args(%scan3A_3126 = %broadcast_in_dim3A_2326) -> (vector<16xf32>)  : i32 {
        %add3A_3127 = vector.broadcast %scan3A_3125 : i32 to vector<16xi32>
        %add3A_3128 = arith.addi %add3A_3127, %iota3A : vector<16xi32>
        %and3A = arith.constant 63 : i32
        %and3A_3129 = vector.broadcast %and3A : i32 to vector<16xi32>
        %and3A_3130 = arith.andi %add3A_3128, %and3A_3129 : vector<16xi32>
        %gather3A = arith.constant 0 : i32
        %gather3A_3131 = arith.constant 0 : i32
        %gather3A_3132 = arith.constant 0 : i32
        %gather3A_3133 = tpu.memref_slice %arg9[%gather3A, %gather3A_3131, %gather3A_3132] : memref<2x16x64xf32, #tpu.memory_space<vmem>> -> memref<1x16x64xf32, #tpu.memory_space<vmem>>
        %gather3A_3134 = tpu.memref_squeeze %gather3A_3133 : memref<1x16x64xf32, #tpu.memory_space<vmem>> -> memref<16x64xf32, #tpu.memory_space<vmem>>
        %gather3A_3135 = tpu.vector_load_idx %gather3A_3134[%iota3A, %and3A_3130] : memref<16x64xf32, #tpu.memory_space<vmem>>[vector<16xi32>, vector<16xi32>], vector<16xf32>,
        %gather3A_3136 = arith.constant 0 : i32
        %gather3A_3137 = arith.constant 0 : i32
        %gather3A_3138 = arith.constant 0 : i32
        %gather3A_3139 = tpu.memref_slice %arg10[%gather3A_3136, %gather3A_3137, %gather3A_3138] : memref<2x16x64xf32, #tpu.memory_space<vmem>> -> memref<1x16x64xf32, #tpu.memory_space<vmem>>
        %gather3A_3140 = tpu.memref_squeeze %gather3A_3139 : memref<1x16x64xf32, #tpu.memory_space<vmem>> -> memref<16x64xf32, #tpu.memory_space<vmem>>
        %gather3A_3141 = tpu.vector_load_idx %gather3A_3140[%iota3A, %and3A_3130] : memref<16x64xf32, #tpu.memory_space<vmem>>[vector<16xi32>, vector<16xi32>], vector<16xf32>,
        %mul3A_3142 = arith.mulf %gather3A_3135, %gather3A_3141 : vector<16xf32>
        %add3A_3143 = arith.addf %scan3A_3126, %mul3A_3142 : vector<16xf32>
        scf.yield %add3A_3143 : vector<16xf32>
      }
      %scan3A_2332 = arith.constant 64 : i32
      %mul3A_2333 = arith.constant 16 : i32
      %mul3A_2334 = arith.muli %mul3A_781, %mul3A_2333 : i32
      %multiple_of3A_2335 = tpu.assume_multiple %mul3A_2334, 16 : i32
      %swap3A = arith.index_cast %multiple_of3A_2335 : i32 to index
      %swap3A_2336 = tpu.vector_load %arg11[%swap3A] {strides = array<i32>} : memref<512xf32, #tpu.memory_space<vmem>>, vector<16xf32>,
      tpu.vector_store %arg11[%swap3A], %scan3A_2331 {strides = array<i32>} : memref<512xf32, #tpu.memory_space<vmem>>, vector<16xf32>,
      %dma_wait3A_2337 = arith.constant 1 : i32
      %dma_wait3A_2338 = arith.constant 1 : i32
      %dma_wait3A_2339 = arith.constant 0 : i32
      %dma_wait3A_2340 = arith.constant 0 : i32
      %dma_wait3A_2341 = tpu.memref_slice %arg9[%dma_wait3A_2337, %dma_wait3A_2339, %dma_wait3A_2340] : memref<2x16x64xf32, #tpu.memory_space<vmem>> -> memref<1x16x64xf32, #tpu.memory_space<vmem>>
      %dma_wait3A_2342 = tpu.memref_squeeze %dma_wait3A_2341 : memref<1x16x64xf32, #tpu.memory_space<vmem>> -> memref<16x64xf32, #tpu.memory_space<vmem>>
      %dma_wait3A_2343 = arith.constant 0 : i32
      %dma_wait3A_2344 = arith.constant 0 : i32
      %dma_wait3A_2345 = tpu.memref_slice %dma_wait3A_2342[%dma_wait3A_2343, %dma_wait3A_2344] : memref<16x64xf32, #tpu.memory_space<vmem>> -> memref<1x64xf32, #tpu.memory_space<vmem>>
      %dma_wait3A_2346 = arith.constant 0 : i32
      %dma_wait3A_2347 = arith.constant 0 : i32
      %dma_wait3A_2348 = tpu.memref_slice %arg4[%dma_wait3A_2346, %dma_wait3A_2347] : memref<1000000x64xf32, #tpu.memory_space<hbm>> -> memref<1x64xf32, #tpu.memory_space<hbm>>
      %dma_wait3A_2349 = tpu.memref_slice %arg12[%dma_wait3A_2338] : memref<2x!tpu.dma_semaphore, #tpu.memory_space<semaphore_mem>> -> memref<1x!tpu.dma_semaphore, #tpu.memory_space<semaphore_mem>>
      %dma_wait3A_2350 = tpu.memref_squeeze %dma_wait3A_2349 : memref<1x!tpu.dma_semaphore, #tpu.memory_space<semaphore_mem>> -> memref<!tpu.dma_semaphore, #tpu.memory_space<semaphore_mem>>
      %dma_wait3A_2351 = arith.constant 0 : i32
      %dma_wait3A_2352 = arith.constant 0 : i32
      %dma_wait3A_2353 = tpu.memref_slice %arg9[%dma_wait3A_2337, %dma_wait3A_2351, %dma_wait3A_2352] : memref<2x16x64xf32, #tpu.memory_space<vmem>> -> memref<1x16x64xf32, #tpu.memory_space<vmem>>
      %dma_wait3A_2354 = tpu.memref_squeeze %dma_wait3A_2353 : memref<1x16x64xf32, #tpu.memory_space<vmem>> -> memref<16x64xf32, #tpu.memory_space<vmem>>
      %dma_wait3A_2355 = arith.constant 0 : i32
      %dma_wait3A_2356 = arith.constant 0 : i32
      %dma_wait3A_2357 = tpu.memref_slice %dma_wait3A_2354[%dma_wait3A_2355, %dma_wait3A_2356] : memref<16x64xf32, #tpu.memory_space<vmem>> -> memref<1x64xf32, #tpu.memory_space<vmem>>
      %dma_wait3A_2358 = arith.constant 0 : i32
      %dma_wait3A_2359 = arith.constant 0 : i32
      %dma_wait3A_2360 = tpu.memref_slice %arg4[%dma_wait3A_2358, %dma_wait3A_2359] : memref<1000000x64xf32, #tpu.memory_space<hbm>> -> memref<1x64xf32, #tpu.memory_space<hbm>>
      tpu.wait_dma2 semaphore(%dma_wait3A_2350 : memref<!tpu.dma_semaphore, #tpu.memory_space<semaphore_mem>>) src(%dma_wait3A_2360 : memref<1x64xf32, #tpu.memory_space<hbm>>) dst(%dma_wait3A_2357 : memref<1x64xf32, #tpu.memory_space<vmem>>)
      %dma_wait3A_2361 = arith.constant 1 : i32
      %dma_wait3A_2362 = arith.constant 1 : i32
      %dma_wait3A_2363 = arith.constant 0 : i32
      %dma_wait3A_2364 = arith.constant 0 : i32
      %dma_wait3A_2365 = tpu.memref_slice %arg10[%dma_wait3A_2361, %dma_wait3A_2363, %dma_wait3A_2364] : memref<2x16x64xf32, #tpu.memory_space<vmem>> -> memref<1x16x64xf32, #tpu.memory_space<vmem>>
      %dma_wait3A_2366 = tpu.memref_squeeze %dma_wait3A_2365 : memref<1x16x64xf32, #tpu.memory_space<vmem>> -> memref<16x64xf32, #tpu.memory_space<vmem>>
      %dma_wait3A_2367 = arith.constant 0 : i32
      %dma_wait3A_2368 = arith.constant 0 : i32
      %dma_wait3A_2369 = tpu.memref_slice %dma_wait3A_2366[%dma_wait3A_2367, %dma_wait3A_2368] : memref<16x64xf32, #tpu.memory_space<vmem>> -> memref<1x64xf32, #tpu.memory_space<vmem>>
      %dma_wait3A_2370 = arith.constant 0 : i32
      %dma_wait3A_2371 = arith.constant 0 : i32
      %dma_wait3A_2372 = tpu.memref_slice %arg5[%dma_wait3A_2370, %dma_wait3A_2371] : memref<100000x64xf32, #tpu.memory_space<hbm>> -> memref<1x64xf32, #tpu.memory_space<hbm>>
      %dma_wait3A_2373 = tpu.memref_slice %arg12[%dma_wait3A_2362] : memref<2x!tpu.dma_semaphore, #tpu.memory_space<semaphore_mem>> -> memref<1x!tpu.dma_semaphore, #tpu.memory_space<semaphore_mem>>
      %dma_wait3A_2374 = tpu.memref_squeeze %dma_wait3A_2373 : memref<1x!tpu.dma_semaphore, #tpu.memory_space<semaphore_mem>> -> memref<!tpu.dma_semaphore, #tpu.memory_space<semaphore_mem>>
      %dma_wait3A_2375 = arith.constant 0 : i32
      %dma_wait3A_2376 = arith.constant 0 : i32
      %dma_wait3A_2377 = tpu.memref_slice %arg10[%dma_wait3A_2361, %dma_wait3A_2375, %dma_wait3A_2376] : memref<2x16x64xf32, #tpu.memory_space<vmem>> -> memref<1x16x64xf32, #tpu.memory_space<vmem>>
      %dma_wait3A_2378 = tpu.memref_squeeze %dma_wait3A_2377 : memref<1x16x64xf32, #tpu.memory_space<vmem>> -> memref<16x64xf32, #tpu.memory_space<vmem>>
      %dma_wait3A_2379 = arith.constant 0 : i32
      %dma_wait3A_2380 = arith.constant 0 : i32
      %dma_wait3A_2381 = tpu.memref_slice %dma_wait3A_2378[%dma_wait3A_2379, %dma_wait3A_2380] : memref<16x64xf32, #tpu.memory_space<vmem>> -> memref<1x64xf32, #tpu.memory_space<vmem>>
      %dma_wait3A_2382 = arith.constant 0 : i32
      %dma_wait3A_2383 = arith.constant 0 : i32
      %dma_wait3A_2384 = tpu.memref_slice %arg5[%dma_wait3A_2382, %dma_wait3A_2383] : memref<100000x64xf32, #tpu.memory_space<hbm>> -> memref<1x64xf32, #tpu.memory_space<hbm>>
      tpu.wait_dma2 semaphore(%dma_wait3A_2374 : memref<!tpu.dma_semaphore, #tpu.memory_space<semaphore_mem>>) src(%dma_wait3A_2384 : memref<1x64xf32, #tpu.memory_space<hbm>>) dst(%dma_wait3A_2381 : memref<1x64xf32, #tpu.memory_space<vmem>>)
      %dma_wait3A_2385 = arith.constant 1 : i32
      %dma_wait3A_2386 = arith.constant 1 : i32
      %dma_wait3A_2387 = arith.constant 0 : i32
      %dma_wait3A_2388 = arith.constant 0 : i32
      %dma_wait3A_2389 = tpu.memref_slice %arg9[%dma_wait3A_2385, %dma_wait3A_2387, %dma_wait3A_2388] : memref<2x16x64xf32, #tpu.memory_space<vmem>> -> memref<1x16x64xf32, #tpu.memory_space<vmem>>
      %dma_wait3A_2390 = tpu.memref_squeeze %dma_wait3A_2389 : memref<1x16x64xf32, #tpu.memory_space<vmem>> -> memref<16x64xf32, #tpu.memory_space<vmem>>
      %dma_wait3A_2391 = arith.constant 1 : i32
      %dma_wait3A_2392 = arith.constant 0 : i32
      %dma_wait3A_2393 = tpu.memref_slice %dma_wait3A_2390[%dma_wait3A_2391, %dma_wait3A_2392] : memref<16x64xf32, #tpu.memory_space<vmem>> -> memref<1x64xf32, #tpu.memory_space<vmem>>
      %dma_wait3A_2394 = arith.constant 0 : i32
      %dma_wait3A_2395 = arith.constant 0 : i32
      %dma_wait3A_2396 = tpu.memref_slice %arg4[%dma_wait3A_2394, %dma_wait3A_2395] : memref<1000000x64xf32, #tpu.memory_space<hbm>> -> memref<1x64xf32, #tpu.memory_space<hbm>>
      %dma_wait3A_2397 = tpu.memref_slice %arg12[%dma_wait3A_2386] : memref<2x!tpu.dma_semaphore, #tpu.memory_space<semaphore_mem>> -> memref<1x!tpu.dma_semaphore, #tpu.memory_space<semaphore_mem>>
      %dma_wait3A_2398 = tpu.memref_squeeze %dma_wait3A_2397 : memref<1x!tpu.dma_semaphore, #tpu.memory_space<semaphore_mem>> -> memref<!tpu.dma_semaphore, #tpu.memory_space<semaphore_mem>>
      %dma_wait3A_2399 = arith.constant 0 : i32
      %dma_wait3A_2400 = arith.constant 0 : i32
      %dma_wait3A_2401 = tpu.memref_slice %arg9[%dma_wait3A_2385, %dma_wait3A_2399, %dma_wait3A_2400] : memref<2x16x64xf32, #tpu.memory_space<vmem>> -> memref<1x16x64xf32, #tpu.memory_space<vmem>>
      %dma_wait3A_2402 = tpu.memref_squeeze %dma_wait3A_2401 : memref<1x16x64xf32, #tpu.memory_space<vmem>> -> memref<16x64xf32, #tpu.memory_space<vmem>>
      %dma_wait3A_2403 = arith.constant 1 : i32
      %dma_wait3A_2404 = arith.constant 0 : i32
      %dma_wait3A_2405 = tpu.memref_slice %dma_wait3A_2402[%dma_wait3A_2403, %dma_wait3A_2404] : memref<16x64xf32, #tpu.memory_space<vmem>> -> memref<1x64xf32, #tpu.memory_space<vmem>>
      %dma_wait3A_2406 = arith.constant 0 : i32
      %dma_wait3A_2407 = arith.constant 0 : i32
      %dma_wait3A_2408 = tpu.memref_slice %arg4[%dma_wait3A_2406, %dma_wait3A_2407] : memref<1000000x64xf32, #tpu.memory_space<hbm>> -> memref<1x64xf32, #tpu.memory_space<hbm>>
      tpu.wait_dma2 semaphore(%dma_wait3A_2398 : memref<!tpu.dma_semaphore, #tpu.memory_space<semaphore_mem>>) src(%dma_wait3A_2408 : memref<1x64xf32, #tpu.memory_space<hbm>>) dst(%dma_wait3A_2405 : memref<1x64xf32, #tpu.memory_space<vmem>>)
      %dma_wait3A_2409 = arith.constant 1 : i32
      %dma_wait3A_2410 = arith.constant 1 : i32
      %dma_wait3A_2411 = arith.constant 0 : i32
      %dma_wait3A_2412 = arith.constant 0 : i32
      %dma_wait3A_2413 = tpu.memref_slice %arg10[%dma_wait3A_2409, %dma_wait3A_2411, %dma_wait3A_2412] : memref<2x16x64xf32, #tpu.memory_space<vmem>> -> memref<1x16x64xf32, #tpu.memory_space<vmem>>
      %dma_wait3A_2414 = tpu.memref_squeeze %dma_wait3A_2413 : memref<1x16x64xf32, #tpu.memory_space<vmem>> -> memref<16x64xf32, #tpu.memory_space<vmem>>
      %dma_wait3A_2415 = arith.constant 1 : i32
      %dma_wait3A_2416 = arith.constant 0 : i32
      %dma_wait3A_2417 = tpu.memref_slice %dma_wait3A_2414[%dma_wait3A_2415, %dma_wait3A_2416] : memref<16x64xf32, #tpu.memory_space<vmem>> -> memref<1x64xf32, #tpu.memory_space<vmem>>
      %dma_wait3A_2418 = arith.constant 0 : i32
      %dma_wait3A_2419 = arith.constant 0 : i32
      %dma_wait3A_2420 = tpu.memref_slice %arg5[%dma_wait3A_2418, %dma_wait3A_2419] : memref<100000x64xf32, #tpu.memory_space<hbm>> -> memref<1x64xf32, #tpu.memory_space<hbm>>
      %dma_wait3A_2421 = tpu.memref_slice %arg12[%dma_wait3A_2410] : memref<2x!tpu.dma_semaphore, #tpu.memory_space<semaphore_mem>> -> memref<1x!tpu.dma_semaphore, #tpu.memory_space<semaphore_mem>>
      %dma_wait3A_2422 = tpu.memref_squeeze %dma_wait3A_2421 : memref<1x!tpu.dma_semaphore, #tpu.memory_space<semaphore_mem>> -> memref<!tpu.dma_semaphore, #tpu.memory_space<semaphore_mem>>
      %dma_wait3A_2423 = arith.constant 0 : i32
      %dma_wait3A_2424 = arith.constant 0 : i32
      %dma_wait3A_2425 = tpu.memref_slice %arg10[%dma_wait3A_2409, %dma_wait3A_2423, %dma_wait3A_2424] : memref<2x16x64xf32, #tpu.memory_space<vmem>> -> memref<1x16x64xf32, #tpu.memory_space<vmem>>
      %dma_wait3A_2426 = tpu.memref_squeeze %dma_wait3A_2425 : memref<1x16x64xf32, #tpu.memory_space<vmem>> -> memref<16x64xf32, #tpu.memory_space<vmem>>
      %dma_wait3A_2427 = arith.constant 1 : i32
      %dma_wait3A_2428 = arith.constant 0 : i32
      %dma_wait3A_2429 = tpu.memref_slice %dma_wait3A_2426[%dma_wait3A_2427, %dma_wait3A_2428] : memref<16x64xf32, #tpu.memory_space<vmem>> -> memref<1x64xf32, #tpu.memory_space<vmem>>
      %dma_wait3A_2430 = arith.constant 0 : i32
      %dma_wait3A_2431 = arith.constant 0 : i32
      %dma_wait3A_2432 = tpu.memref_slice %arg5[%dma_wait3A_2430, %dma_wait3A_2431] : memref<100000x64xf32, #tpu.memory_space<hbm>> -> memref<1x64xf32, #tpu.memory_space<hbm>>
      tpu.wait_dma2 semaphore(%dma_wait3A_2422 : memref<!tpu.dma_semaphore, #tpu.memory_space<semaphore_mem>>) src(%dma_wait3A_2432 : memref<1x64xf32, #tpu.memory_space<hbm>>) dst(%dma_wait3A_2429 : memref<1x64xf32, #tpu.memory_space<vmem>>)
      %dma_wait3A_2433 = arith.constant 1 : i32
      %dma_wait3A_2434 = arith.constant 1 : i32
      %dma_wait3A_2435 = arith.constant 0 : i32
      %dma_wait3A_2436 = arith.constant 0 : i32
      %dma_wait3A_2437 = tpu.memref_slice %arg9[%dma_wait3A_2433, %dma_wait3A_2435, %dma_wait3A_2436] : memref<2x16x64xf32, #tpu.memory_space<vmem>> -> memref<1x16x64xf32, #tpu.memory_space<vmem>>
      %dma_wait3A_2438 = tpu.memref_squeeze %dma_wait3A_2437 : memref<1x16x64xf32, #tpu.memory_space<vmem>> -> memref<16x64xf32, #tpu.memory_space<vmem>>
      %dma_wait3A_2439 = arith.constant 2 : i32
      %dma_wait3A_2440 = arith.constant 0 : i32
      %dma_wait3A_2441 = tpu.memref_slice %dma_wait3A_2438[%dma_wait3A_2439, %dma_wait3A_2440] : memref<16x64xf32, #tpu.memory_space<vmem>> -> memref<1x64xf32, #tpu.memory_space<vmem>>
      %dma_wait3A_2442 = arith.constant 0 : i32
      %dma_wait3A_2443 = arith.constant 0 : i32
      %dma_wait3A_2444 = tpu.memref_slice %arg4[%dma_wait3A_2442, %dma_wait3A_2443] : memref<1000000x64xf32, #tpu.memory_space<hbm>> -> memref<1x64xf32, #tpu.memory_space<hbm>>
      %dma_wait3A_2445 = tpu.memref_slice %arg12[%dma_wait3A_2434] : memref<2x!tpu.dma_semaphore, #tpu.memory_space<semaphore_mem>> -> memref<1x!tpu.dma_semaphore, #tpu.memory_space<semaphore_mem>>
      %dma_wait3A_2446 = tpu.memref_squeeze %dma_wait3A_2445 : memref<1x!tpu.dma_semaphore, #tpu.memory_space<semaphore_mem>> -> memref<!tpu.dma_semaphore, #tpu.memory_space<semaphore_mem>>
      %dma_wait3A_2447 = arith.constant 0 : i32
      %dma_wait3A_2448 = arith.constant 0 : i32
      %dma_wait3A_2449 = tpu.memref_slice %arg9[%dma_wait3A_2433, %dma_wait3A_2447, %dma_wait3A_2448] : memref<2x16x64xf32, #tpu.memory_space<vmem>> -> memref<1x16x64xf32, #tpu.memory_space<vmem>>
      %dma_wait3A_2450 = tpu.memref_squeeze %dma_wait3A_2449 : memref<1x16x64xf32, #tpu.memory_space<vmem>> -> memref<16x64xf32, #tpu.memory_space<vmem>>
      %dma_wait3A_2451 = arith.constant 2 : i32
      %dma_wait3A_2452 = arith.constant 0 : i32
      %dma_wait3A_2453 = tpu.memref_slice %dma_wait3A_2450[%dma_wait3A_2451, %dma_wait3A_2452] : memref<16x64xf32, #tpu.memory_space<vmem>> -> memref<1x64xf32, #tpu.memory_space<vmem>>
      %dma_wait3A_2454 = arith.constant 0 : i32
      %dma_wait3A_2455 = arith.constant 0 : i32
      %dma_wait3A_2456 = tpu.memref_slice %arg4[%dma_wait3A_2454, %dma_wait3A_2455] : memref<1000000x64xf32, #tpu.memory_space<hbm>> -> memref<1x64xf32, #tpu.memory_space<hbm>>
      tpu.wait_dma2 semaphore(%dma_wait3A_2446 : memref<!tpu.dma_semaphore, #tpu.memory_space<semaphore_mem>>) src(%dma_wait3A_2456 : memref<1x64xf32, #tpu.memory_space<hbm>>) dst(%dma_wait3A_2453 : memref<1x64xf32, #tpu.memory_space<vmem>>)
      %dma_wait3A_2457 = arith.constant 1 : i32
      %dma_wait3A_2458 = arith.constant 1 : i32
      %dma_wait3A_2459 = arith.constant 0 : i32
      %dma_wait3A_2460 = arith.constant 0 : i32
      %dma_wait3A_2461 = tpu.memref_slice %arg10[%dma_wait3A_2457, %dma_wait3A_2459, %dma_wait3A_2460] : memref<2x16x64xf32, #tpu.memory_space<vmem>> -> memref<1x16x64xf32, #tpu.memory_space<vmem>>
      %dma_wait3A_2462 = tpu.memref_squeeze %dma_wait3A_2461 : memref<1x16x64xf32, #tpu.memory_space<vmem>> -> memref<16x64xf32, #tpu.memory_space<vmem>>
      %dma_wait3A_2463 = arith.constant 2 : i32
      %dma_wait3A_2464 = arith.constant 0 : i32
      %dma_wait3A_2465 = tpu.memref_slice %dma_wait3A_2462[%dma_wait3A_2463, %dma_wait3A_2464] : memref<16x64xf32, #tpu.memory_space<vmem>> -> memref<1x64xf32, #tpu.memory_space<vmem>>
      %dma_wait3A_2466 = arith.constant 0 : i32
      %dma_wait3A_2467 = arith.constant 0 : i32
      %dma_wait3A_2468 = tpu.memref_slice %arg5[%dma_wait3A_2466, %dma_wait3A_2467] : memref<100000x64xf32, #tpu.memory_space<hbm>> -> memref<1x64xf32, #tpu.memory_space<hbm>>
      %dma_wait3A_2469 = tpu.memref_slice %arg12[%dma_wait3A_2458] : memref<2x!tpu.dma_semaphore, #tpu.memory_space<semaphore_mem>> -> memref<1x!tpu.dma_semaphore, #tpu.memory_space<semaphore_mem>>
      %dma_wait3A_2470 = tpu.memref_squeeze %dma_wait3A_2469 : memref<1x!tpu.dma_semaphore, #tpu.memory_space<semaphore_mem>> -> memref<!tpu.dma_semaphore, #tpu.memory_space<semaphore_mem>>
      %dma_wait3A_2471 = arith.constant 0 : i32
      %dma_wait3A_2472 = arith.constant 0 : i32
      %dma_wait3A_2473 = tpu.memref_slice %arg10[%dma_wait3A_2457, %dma_wait3A_2471, %dma_wait3A_2472] : memref<2x16x64xf32, #tpu.memory_space<vmem>> -> memref<1x16x64xf32, #tpu.memory_space<vmem>>
      %dma_wait3A_2474 = tpu.memref_squeeze %dma_wait3A_2473 : memref<1x16x64xf32, #tpu.memory_space<vmem>> -> memref<16x64xf32, #tpu.memory_space<vmem>>
      %dma_wait3A_2475 = arith.constant 2 : i32
      %dma_wait3A_2476 = arith.constant 0 : i32
      %dma_wait3A_2477 = tpu.memref_slice %dma_wait3A_2474[%dma_wait3A_2475, %dma_wait3A_2476] : memref<16x64xf32, #tpu.memory_space<vmem>> -> memref<1x64xf32, #tpu.memory_space<vmem>>
      %dma_wait3A_2478 = arith.constant 0 : i32
      %dma_wait3A_2479 = arith.constant 0 : i32
      %dma_wait3A_2480 = tpu.memref_slice %arg5[%dma_wait3A_2478, %dma_wait3A_2479] : memref<100000x64xf32, #tpu.memory_space<hbm>> -> memref<1x64xf32, #tpu.memory_space<hbm>>
      tpu.wait_dma2 semaphore(%dma_wait3A_2470 : memref<!tpu.dma_semaphore, #tpu.memory_space<semaphore_mem>>) src(%dma_wait3A_2480 : memref<1x64xf32, #tpu.memory_space<hbm>>) dst(%dma_wait3A_2477 : memref<1x64xf32, #tpu.memory_space<vmem>>)
      %dma_wait3A_2481 = arith.constant 1 : i32
      %dma_wait3A_2482 = arith.constant 1 : i32
      %dma_wait3A_2483 = arith.constant 0 : i32
      %dma_wait3A_2484 = arith.constant 0 : i32
      %dma_wait3A_2485 = tpu.memref_slice %arg9[%dma_wait3A_2481, %dma_wait3A_2483, %dma_wait3A_2484] : memref<2x16x64xf32, #tpu.memory_space<vmem>> -> memref<1x16x64xf32, #tpu.memory_space<vmem>>
      %dma_wait3A_2486 = tpu.memref_squeeze %dma_wait3A_2485 : memref<1x16x64xf32, #tpu.memory_space<vmem>> -> memref<16x64xf32, #tpu.memory_space<vmem>>
      %dma_wait3A_2487 = arith.constant 3 : i32
      %dma_wait3A_2488 = arith.constant 0 : i32
      %dma_wait3A_2489 = tpu.memref_slice %dma_wait3A_2486[%dma_wait3A_2487, %dma_wait3A_2488] : memref<16x64xf32, #tpu.memory_space<vmem>> -> memref<1x64xf32, #tpu.memory_space<vmem>>
      %dma_wait3A_2490 = arith.constant 0 : i32
      %dma_wait3A_2491 = arith.constant 0 : i32
      %dma_wait3A_2492 = tpu.memref_slice %arg4[%dma_wait3A_2490, %dma_wait3A_2491] : memref<1000000x64xf32, #tpu.memory_space<hbm>> -> memref<1x64xf32, #tpu.memory_space<hbm>>
      %dma_wait3A_2493 = tpu.memref_slice %arg12[%dma_wait3A_2482] : memref<2x!tpu.dma_semaphore, #tpu.memory_space<semaphore_mem>> -> memref<1x!tpu.dma_semaphore, #tpu.memory_space<semaphore_mem>>
      %dma_wait3A_2494 = tpu.memref_squeeze %dma_wait3A_2493 : memref<1x!tpu.dma_semaphore, #tpu.memory_space<semaphore_mem>> -> memref<!tpu.dma_semaphore, #tpu.memory_space<semaphore_mem>>
      %dma_wait3A_2495 = arith.constant 0 : i32
      %dma_wait3A_2496 = arith.constant 0 : i32
      %dma_wait3A_2497 = tpu.memref_slice %arg9[%dma_wait3A_2481, %dma_wait3A_2495, %dma_wait3A_2496] : memref<2x16x64xf32, #tpu.memory_space<vmem>> -> memref<1x16x64xf32, #tpu.memory_space<vmem>>
      %dma_wait3A_2498 = tpu.memref_squeeze %dma_wait3A_2497 : memref<1x16x64xf32, #tpu.memory_space<vmem>> -> memref<16x64xf32, #tpu.memory_space<vmem>>
      %dma_wait3A_2499 = arith.constant 3 : i32
      %dma_wait3A_2500 = arith.constant 0 : i32
      %dma_wait3A_2501 = tpu.memref_slice %dma_wait3A_2498[%dma_wait3A_2499, %dma_wait3A_2500] : memref<16x64xf32, #tpu.memory_space<vmem>> -> memref<1x64xf32, #tpu.memory_space<vmem>>
      %dma_wait3A_2502 = arith.constant 0 : i32
      %dma_wait3A_2503 = arith.constant 0 : i32
      %dma_wait3A_2504 = tpu.memref_slice %arg4[%dma_wait3A_2502, %dma_wait3A_2503] : memref<1000000x64xf32, #tpu.memory_space<hbm>> -> memref<1x64xf32, #tpu.memory_space<hbm>>
      tpu.wait_dma2 semaphore(%dma_wait3A_2494 : memref<!tpu.dma_semaphore, #tpu.memory_space<semaphore_mem>>) src(%dma_wait3A_2504 : memref<1x64xf32, #tpu.memory_space<hbm>>) dst(%dma_wait3A_2501 : memref<1x64xf32, #tpu.memory_space<vmem>>)
      %dma_wait3A_2505 = arith.constant 1 : i32
      %dma_wait3A_2506 = arith.constant 1 : i32
      %dma_wait3A_2507 = arith.constant 0 : i32
      %dma_wait3A_2508 = arith.constant 0 : i32
      %dma_wait3A_2509 = tpu.memref_slice %arg10[%dma_wait3A_2505, %dma_wait3A_2507, %dma_wait3A_2508] : memref<2x16x64xf32, #tpu.memory_space<vmem>> -> memref<1x16x64xf32, #tpu.memory_space<vmem>>
      %dma_wait3A_2510 = tpu.memref_squeeze %dma_wait3A_2509 : memref<1x16x64xf32, #tpu.memory_space<vmem>> -> memref<16x64xf32, #tpu.memory_space<vmem>>
      %dma_wait3A_2511 = arith.constant 3 : i32
      %dma_wait3A_2512 = arith.constant 0 : i32
      %dma_wait3A_2513 = tpu.memref_slice %dma_wait3A_2510[%dma_wait3A_2511, %dma_wait3A_2512] : memref<16x64xf32, #tpu.memory_space<vmem>> -> memref<1x64xf32, #tpu.memory_space<vmem>>
      %dma_wait3A_2514 = arith.constant 0 : i32
      %dma_wait3A_2515 = arith.constant 0 : i32
      %dma_wait3A_2516 = tpu.memref_slice %arg5[%dma_wait3A_2514, %dma_wait3A_2515] : memref<100000x64xf32, #tpu.memory_space<hbm>> -> memref<1x64xf32, #tpu.memory_space<hbm>>
      %dma_wait3A_2517 = tpu.memref_slice %arg12[%dma_wait3A_2506] : memref<2x!tpu.dma_semaphore, #tpu.memory_space<semaphore_mem>> -> memref<1x!tpu.dma_semaphore, #tpu.memory_space<semaphore_mem>>
      %dma_wait3A_2518 = tpu.memref_squeeze %dma_wait3A_2517 : memref<1x!tpu.dma_semaphore, #tpu.memory_space<semaphore_mem>> -> memref<!tpu.dma_semaphore, #tpu.memory_space<semaphore_mem>>
      %dma_wait3A_2519 = arith.constant 0 : i32
      %dma_wait3A_2520 = arith.constant 0 : i32
      %dma_wait3A_2521 = tpu.memref_slice %arg10[%dma_wait3A_2505, %dma_wait3A_2519, %dma_wait3A_2520] : memref<2x16x64xf32, #tpu.memory_space<vmem>> -> memref<1x16x64xf32, #tpu.memory_space<vmem>>
      %dma_wait3A_2522 = tpu.memref_squeeze %dma_wait3A_2521 : memref<1x16x64xf32, #tpu.memory_space<vmem>> -> memref<16x64xf32, #tpu.memory_space<vmem>>
      %dma_wait3A_2523 = arith.constant 3 : i32
      %dma_wait3A_2524 = arith.constant 0 : i32
      %dma_wait3A_2525 = tpu.memref_slice %dma_wait3A_2522[%dma_wait3A_2523, %dma_wait3A_2524] : memref<16x64xf32, #tpu.memory_space<vmem>> -> memref<1x64xf32, #tpu.memory_space<vmem>>
      %dma_wait3A_2526 = arith.constant 0 : i32
      %dma_wait3A_2527 = arith.constant 0 : i32
      %dma_wait3A_2528 = tpu.memref_slice %arg5[%dma_wait3A_2526, %dma_wait3A_2527] : memref<100000x64xf32, #tpu.memory_space<hbm>> -> memref<1x64xf32, #tpu.memory_space<hbm>>
      tpu.wait_dma2 semaphore(%dma_wait3A_2518 : memref<!tpu.dma_semaphore, #tpu.memory_space<semaphore_mem>>) src(%dma_wait3A_2528 : memref<1x64xf32, #tpu.memory_space<hbm>>) dst(%dma_wait3A_2525 : memref<1x64xf32, #tpu.memory_space<vmem>>)
      %dma_wait3A_2529 = arith.constant 1 : i32
      %dma_wait3A_2530 = arith.constant 1 : i32
      %dma_wait3A_2531 = arith.constant 0 : i32
      %dma_wait3A_2532 = arith.constant 0 : i32
      %dma_wait3A_2533 = tpu.memref_slice %arg9[%dma_wait3A_2529, %dma_wait3A_2531, %dma_wait3A_2532] : memref<2x16x64xf32, #tpu.memory_space<vmem>> -> memref<1x16x64xf32, #tpu.memory_space<vmem>>
      %dma_wait3A_2534 = tpu.memref_squeeze %dma_wait3A_2533 : memref<1x16x64xf32, #tpu.memory_space<vmem>> -> memref<16x64xf32, #tpu.memory_space<vmem>>
      %dma_wait3A_2535 = arith.constant 4 : i32
      %dma_wait3A_2536 = arith.constant 0 : i32
      %dma_wait3A_2537 = tpu.memref_slice %dma_wait3A_2534[%dma_wait3A_2535, %dma_wait3A_2536] : memref<16x64xf32, #tpu.memory_space<vmem>> -> memref<1x64xf32, #tpu.memory_space<vmem>>
      %dma_wait3A_2538 = arith.constant 0 : i32
      %dma_wait3A_2539 = arith.constant 0 : i32
      %dma_wait3A_2540 = tpu.memref_slice %arg4[%dma_wait3A_2538, %dma_wait3A_2539] : memref<1000000x64xf32, #tpu.memory_space<hbm>> -> memref<1x64xf32, #tpu.memory_space<hbm>>
      %dma_wait3A_2541 = tpu.memref_slice %arg12[%dma_wait3A_2530] : memref<2x!tpu.dma_semaphore, #tpu.memory_space<semaphore_mem>> -> memref<1x!tpu.dma_semaphore, #tpu.memory_space<semaphore_mem>>
      %dma_wait3A_2542 = tpu.memref_squeeze %dma_wait3A_2541 : memref<1x!tpu.dma_semaphore, #tpu.memory_space<semaphore_mem>> -> memref<!tpu.dma_semaphore, #tpu.memory_space<semaphore_mem>>
      %dma_wait3A_2543 = arith.constant 0 : i32
      %dma_wait3A_2544 = arith.constant 0 : i32
      %dma_wait3A_2545 = tpu.memref_slice %arg9[%dma_wait3A_2529, %dma_wait3A_2543, %dma_wait3A_2544] : memref<2x16x64xf32, #tpu.memory_space<vmem>> -> memref<1x16x64xf32, #tpu.memory_space<vmem>>
      %dma_wait3A_2546 = tpu.memref_squeeze %dma_wait3A_2545 : memref<1x16x64xf32, #tpu.memory_space<vmem>> -> memref<16x64xf32, #tpu.memory_space<vmem>>
      %dma_wait3A_2547 = arith.constant 4 : i32
      %dma_wait3A_2548 = arith.constant 0 : i32
      %dma_wait3A_2549 = tpu.memref_slice %dma_wait3A_2546[%dma_wait3A_2547, %dma_wait3A_2548] : memref<16x64xf32, #tpu.memory_space<vmem>> -> memref<1x64xf32, #tpu.memory_space<vmem>>
      %dma_wait3A_2550 = arith.constant 0 : i32
      %dma_wait3A_2551 = arith.constant 0 : i32
      %dma_wait3A_2552 = tpu.memref_slice %arg4[%dma_wait3A_2550, %dma_wait3A_2551] : memref<1000000x64xf32, #tpu.memory_space<hbm>> -> memref<1x64xf32, #tpu.memory_space<hbm>>
      tpu.wait_dma2 semaphore(%dma_wait3A_2542 : memref<!tpu.dma_semaphore, #tpu.memory_space<semaphore_mem>>) src(%dma_wait3A_2552 : memref<1x64xf32, #tpu.memory_space<hbm>>) dst(%dma_wait3A_2549 : memref<1x64xf32, #tpu.memory_space<vmem>>)
      %dma_wait3A_2553 = arith.constant 1 : i32
      %dma_wait3A_2554 = arith.constant 1 : i32
      %dma_wait3A_2555 = arith.constant 0 : i32
      %dma_wait3A_2556 = arith.constant 0 : i32
      %dma_wait3A_2557 = tpu.memref_slice %arg10[%dma_wait3A_2553, %dma_wait3A_2555, %dma_wait3A_2556] : memref<2x16x64xf32, #tpu.memory_space<vmem>> -> memref<1x16x64xf32, #tpu.memory_space<vmem>>
      %dma_wait3A_2558 = tpu.memref_squeeze %dma_wait3A_2557 : memref<1x16x64xf32, #tpu.memory_space<vmem>> -> memref<16x64xf32, #tpu.memory_space<vmem>>
      %dma_wait3A_2559 = arith.constant 4 : i32
      %dma_wait3A_2560 = arith.constant 0 : i32
      %dma_wait3A_2561 = tpu.memref_slice %dma_wait3A_2558[%dma_wait3A_2559, %dma_wait3A_2560] : memref<16x64xf32, #tpu.memory_space<vmem>> -> memref<1x64xf32, #tpu.memory_space<vmem>>
      %dma_wait3A_2562 = arith.constant 0 : i32
      %dma_wait3A_2563 = arith.constant 0 : i32
      %dma_wait3A_2564 = tpu.memref_slice %arg5[%dma_wait3A_2562, %dma_wait3A_2563] : memref<100000x64xf32, #tpu.memory_space<hbm>> -> memref<1x64xf32, #tpu.memory_space<hbm>>
      %dma_wait3A_2565 = tpu.memref_slice %arg12[%dma_wait3A_2554] : memref<2x!tpu.dma_semaphore, #tpu.memory_space<semaphore_mem>> -> memref<1x!tpu.dma_semaphore, #tpu.memory_space<semaphore_mem>>
      %dma_wait3A_2566 = tpu.memref_squeeze %dma_wait3A_2565 : memref<1x!tpu.dma_semaphore, #tpu.memory_space<semaphore_mem>> -> memref<!tpu.dma_semaphore, #tpu.memory_space<semaphore_mem>>
      %dma_wait3A_2567 = arith.constant 0 : i32
      %dma_wait3A_2568 = arith.constant 0 : i32
      %dma_wait3A_2569 = tpu.memref_slice %arg10[%dma_wait3A_2553, %dma_wait3A_2567, %dma_wait3A_2568] : memref<2x16x64xf32, #tpu.memory_space<vmem>> -> memref<1x16x64xf32, #tpu.memory_space<vmem>>
      %dma_wait3A_2570 = tpu.memref_squeeze %dma_wait3A_2569 : memref<1x16x64xf32, #tpu.memory_space<vmem>> -> memref<16x64xf32, #tpu.memory_space<vmem>>
      %dma_wait3A_2571 = arith.constant 4 : i32
      %dma_wait3A_2572 = arith.constant 0 : i32
      %dma_wait3A_2573 = tpu.memref_slice %dma_wait3A_2570[%dma_wait3A_2571, %dma_wait3A_2572] : memref<16x64xf32, #tpu.memory_space<vmem>> -> memref<1x64xf32, #tpu.memory_space<vmem>>
      %dma_wait3A_2574 = arith.constant 0 : i32
      %dma_wait3A_2575 = arith.constant 0 : i32
      %dma_wait3A_2576 = tpu.memref_slice %arg5[%dma_wait3A_2574, %dma_wait3A_2575] : memref<100000x64xf32, #tpu.memory_space<hbm>> -> memref<1x64xf32, #tpu.memory_space<hbm>>
      tpu.wait_dma2 semaphore(%dma_wait3A_2566 : memref<!tpu.dma_semaphore, #tpu.memory_space<semaphore_mem>>) src(%dma_wait3A_2576 : memref<1x64xf32, #tpu.memory_space<hbm>>) dst(%dma_wait3A_2573 : memref<1x64xf32, #tpu.memory_space<vmem>>)
      %dma_wait3A_2577 = arith.constant 1 : i32
      %dma_wait3A_2578 = arith.constant 1 : i32
      %dma_wait3A_2579 = arith.constant 0 : i32
      %dma_wait3A_2580 = arith.constant 0 : i32
      %dma_wait3A_2581 = tpu.memref_slice %arg9[%dma_wait3A_2577, %dma_wait3A_2579, %dma_wait3A_2580] : memref<2x16x64xf32, #tpu.memory_space<vmem>> -> memref<1x16x64xf32, #tpu.memory_space<vmem>>
      %dma_wait3A_2582 = tpu.memref_squeeze %dma_wait3A_2581 : memref<1x16x64xf32, #tpu.memory_space<vmem>> -> memref<16x64xf32, #tpu.memory_space<vmem>>
      %dma_wait3A_2583 = arith.constant 5 : i32
      %dma_wait3A_2584 = arith.constant 0 : i32
      %dma_wait3A_2585 = tpu.memref_slice %dma_wait3A_2582[%dma_wait3A_2583, %dma_wait3A_2584] : memref<16x64xf32, #tpu.memory_space<vmem>> -> memref<1x64xf32, #tpu.memory_space<vmem>>
      %dma_wait3A_2586 = arith.constant 0 : i32
      %dma_wait3A_2587 = arith.constant 0 : i32
      %dma_wait3A_2588 = tpu.memref_slice %arg4[%dma_wait3A_2586, %dma_wait3A_2587] : memref<1000000x64xf32, #tpu.memory_space<hbm>> -> memref<1x64xf32, #tpu.memory_space<hbm>>
      %dma_wait3A_2589 = tpu.memref_slice %arg12[%dma_wait3A_2578] : memref<2x!tpu.dma_semaphore, #tpu.memory_space<semaphore_mem>> -> memref<1x!tpu.dma_semaphore, #tpu.memory_space<semaphore_mem>>
      %dma_wait3A_2590 = tpu.memref_squeeze %dma_wait3A_2589 : memref<1x!tpu.dma_semaphore, #tpu.memory_space<semaphore_mem>> -> memref<!tpu.dma_semaphore, #tpu.memory_space<semaphore_mem>>
      %dma_wait3A_2591 = arith.constant 0 : i32
      %dma_wait3A_2592 = arith.constant 0 : i32
      %dma_wait3A_2593 = tpu.memref_slice %arg9[%dma_wait3A_2577, %dma_wait3A_2591, %dma_wait3A_2592] : memref<2x16x64xf32, #tpu.memory_space<vmem>> -> memref<1x16x64xf32, #tpu.memory_space<vmem>>
      %dma_wait3A_2594 = tpu.memref_squeeze %dma_wait3A_2593 : memref<1x16x64xf32, #tpu.memory_space<vmem>> -> memref<16x64xf32, #tpu.memory_space<vmem>>
      %dma_wait3A_2595 = arith.constant 5 : i32
      %dma_wait3A_2596 = arith.constant 0 : i32
      %dma_wait3A_2597 = tpu.memref_slice %dma_wait3A_2594[%dma_wait3A_2595, %dma_wait3A_2596] : memref<16x64xf32, #tpu.memory_space<vmem>> -> memref<1x64xf32, #tpu.memory_space<vmem>>
      %dma_wait3A_2598 = arith.constant 0 : i32
      %dma_wait3A_2599 = arith.constant 0 : i32
      %dma_wait3A_2600 = tpu.memref_slice %arg4[%dma_wait3A_2598, %dma_wait3A_2599] : memref<1000000x64xf32, #tpu.memory_space<hbm>> -> memref<1x64xf32, #tpu.memory_space<hbm>>
      tpu.wait_dma2 semaphore(%dma_wait3A_2590 : memref<!tpu.dma_semaphore, #tpu.memory_space<semaphore_mem>>) src(%dma_wait3A_2600 : memref<1x64xf32, #tpu.memory_space<hbm>>) dst(%dma_wait3A_2597 : memref<1x64xf32, #tpu.memory_space<vmem>>)
      %dma_wait3A_2601 = arith.constant 1 : i32
      %dma_wait3A_2602 = arith.constant 1 : i32
      %dma_wait3A_2603 = arith.constant 0 : i32
      %dma_wait3A_2604 = arith.constant 0 : i32
      %dma_wait3A_2605 = tpu.memref_slice %arg10[%dma_wait3A_2601, %dma_wait3A_2603, %dma_wait3A_2604] : memref<2x16x64xf32, #tpu.memory_space<vmem>> -> memref<1x16x64xf32, #tpu.memory_space<vmem>>
      %dma_wait3A_2606 = tpu.memref_squeeze %dma_wait3A_2605 : memref<1x16x64xf32, #tpu.memory_space<vmem>> -> memref<16x64xf32, #tpu.memory_space<vmem>>
      %dma_wait3A_2607 = arith.constant 5 : i32
      %dma_wait3A_2608 = arith.constant 0 : i32
      %dma_wait3A_2609 = tpu.memref_slice %dma_wait3A_2606[%dma_wait3A_2607, %dma_wait3A_2608] : memref<16x64xf32, #tpu.memory_space<vmem>> -> memref<1x64xf32, #tpu.memory_space<vmem>>
      %dma_wait3A_2610 = arith.constant 0 : i32
      %dma_wait3A_2611 = arith.constant 0 : i32
      %dma_wait3A_2612 = tpu.memref_slice %arg5[%dma_wait3A_2610, %dma_wait3A_2611] : memref<100000x64xf32, #tpu.memory_space<hbm>> -> memref<1x64xf32, #tpu.memory_space<hbm>>
      %dma_wait3A_2613 = tpu.memref_slice %arg12[%dma_wait3A_2602] : memref<2x!tpu.dma_semaphore, #tpu.memory_space<semaphore_mem>> -> memref<1x!tpu.dma_semaphore, #tpu.memory_space<semaphore_mem>>
      %dma_wait3A_2614 = tpu.memref_squeeze %dma_wait3A_2613 : memref<1x!tpu.dma_semaphore, #tpu.memory_space<semaphore_mem>> -> memref<!tpu.dma_semaphore, #tpu.memory_space<semaphore_mem>>
      %dma_wait3A_2615 = arith.constant 0 : i32
      %dma_wait3A_2616 = arith.constant 0 : i32
      %dma_wait3A_2617 = tpu.memref_slice %arg10[%dma_wait3A_2601, %dma_wait3A_2615, %dma_wait3A_2616] : memref<2x16x64xf32, #tpu.memory_space<vmem>> -> memref<1x16x64xf32, #tpu.memory_space<vmem>>
      %dma_wait3A_2618 = tpu.memref_squeeze %dma_wait3A_2617 : memref<1x16x64xf32, #tpu.memory_space<vmem>> -> memref<16x64xf32, #tpu.memory_space<vmem>>
      %dma_wait3A_2619 = arith.constant 5 : i32
      %dma_wait3A_2620 = arith.constant 0 : i32
      %dma_wait3A_2621 = tpu.memref_slice %dma_wait3A_2618[%dma_wait3A_2619, %dma_wait3A_2620] : memref<16x64xf32, #tpu.memory_space<vmem>> -> memref<1x64xf32, #tpu.memory_space<vmem>>
      %dma_wait3A_2622 = arith.constant 0 : i32
      %dma_wait3A_2623 = arith.constant 0 : i32
      %dma_wait3A_2624 = tpu.memref_slice %arg5[%dma_wait3A_2622, %dma_wait3A_2623] : memref<100000x64xf32, #tpu.memory_space<hbm>> -> memref<1x64xf32, #tpu.memory_space<hbm>>
      tpu.wait_dma2 semaphore(%dma_wait3A_2614 : memref<!tpu.dma_semaphore, #tpu.memory_space<semaphore_mem>>) src(%dma_wait3A_2624 : memref<1x64xf32, #tpu.memory_space<hbm>>) dst(%dma_wait3A_2621 : memref<1x64xf32, #tpu.memory_space<vmem>>)
      %dma_wait3A_2625 = arith.constant 1 : i32
      %dma_wait3A_2626 = arith.constant 1 : i32
      %dma_wait3A_2627 = arith.constant 0 : i32
      %dma_wait3A_2628 = arith.constant 0 : i32
      %dma_wait3A_2629 = tpu.memref_slice %arg9[%dma_wait3A_2625, %dma_wait3A_2627, %dma_wait3A_2628] : memref<2x16x64xf32, #tpu.memory_space<vmem>> -> memref<1x16x64xf32, #tpu.memory_space<vmem>>
      %dma_wait3A_2630 = tpu.memref_squeeze %dma_wait3A_2629 : memref<1x16x64xf32, #tpu.memory_space<vmem>> -> memref<16x64xf32, #tpu.memory_space<vmem>>
      %dma_wait3A_2631 = arith.constant 6 : i32
      %dma_wait3A_2632 = arith.constant 0 : i32
      %dma_wait3A_2633 = tpu.memref_slice %dma_wait3A_2630[%dma_wait3A_2631, %dma_wait3A_2632] : memref<16x64xf32, #tpu.memory_space<vmem>> -> memref<1x64xf32, #tpu.memory_space<vmem>>
      %dma_wait3A_2634 = arith.constant 0 : i32
      %dma_wait3A_2635 = arith.constant 0 : i32
      %dma_wait3A_2636 = tpu.memref_slice %arg4[%dma_wait3A_2634, %dma_wait3A_2635] : memref<1000000x64xf32, #tpu.memory_space<hbm>> -> memref<1x64xf32, #tpu.memory_space<hbm>>
      %dma_wait3A_2637 = tpu.memref_slice %arg12[%dma_wait3A_2626] : memref<2x!tpu.dma_semaphore, #tpu.memory_space<semaphore_mem>> -> memref<1x!tpu.dma_semaphore, #tpu.memory_space<semaphore_mem>>
      %dma_wait3A_2638 = tpu.memref_squeeze %dma_wait3A_2637 : memref<1x!tpu.dma_semaphore, #tpu.memory_space<semaphore_mem>> -> memref<!tpu.dma_semaphore, #tpu.memory_space<semaphore_mem>>
      %dma_wait3A_2639 = arith.constant 0 : i32
      %dma_wait3A_2640 = arith.constant 0 : i32
      %dma_wait3A_2641 = tpu.memref_slice %arg9[%dma_wait3A_2625, %dma_wait3A_2639, %dma_wait3A_2640] : memref<2x16x64xf32, #tpu.memory_space<vmem>> -> memref<1x16x64xf32, #tpu.memory_space<vmem>>
      %dma_wait3A_2642 = tpu.memref_squeeze %dma_wait3A_2641 : memref<1x16x64xf32, #tpu.memory_space<vmem>> -> memref<16x64xf32, #tpu.memory_space<vmem>>
      %dma_wait3A_2643 = arith.constant 6 : i32
      %dma_wait3A_2644 = arith.constant 0 : i32
      %dma_wait3A_2645 = tpu.memref_slice %dma_wait3A_2642[%dma_wait3A_2643, %dma_wait3A_2644] : memref<16x64xf32, #tpu.memory_space<vmem>> -> memref<1x64xf32, #tpu.memory_space<vmem>>
      %dma_wait3A_2646 = arith.constant 0 : i32
      %dma_wait3A_2647 = arith.constant 0 : i32
      %dma_wait3A_2648 = tpu.memref_slice %arg4[%dma_wait3A_2646, %dma_wait3A_2647] : memref<1000000x64xf32, #tpu.memory_space<hbm>> -> memref<1x64xf32, #tpu.memory_space<hbm>>
      tpu.wait_dma2 semaphore(%dma_wait3A_2638 : memref<!tpu.dma_semaphore, #tpu.memory_space<semaphore_mem>>) src(%dma_wait3A_2648 : memref<1x64xf32, #tpu.memory_space<hbm>>) dst(%dma_wait3A_2645 : memref<1x64xf32, #tpu.memory_space<vmem>>)
      %dma_wait3A_2649 = arith.constant 1 : i32
      %dma_wait3A_2650 = arith.constant 1 : i32
      %dma_wait3A_2651 = arith.constant 0 : i32
      %dma_wait3A_2652 = arith.constant 0 : i32
      %dma_wait3A_2653 = tpu.memref_slice %arg10[%dma_wait3A_2649, %dma_wait3A_2651, %dma_wait3A_2652] : memref<2x16x64xf32, #tpu.memory_space<vmem>> -> memref<1x16x64xf32, #tpu.memory_space<vmem>>
      %dma_wait3A_2654 = tpu.memref_squeeze %dma_wait3A_2653 : memref<1x16x64xf32, #tpu.memory_space<vmem>> -> memref<16x64xf32, #tpu.memory_space<vmem>>
      %dma_wait3A_2655 = arith.constant 6 : i32
      %dma_wait3A_2656 = arith.constant 0 : i32
      %dma_wait3A_2657 = tpu.memref_slice %dma_wait3A_2654[%dma_wait3A_2655, %dma_wait3A_2656] : memref<16x64xf32, #tpu.memory_space<vmem>> -> memref<1x64xf32, #tpu.memory_space<vmem>>
      %dma_wait3A_2658 = arith.constant 0 : i32
      %dma_wait3A_2659 = arith.constant 0 : i32
      %dma_wait3A_2660 = tpu.memref_slice %arg5[%dma_wait3A_2658, %dma_wait3A_2659] : memref<100000x64xf32, #tpu.memory_space<hbm>> -> memref<1x64xf32, #tpu.memory_space<hbm>>
      %dma_wait3A_2661 = tpu.memref_slice %arg12[%dma_wait3A_2650] : memref<2x!tpu.dma_semaphore, #tpu.memory_space<semaphore_mem>> -> memref<1x!tpu.dma_semaphore, #tpu.memory_space<semaphore_mem>>
      %dma_wait3A_2662 = tpu.memref_squeeze %dma_wait3A_2661 : memref<1x!tpu.dma_semaphore, #tpu.memory_space<semaphore_mem>> -> memref<!tpu.dma_semaphore, #tpu.memory_space<semaphore_mem>>
      %dma_wait3A_2663 = arith.constant 0 : i32
      %dma_wait3A_2664 = arith.constant 0 : i32
      %dma_wait3A_2665 = tpu.memref_slice %arg10[%dma_wait3A_2649, %dma_wait3A_2663, %dma_wait3A_2664] : memref<2x16x64xf32, #tpu.memory_space<vmem>> -> memref<1x16x64xf32, #tpu.memory_space<vmem>>
      %dma_wait3A_2666 = tpu.memref_squeeze %dma_wait3A_2665 : memref<1x16x64xf32, #tpu.memory_space<vmem>> -> memref<16x64xf32, #tpu.memory_space<vmem>>
      %dma_wait3A_2667 = arith.constant 6 : i32
      %dma_wait3A_2668 = arith.constant 0 : i32
      %dma_wait3A_2669 = tpu.memref_slice %dma_wait3A_2666[%dma_wait3A_2667, %dma_wait3A_2668] : memref<16x64xf32, #tpu.memory_space<vmem>> -> memref<1x64xf32, #tpu.memory_space<vmem>>
      %dma_wait3A_2670 = arith.constant 0 : i32
      %dma_wait3A_2671 = arith.constant 0 : i32
      %dma_wait3A_2672 = tpu.memref_slice %arg5[%dma_wait3A_2670, %dma_wait3A_2671] : memref<100000x64xf32, #tpu.memory_space<hbm>> -> memref<1x64xf32, #tpu.memory_space<hbm>>
      tpu.wait_dma2 semaphore(%dma_wait3A_2662 : memref<!tpu.dma_semaphore, #tpu.memory_space<semaphore_mem>>) src(%dma_wait3A_2672 : memref<1x64xf32, #tpu.memory_space<hbm>>) dst(%dma_wait3A_2669 : memref<1x64xf32, #tpu.memory_space<vmem>>)
      %dma_wait3A_2673 = arith.constant 1 : i32
      %dma_wait3A_2674 = arith.constant 1 : i32
      %dma_wait3A_2675 = arith.constant 0 : i32
      %dma_wait3A_2676 = arith.constant 0 : i32
      %dma_wait3A_2677 = tpu.memref_slice %arg9[%dma_wait3A_2673, %dma_wait3A_2675, %dma_wait3A_2676] : memref<2x16x64xf32, #tpu.memory_space<vmem>> -> memref<1x16x64xf32, #tpu.memory_space<vmem>>
      %dma_wait3A_2678 = tpu.memref_squeeze %dma_wait3A_2677 : memref<1x16x64xf32, #tpu.memory_space<vmem>> -> memref<16x64xf32, #tpu.memory_space<vmem>>
      %dma_wait3A_2679 = arith.constant 7 : i32
      %dma_wait3A_2680 = arith.constant 0 : i32
      %dma_wait3A_2681 = tpu.memref_slice %dma_wait3A_2678[%dma_wait3A_2679, %dma_wait3A_2680] : memref<16x64xf32, #tpu.memory_space<vmem>> -> memref<1x64xf32, #tpu.memory_space<vmem>>
      %dma_wait3A_2682 = arith.constant 0 : i32
      %dma_wait3A_2683 = arith.constant 0 : i32
      %dma_wait3A_2684 = tpu.memref_slice %arg4[%dma_wait3A_2682, %dma_wait3A_2683] : memref<1000000x64xf32, #tpu.memory_space<hbm>> -> memref<1x64xf32, #tpu.memory_space<hbm>>
      %dma_wait3A_2685 = tpu.memref_slice %arg12[%dma_wait3A_2674] : memref<2x!tpu.dma_semaphore, #tpu.memory_space<semaphore_mem>> -> memref<1x!tpu.dma_semaphore, #tpu.memory_space<semaphore_mem>>
      %dma_wait3A_2686 = tpu.memref_squeeze %dma_wait3A_2685 : memref<1x!tpu.dma_semaphore, #tpu.memory_space<semaphore_mem>> -> memref<!tpu.dma_semaphore, #tpu.memory_space<semaphore_mem>>
      %dma_wait3A_2687 = arith.constant 0 : i32
      %dma_wait3A_2688 = arith.constant 0 : i32
      %dma_wait3A_2689 = tpu.memref_slice %arg9[%dma_wait3A_2673, %dma_wait3A_2687, %dma_wait3A_2688] : memref<2x16x64xf32, #tpu.memory_space<vmem>> -> memref<1x16x64xf32, #tpu.memory_space<vmem>>
      %dma_wait3A_2690 = tpu.memref_squeeze %dma_wait3A_2689 : memref<1x16x64xf32, #tpu.memory_space<vmem>> -> memref<16x64xf32, #tpu.memory_space<vmem>>
      %dma_wait3A_2691 = arith.constant 7 : i32
      %dma_wait3A_2692 = arith.constant 0 : i32
      %dma_wait3A_2693 = tpu.memref_slice %dma_wait3A_2690[%dma_wait3A_2691, %dma_wait3A_2692] : memref<16x64xf32, #tpu.memory_space<vmem>> -> memref<1x64xf32, #tpu.memory_space<vmem>>
      %dma_wait3A_2694 = arith.constant 0 : i32
      %dma_wait3A_2695 = arith.constant 0 : i32
      %dma_wait3A_2696 = tpu.memref_slice %arg4[%dma_wait3A_2694, %dma_wait3A_2695] : memref<1000000x64xf32, #tpu.memory_space<hbm>> -> memref<1x64xf32, #tpu.memory_space<hbm>>
      tpu.wait_dma2 semaphore(%dma_wait3A_2686 : memref<!tpu.dma_semaphore, #tpu.memory_space<semaphore_mem>>) src(%dma_wait3A_2696 : memref<1x64xf32, #tpu.memory_space<hbm>>) dst(%dma_wait3A_2693 : memref<1x64xf32, #tpu.memory_space<vmem>>)
      %dma_wait3A_2697 = arith.constant 1 : i32
      %dma_wait3A_2698 = arith.constant 1 : i32
      %dma_wait3A_2699 = arith.constant 0 : i32
      %dma_wait3A_2700 = arith.constant 0 : i32
      %dma_wait3A_2701 = tpu.memref_slice %arg10[%dma_wait3A_2697, %dma_wait3A_2699, %dma_wait3A_2700] : memref<2x16x64xf32, #tpu.memory_space<vmem>> -> memref<1x16x64xf32, #tpu.memory_space<vmem>>
      %dma_wait3A_2702 = tpu.memref_squeeze %dma_wait3A_2701 : memref<1x16x64xf32, #tpu.memory_space<vmem>> -> memref<16x64xf32, #tpu.memory_space<vmem>>
      %dma_wait3A_2703 = arith.constant 7 : i32
      %dma_wait3A_2704 = arith.constant 0 : i32
      %dma_wait3A_2705 = tpu.memref_slice %dma_wait3A_2702[%dma_wait3A_2703, %dma_wait3A_2704] : memref<16x64xf32, #tpu.memory_space<vmem>> -> memref<1x64xf32, #tpu.memory_space<vmem>>
      %dma_wait3A_2706 = arith.constant 0 : i32
      %dma_wait3A_2707 = arith.constant 0 : i32
      %dma_wait3A_2708 = tpu.memref_slice %arg5[%dma_wait3A_2706, %dma_wait3A_2707] : memref<100000x64xf32, #tpu.memory_space<hbm>> -> memref<1x64xf32, #tpu.memory_space<hbm>>
      %dma_wait3A_2709 = tpu.memref_slice %arg12[%dma_wait3A_2698] : memref<2x!tpu.dma_semaphore, #tpu.memory_space<semaphore_mem>> -> memref<1x!tpu.dma_semaphore, #tpu.memory_space<semaphore_mem>>
      %dma_wait3A_2710 = tpu.memref_squeeze %dma_wait3A_2709 : memref<1x!tpu.dma_semaphore, #tpu.memory_space<semaphore_mem>> -> memref<!tpu.dma_semaphore, #tpu.memory_space<semaphore_mem>>
      %dma_wait3A_2711 = arith.constant 0 : i32
      %dma_wait3A_2712 = arith.constant 0 : i32
      %dma_wait3A_2713 = tpu.memref_slice %arg10[%dma_wait3A_2697, %dma_wait3A_2711, %dma_wait3A_2712] : memref<2x16x64xf32, #tpu.memory_space<vmem>> -> memref<1x16x64xf32, #tpu.memory_space<vmem>>
      %dma_wait3A_2714 = tpu.memref_squeeze %dma_wait3A_2713 : memref<1x16x64xf32, #tpu.memory_space<vmem>> -> memref<16x64xf32, #tpu.memory_space<vmem>>
      %dma_wait3A_2715 = arith.constant 7 : i32
      %dma_wait3A_2716 = arith.constant 0 : i32
      %dma_wait3A_2717 = tpu.memref_slice %dma_wait3A_2714[%dma_wait3A_2715, %dma_wait3A_2716] : memref<16x64xf32, #tpu.memory_space<vmem>> -> memref<1x64xf32, #tpu.memory_space<vmem>>
      %dma_wait3A_2718 = arith.constant 0 : i32
      %dma_wait3A_2719 = arith.constant 0 : i32
      %dma_wait3A_2720 = tpu.memref_slice %arg5[%dma_wait3A_2718, %dma_wait3A_2719] : memref<100000x64xf32, #tpu.memory_space<hbm>> -> memref<1x64xf32, #tpu.memory_space<hbm>>
      tpu.wait_dma2 semaphore(%dma_wait3A_2710 : memref<!tpu.dma_semaphore, #tpu.memory_space<semaphore_mem>>) src(%dma_wait3A_2720 : memref<1x64xf32, #tpu.memory_space<hbm>>) dst(%dma_wait3A_2717 : memref<1x64xf32, #tpu.memory_space<vmem>>)
      %dma_wait3A_2721 = arith.constant 1 : i32
      %dma_wait3A_2722 = arith.constant 1 : i32
      %dma_wait3A_2723 = arith.constant 0 : i32
      %dma_wait3A_2724 = arith.constant 0 : i32
      %dma_wait3A_2725 = tpu.memref_slice %arg9[%dma_wait3A_2721, %dma_wait3A_2723, %dma_wait3A_2724] : memref<2x16x64xf32, #tpu.memory_space<vmem>> -> memref<1x16x64xf32, #tpu.memory_space<vmem>>
      %dma_wait3A_2726 = tpu.memref_squeeze %dma_wait3A_2725 : memref<1x16x64xf32, #tpu.memory_space<vmem>> -> memref<16x64xf32, #tpu.memory_space<vmem>>
      %dma_wait3A_2727 = arith.constant 8 : i32
      %dma_wait3A_2728 = arith.constant 0 : i32
      %dma_wait3A_2729 = tpu.memref_slice %dma_wait3A_2726[%dma_wait3A_2727, %dma_wait3A_2728] : memref<16x64xf32, #tpu.memory_space<vmem>> -> memref<1x64xf32, #tpu.memory_space<vmem>>
      %dma_wait3A_2730 = arith.constant 0 : i32
      %dma_wait3A_2731 = arith.constant 0 : i32
      %dma_wait3A_2732 = tpu.memref_slice %arg4[%dma_wait3A_2730, %dma_wait3A_2731] : memref<1000000x64xf32, #tpu.memory_space<hbm>> -> memref<1x64xf32, #tpu.memory_space<hbm>>
      %dma_wait3A_2733 = tpu.memref_slice %arg12[%dma_wait3A_2722] : memref<2x!tpu.dma_semaphore, #tpu.memory_space<semaphore_mem>> -> memref<1x!tpu.dma_semaphore, #tpu.memory_space<semaphore_mem>>
      %dma_wait3A_2734 = tpu.memref_squeeze %dma_wait3A_2733 : memref<1x!tpu.dma_semaphore, #tpu.memory_space<semaphore_mem>> -> memref<!tpu.dma_semaphore, #tpu.memory_space<semaphore_mem>>
      %dma_wait3A_2735 = arith.constant 0 : i32
      %dma_wait3A_2736 = arith.constant 0 : i32
      %dma_wait3A_2737 = tpu.memref_slice %arg9[%dma_wait3A_2721, %dma_wait3A_2735, %dma_wait3A_2736] : memref<2x16x64xf32, #tpu.memory_space<vmem>> -> memref<1x16x64xf32, #tpu.memory_space<vmem>>
      %dma_wait3A_2738 = tpu.memref_squeeze %dma_wait3A_2737 : memref<1x16x64xf32, #tpu.memory_space<vmem>> -> memref<16x64xf32, #tpu.memory_space<vmem>>
      %dma_wait3A_2739 = arith.constant 8 : i32
      %dma_wait3A_2740 = arith.constant 0 : i32
      %dma_wait3A_2741 = tpu.memref_slice %dma_wait3A_2738[%dma_wait3A_2739, %dma_wait3A_2740] : memref<16x64xf32, #tpu.memory_space<vmem>> -> memref<1x64xf32, #tpu.memory_space<vmem>>
      %dma_wait3A_2742 = arith.constant 0 : i32
      %dma_wait3A_2743 = arith.constant 0 : i32
      %dma_wait3A_2744 = tpu.memref_slice %arg4[%dma_wait3A_2742, %dma_wait3A_2743] : memref<1000000x64xf32, #tpu.memory_space<hbm>> -> memref<1x64xf32, #tpu.memory_space<hbm>>
      tpu.wait_dma2 semaphore(%dma_wait3A_2734 : memref<!tpu.dma_semaphore, #tpu.memory_space<semaphore_mem>>) src(%dma_wait3A_2744 : memref<1x64xf32, #tpu.memory_space<hbm>>) dst(%dma_wait3A_2741 : memref<1x64xf32, #tpu.memory_space<vmem>>)
      %dma_wait3A_2745 = arith.constant 1 : i32
      %dma_wait3A_2746 = arith.constant 1 : i32
      %dma_wait3A_2747 = arith.constant 0 : i32
      %dma_wait3A_2748 = arith.constant 0 : i32
      %dma_wait3A_2749 = tpu.memref_slice %arg10[%dma_wait3A_2745, %dma_wait3A_2747, %dma_wait3A_2748] : memref<2x16x64xf32, #tpu.memory_space<vmem>> -> memref<1x16x64xf32, #tpu.memory_space<vmem>>
      %dma_wait3A_2750 = tpu.memref_squeeze %dma_wait3A_2749 : memref<1x16x64xf32, #tpu.memory_space<vmem>> -> memref<16x64xf32, #tpu.memory_space<vmem>>
      %dma_wait3A_2751 = arith.constant 8 : i32
      %dma_wait3A_2752 = arith.constant 0 : i32
      %dma_wait3A_2753 = tpu.memref_slice %dma_wait3A_2750[%dma_wait3A_2751, %dma_wait3A_2752] : memref<16x64xf32, #tpu.memory_space<vmem>> -> memref<1x64xf32, #tpu.memory_space<vmem>>
      %dma_wait3A_2754 = arith.constant 0 : i32
      %dma_wait3A_2755 = arith.constant 0 : i32
      %dma_wait3A_2756 = tpu.memref_slice %arg5[%dma_wait3A_2754, %dma_wait3A_2755] : memref<100000x64xf32, #tpu.memory_space<hbm>> -> memref<1x64xf32, #tpu.memory_space<hbm>>
      %dma_wait3A_2757 = tpu.memref_slice %arg12[%dma_wait3A_2746] : memref<2x!tpu.dma_semaphore, #tpu.memory_space<semaphore_mem>> -> memref<1x!tpu.dma_semaphore, #tpu.memory_space<semaphore_mem>>
      %dma_wait3A_2758 = tpu.memref_squeeze %dma_wait3A_2757 : memref<1x!tpu.dma_semaphore, #tpu.memory_space<semaphore_mem>> -> memref<!tpu.dma_semaphore, #tpu.memory_space<semaphore_mem>>
      %dma_wait3A_2759 = arith.constant 0 : i32
      %dma_wait3A_2760 = arith.constant 0 : i32
      %dma_wait3A_2761 = tpu.memref_slice %arg10[%dma_wait3A_2745, %dma_wait3A_2759, %dma_wait3A_2760] : memref<2x16x64xf32, #tpu.memory_space<vmem>> -> memref<1x16x64xf32, #tpu.memory_space<vmem>>
      %dma_wait3A_2762 = tpu.memref_squeeze %dma_wait3A_2761 : memref<1x16x64xf32, #tpu.memory_space<vmem>> -> memref<16x64xf32, #tpu.memory_space<vmem>>
      %dma_wait3A_2763 = arith.constant 8 : i32
      %dma_wait3A_2764 = arith.constant 0 : i32
      %dma_wait3A_2765 = tpu.memref_slice %dma_wait3A_2762[%dma_wait3A_2763, %dma_wait3A_2764] : memref<16x64xf32, #tpu.memory_space<vmem>> -> memref<1x64xf32, #tpu.memory_space<vmem>>
      %dma_wait3A_2766 = arith.constant 0 : i32
      %dma_wait3A_2767 = arith.constant 0 : i32
      %dma_wait3A_2768 = tpu.memref_slice %arg5[%dma_wait3A_2766, %dma_wait3A_2767] : memref<100000x64xf32, #tpu.memory_space<hbm>> -> memref<1x64xf32, #tpu.memory_space<hbm>>
      tpu.wait_dma2 semaphore(%dma_wait3A_2758 : memref<!tpu.dma_semaphore, #tpu.memory_space<semaphore_mem>>) src(%dma_wait3A_2768 : memref<1x64xf32, #tpu.memory_space<hbm>>) dst(%dma_wait3A_2765 : memref<1x64xf32, #tpu.memory_space<vmem>>)
      %dma_wait3A_2769 = arith.constant 1 : i32
      %dma_wait3A_2770 = arith.constant 1 : i32
      %dma_wait3A_2771 = arith.constant 0 : i32
      %dma_wait3A_2772 = arith.constant 0 : i32
      %dma_wait3A_2773 = tpu.memref_slice %arg9[%dma_wait3A_2769, %dma_wait3A_2771, %dma_wait3A_2772] : memref<2x16x64xf32, #tpu.memory_space<vmem>> -> memref<1x16x64xf32, #tpu.memory_space<vmem>>
      %dma_wait3A_2774 = tpu.memref_squeeze %dma_wait3A_2773 : memref<1x16x64xf32, #tpu.memory_space<vmem>> -> memref<16x64xf32, #tpu.memory_space<vmem>>
      %dma_wait3A_2775 = arith.constant 9 : i32
      %dma_wait3A_2776 = arith.constant 0 : i32
      %dma_wait3A_2777 = tpu.memref_slice %dma_wait3A_2774[%dma_wait3A_2775, %dma_wait3A_2776] : memref<16x64xf32, #tpu.memory_space<vmem>> -> memref<1x64xf32, #tpu.memory_space<vmem>>
      %dma_wait3A_2778 = arith.constant 0 : i32
      %dma_wait3A_2779 = arith.constant 0 : i32
      %dma_wait3A_2780 = tpu.memref_slice %arg4[%dma_wait3A_2778, %dma_wait3A_2779] : memref<1000000x64xf32, #tpu.memory_space<hbm>> -> memref<1x64xf32, #tpu.memory_space<hbm>>
      %dma_wait3A_2781 = tpu.memref_slice %arg12[%dma_wait3A_2770] : memref<2x!tpu.dma_semaphore, #tpu.memory_space<semaphore_mem>> -> memref<1x!tpu.dma_semaphore, #tpu.memory_space<semaphore_mem>>
      %dma_wait3A_2782 = tpu.memref_squeeze %dma_wait3A_2781 : memref<1x!tpu.dma_semaphore, #tpu.memory_space<semaphore_mem>> -> memref<!tpu.dma_semaphore, #tpu.memory_space<semaphore_mem>>
      %dma_wait3A_2783 = arith.constant 0 : i32
      %dma_wait3A_2784 = arith.constant 0 : i32
      %dma_wait3A_2785 = tpu.memref_slice %arg9[%dma_wait3A_2769, %dma_wait3A_2783, %dma_wait3A_2784] : memref<2x16x64xf32, #tpu.memory_space<vmem>> -> memref<1x16x64xf32, #tpu.memory_space<vmem>>
      %dma_wait3A_2786 = tpu.memref_squeeze %dma_wait3A_2785 : memref<1x16x64xf32, #tpu.memory_space<vmem>> -> memref<16x64xf32, #tpu.memory_space<vmem>>
      %dma_wait3A_2787 = arith.constant 9 : i32
      %dma_wait3A_2788 = arith.constant 0 : i32
      %dma_wait3A_2789 = tpu.memref_slice %dma_wait3A_2786[%dma_wait3A_2787, %dma_wait3A_2788] : memref<16x64xf32, #tpu.memory_space<vmem>> -> memref<1x64xf32, #tpu.memory_space<vmem>>
      %dma_wait3A_2790 = arith.constant 0 : i32
      %dma_wait3A_2791 = arith.constant 0 : i32
      %dma_wait3A_2792 = tpu.memref_slice %arg4[%dma_wait3A_2790, %dma_wait3A_2791] : memref<1000000x64xf32, #tpu.memory_space<hbm>> -> memref<1x64xf32, #tpu.memory_space<hbm>>
      tpu.wait_dma2 semaphore(%dma_wait3A_2782 : memref<!tpu.dma_semaphore, #tpu.memory_space<semaphore_mem>>) src(%dma_wait3A_2792 : memref<1x64xf32, #tpu.memory_space<hbm>>) dst(%dma_wait3A_2789 : memref<1x64xf32, #tpu.memory_space<vmem>>)
      %dma_wait3A_2793 = arith.constant 1 : i32
      %dma_wait3A_2794 = arith.constant 1 : i32
      %dma_wait3A_2795 = arith.constant 0 : i32
      %dma_wait3A_2796 = arith.constant 0 : i32
      %dma_wait3A_2797 = tpu.memref_slice %arg10[%dma_wait3A_2793, %dma_wait3A_2795, %dma_wait3A_2796] : memref<2x16x64xf32, #tpu.memory_space<vmem>> -> memref<1x16x64xf32, #tpu.memory_space<vmem>>
      %dma_wait3A_2798 = tpu.memref_squeeze %dma_wait3A_2797 : memref<1x16x64xf32, #tpu.memory_space<vmem>> -> memref<16x64xf32, #tpu.memory_space<vmem>>
      %dma_wait3A_2799 = arith.constant 9 : i32
      %dma_wait3A_2800 = arith.constant 0 : i32
      %dma_wait3A_2801 = tpu.memref_slice %dma_wait3A_2798[%dma_wait3A_2799, %dma_wait3A_2800] : memref<16x64xf32, #tpu.memory_space<vmem>> -> memref<1x64xf32, #tpu.memory_space<vmem>>
      %dma_wait3A_2802 = arith.constant 0 : i32
      %dma_wait3A_2803 = arith.constant 0 : i32
      %dma_wait3A_2804 = tpu.memref_slice %arg5[%dma_wait3A_2802, %dma_wait3A_2803] : memref<100000x64xf32, #tpu.memory_space<hbm>> -> memref<1x64xf32, #tpu.memory_space<hbm>>
      %dma_wait3A_2805 = tpu.memref_slice %arg12[%dma_wait3A_2794] : memref<2x!tpu.dma_semaphore, #tpu.memory_space<semaphore_mem>> -> memref<1x!tpu.dma_semaphore, #tpu.memory_space<semaphore_mem>>
      %dma_wait3A_2806 = tpu.memref_squeeze %dma_wait3A_2805 : memref<1x!tpu.dma_semaphore, #tpu.memory_space<semaphore_mem>> -> memref<!tpu.dma_semaphore, #tpu.memory_space<semaphore_mem>>
      %dma_wait3A_2807 = arith.constant 0 : i32
      %dma_wait3A_2808 = arith.constant 0 : i32
      %dma_wait3A_2809 = tpu.memref_slice %arg10[%dma_wait3A_2793, %dma_wait3A_2807, %dma_wait3A_2808] : memref<2x16x64xf32, #tpu.memory_space<vmem>> -> memref<1x16x64xf32, #tpu.memory_space<vmem>>
      %dma_wait3A_2810 = tpu.memref_squeeze %dma_wait3A_2809 : memref<1x16x64xf32, #tpu.memory_space<vmem>> -> memref<16x64xf32, #tpu.memory_space<vmem>>
      %dma_wait3A_2811 = arith.constant 9 : i32
      %dma_wait3A_2812 = arith.constant 0 : i32
      %dma_wait3A_2813 = tpu.memref_slice %dma_wait3A_2810[%dma_wait3A_2811, %dma_wait3A_2812] : memref<16x64xf32, #tpu.memory_space<vmem>> -> memref<1x64xf32, #tpu.memory_space<vmem>>
      %dma_wait3A_2814 = arith.constant 0 : i32
      %dma_wait3A_2815 = arith.constant 0 : i32
      %dma_wait3A_2816 = tpu.memref_slice %arg5[%dma_wait3A_2814, %dma_wait3A_2815] : memref<100000x64xf32, #tpu.memory_space<hbm>> -> memref<1x64xf32, #tpu.memory_space<hbm>>
      tpu.wait_dma2 semaphore(%dma_wait3A_2806 : memref<!tpu.dma_semaphore, #tpu.memory_space<semaphore_mem>>) src(%dma_wait3A_2816 : memref<1x64xf32, #tpu.memory_space<hbm>>) dst(%dma_wait3A_2813 : memref<1x64xf32, #tpu.memory_space<vmem>>)
      %dma_wait3A_2817 = arith.constant 1 : i32
      %dma_wait3A_2818 = arith.constant 1 : i32
      %dma_wait3A_2819 = arith.constant 0 : i32
      %dma_wait3A_2820 = arith.constant 0 : i32
      %dma_wait3A_2821 = tpu.memref_slice %arg9[%dma_wait3A_2817, %dma_wait3A_2819, %dma_wait3A_2820] : memref<2x16x64xf32, #tpu.memory_space<vmem>> -> memref<1x16x64xf32, #tpu.memory_space<vmem>>
      %dma_wait3A_2822 = tpu.memref_squeeze %dma_wait3A_2821 : memref<1x16x64xf32, #tpu.memory_space<vmem>> -> memref<16x64xf32, #tpu.memory_space<vmem>>
      %dma_wait3A_2823 = arith.constant 10 : i32
      %dma_wait3A_2824 = arith.constant 0 : i32
      %dma_wait3A_2825 = tpu.memref_slice %dma_wait3A_2822[%dma_wait3A_2823, %dma_wait3A_2824] : memref<16x64xf32, #tpu.memory_space<vmem>> -> memref<1x64xf32, #tpu.memory_space<vmem>>
      %dma_wait3A_2826 = arith.constant 0 : i32
      %dma_wait3A_2827 = arith.constant 0 : i32
      %dma_wait3A_2828 = tpu.memref_slice %arg4[%dma_wait3A_2826, %dma_wait3A_2827] : memref<1000000x64xf32, #tpu.memory_space<hbm>> -> memref<1x64xf32, #tpu.memory_space<hbm>>
      %dma_wait3A_2829 = tpu.memref_slice %arg12[%dma_wait3A_2818] : memref<2x!tpu.dma_semaphore, #tpu.memory_space<semaphore_mem>> -> memref<1x!tpu.dma_semaphore, #tpu.memory_space<semaphore_mem>>
      %dma_wait3A_2830 = tpu.memref_squeeze %dma_wait3A_2829 : memref<1x!tpu.dma_semaphore, #tpu.memory_space<semaphore_mem>> -> memref<!tpu.dma_semaphore, #tpu.memory_space<semaphore_mem>>
      %dma_wait3A_2831 = arith.constant 0 : i32
      %dma_wait3A_2832 = arith.constant 0 : i32
      %dma_wait3A_2833 = tpu.memref_slice %arg9[%dma_wait3A_2817, %dma_wait3A_2831, %dma_wait3A_2832] : memref<2x16x64xf32, #tpu.memory_space<vmem>> -> memref<1x16x64xf32, #tpu.memory_space<vmem>>
      %dma_wait3A_2834 = tpu.memref_squeeze %dma_wait3A_2833 : memref<1x16x64xf32, #tpu.memory_space<vmem>> -> memref<16x64xf32, #tpu.memory_space<vmem>>
      %dma_wait3A_2835 = arith.constant 10 : i32
      %dma_wait3A_2836 = arith.constant 0 : i32
      %dma_wait3A_2837 = tpu.memref_slice %dma_wait3A_2834[%dma_wait3A_2835, %dma_wait3A_2836] : memref<16x64xf32, #tpu.memory_space<vmem>> -> memref<1x64xf32, #tpu.memory_space<vmem>>
      %dma_wait3A_2838 = arith.constant 0 : i32
      %dma_wait3A_2839 = arith.constant 0 : i32
      %dma_wait3A_2840 = tpu.memref_slice %arg4[%dma_wait3A_2838, %dma_wait3A_2839] : memref<1000000x64xf32, #tpu.memory_space<hbm>> -> memref<1x64xf32, #tpu.memory_space<hbm>>
      tpu.wait_dma2 semaphore(%dma_wait3A_2830 : memref<!tpu.dma_semaphore, #tpu.memory_space<semaphore_mem>>) src(%dma_wait3A_2840 : memref<1x64xf32, #tpu.memory_space<hbm>>) dst(%dma_wait3A_2837 : memref<1x64xf32, #tpu.memory_space<vmem>>)
      %dma_wait3A_2841 = arith.constant 1 : i32
      %dma_wait3A_2842 = arith.constant 1 : i32
      %dma_wait3A_2843 = arith.constant 0 : i32
      %dma_wait3A_2844 = arith.constant 0 : i32
      %dma_wait3A_2845 = tpu.memref_slice %arg10[%dma_wait3A_2841, %dma_wait3A_2843, %dma_wait3A_2844] : memref<2x16x64xf32, #tpu.memory_space<vmem>> -> memref<1x16x64xf32, #tpu.memory_space<vmem>>
      %dma_wait3A_2846 = tpu.memref_squeeze %dma_wait3A_2845 : memref<1x16x64xf32, #tpu.memory_space<vmem>> -> memref<16x64xf32, #tpu.memory_space<vmem>>
      %dma_wait3A_2847 = arith.constant 10 : i32
      %dma_wait3A_2848 = arith.constant 0 : i32
      %dma_wait3A_2849 = tpu.memref_slice %dma_wait3A_2846[%dma_wait3A_2847, %dma_wait3A_2848] : memref<16x64xf32, #tpu.memory_space<vmem>> -> memref<1x64xf32, #tpu.memory_space<vmem>>
      %dma_wait3A_2850 = arith.constant 0 : i32
      %dma_wait3A_2851 = arith.constant 0 : i32
      %dma_wait3A_2852 = tpu.memref_slice %arg5[%dma_wait3A_2850, %dma_wait3A_2851] : memref<100000x64xf32, #tpu.memory_space<hbm>> -> memref<1x64xf32, #tpu.memory_space<hbm>>
      %dma_wait3A_2853 = tpu.memref_slice %arg12[%dma_wait3A_2842] : memref<2x!tpu.dma_semaphore, #tpu.memory_space<semaphore_mem>> -> memref<1x!tpu.dma_semaphore, #tpu.memory_space<semaphore_mem>>
      %dma_wait3A_2854 = tpu.memref_squeeze %dma_wait3A_2853 : memref<1x!tpu.dma_semaphore, #tpu.memory_space<semaphore_mem>> -> memref<!tpu.dma_semaphore, #tpu.memory_space<semaphore_mem>>
      %dma_wait3A_2855 = arith.constant 0 : i32
      %dma_wait3A_2856 = arith.constant 0 : i32
      %dma_wait3A_2857 = tpu.memref_slice %arg10[%dma_wait3A_2841, %dma_wait3A_2855, %dma_wait3A_2856] : memref<2x16x64xf32, #tpu.memory_space<vmem>> -> memref<1x16x64xf32, #tpu.memory_space<vmem>>
      %dma_wait3A_2858 = tpu.memref_squeeze %dma_wait3A_2857 : memref<1x16x64xf32, #tpu.memory_space<vmem>> -> memref<16x64xf32, #tpu.memory_space<vmem>>
      %dma_wait3A_2859 = arith.constant 10 : i32
      %dma_wait3A_2860 = arith.constant 0 : i32
      %dma_wait3A_2861 = tpu.memref_slice %dma_wait3A_2858[%dma_wait3A_2859, %dma_wait3A_2860] : memref<16x64xf32, #tpu.memory_space<vmem>> -> memref<1x64xf32, #tpu.memory_space<vmem>>
      %dma_wait3A_2862 = arith.constant 0 : i32
      %dma_wait3A_2863 = arith.constant 0 : i32
      %dma_wait3A_2864 = tpu.memref_slice %arg5[%dma_wait3A_2862, %dma_wait3A_2863] : memref<100000x64xf32, #tpu.memory_space<hbm>> -> memref<1x64xf32, #tpu.memory_space<hbm>>
      tpu.wait_dma2 semaphore(%dma_wait3A_2854 : memref<!tpu.dma_semaphore, #tpu.memory_space<semaphore_mem>>) src(%dma_wait3A_2864 : memref<1x64xf32, #tpu.memory_space<hbm>>) dst(%dma_wait3A_2861 : memref<1x64xf32, #tpu.memory_space<vmem>>)
      %dma_wait3A_2865 = arith.constant 1 : i32
      %dma_wait3A_2866 = arith.constant 1 : i32
      %dma_wait3A_2867 = arith.constant 0 : i32
      %dma_wait3A_2868 = arith.constant 0 : i32
      %dma_wait3A_2869 = tpu.memref_slice %arg9[%dma_wait3A_2865, %dma_wait3A_2867, %dma_wait3A_2868] : memref<2x16x64xf32, #tpu.memory_space<vmem>> -> memref<1x16x64xf32, #tpu.memory_space<vmem>>
      %dma_wait3A_2870 = tpu.memref_squeeze %dma_wait3A_2869 : memref<1x16x64xf32, #tpu.memory_space<vmem>> -> memref<16x64xf32, #tpu.memory_space<vmem>>
      %dma_wait3A_2871 = arith.constant 11 : i32
      %dma_wait3A_2872 = arith.constant 0 : i32
      %dma_wait3A_2873 = tpu.memref_slice %dma_wait3A_2870[%dma_wait3A_2871, %dma_wait3A_2872] : memref<16x64xf32, #tpu.memory_space<vmem>> -> memref<1x64xf32, #tpu.memory_space<vmem>>
      %dma_wait3A_2874 = arith.constant 0 : i32
      %dma_wait3A_2875 = arith.constant 0 : i32
      %dma_wait3A_2876 = tpu.memref_slice %arg4[%dma_wait3A_2874, %dma_wait3A_2875] : memref<1000000x64xf32, #tpu.memory_space<hbm>> -> memref<1x64xf32, #tpu.memory_space<hbm>>
      %dma_wait3A_2877 = tpu.memref_slice %arg12[%dma_wait3A_2866] : memref<2x!tpu.dma_semaphore, #tpu.memory_space<semaphore_mem>> -> memref<1x!tpu.dma_semaphore, #tpu.memory_space<semaphore_mem>>
      %dma_wait3A_2878 = tpu.memref_squeeze %dma_wait3A_2877 : memref<1x!tpu.dma_semaphore, #tpu.memory_space<semaphore_mem>> -> memref<!tpu.dma_semaphore, #tpu.memory_space<semaphore_mem>>
      %dma_wait3A_2879 = arith.constant 0 : i32
      %dma_wait3A_2880 = arith.constant 0 : i32
      %dma_wait3A_2881 = tpu.memref_slice %arg9[%dma_wait3A_2865, %dma_wait3A_2879, %dma_wait3A_2880] : memref<2x16x64xf32, #tpu.memory_space<vmem>> -> memref<1x16x64xf32, #tpu.memory_space<vmem>>
      %dma_wait3A_2882 = tpu.memref_squeeze %dma_wait3A_2881 : memref<1x16x64xf32, #tpu.memory_space<vmem>> -> memref<16x64xf32, #tpu.memory_space<vmem>>
      %dma_wait3A_2883 = arith.constant 11 : i32
      %dma_wait3A_2884 = arith.constant 0 : i32
      %dma_wait3A_2885 = tpu.memref_slice %dma_wait3A_2882[%dma_wait3A_2883, %dma_wait3A_2884] : memref<16x64xf32, #tpu.memory_space<vmem>> -> memref<1x64xf32, #tpu.memory_space<vmem>>
      %dma_wait3A_2886 = arith.constant 0 : i32
      %dma_wait3A_2887 = arith.constant 0 : i32
      %dma_wait3A_2888 = tpu.memref_slice %arg4[%dma_wait3A_2886, %dma_wait3A_2887] : memref<1000000x64xf32, #tpu.memory_space<hbm>> -> memref<1x64xf32, #tpu.memory_space<hbm>>
      tpu.wait_dma2 semaphore(%dma_wait3A_2878 : memref<!tpu.dma_semaphore, #tpu.memory_space<semaphore_mem>>) src(%dma_wait3A_2888 : memref<1x64xf32, #tpu.memory_space<hbm>>) dst(%dma_wait3A_2885 : memref<1x64xf32, #tpu.memory_space<vmem>>)
      %dma_wait3A_2889 = arith.constant 1 : i32
      %dma_wait3A_2890 = arith.constant 1 : i32
      %dma_wait3A_2891 = arith.constant 0 : i32
      %dma_wait3A_2892 = arith.constant 0 : i32
      %dma_wait3A_2893 = tpu.memref_slice %arg10[%dma_wait3A_2889, %dma_wait3A_2891, %dma_wait3A_2892] : memref<2x16x64xf32, #tpu.memory_space<vmem>> -> memref<1x16x64xf32, #tpu.memory_space<vmem>>
      %dma_wait3A_2894 = tpu.memref_squeeze %dma_wait3A_2893 : memref<1x16x64xf32, #tpu.memory_space<vmem>> -> memref<16x64xf32, #tpu.memory_space<vmem>>
      %dma_wait3A_2895 = arith.constant 11 : i32
      %dma_wait3A_2896 = arith.constant 0 : i32
      %dma_wait3A_2897 = tpu.memref_slice %dma_wait3A_2894[%dma_wait3A_2895, %dma_wait3A_2896] : memref<16x64xf32, #tpu.memory_space<vmem>> -> memref<1x64xf32, #tpu.memory_space<vmem>>
      %dma_wait3A_2898 = arith.constant 0 : i32
      %dma_wait3A_2899 = arith.constant 0 : i32
      %dma_wait3A_2900 = tpu.memref_slice %arg5[%dma_wait3A_2898, %dma_wait3A_2899] : memref<100000x64xf32, #tpu.memory_space<hbm>> -> memref<1x64xf32, #tpu.memory_space<hbm>>
      %dma_wait3A_2901 = tpu.memref_slice %arg12[%dma_wait3A_2890] : memref<2x!tpu.dma_semaphore, #tpu.memory_space<semaphore_mem>> -> memref<1x!tpu.dma_semaphore, #tpu.memory_space<semaphore_mem>>
      %dma_wait3A_2902 = tpu.memref_squeeze %dma_wait3A_2901 : memref<1x!tpu.dma_semaphore, #tpu.memory_space<semaphore_mem>> -> memref<!tpu.dma_semaphore, #tpu.memory_space<semaphore_mem>>
      %dma_wait3A_2903 = arith.constant 0 : i32
      %dma_wait3A_2904 = arith.constant 0 : i32
      %dma_wait3A_2905 = tpu.memref_slice %arg10[%dma_wait3A_2889, %dma_wait3A_2903, %dma_wait3A_2904] : memref<2x16x64xf32, #tpu.memory_space<vmem>> -> memref<1x16x64xf32, #tpu.memory_space<vmem>>
      %dma_wait3A_2906 = tpu.memref_squeeze %dma_wait3A_2905 : memref<1x16x64xf32, #tpu.memory_space<vmem>> -> memref<16x64xf32, #tpu.memory_space<vmem>>
      %dma_wait3A_2907 = arith.constant 11 : i32
      %dma_wait3A_2908 = arith.constant 0 : i32
      %dma_wait3A_2909 = tpu.memref_slice %dma_wait3A_2906[%dma_wait3A_2907, %dma_wait3A_2908] : memref<16x64xf32, #tpu.memory_space<vmem>> -> memref<1x64xf32, #tpu.memory_space<vmem>>
      %dma_wait3A_2910 = arith.constant 0 : i32
      %dma_wait3A_2911 = arith.constant 0 : i32
      %dma_wait3A_2912 = tpu.memref_slice %arg5[%dma_wait3A_2910, %dma_wait3A_2911] : memref<100000x64xf32, #tpu.memory_space<hbm>> -> memref<1x64xf32, #tpu.memory_space<hbm>>
      tpu.wait_dma2 semaphore(%dma_wait3A_2902 : memref<!tpu.dma_semaphore, #tpu.memory_space<semaphore_mem>>) src(%dma_wait3A_2912 : memref<1x64xf32, #tpu.memory_space<hbm>>) dst(%dma_wait3A_2909 : memref<1x64xf32, #tpu.memory_space<vmem>>)
      %dma_wait3A_2913 = arith.constant 1 : i32
      %dma_wait3A_2914 = arith.constant 1 : i32
      %dma_wait3A_2915 = arith.constant 0 : i32
      %dma_wait3A_2916 = arith.constant 0 : i32
      %dma_wait3A_2917 = tpu.memref_slice %arg9[%dma_wait3A_2913, %dma_wait3A_2915, %dma_wait3A_2916] : memref<2x16x64xf32, #tpu.memory_space<vmem>> -> memref<1x16x64xf32, #tpu.memory_space<vmem>>
      %dma_wait3A_2918 = tpu.memref_squeeze %dma_wait3A_2917 : memref<1x16x64xf32, #tpu.memory_space<vmem>> -> memref<16x64xf32, #tpu.memory_space<vmem>>
      %dma_wait3A_2919 = arith.constant 12 : i32
      %dma_wait3A_2920 = arith.constant 0 : i32
      %dma_wait3A_2921 = tpu.memref_slice %dma_wait3A_2918[%dma_wait3A_2919, %dma_wait3A_2920] : memref<16x64xf32, #tpu.memory_space<vmem>> -> memref<1x64xf32, #tpu.memory_space<vmem>>
      %dma_wait3A_2922 = arith.constant 0 : i32
      %dma_wait3A_2923 = arith.constant 0 : i32
      %dma_wait3A_2924 = tpu.memref_slice %arg4[%dma_wait3A_2922, %dma_wait3A_2923] : memref<1000000x64xf32, #tpu.memory_space<hbm>> -> memref<1x64xf32, #tpu.memory_space<hbm>>
      %dma_wait3A_2925 = tpu.memref_slice %arg12[%dma_wait3A_2914] : memref<2x!tpu.dma_semaphore, #tpu.memory_space<semaphore_mem>> -> memref<1x!tpu.dma_semaphore, #tpu.memory_space<semaphore_mem>>
      %dma_wait3A_2926 = tpu.memref_squeeze %dma_wait3A_2925 : memref<1x!tpu.dma_semaphore, #tpu.memory_space<semaphore_mem>> -> memref<!tpu.dma_semaphore, #tpu.memory_space<semaphore_mem>>
      %dma_wait3A_2927 = arith.constant 0 : i32
      %dma_wait3A_2928 = arith.constant 0 : i32
      %dma_wait3A_2929 = tpu.memref_slice %arg9[%dma_wait3A_2913, %dma_wait3A_2927, %dma_wait3A_2928] : memref<2x16x64xf32, #tpu.memory_space<vmem>> -> memref<1x16x64xf32, #tpu.memory_space<vmem>>
      %dma_wait3A_2930 = tpu.memref_squeeze %dma_wait3A_2929 : memref<1x16x64xf32, #tpu.memory_space<vmem>> -> memref<16x64xf32, #tpu.memory_space<vmem>>
      %dma_wait3A_2931 = arith.constant 12 : i32
      %dma_wait3A_2932 = arith.constant 0 : i32
      %dma_wait3A_2933 = tpu.memref_slice %dma_wait3A_2930[%dma_wait3A_2931, %dma_wait3A_2932] : memref<16x64xf32, #tpu.memory_space<vmem>> -> memref<1x64xf32, #tpu.memory_space<vmem>>
      %dma_wait3A_2934 = arith.constant 0 : i32
      %dma_wait3A_2935 = arith.constant 0 : i32
      %dma_wait3A_2936 = tpu.memref_slice %arg4[%dma_wait3A_2934, %dma_wait3A_2935] : memref<1000000x64xf32, #tpu.memory_space<hbm>> -> memref<1x64xf32, #tpu.memory_space<hbm>>
      tpu.wait_dma2 semaphore(%dma_wait3A_2926 : memref<!tpu.dma_semaphore, #tpu.memory_space<semaphore_mem>>) src(%dma_wait3A_2936 : memref<1x64xf32, #tpu.memory_space<hbm>>) dst(%dma_wait3A_2933 : memref<1x64xf32, #tpu.memory_space<vmem>>)
      %dma_wait3A_2937 = arith.constant 1 : i32
      %dma_wait3A_2938 = arith.constant 1 : i32
      %dma_wait3A_2939 = arith.constant 0 : i32
      %dma_wait3A_2940 = arith.constant 0 : i32
      %dma_wait3A_2941 = tpu.memref_slice %arg10[%dma_wait3A_2937, %dma_wait3A_2939, %dma_wait3A_2940] : memref<2x16x64xf32, #tpu.memory_space<vmem>> -> memref<1x16x64xf32, #tpu.memory_space<vmem>>
      %dma_wait3A_2942 = tpu.memref_squeeze %dma_wait3A_2941 : memref<1x16x64xf32, #tpu.memory_space<vmem>> -> memref<16x64xf32, #tpu.memory_space<vmem>>
      %dma_wait3A_2943 = arith.constant 12 : i32
      %dma_wait3A_2944 = arith.constant 0 : i32
      %dma_wait3A_2945 = tpu.memref_slice %dma_wait3A_2942[%dma_wait3A_2943, %dma_wait3A_2944] : memref<16x64xf32, #tpu.memory_space<vmem>> -> memref<1x64xf32, #tpu.memory_space<vmem>>
      %dma_wait3A_2946 = arith.constant 0 : i32
      %dma_wait3A_2947 = arith.constant 0 : i32
      %dma_wait3A_2948 = tpu.memref_slice %arg5[%dma_wait3A_2946, %dma_wait3A_2947] : memref<100000x64xf32, #tpu.memory_space<hbm>> -> memref<1x64xf32, #tpu.memory_space<hbm>>
      %dma_wait3A_2949 = tpu.memref_slice %arg12[%dma_wait3A_2938] : memref<2x!tpu.dma_semaphore, #tpu.memory_space<semaphore_mem>> -> memref<1x!tpu.dma_semaphore, #tpu.memory_space<semaphore_mem>>
      %dma_wait3A_2950 = tpu.memref_squeeze %dma_wait3A_2949 : memref<1x!tpu.dma_semaphore, #tpu.memory_space<semaphore_mem>> -> memref<!tpu.dma_semaphore, #tpu.memory_space<semaphore_mem>>
      %dma_wait3A_2951 = arith.constant 0 : i32
      %dma_wait3A_2952 = arith.constant 0 : i32
      %dma_wait3A_2953 = tpu.memref_slice %arg10[%dma_wait3A_2937, %dma_wait3A_2951, %dma_wait3A_2952] : memref<2x16x64xf32, #tpu.memory_space<vmem>> -> memref<1x16x64xf32, #tpu.memory_space<vmem>>
      %dma_wait3A_2954 = tpu.memref_squeeze %dma_wait3A_2953 : memref<1x16x64xf32, #tpu.memory_space<vmem>> -> memref<16x64xf32, #tpu.memory_space<vmem>>
      %dma_wait3A_2955 = arith.constant 12 : i32
      %dma_wait3A_2956 = arith.constant 0 : i32
      %dma_wait3A_2957 = tpu.memref_slice %dma_wait3A_2954[%dma_wait3A_2955, %dma_wait3A_2956] : memref<16x64xf32, #tpu.memory_space<vmem>> -> memref<1x64xf32, #tpu.memory_space<vmem>>
      %dma_wait3A_2958 = arith.constant 0 : i32
      %dma_wait3A_2959 = arith.constant 0 : i32
      %dma_wait3A_2960 = tpu.memref_slice %arg5[%dma_wait3A_2958, %dma_wait3A_2959] : memref<100000x64xf32, #tpu.memory_space<hbm>> -> memref<1x64xf32, #tpu.memory_space<hbm>>
      tpu.wait_dma2 semaphore(%dma_wait3A_2950 : memref<!tpu.dma_semaphore, #tpu.memory_space<semaphore_mem>>) src(%dma_wait3A_2960 : memref<1x64xf32, #tpu.memory_space<hbm>>) dst(%dma_wait3A_2957 : memref<1x64xf32, #tpu.memory_space<vmem>>)
      %dma_wait3A_2961 = arith.constant 1 : i32
      %dma_wait3A_2962 = arith.constant 1 : i32
      %dma_wait3A_2963 = arith.constant 0 : i32
      %dma_wait3A_2964 = arith.constant 0 : i32
      %dma_wait3A_2965 = tpu.memref_slice %arg9[%dma_wait3A_2961, %dma_wait3A_2963, %dma_wait3A_2964] : memref<2x16x64xf32, #tpu.memory_space<vmem>> -> memref<1x16x64xf32, #tpu.memory_space<vmem>>
      %dma_wait3A_2966 = tpu.memref_squeeze %dma_wait3A_2965 : memref<1x16x64xf32, #tpu.memory_space<vmem>> -> memref<16x64xf32, #tpu.memory_space<vmem>>
      %dma_wait3A_2967 = arith.constant 13 : i32
      %dma_wait3A_2968 = arith.constant 0 : i32
      %dma_wait3A_2969 = tpu.memref_slice %dma_wait3A_2966[%dma_wait3A_2967, %dma_wait3A_2968] : memref<16x64xf32, #tpu.memory_space<vmem>> -> memref<1x64xf32, #tpu.memory_space<vmem>>
      %dma_wait3A_2970 = arith.constant 0 : i32
      %dma_wait3A_2971 = arith.constant 0 : i32
      %dma_wait3A_2972 = tpu.memref_slice %arg4[%dma_wait3A_2970, %dma_wait3A_2971] : memref<1000000x64xf32, #tpu.memory_space<hbm>> -> memref<1x64xf32, #tpu.memory_space<hbm>>
      %dma_wait3A_2973 = tpu.memref_slice %arg12[%dma_wait3A_2962] : memref<2x!tpu.dma_semaphore, #tpu.memory_space<semaphore_mem>> -> memref<1x!tpu.dma_semaphore, #tpu.memory_space<semaphore_mem>>
      %dma_wait3A_2974 = tpu.memref_squeeze %dma_wait3A_2973 : memref<1x!tpu.dma_semaphore, #tpu.memory_space<semaphore_mem>> -> memref<!tpu.dma_semaphore, #tpu.memory_space<semaphore_mem>>
      %dma_wait3A_2975 = arith.constant 0 : i32
      %dma_wait3A_2976 = arith.constant 0 : i32
      %dma_wait3A_2977 = tpu.memref_slice %arg9[%dma_wait3A_2961, %dma_wait3A_2975, %dma_wait3A_2976] : memref<2x16x64xf32, #tpu.memory_space<vmem>> -> memref<1x16x64xf32, #tpu.memory_space<vmem>>
      %dma_wait3A_2978 = tpu.memref_squeeze %dma_wait3A_2977 : memref<1x16x64xf32, #tpu.memory_space<vmem>> -> memref<16x64xf32, #tpu.memory_space<vmem>>
      %dma_wait3A_2979 = arith.constant 13 : i32
      %dma_wait3A_2980 = arith.constant 0 : i32
      %dma_wait3A_2981 = tpu.memref_slice %dma_wait3A_2978[%dma_wait3A_2979, %dma_wait3A_2980] : memref<16x64xf32, #tpu.memory_space<vmem>> -> memref<1x64xf32, #tpu.memory_space<vmem>>
      %dma_wait3A_2982 = arith.constant 0 : i32
      %dma_wait3A_2983 = arith.constant 0 : i32
      %dma_wait3A_2984 = tpu.memref_slice %arg4[%dma_wait3A_2982, %dma_wait3A_2983] : memref<1000000x64xf32, #tpu.memory_space<hbm>> -> memref<1x64xf32, #tpu.memory_space<hbm>>
      tpu.wait_dma2 semaphore(%dma_wait3A_2974 : memref<!tpu.dma_semaphore, #tpu.memory_space<semaphore_mem>>) src(%dma_wait3A_2984 : memref<1x64xf32, #tpu.memory_space<hbm>>) dst(%dma_wait3A_2981 : memref<1x64xf32, #tpu.memory_space<vmem>>)
      %dma_wait3A_2985 = arith.constant 1 : i32
      %dma_wait3A_2986 = arith.constant 1 : i32
      %dma_wait3A_2987 = arith.constant 0 : i32
      %dma_wait3A_2988 = arith.constant 0 : i32
      %dma_wait3A_2989 = tpu.memref_slice %arg10[%dma_wait3A_2985, %dma_wait3A_2987, %dma_wait3A_2988] : memref<2x16x64xf32, #tpu.memory_space<vmem>> -> memref<1x16x64xf32, #tpu.memory_space<vmem>>
      %dma_wait3A_2990 = tpu.memref_squeeze %dma_wait3A_2989 : memref<1x16x64xf32, #tpu.memory_space<vmem>> -> memref<16x64xf32, #tpu.memory_space<vmem>>
      %dma_wait3A_2991 = arith.constant 13 : i32
      %dma_wait3A_2992 = arith.constant 0 : i32
      %dma_wait3A_2993 = tpu.memref_slice %dma_wait3A_2990[%dma_wait3A_2991, %dma_wait3A_2992] : memref<16x64xf32, #tpu.memory_space<vmem>> -> memref<1x64xf32, #tpu.memory_space<vmem>>
      %dma_wait3A_2994 = arith.constant 0 : i32
      %dma_wait3A_2995 = arith.constant 0 : i32
      %dma_wait3A_2996 = tpu.memref_slice %arg5[%dma_wait3A_2994, %dma_wait3A_2995] : memref<100000x64xf32, #tpu.memory_space<hbm>> -> memref<1x64xf32, #tpu.memory_space<hbm>>
      %dma_wait3A_2997 = tpu.memref_slice %arg12[%dma_wait3A_2986] : memref<2x!tpu.dma_semaphore, #tpu.memory_space<semaphore_mem>> -> memref<1x!tpu.dma_semaphore, #tpu.memory_space<semaphore_mem>>
      %dma_wait3A_2998 = tpu.memref_squeeze %dma_wait3A_2997 : memref<1x!tpu.dma_semaphore, #tpu.memory_space<semaphore_mem>> -> memref<!tpu.dma_semaphore, #tpu.memory_space<semaphore_mem>>
      %dma_wait3A_2999 = arith.constant 0 : i32
      %dma_wait3A_3000 = arith.constant 0 : i32
      %dma_wait3A_3001 = tpu.memref_slice %arg10[%dma_wait3A_2985, %dma_wait3A_2999, %dma_wait3A_3000] : memref<2x16x64xf32, #tpu.memory_space<vmem>> -> memref<1x16x64xf32, #tpu.memory_space<vmem>>
      %dma_wait3A_3002 = tpu.memref_squeeze %dma_wait3A_3001 : memref<1x16x64xf32, #tpu.memory_space<vmem>> -> memref<16x64xf32, #tpu.memory_space<vmem>>
      %dma_wait3A_3003 = arith.constant 13 : i32
      %dma_wait3A_3004 = arith.constant 0 : i32
      %dma_wait3A_3005 = tpu.memref_slice %dma_wait3A_3002[%dma_wait3A_3003, %dma_wait3A_3004] : memref<16x64xf32, #tpu.memory_space<vmem>> -> memref<1x64xf32, #tpu.memory_space<vmem>>
      %dma_wait3A_3006 = arith.constant 0 : i32
      %dma_wait3A_3007 = arith.constant 0 : i32
      %dma_wait3A_3008 = tpu.memref_slice %arg5[%dma_wait3A_3006, %dma_wait3A_3007] : memref<100000x64xf32, #tpu.memory_space<hbm>> -> memref<1x64xf32, #tpu.memory_space<hbm>>
      tpu.wait_dma2 semaphore(%dma_wait3A_2998 : memref<!tpu.dma_semaphore, #tpu.memory_space<semaphore_mem>>) src(%dma_wait3A_3008 : memref<1x64xf32, #tpu.memory_space<hbm>>) dst(%dma_wait3A_3005 : memref<1x64xf32, #tpu.memory_space<vmem>>)
      %dma_wait3A_3009 = arith.constant 1 : i32
      %dma_wait3A_3010 = arith.constant 1 : i32
      %dma_wait3A_3011 = arith.constant 0 : i32
      %dma_wait3A_3012 = arith.constant 0 : i32
      %dma_wait3A_3013 = tpu.memref_slice %arg9[%dma_wait3A_3009, %dma_wait3A_3011, %dma_wait3A_3012] : memref<2x16x64xf32, #tpu.memory_space<vmem>> -> memref<1x16x64xf32, #tpu.memory_space<vmem>>
      %dma_wait3A_3014 = tpu.memref_squeeze %dma_wait3A_3013 : memref<1x16x64xf32, #tpu.memory_space<vmem>> -> memref<16x64xf32, #tpu.memory_space<vmem>>
      %dma_wait3A_3015 = arith.constant 14 : i32
      %dma_wait3A_3016 = arith.constant 0 : i32
      %dma_wait3A_3017 = tpu.memref_slice %dma_wait3A_3014[%dma_wait3A_3015, %dma_wait3A_3016] : memref<16x64xf32, #tpu.memory_space<vmem>> -> memref<1x64xf32, #tpu.memory_space<vmem>>
      %dma_wait3A_3018 = arith.constant 0 : i32
      %dma_wait3A_3019 = arith.constant 0 : i32
      %dma_wait3A_3020 = tpu.memref_slice %arg4[%dma_wait3A_3018, %dma_wait3A_3019] : memref<1000000x64xf32, #tpu.memory_space<hbm>> -> memref<1x64xf32, #tpu.memory_space<hbm>>
      %dma_wait3A_3021 = tpu.memref_slice %arg12[%dma_wait3A_3010] : memref<2x!tpu.dma_semaphore, #tpu.memory_space<semaphore_mem>> -> memref<1x!tpu.dma_semaphore, #tpu.memory_space<semaphore_mem>>
      %dma_wait3A_3022 = tpu.memref_squeeze %dma_wait3A_3021 : memref<1x!tpu.dma_semaphore, #tpu.memory_space<semaphore_mem>> -> memref<!tpu.dma_semaphore, #tpu.memory_space<semaphore_mem>>
      %dma_wait3A_3023 = arith.constant 0 : i32
      %dma_wait3A_3024 = arith.constant 0 : i32
      %dma_wait3A_3025 = tpu.memref_slice %arg9[%dma_wait3A_3009, %dma_wait3A_3023, %dma_wait3A_3024] : memref<2x16x64xf32, #tpu.memory_space<vmem>> -> memref<1x16x64xf32, #tpu.memory_space<vmem>>
      %dma_wait3A_3026 = tpu.memref_squeeze %dma_wait3A_3025 : memref<1x16x64xf32, #tpu.memory_space<vmem>> -> memref<16x64xf32, #tpu.memory_space<vmem>>
      %dma_wait3A_3027 = arith.constant 14 : i32
      %dma_wait3A_3028 = arith.constant 0 : i32
      %dma_wait3A_3029 = tpu.memref_slice %dma_wait3A_3026[%dma_wait3A_3027, %dma_wait3A_3028] : memref<16x64xf32, #tpu.memory_space<vmem>> -> memref<1x64xf32, #tpu.memory_space<vmem>>
      %dma_wait3A_3030 = arith.constant 0 : i32
      %dma_wait3A_3031 = arith.constant 0 : i32
      %dma_wait3A_3032 = tpu.memref_slice %arg4[%dma_wait3A_3030, %dma_wait3A_3031] : memref<1000000x64xf32, #tpu.memory_space<hbm>> -> memref<1x64xf32, #tpu.memory_space<hbm>>
      tpu.wait_dma2 semaphore(%dma_wait3A_3022 : memref<!tpu.dma_semaphore, #tpu.memory_space<semaphore_mem>>) src(%dma_wait3A_3032 : memref<1x64xf32, #tpu.memory_space<hbm>>) dst(%dma_wait3A_3029 : memref<1x64xf32, #tpu.memory_space<vmem>>)
      %dma_wait3A_3033 = arith.constant 1 : i32
      %dma_wait3A_3034 = arith.constant 1 : i32
      %dma_wait3A_3035 = arith.constant 0 : i32
      %dma_wait3A_3036 = arith.constant 0 : i32
      %dma_wait3A_3037 = tpu.memref_slice %arg10[%dma_wait3A_3033, %dma_wait3A_3035, %dma_wait3A_3036] : memref<2x16x64xf32, #tpu.memory_space<vmem>> -> memref<1x16x64xf32, #tpu.memory_space<vmem>>
      %dma_wait3A_3038 = tpu.memref_squeeze %dma_wait3A_3037 : memref<1x16x64xf32, #tpu.memory_space<vmem>> -> memref<16x64xf32, #tpu.memory_space<vmem>>
      %dma_wait3A_3039 = arith.constant 14 : i32
      %dma_wait3A_3040 = arith.constant 0 : i32
      %dma_wait3A_3041 = tpu.memref_slice %dma_wait3A_3038[%dma_wait3A_3039, %dma_wait3A_3040] : memref<16x64xf32, #tpu.memory_space<vmem>> -> memref<1x64xf32, #tpu.memory_space<vmem>>
      %dma_wait3A_3042 = arith.constant 0 : i32
      %dma_wait3A_3043 = arith.constant 0 : i32
      %dma_wait3A_3044 = tpu.memref_slice %arg5[%dma_wait3A_3042, %dma_wait3A_3043] : memref<100000x64xf32, #tpu.memory_space<hbm>> -> memref<1x64xf32, #tpu.memory_space<hbm>>
      %dma_wait3A_3045 = tpu.memref_slice %arg12[%dma_wait3A_3034] : memref<2x!tpu.dma_semaphore, #tpu.memory_space<semaphore_mem>> -> memref<1x!tpu.dma_semaphore, #tpu.memory_space<semaphore_mem>>
      %dma_wait3A_3046 = tpu.memref_squeeze %dma_wait3A_3045 : memref<1x!tpu.dma_semaphore, #tpu.memory_space<semaphore_mem>> -> memref<!tpu.dma_semaphore, #tpu.memory_space<semaphore_mem>>
      %dma_wait3A_3047 = arith.constant 0 : i32
      %dma_wait3A_3048 = arith.constant 0 : i32
      %dma_wait3A_3049 = tpu.memref_slice %arg10[%dma_wait3A_3033, %dma_wait3A_3047, %dma_wait3A_3048] : memref<2x16x64xf32, #tpu.memory_space<vmem>> -> memref<1x16x64xf32, #tpu.memory_space<vmem>>
      %dma_wait3A_3050 = tpu.memref_squeeze %dma_wait3A_3049 : memref<1x16x64xf32, #tpu.memory_space<vmem>> -> memref<16x64xf32, #tpu.memory_space<vmem>>
      %dma_wait3A_3051 = arith.constant 14 : i32
      %dma_wait3A_3052 = arith.constant 0 : i32
      %dma_wait3A_3053 = tpu.memref_slice %dma_wait3A_3050[%dma_wait3A_3051, %dma_wait3A_3052] : memref<16x64xf32, #tpu.memory_space<vmem>> -> memref<1x64xf32, #tpu.memory_space<vmem>>
      %dma_wait3A_3054 = arith.constant 0 : i32
      %dma_wait3A_3055 = arith.constant 0 : i32
      %dma_wait3A_3056 = tpu.memref_slice %arg5[%dma_wait3A_3054, %dma_wait3A_3055] : memref<100000x64xf32, #tpu.memory_space<hbm>> -> memref<1x64xf32, #tpu.memory_space<hbm>>
      tpu.wait_dma2 semaphore(%dma_wait3A_3046 : memref<!tpu.dma_semaphore, #tpu.memory_space<semaphore_mem>>) src(%dma_wait3A_3056 : memref<1x64xf32, #tpu.memory_space<hbm>>) dst(%dma_wait3A_3053 : memref<1x64xf32, #tpu.memory_space<vmem>>)
      %dma_wait3A_3057 = arith.constant 1 : i32
      %dma_wait3A_3058 = arith.constant 1 : i32
      %dma_wait3A_3059 = arith.constant 0 : i32
      %dma_wait3A_3060 = arith.constant 0 : i32
      %dma_wait3A_3061 = tpu.memref_slice %arg9[%dma_wait3A_3057, %dma_wait3A_3059, %dma_wait3A_3060] : memref<2x16x64xf32, #tpu.memory_space<vmem>> -> memref<1x16x64xf32, #tpu.memory_space<vmem>>
      %dma_wait3A_3062 = tpu.memref_squeeze %dma_wait3A_3061 : memref<1x16x64xf32, #tpu.memory_space<vmem>> -> memref<16x64xf32, #tpu.memory_space<vmem>>
      %dma_wait3A_3063 = arith.constant 15 : i32
      %dma_wait3A_3064 = arith.constant 0 : i32
      %dma_wait3A_3065 = tpu.memref_slice %dma_wait3A_3062[%dma_wait3A_3063, %dma_wait3A_3064] : memref<16x64xf32, #tpu.memory_space<vmem>> -> memref<1x64xf32, #tpu.memory_space<vmem>>
      %dma_wait3A_3066 = arith.constant 0 : i32
      %dma_wait3A_3067 = arith.constant 0 : i32
      %dma_wait3A_3068 = tpu.memref_slice %arg4[%dma_wait3A_3066, %dma_wait3A_3067] : memref<1000000x64xf32, #tpu.memory_space<hbm>> -> memref<1x64xf32, #tpu.memory_space<hbm>>
      %dma_wait3A_3069 = tpu.memref_slice %arg12[%dma_wait3A_3058] : memref<2x!tpu.dma_semaphore, #tpu.memory_space<semaphore_mem>> -> memref<1x!tpu.dma_semaphore, #tpu.memory_space<semaphore_mem>>
      %dma_wait3A_3070 = tpu.memref_squeeze %dma_wait3A_3069 : memref<1x!tpu.dma_semaphore, #tpu.memory_space<semaphore_mem>> -> memref<!tpu.dma_semaphore, #tpu.memory_space<semaphore_mem>>
      %dma_wait3A_3071 = arith.constant 0 : i32
      %dma_wait3A_3072 = arith.constant 0 : i32
      %dma_wait3A_3073 = tpu.memref_slice %arg9[%dma_wait3A_3057, %dma_wait3A_3071, %dma_wait3A_3072] : memref<2x16x64xf32, #tpu.memory_space<vmem>> -> memref<1x16x64xf32, #tpu.memory_space<vmem>>
      %dma_wait3A_3074 = tpu.memref_squeeze %dma_wait3A_3073 : memref<1x16x64xf32, #tpu.memory_space<vmem>> -> memref<16x64xf32, #tpu.memory_space<vmem>>
      %dma_wait3A_3075 = arith.constant 15 : i32
      %dma_wait3A_3076 = arith.constant 0 : i32
      %dma_wait3A_3077 = tpu.memref_slice %dma_wait3A_3074[%dma_wait3A_3075, %dma_wait3A_3076] : memref<16x64xf32, #tpu.memory_space<vmem>> -> memref<1x64xf32, #tpu.memory_space<vmem>>
      %dma_wait3A_3078 = arith.constant 0 : i32
      %dma_wait3A_3079 = arith.constant 0 : i32
      %dma_wait3A_3080 = tpu.memref_slice %arg4[%dma_wait3A_3078, %dma_wait3A_3079] : memref<1000000x64xf32, #tpu.memory_space<hbm>> -> memref<1x64xf32, #tpu.memory_space<hbm>>
      tpu.wait_dma2 semaphore(%dma_wait3A_3070 : memref<!tpu.dma_semaphore, #tpu.memory_space<semaphore_mem>>) src(%dma_wait3A_3080 : memref<1x64xf32, #tpu.memory_space<hbm>>) dst(%dma_wait3A_3077 : memref<1x64xf32, #tpu.memory_space<vmem>>)
      %dma_wait3A_3081 = arith.constant 1 : i32
      %dma_wait3A_3082 = arith.constant 1 : i32
      %dma_wait3A_3083 = arith.constant 0 : i32
      %dma_wait3A_3084 = arith.constant 0 : i32
      %dma_wait3A_3085 = tpu.memref_slice %arg10[%dma_wait3A_3081, %dma_wait3A_3083, %dma_wait3A_3084] : memref<2x16x64xf32, #tpu.memory_space<vmem>> -> memref<1x16x64xf32, #tpu.memory_space<vmem>>
      %dma_wait3A_3086 = tpu.memref_squeeze %dma_wait3A_3085 : memref<1x16x64xf32, #tpu.memory_space<vmem>> -> memref<16x64xf32, #tpu.memory_space<vmem>>
      %dma_wait3A_3087 = arith.constant 15 : i32
      %dma_wait3A_3088 = arith.constant 0 : i32
      %dma_wait3A_3089 = tpu.memref_slice %dma_wait3A_3086[%dma_wait3A_3087, %dma_wait3A_3088] : memref<16x64xf32, #tpu.memory_space<vmem>> -> memref<1x64xf32, #tpu.memory_space<vmem>>
      %dma_wait3A_3090 = arith.constant 0 : i32
      %dma_wait3A_3091 = arith.constant 0 : i32
      %dma_wait3A_3092 = tpu.memref_slice %arg5[%dma_wait3A_3090, %dma_wait3A_3091] : memref<100000x64xf32, #tpu.memory_space<hbm>> -> memref<1x64xf32, #tpu.memory_space<hbm>>
      %dma_wait3A_3093 = tpu.memref_slice %arg12[%dma_wait3A_3082] : memref<2x!tpu.dma_semaphore, #tpu.memory_space<semaphore_mem>> -> memref<1x!tpu.dma_semaphore, #tpu.memory_space<semaphore_mem>>
      %dma_wait3A_3094 = tpu.memref_squeeze %dma_wait3A_3093 : memref<1x!tpu.dma_semaphore, #tpu.memory_space<semaphore_mem>> -> memref<!tpu.dma_semaphore, #tpu.memory_space<semaphore_mem>>
      %dma_wait3A_3095 = arith.constant 0 : i32
      %dma_wait3A_3096 = arith.constant 0 : i32
      %dma_wait3A_3097 = tpu.memref_slice %arg10[%dma_wait3A_3081, %dma_wait3A_3095, %dma_wait3A_3096] : memref<2x16x64xf32, #tpu.memory_space<vmem>> -> memref<1x16x64xf32, #tpu.memory_space<vmem>>
      %dma_wait3A_3098 = tpu.memref_squeeze %dma_wait3A_3097 : memref<1x16x64xf32, #tpu.memory_space<vmem>> -> memref<16x64xf32, #tpu.memory_space<vmem>>
      %dma_wait3A_3099 = arith.constant 15 : i32
      %dma_wait3A_3100 = arith.constant 0 : i32
      %dma_wait3A_3101 = tpu.memref_slice %dma_wait3A_3098[%dma_wait3A_3099, %dma_wait3A_3100] : memref<16x64xf32, #tpu.memory_space<vmem>> -> memref<1x64xf32, #tpu.memory_space<vmem>>
      %dma_wait3A_3102 = arith.constant 0 : i32
      %dma_wait3A_3103 = arith.constant 0 : i32
      %dma_wait3A_3104 = tpu.memref_slice %arg5[%dma_wait3A_3102, %dma_wait3A_3103] : memref<100000x64xf32, #tpu.memory_space<hbm>> -> memref<1x64xf32, #tpu.memory_space<hbm>>
      tpu.wait_dma2 semaphore(%dma_wait3A_3094 : memref<!tpu.dma_semaphore, #tpu.memory_space<semaphore_mem>>) src(%dma_wait3A_3104 : memref<1x64xf32, #tpu.memory_space<hbm>>) dst(%dma_wait3A_3101 : memref<1x64xf32, #tpu.memory_space<vmem>>)
      %add3A_3105 = arith.constant 2 : i32
      %add3A_3106 = arith.addi %mul3A_781, %add3A_3105 : i32
      %lt3A = arith.constant 32 : i32
      %lt3A_3107 = arith.cmpi slt, %add3A_3106, %lt3A : i32
      %convert_element_type3A = arith.extui %lt3A_3107 : i1 to i32
      %cond3A = arith.constant 0 : i32
      %cond3A_3108 = arith.cmpi ne, %convert_element_type3A, %cond3A : i32
      scf.if %cond3A_3108 {
        %add3A_3125 = arith.constant 2 : i32
        %add3A_3126 = arith.addi %mul3A_781, %add3A_3125 : i32
        %mul3A_3127 = arith.constant 16 : i32
        %mul3A_3128 = arith.muli %add3A_3126, %mul3A_3127 : i32
        %multiple_of3A_3129 = tpu.assume_multiple %mul3A_3128, 16 : i32
        %get3A_3130 = arith.index_cast %multiple_of3A_3129 : i32 to index
        %get3A_3131 = tpu.vector_load %arg7[%get3A_3130] {strides = array<i32>} : memref<512xi32, #tpu.memory_space<vmem>>, vector<16xi32>,
        %get3A_3132 = arith.index_cast %multiple_of3A_3129 : i32 to index
        %get3A_3133 = tpu.vector_load %arg8[%get3A_3132] {strides = array<i32>} : memref<512xi32, #tpu.memory_space<vmem>>, vector<16xi32>,
        %slice3A_3134 = vector.extract_strided_slice %get3A_3131 {offsets = [0], sizes = [1], strides = [1]} : vector<16xi32> to vector<1xi32>
        %squeeze3A_3135 = vector.extract %slice3A_3134[0] : i32 from vector<1xi32>
        %dma_start3A_3136 = arith.constant 0 : i32
        %dma_start3A_3137 = arith.constant 0 : i32
        %dma_start3A_3138 = arith.constant 0 : i32
        %dma_start3A_3139 = arith.constant 0 : i32
        %dma_start3A_3140 = tpu.memref_slice %arg9[%dma_start3A_3136, %dma_start3A_3138, %dma_start3A_3139] : memref<2x16x64xf32, #tpu.memory_space<vmem>> -> memref<1x16x64xf32, #tpu.memory_space<vmem>>
        %dma_start3A_3141 = tpu.memref_squeeze %dma_start3A_3140 : memref<1x16x64xf32, #tpu.memory_space<vmem>> -> memref<16x64xf32, #tpu.memory_space<vmem>>
        %dma_start3A_3142 = arith.constant 0 : i32
        %dma_start3A_3143 = arith.constant 0 : i32
        %dma_start3A_3144 = tpu.memref_slice %dma_start3A_3141[%dma_start3A_3142, %dma_start3A_3143] : memref<16x64xf32, #tpu.memory_space<vmem>> -> memref<1x64xf32, #tpu.memory_space<vmem>>
        %dma_start3A_3145 = arith.constant 0 : i32
        %dma_start3A_3146 = tpu.memref_slice %arg4[%squeeze3A_3135, %dma_start3A_3145] : memref<1000000x64xf32, #tpu.memory_space<hbm>> -> memref<1x64xf32, #tpu.memory_space<hbm>>
        %dma_start3A_3147 = tpu.memref_slice %arg12[%dma_start3A_3137] : memref<2x!tpu.dma_semaphore, #tpu.memory_space<semaphore_mem>> -> memref<1x!tpu.dma_semaphore, #tpu.memory_space<semaphore_mem>>
        %dma_start3A_3148 = tpu.memref_squeeze %dma_start3A_3147 : memref<1x!tpu.dma_semaphore, #tpu.memory_space<semaphore_mem>> -> memref<!tpu.dma_semaphore, #tpu.memory_space<semaphore_mem>>
        %dma_start3A_3149 = arith.constant 0 : i32
        %dma_start3A_3150 = arith.constant 0 : i32
        %dma_start3A_3151 = tpu.memref_slice %arg9[%dma_start3A_3136, %dma_start3A_3149, %dma_start3A_3150] : memref<2x16x64xf32, #tpu.memory_space<vmem>> -> memref<1x16x64xf32, #tpu.memory_space<vmem>>
        %dma_start3A_3152 = tpu.memref_squeeze %dma_start3A_3151 : memref<1x16x64xf32, #tpu.memory_space<vmem>> -> memref<16x64xf32, #tpu.memory_space<vmem>>
        %dma_start3A_3153 = arith.constant 0 : i32
        %dma_start3A_3154 = arith.constant 0 : i32
        %dma_start3A_3155 = tpu.memref_slice %dma_start3A_3152[%dma_start3A_3153, %dma_start3A_3154] : memref<16x64xf32, #tpu.memory_space<vmem>> -> memref<1x64xf32, #tpu.memory_space<vmem>>
        %dma_start3A_3156 = arith.constant 0 : i32
        %dma_start3A_3157 = tpu.memref_slice %arg4[%squeeze3A_3135, %dma_start3A_3156] : memref<1000000x64xf32, #tpu.memory_space<hbm>> -> memref<1x64xf32, #tpu.memory_space<hbm>>
        tpu.enqueue_dma source(%dma_start3A_3157 : memref<1x64xf32, #tpu.memory_space<hbm>>) target(%dma_start3A_3155 : memref<1x64xf32, #tpu.memory_space<vmem>>) target_semaphore(%dma_start3A_3148 : memref<!tpu.dma_semaphore, #tpu.memory_space<semaphore_mem>>)
        %slice3A_3158 = vector.extract_strided_slice %get3A_3133 {offsets = [0], sizes = [1], strides = [1]} : vector<16xi32> to vector<1xi32>
        %squeeze3A_3159 = vector.extract %slice3A_3158[0] : i32 from vector<1xi32>
        %dma_start3A_3160 = arith.constant 0 : i32
        %dma_start3A_3161 = arith.constant 0 : i32
        %dma_start3A_3162 = arith.constant 0 : i32
        %dma_start3A_3163 = arith.constant 0 : i32
        %dma_start3A_3164 = tpu.memref_slice %arg10[%dma_start3A_3160, %dma_start3A_3162, %dma_start3A_3163] : memref<2x16x64xf32, #tpu.memory_space<vmem>> -> memref<1x16x64xf32, #tpu.memory_space<vmem>>
        %dma_start3A_3165 = tpu.memref_squeeze %dma_start3A_3164 : memref<1x16x64xf32, #tpu.memory_space<vmem>> -> memref<16x64xf32, #tpu.memory_space<vmem>>
        %dma_start3A_3166 = arith.constant 0 : i32
        %dma_start3A_3167 = arith.constant 0 : i32
        %dma_start3A_3168 = tpu.memref_slice %dma_start3A_3165[%dma_start3A_3166, %dma_start3A_3167] : memref<16x64xf32, #tpu.memory_space<vmem>> -> memref<1x64xf32, #tpu.memory_space<vmem>>
        %dma_start3A_3169 = arith.constant 0 : i32
        %dma_start3A_3170 = tpu.memref_slice %arg5[%squeeze3A_3159, %dma_start3A_3169] : memref<100000x64xf32, #tpu.memory_space<hbm>> -> memref<1x64xf32, #tpu.memory_space<hbm>>
        %dma_start3A_3171 = tpu.memref_slice %arg12[%dma_start3A_3161] : memref<2x!tpu.dma_semaphore, #tpu.memory_space<semaphore_mem>> -> memref<1x!tpu.dma_semaphore, #tpu.memory_space<semaphore_mem>>
        %dma_start3A_3172 = tpu.memref_squeeze %dma_start3A_3171 : memref<1x!tpu.dma_semaphore, #tpu.memory_space<semaphore_mem>> -> memref<!tpu.dma_semaphore, #tpu.memory_space<semaphore_mem>>
        %dma_start3A_3173 = arith.constant 0 : i32
        %dma_start3A_3174 = arith.constant 0 : i32
        %dma_start3A_3175 = tpu.memref_slice %arg10[%dma_start3A_3160, %dma_start3A_3173, %dma_start3A_3174] : memref<2x16x64xf32, #tpu.memory_space<vmem>> -> memref<1x16x64xf32, #tpu.memory_space<vmem>>
        %dma_start3A_3176 = tpu.memref_squeeze %dma_start3A_3175 : memref<1x16x64xf32, #tpu.memory_space<vmem>> -> memref<16x64xf32, #tpu.memory_space<vmem>>
        %dma_start3A_3177 = arith.constant 0 : i32
        %dma_start3A_3178 = arith.constant 0 : i32
        %dma_start3A_3179 = tpu.memref_slice %dma_start3A_3176[%dma_start3A_3177, %dma_start3A_3178] : memref<16x64xf32, #tpu.memory_space<vmem>> -> memref<1x64xf32, #tpu.memory_space<vmem>>
        %dma_start3A_3180 = arith.constant 0 : i32
        %dma_start3A_3181 = tpu.memref_slice %arg5[%squeeze3A_3159, %dma_start3A_3180] : memref<100000x64xf32, #tpu.memory_space<hbm>> -> memref<1x64xf32, #tpu.memory_space<hbm>>
        tpu.enqueue_dma source(%dma_start3A_3181 : memref<1x64xf32, #tpu.memory_space<hbm>>) target(%dma_start3A_3179 : memref<1x64xf32, #tpu.memory_space<vmem>>) target_semaphore(%dma_start3A_3172 : memref<!tpu.dma_semaphore, #tpu.memory_space<semaphore_mem>>)
        %slice3A_3182 = vector.extract_strided_slice %get3A_3131 {offsets = [1], sizes = [1], strides = [1]} : vector<16xi32> to vector<1xi32>
        %squeeze3A_3183 = vector.extract %slice3A_3182[0] : i32 from vector<1xi32>
        %dma_start3A_3184 = arith.constant 0 : i32
        %dma_start3A_3185 = arith.constant 0 : i32
        %dma_start3A_3186 = arith.constant 0 : i32
        %dma_start3A_3187 = arith.constant 0 : i32
        %dma_start3A_3188 = tpu.memref_slice %arg9[%dma_start3A_3184, %dma_start3A_3186, %dma_start3A_3187] : memref<2x16x64xf32, #tpu.memory_space<vmem>> -> memref<1x16x64xf32, #tpu.memory_space<vmem>>
        %dma_start3A_3189 = tpu.memref_squeeze %dma_start3A_3188 : memref<1x16x64xf32, #tpu.memory_space<vmem>> -> memref<16x64xf32, #tpu.memory_space<vmem>>
        %dma_start3A_3190 = arith.constant 1 : i32
        %dma_start3A_3191 = arith.constant 0 : i32
        %dma_start3A_3192 = tpu.memref_slice %dma_start3A_3189[%dma_start3A_3190, %dma_start3A_3191] : memref<16x64xf32, #tpu.memory_space<vmem>> -> memref<1x64xf32, #tpu.memory_space<vmem>>
        %dma_start3A_3193 = arith.constant 0 : i32
        %dma_start3A_3194 = tpu.memref_slice %arg4[%squeeze3A_3183, %dma_start3A_3193] : memref<1000000x64xf32, #tpu.memory_space<hbm>> -> memref<1x64xf32, #tpu.memory_space<hbm>>
        %dma_start3A_3195 = tpu.memref_slice %arg12[%dma_start3A_3185] : memref<2x!tpu.dma_semaphore, #tpu.memory_space<semaphore_mem>> -> memref<1x!tpu.dma_semaphore, #tpu.memory_space<semaphore_mem>>
        %dma_start3A_3196 = tpu.memref_squeeze %dma_start3A_3195 : memref<1x!tpu.dma_semaphore, #tpu.memory_space<semaphore_mem>> -> memref<!tpu.dma_semaphore, #tpu.memory_space<semaphore_mem>>
        %dma_start3A_3197 = arith.constant 0 : i32
        %dma_start3A_3198 = arith.constant 0 : i32
        %dma_start3A_3199 = tpu.memref_slice %arg9[%dma_start3A_3184, %dma_start3A_3197, %dma_start3A_3198] : memref<2x16x64xf32, #tpu.memory_space<vmem>> -> memref<1x16x64xf32, #tpu.memory_space<vmem>>
        %dma_start3A_3200 = tpu.memref_squeeze %dma_start3A_3199 : memref<1x16x64xf32, #tpu.memory_space<vmem>> -> memref<16x64xf32, #tpu.memory_space<vmem>>
        %dma_start3A_3201 = arith.constant 1 : i32
        %dma_start3A_3202 = arith.constant 0 : i32
        %dma_start3A_3203 = tpu.memref_slice %dma_start3A_3200[%dma_start3A_3201, %dma_start3A_3202] : memref<16x64xf32, #tpu.memory_space<vmem>> -> memref<1x64xf32, #tpu.memory_space<vmem>>
        %dma_start3A_3204 = arith.constant 0 : i32
        %dma_start3A_3205 = tpu.memref_slice %arg4[%squeeze3A_3183, %dma_start3A_3204] : memref<1000000x64xf32, #tpu.memory_space<hbm>> -> memref<1x64xf32, #tpu.memory_space<hbm>>
        tpu.enqueue_dma source(%dma_start3A_3205 : memref<1x64xf32, #tpu.memory_space<hbm>>) target(%dma_start3A_3203 : memref<1x64xf32, #tpu.memory_space<vmem>>) target_semaphore(%dma_start3A_3196 : memref<!tpu.dma_semaphore, #tpu.memory_space<semaphore_mem>>)
        %slice3A_3206 = vector.extract_strided_slice %get3A_3133 {offsets = [1], sizes = [1], strides = [1]} : vector<16xi32> to vector<1xi32>
        %squeeze3A_3207 = vector.extract %slice3A_3206[0] : i32 from vector<1xi32>
        %dma_start3A_3208 = arith.constant 0 : i32
        %dma_start3A_3209 = arith.constant 0 : i32
        %dma_start3A_3210 = arith.constant 0 : i32
        %dma_start3A_3211 = arith.constant 0 : i32
        %dma_start3A_3212 = tpu.memref_slice %arg10[%dma_start3A_3208, %dma_start3A_3210, %dma_start3A_3211] : memref<2x16x64xf32, #tpu.memory_space<vmem>> -> memref<1x16x64xf32, #tpu.memory_space<vmem>>
        %dma_start3A_3213 = tpu.memref_squeeze %dma_start3A_3212 : memref<1x16x64xf32, #tpu.memory_space<vmem>> -> memref<16x64xf32, #tpu.memory_space<vmem>>
        %dma_start3A_3214 = arith.constant 1 : i32
        %dma_start3A_3215 = arith.constant 0 : i32
        %dma_start3A_3216 = tpu.memref_slice %dma_start3A_3213[%dma_start3A_3214, %dma_start3A_3215] : memref<16x64xf32, #tpu.memory_space<vmem>> -> memref<1x64xf32, #tpu.memory_space<vmem>>
        %dma_start3A_3217 = arith.constant 0 : i32
        %dma_start3A_3218 = tpu.memref_slice %arg5[%squeeze3A_3207, %dma_start3A_3217] : memref<100000x64xf32, #tpu.memory_space<hbm>> -> memref<1x64xf32, #tpu.memory_space<hbm>>
        %dma_start3A_3219 = tpu.memref_slice %arg12[%dma_start3A_3209] : memref<2x!tpu.dma_semaphore, #tpu.memory_space<semaphore_mem>> -> memref<1x!tpu.dma_semaphore, #tpu.memory_space<semaphore_mem>>
        %dma_start3A_3220 = tpu.memref_squeeze %dma_start3A_3219 : memref<1x!tpu.dma_semaphore, #tpu.memory_space<semaphore_mem>> -> memref<!tpu.dma_semaphore, #tpu.memory_space<semaphore_mem>>
        %dma_start3A_3221 = arith.constant 0 : i32
        %dma_start3A_3222 = arith.constant 0 : i32
        %dma_start3A_3223 = tpu.memref_slice %arg10[%dma_start3A_3208, %dma_start3A_3221, %dma_start3A_3222] : memref<2x16x64xf32, #tpu.memory_space<vmem>> -> memref<1x16x64xf32, #tpu.memory_space<vmem>>
        %dma_start3A_3224 = tpu.memref_squeeze %dma_start3A_3223 : memref<1x16x64xf32, #tpu.memory_space<vmem>> -> memref<16x64xf32, #tpu.memory_space<vmem>>
        %dma_start3A_3225 = arith.constant 1 : i32
        %dma_start3A_3226 = arith.constant 0 : i32
        %dma_start3A_3227 = tpu.memref_slice %dma_start3A_3224[%dma_start3A_3225, %dma_start3A_3226] : memref<16x64xf32, #tpu.memory_space<vmem>> -> memref<1x64xf32, #tpu.memory_space<vmem>>
        %dma_start3A_3228 = arith.constant 0 : i32
        %dma_start3A_3229 = tpu.memref_slice %arg5[%squeeze3A_3207, %dma_start3A_3228] : memref<100000x64xf32, #tpu.memory_space<hbm>> -> memref<1x64xf32, #tpu.memory_space<hbm>>
        tpu.enqueue_dma source(%dma_start3A_3229 : memref<1x64xf32, #tpu.memory_space<hbm>>) target(%dma_start3A_3227 : memref<1x64xf32, #tpu.memory_space<vmem>>) target_semaphore(%dma_start3A_3220 : memref<!tpu.dma_semaphore, #tpu.memory_space<semaphore_mem>>)
        %slice3A_3230 = vector.extract_strided_slice %get3A_3131 {offsets = [2], sizes = [1], strides = [1]} : vector<16xi32> to vector<1xi32>
        %squeeze3A_3231 = vector.extract %slice3A_3230[0] : i32 from vector<1xi32>
        %dma_start3A_3232 = arith.constant 0 : i32
        %dma_start3A_3233 = arith.constant 0 : i32
        %dma_start3A_3234 = arith.constant 0 : i32
        %dma_start3A_3235 = arith.constant 0 : i32
        %dma_start3A_3236 = tpu.memref_slice %arg9[%dma_start3A_3232, %dma_start3A_3234, %dma_start3A_3235] : memref<2x16x64xf32, #tpu.memory_space<vmem>> -> memref<1x16x64xf32, #tpu.memory_space<vmem>>
        %dma_start3A_3237 = tpu.memref_squeeze %dma_start3A_3236 : memref<1x16x64xf32, #tpu.memory_space<vmem>> -> memref<16x64xf32, #tpu.memory_space<vmem>>
        %dma_start3A_3238 = arith.constant 2 : i32
        %dma_start3A_3239 = arith.constant 0 : i32
        %dma_start3A_3240 = tpu.memref_slice %dma_start3A_3237[%dma_start3A_3238, %dma_start3A_3239] : memref<16x64xf32, #tpu.memory_space<vmem>> -> memref<1x64xf32, #tpu.memory_space<vmem>>
        %dma_start3A_3241 = arith.constant 0 : i32
        %dma_start3A_3242 = tpu.memref_slice %arg4[%squeeze3A_3231, %dma_start3A_3241] : memref<1000000x64xf32, #tpu.memory_space<hbm>> -> memref<1x64xf32, #tpu.memory_space<hbm>>
        %dma_start3A_3243 = tpu.memref_slice %arg12[%dma_start3A_3233] : memref<2x!tpu.dma_semaphore, #tpu.memory_space<semaphore_mem>> -> memref<1x!tpu.dma_semaphore, #tpu.memory_space<semaphore_mem>>
        %dma_start3A_3244 = tpu.memref_squeeze %dma_start3A_3243 : memref<1x!tpu.dma_semaphore, #tpu.memory_space<semaphore_mem>> -> memref<!tpu.dma_semaphore, #tpu.memory_space<semaphore_mem>>
        %dma_start3A_3245 = arith.constant 0 : i32
        %dma_start3A_3246 = arith.constant 0 : i32
        %dma_start3A_3247 = tpu.memref_slice %arg9[%dma_start3A_3232, %dma_start3A_3245, %dma_start3A_3246] : memref<2x16x64xf32, #tpu.memory_space<vmem>> -> memref<1x16x64xf32, #tpu.memory_space<vmem>>
        %dma_start3A_3248 = tpu.memref_squeeze %dma_start3A_3247 : memref<1x16x64xf32, #tpu.memory_space<vmem>> -> memref<16x64xf32, #tpu.memory_space<vmem>>
        %dma_start3A_3249 = arith.constant 2 : i32
        %dma_start3A_3250 = arith.constant 0 : i32
        %dma_start3A_3251 = tpu.memref_slice %dma_start3A_3248[%dma_start3A_3249, %dma_start3A_3250] : memref<16x64xf32, #tpu.memory_space<vmem>> -> memref<1x64xf32, #tpu.memory_space<vmem>>
        %dma_start3A_3252 = arith.constant 0 : i32
        %dma_start3A_3253 = tpu.memref_slice %arg4[%squeeze3A_3231, %dma_start3A_3252] : memref<1000000x64xf32, #tpu.memory_space<hbm>> -> memref<1x64xf32, #tpu.memory_space<hbm>>
        tpu.enqueue_dma source(%dma_start3A_3253 : memref<1x64xf32, #tpu.memory_space<hbm>>) target(%dma_start3A_3251 : memref<1x64xf32, #tpu.memory_space<vmem>>) target_semaphore(%dma_start3A_3244 : memref<!tpu.dma_semaphore, #tpu.memory_space<semaphore_mem>>)
        %slice3A_3254 = vector.extract_strided_slice %get3A_3133 {offsets = [2], sizes = [1], strides = [1]} : vector<16xi32> to vector<1xi32>
        %squeeze3A_3255 = vector.extract %slice3A_3254[0] : i32 from vector<1xi32>
        %dma_start3A_3256 = arith.constant 0 : i32
        %dma_start3A_3257 = arith.constant 0 : i32
        %dma_start3A_3258 = arith.constant 0 : i32
        %dma_start3A_3259 = arith.constant 0 : i32
        %dma_start3A_3260 = tpu.memref_slice %arg10[%dma_start3A_3256, %dma_start3A_3258, %dma_start3A_3259] : memref<2x16x64xf32, #tpu.memory_space<vmem>> -> memref<1x16x64xf32, #tpu.memory_space<vmem>>
        %dma_start3A_3261 = tpu.memref_squeeze %dma_start3A_3260 : memref<1x16x64xf32, #tpu.memory_space<vmem>> -> memref<16x64xf32, #tpu.memory_space<vmem>>
        %dma_start3A_3262 = arith.constant 2 : i32
        %dma_start3A_3263 = arith.constant 0 : i32
        %dma_start3A_3264 = tpu.memref_slice %dma_start3A_3261[%dma_start3A_3262, %dma_start3A_3263] : memref<16x64xf32, #tpu.memory_space<vmem>> -> memref<1x64xf32, #tpu.memory_space<vmem>>
        %dma_start3A_3265 = arith.constant 0 : i32
        %dma_start3A_3266 = tpu.memref_slice %arg5[%squeeze3A_3255, %dma_start3A_3265] : memref<100000x64xf32, #tpu.memory_space<hbm>> -> memref<1x64xf32, #tpu.memory_space<hbm>>
        %dma_start3A_3267 = tpu.memref_slice %arg12[%dma_start3A_3257] : memref<2x!tpu.dma_semaphore, #tpu.memory_space<semaphore_mem>> -> memref<1x!tpu.dma_semaphore, #tpu.memory_space<semaphore_mem>>
        %dma_start3A_3268 = tpu.memref_squeeze %dma_start3A_3267 : memref<1x!tpu.dma_semaphore, #tpu.memory_space<semaphore_mem>> -> memref<!tpu.dma_semaphore, #tpu.memory_space<semaphore_mem>>
        %dma_start3A_3269 = arith.constant 0 : i32
        %dma_start3A_3270 = arith.constant 0 : i32
        %dma_start3A_3271 = tpu.memref_slice %arg10[%dma_start3A_3256, %dma_start3A_3269, %dma_start3A_3270] : memref<2x16x64xf32, #tpu.memory_space<vmem>> -> memref<1x16x64xf32, #tpu.memory_space<vmem>>
        %dma_start3A_3272 = tpu.memref_squeeze %dma_start3A_3271 : memref<1x16x64xf32, #tpu.memory_space<vmem>> -> memref<16x64xf32, #tpu.memory_space<vmem>>
        %dma_start3A_3273 = arith.constant 2 : i32
        %dma_start3A_3274 = arith.constant 0 : i32
        %dma_start3A_3275 = tpu.memref_slice %dma_start3A_3272[%dma_start3A_3273, %dma_start3A_3274] : memref<16x64xf32, #tpu.memory_space<vmem>> -> memref<1x64xf32, #tpu.memory_space<vmem>>
        %dma_start3A_3276 = arith.constant 0 : i32
        %dma_start3A_3277 = tpu.memref_slice %arg5[%squeeze3A_3255, %dma_start3A_3276] : memref<100000x64xf32, #tpu.memory_space<hbm>> -> memref<1x64xf32, #tpu.memory_space<hbm>>
        tpu.enqueue_dma source(%dma_start3A_3277 : memref<1x64xf32, #tpu.memory_space<hbm>>) target(%dma_start3A_3275 : memref<1x64xf32, #tpu.memory_space<vmem>>) target_semaphore(%dma_start3A_3268 : memref<!tpu.dma_semaphore, #tpu.memory_space<semaphore_mem>>)
        %slice3A_3278 = vector.extract_strided_slice %get3A_3131 {offsets = [3], sizes = [1], strides = [1]} : vector<16xi32> to vector<1xi32>
        %squeeze3A_3279 = vector.extract %slice3A_3278[0] : i32 from vector<1xi32>
        %dma_start3A_3280 = arith.constant 0 : i32
        %dma_start3A_3281 = arith.constant 0 : i32
        %dma_start3A_3282 = arith.constant 0 : i32
        %dma_start3A_3283 = arith.constant 0 : i32
        %dma_start3A_3284 = tpu.memref_slice %arg9[%dma_start3A_3280, %dma_start3A_3282, %dma_start3A_3283] : memref<2x16x64xf32, #tpu.memory_space<vmem>> -> memref<1x16x64xf32, #tpu.memory_space<vmem>>
        %dma_start3A_3285 = tpu.memref_squeeze %dma_start3A_3284 : memref<1x16x64xf32, #tpu.memory_space<vmem>> -> memref<16x64xf32, #tpu.memory_space<vmem>>
        %dma_start3A_3286 = arith.constant 3 : i32
        %dma_start3A_3287 = arith.constant 0 : i32
        %dma_start3A_3288 = tpu.memref_slice %dma_start3A_3285[%dma_start3A_3286, %dma_start3A_3287] : memref<16x64xf32, #tpu.memory_space<vmem>> -> memref<1x64xf32, #tpu.memory_space<vmem>>
        %dma_start3A_3289 = arith.constant 0 : i32
        %dma_start3A_3290 = tpu.memref_slice %arg4[%squeeze3A_3279, %dma_start3A_3289] : memref<1000000x64xf32, #tpu.memory_space<hbm>> -> memref<1x64xf32, #tpu.memory_space<hbm>>
        %dma_start3A_3291 = tpu.memref_slice %arg12[%dma_start3A_3281] : memref<2x!tpu.dma_semaphore, #tpu.memory_space<semaphore_mem>> -> memref<1x!tpu.dma_semaphore, #tpu.memory_space<semaphore_mem>>
        %dma_start3A_3292 = tpu.memref_squeeze %dma_start3A_3291 : memref<1x!tpu.dma_semaphore, #tpu.memory_space<semaphore_mem>> -> memref<!tpu.dma_semaphore, #tpu.memory_space<semaphore_mem>>
        %dma_start3A_3293 = arith.constant 0 : i32
        %dma_start3A_3294 = arith.constant 0 : i32
        %dma_start3A_3295 = tpu.memref_slice %arg9[%dma_start3A_3280, %dma_start3A_3293, %dma_start3A_3294] : memref<2x16x64xf32, #tpu.memory_space<vmem>> -> memref<1x16x64xf32, #tpu.memory_space<vmem>>
        %dma_start3A_3296 = tpu.memref_squeeze %dma_start3A_3295 : memref<1x16x64xf32, #tpu.memory_space<vmem>> -> memref<16x64xf32, #tpu.memory_space<vmem>>
        %dma_start3A_3297 = arith.constant 3 : i32
        %dma_start3A_3298 = arith.constant 0 : i32
        %dma_start3A_3299 = tpu.memref_slice %dma_start3A_3296[%dma_start3A_3297, %dma_start3A_3298] : memref<16x64xf32, #tpu.memory_space<vmem>> -> memref<1x64xf32, #tpu.memory_space<vmem>>
        %dma_start3A_3300 = arith.constant 0 : i32
        %dma_start3A_3301 = tpu.memref_slice %arg4[%squeeze3A_3279, %dma_start3A_3300] : memref<1000000x64xf32, #tpu.memory_space<hbm>> -> memref<1x64xf32, #tpu.memory_space<hbm>>
        tpu.enqueue_dma source(%dma_start3A_3301 : memref<1x64xf32, #tpu.memory_space<hbm>>) target(%dma_start3A_3299 : memref<1x64xf32, #tpu.memory_space<vmem>>) target_semaphore(%dma_start3A_3292 : memref<!tpu.dma_semaphore, #tpu.memory_space<semaphore_mem>>)
        %slice3A_3302 = vector.extract_strided_slice %get3A_3133 {offsets = [3], sizes = [1], strides = [1]} : vector<16xi32> to vector<1xi32>
        %squeeze3A_3303 = vector.extract %slice3A_3302[0] : i32 from vector<1xi32>
        %dma_start3A_3304 = arith.constant 0 : i32
        %dma_start3A_3305 = arith.constant 0 : i32
        %dma_start3A_3306 = arith.constant 0 : i32
        %dma_start3A_3307 = arith.constant 0 : i32
        %dma_start3A_3308 = tpu.memref_slice %arg10[%dma_start3A_3304, %dma_start3A_3306, %dma_start3A_3307] : memref<2x16x64xf32, #tpu.memory_space<vmem>> -> memref<1x16x64xf32, #tpu.memory_space<vmem>>
        %dma_start3A_3309 = tpu.memref_squeeze %dma_start3A_3308 : memref<1x16x64xf32, #tpu.memory_space<vmem>> -> memref<16x64xf32, #tpu.memory_space<vmem>>
        %dma_start3A_3310 = arith.constant 3 : i32
        %dma_start3A_3311 = arith.constant 0 : i32
        %dma_start3A_3312 = tpu.memref_slice %dma_start3A_3309[%dma_start3A_3310, %dma_start3A_3311] : memref<16x64xf32, #tpu.memory_space<vmem>> -> memref<1x64xf32, #tpu.memory_space<vmem>>
        %dma_start3A_3313 = arith.constant 0 : i32
        %dma_start3A_3314 = tpu.memref_slice %arg5[%squeeze3A_3303, %dma_start3A_3313] : memref<100000x64xf32, #tpu.memory_space<hbm>> -> memref<1x64xf32, #tpu.memory_space<hbm>>
        %dma_start3A_3315 = tpu.memref_slice %arg12[%dma_start3A_3305] : memref<2x!tpu.dma_semaphore, #tpu.memory_space<semaphore_mem>> -> memref<1x!tpu.dma_semaphore, #tpu.memory_space<semaphore_mem>>
        %dma_start3A_3316 = tpu.memref_squeeze %dma_start3A_3315 : memref<1x!tpu.dma_semaphore, #tpu.memory_space<semaphore_mem>> -> memref<!tpu.dma_semaphore, #tpu.memory_space<semaphore_mem>>
        %dma_start3A_3317 = arith.constant 0 : i32
        %dma_start3A_3318 = arith.constant 0 : i32
        %dma_start3A_3319 = tpu.memref_slice %arg10[%dma_start3A_3304, %dma_start3A_3317, %dma_start3A_3318] : memref<2x16x64xf32, #tpu.memory_space<vmem>> -> memref<1x16x64xf32, #tpu.memory_space<vmem>>
        %dma_start3A_3320 = tpu.memref_squeeze %dma_start3A_3319 : memref<1x16x64xf32, #tpu.memory_space<vmem>> -> memref<16x64xf32, #tpu.memory_space<vmem>>
        %dma_start3A_3321 = arith.constant 3 : i32
        %dma_start3A_3322 = arith.constant 0 : i32
        %dma_start3A_3323 = tpu.memref_slice %dma_start3A_3320[%dma_start3A_3321, %dma_start3A_3322] : memref<16x64xf32, #tpu.memory_space<vmem>> -> memref<1x64xf32, #tpu.memory_space<vmem>>
        %dma_start3A_3324 = arith.constant 0 : i32
        %dma_start3A_3325 = tpu.memref_slice %arg5[%squeeze3A_3303, %dma_start3A_3324] : memref<100000x64xf32, #tpu.memory_space<hbm>> -> memref<1x64xf32, #tpu.memory_space<hbm>>
        tpu.enqueue_dma source(%dma_start3A_3325 : memref<1x64xf32, #tpu.memory_space<hbm>>) target(%dma_start3A_3323 : memref<1x64xf32, #tpu.memory_space<vmem>>) target_semaphore(%dma_start3A_3316 : memref<!tpu.dma_semaphore, #tpu.memory_space<semaphore_mem>>)
        %slice3A_3326 = vector.extract_strided_slice %get3A_3131 {offsets = [4], sizes = [1], strides = [1]} : vector<16xi32> to vector<1xi32>
        %squeeze3A_3327 = vector.extract %slice3A_3326[0] : i32 from vector<1xi32>
        %dma_start3A_3328 = arith.constant 0 : i32
        %dma_start3A_3329 = arith.constant 0 : i32
        %dma_start3A_3330 = arith.constant 0 : i32
        %dma_start3A_3331 = arith.constant 0 : i32
        %dma_start3A_3332 = tpu.memref_slice %arg9[%dma_start3A_3328, %dma_start3A_3330, %dma_start3A_3331] : memref<2x16x64xf32, #tpu.memory_space<vmem>> -> memref<1x16x64xf32, #tpu.memory_space<vmem>>
        %dma_start3A_3333 = tpu.memref_squeeze %dma_start3A_3332 : memref<1x16x64xf32, #tpu.memory_space<vmem>> -> memref<16x64xf32, #tpu.memory_space<vmem>>
        %dma_start3A_3334 = arith.constant 4 : i32
        %dma_start3A_3335 = arith.constant 0 : i32
        %dma_start3A_3336 = tpu.memref_slice %dma_start3A_3333[%dma_start3A_3334, %dma_start3A_3335] : memref<16x64xf32, #tpu.memory_space<vmem>> -> memref<1x64xf32, #tpu.memory_space<vmem>>
        %dma_start3A_3337 = arith.constant 0 : i32
        %dma_start3A_3338 = tpu.memref_slice %arg4[%squeeze3A_3327, %dma_start3A_3337] : memref<1000000x64xf32, #tpu.memory_space<hbm>> -> memref<1x64xf32, #tpu.memory_space<hbm>>
        %dma_start3A_3339 = tpu.memref_slice %arg12[%dma_start3A_3329] : memref<2x!tpu.dma_semaphore, #tpu.memory_space<semaphore_mem>> -> memref<1x!tpu.dma_semaphore, #tpu.memory_space<semaphore_mem>>
        %dma_start3A_3340 = tpu.memref_squeeze %dma_start3A_3339 : memref<1x!tpu.dma_semaphore, #tpu.memory_space<semaphore_mem>> -> memref<!tpu.dma_semaphore, #tpu.memory_space<semaphore_mem>>
        %dma_start3A_3341 = arith.constant 0 : i32
        %dma_start3A_3342 = arith.constant 0 : i32
        %dma_start3A_3343 = tpu.memref_slice %arg9[%dma_start3A_3328, %dma_start3A_3341, %dma_start3A_3342] : memref<2x16x64xf32, #tpu.memory_space<vmem>> -> memref<1x16x64xf32, #tpu.memory_space<vmem>>
        %dma_start3A_3344 = tpu.memref_squeeze %dma_start3A_3343 : memref<1x16x64xf32, #tpu.memory_space<vmem>> -> memref<16x64xf32, #tpu.memory_space<vmem>>
        %dma_start3A_3345 = arith.constant 4 : i32
        %dma_start3A_3346 = arith.constant 0 : i32
        %dma_start3A_3347 = tpu.memref_slice %dma_start3A_3344[%dma_start3A_3345, %dma_start3A_3346] : memref<16x64xf32, #tpu.memory_space<vmem>> -> memref<1x64xf32, #tpu.memory_space<vmem>>
        %dma_start3A_3348 = arith.constant 0 : i32
        %dma_start3A_3349 = tpu.memref_slice %arg4[%squeeze3A_3327, %dma_start3A_3348] : memref<1000000x64xf32, #tpu.memory_space<hbm>> -> memref<1x64xf32, #tpu.memory_space<hbm>>
        tpu.enqueue_dma source(%dma_start3A_3349 : memref<1x64xf32, #tpu.memory_space<hbm>>) target(%dma_start3A_3347 : memref<1x64xf32, #tpu.memory_space<vmem>>) target_semaphore(%dma_start3A_3340 : memref<!tpu.dma_semaphore, #tpu.memory_space<semaphore_mem>>)
        %slice3A_3350 = vector.extract_strided_slice %get3A_3133 {offsets = [4], sizes = [1], strides = [1]} : vector<16xi32> to vector<1xi32>
        %squeeze3A_3351 = vector.extract %slice3A_3350[0] : i32 from vector<1xi32>
        %dma_start3A_3352 = arith.constant 0 : i32
        %dma_start3A_3353 = arith.constant 0 : i32
        %dma_start3A_3354 = arith.constant 0 : i32
        %dma_start3A_3355 = arith.constant 0 : i32
        %dma_start3A_3356 = tpu.memref_slice %arg10[%dma_start3A_3352, %dma_start3A_3354, %dma_start3A_3355] : memref<2x16x64xf32, #tpu.memory_space<vmem>> -> memref<1x16x64xf32, #tpu.memory_space<vmem>>
        %dma_start3A_3357 = tpu.memref_squeeze %dma_start3A_3356 : memref<1x16x64xf32, #tpu.memory_space<vmem>> -> memref<16x64xf32, #tpu.memory_space<vmem>>
        %dma_start3A_3358 = arith.constant 4 : i32
        %dma_start3A_3359 = arith.constant 0 : i32
        %dma_start3A_3360 = tpu.memref_slice %dma_start3A_3357[%dma_start3A_3358, %dma_start3A_3359] : memref<16x64xf32, #tpu.memory_space<vmem>> -> memref<1x64xf32, #tpu.memory_space<vmem>>
        %dma_start3A_3361 = arith.constant 0 : i32
        %dma_start3A_3362 = tpu.memref_slice %arg5[%squeeze3A_3351, %dma_start3A_3361] : memref<100000x64xf32, #tpu.memory_space<hbm>> -> memref<1x64xf32, #tpu.memory_space<hbm>>
        %dma_start3A_3363 = tpu.memref_slice %arg12[%dma_start3A_3353] : memref<2x!tpu.dma_semaphore, #tpu.memory_space<semaphore_mem>> -> memref<1x!tpu.dma_semaphore, #tpu.memory_space<semaphore_mem>>
        %dma_start3A_3364 = tpu.memref_squeeze %dma_start3A_3363 : memref<1x!tpu.dma_semaphore, #tpu.memory_space<semaphore_mem>> -> memref<!tpu.dma_semaphore, #tpu.memory_space<semaphore_mem>>
        %dma_start3A_3365 = arith.constant 0 : i32
        %dma_start3A_3366 = arith.constant 0 : i32
        %dma_start3A_3367 = tpu.memref_slice %arg10[%dma_start3A_3352, %dma_start3A_3365, %dma_start3A_3366] : memref<2x16x64xf32, #tpu.memory_space<vmem>> -> memref<1x16x64xf32, #tpu.memory_space<vmem>>
        %dma_start3A_3368 = tpu.memref_squeeze %dma_start3A_3367 : memref<1x16x64xf32, #tpu.memory_space<vmem>> -> memref<16x64xf32, #tpu.memory_space<vmem>>
        %dma_start3A_3369 = arith.constant 4 : i32
        %dma_start3A_3370 = arith.constant 0 : i32
        %dma_start3A_3371 = tpu.memref_slice %dma_start3A_3368[%dma_start3A_3369, %dma_start3A_3370] : memref<16x64xf32, #tpu.memory_space<vmem>> -> memref<1x64xf32, #tpu.memory_space<vmem>>
        %dma_start3A_3372 = arith.constant 0 : i32
        %dma_start3A_3373 = tpu.memref_slice %arg5[%squeeze3A_3351, %dma_start3A_3372] : memref<100000x64xf32, #tpu.memory_space<hbm>> -> memref<1x64xf32, #tpu.memory_space<hbm>>
        tpu.enqueue_dma source(%dma_start3A_3373 : memref<1x64xf32, #tpu.memory_space<hbm>>) target(%dma_start3A_3371 : memref<1x64xf32, #tpu.memory_space<vmem>>) target_semaphore(%dma_start3A_3364 : memref<!tpu.dma_semaphore, #tpu.memory_space<semaphore_mem>>)
        %slice3A_3374 = vector.extract_strided_slice %get3A_3131 {offsets = [5], sizes = [1], strides = [1]} : vector<16xi32> to vector<1xi32>
        %squeeze3A_3375 = vector.extract %slice3A_3374[0] : i32 from vector<1xi32>
        %dma_start3A_3376 = arith.constant 0 : i32
        %dma_start3A_3377 = arith.constant 0 : i32
        %dma_start3A_3378 = arith.constant 0 : i32
        %dma_start3A_3379 = arith.constant 0 : i32
        %dma_start3A_3380 = tpu.memref_slice %arg9[%dma_start3A_3376, %dma_start3A_3378, %dma_start3A_3379] : memref<2x16x64xf32, #tpu.memory_space<vmem>> -> memref<1x16x64xf32, #tpu.memory_space<vmem>>
        %dma_start3A_3381 = tpu.memref_squeeze %dma_start3A_3380 : memref<1x16x64xf32, #tpu.memory_space<vmem>> -> memref<16x64xf32, #tpu.memory_space<vmem>>
        %dma_start3A_3382 = arith.constant 5 : i32
        %dma_start3A_3383 = arith.constant 0 : i32
        %dma_start3A_3384 = tpu.memref_slice %dma_start3A_3381[%dma_start3A_3382, %dma_start3A_3383] : memref<16x64xf32, #tpu.memory_space<vmem>> -> memref<1x64xf32, #tpu.memory_space<vmem>>
        %dma_start3A_3385 = arith.constant 0 : i32
        %dma_start3A_3386 = tpu.memref_slice %arg4[%squeeze3A_3375, %dma_start3A_3385] : memref<1000000x64xf32, #tpu.memory_space<hbm>> -> memref<1x64xf32, #tpu.memory_space<hbm>>
        %dma_start3A_3387 = tpu.memref_slice %arg12[%dma_start3A_3377] : memref<2x!tpu.dma_semaphore, #tpu.memory_space<semaphore_mem>> -> memref<1x!tpu.dma_semaphore, #tpu.memory_space<semaphore_mem>>
        %dma_start3A_3388 = tpu.memref_squeeze %dma_start3A_3387 : memref<1x!tpu.dma_semaphore, #tpu.memory_space<semaphore_mem>> -> memref<!tpu.dma_semaphore, #tpu.memory_space<semaphore_mem>>
        %dma_start3A_3389 = arith.constant 0 : i32
        %dma_start3A_3390 = arith.constant 0 : i32
        %dma_start3A_3391 = tpu.memref_slice %arg9[%dma_start3A_3376, %dma_start3A_3389, %dma_start3A_3390] : memref<2x16x64xf32, #tpu.memory_space<vmem>> -> memref<1x16x64xf32, #tpu.memory_space<vmem>>
        %dma_start3A_3392 = tpu.memref_squeeze %dma_start3A_3391 : memref<1x16x64xf32, #tpu.memory_space<vmem>> -> memref<16x64xf32, #tpu.memory_space<vmem>>
        %dma_start3A_3393 = arith.constant 5 : i32
        %dma_start3A_3394 = arith.constant 0 : i32
        %dma_start3A_3395 = tpu.memref_slice %dma_start3A_3392[%dma_start3A_3393, %dma_start3A_3394] : memref<16x64xf32, #tpu.memory_space<vmem>> -> memref<1x64xf32, #tpu.memory_space<vmem>>
        %dma_start3A_3396 = arith.constant 0 : i32
        %dma_start3A_3397 = tpu.memref_slice %arg4[%squeeze3A_3375, %dma_start3A_3396] : memref<1000000x64xf32, #tpu.memory_space<hbm>> -> memref<1x64xf32, #tpu.memory_space<hbm>>
        tpu.enqueue_dma source(%dma_start3A_3397 : memref<1x64xf32, #tpu.memory_space<hbm>>) target(%dma_start3A_3395 : memref<1x64xf32, #tpu.memory_space<vmem>>) target_semaphore(%dma_start3A_3388 : memref<!tpu.dma_semaphore, #tpu.memory_space<semaphore_mem>>)
        %slice3A_3398 = vector.extract_strided_slice %get3A_3133 {offsets = [5], sizes = [1], strides = [1]} : vector<16xi32> to vector<1xi32>
        %squeeze3A_3399 = vector.extract %slice3A_3398[0] : i32 from vector<1xi32>
        %dma_start3A_3400 = arith.constant 0 : i32
        %dma_start3A_3401 = arith.constant 0 : i32
        %dma_start3A_3402 = arith.constant 0 : i32
        %dma_start3A_3403 = arith.constant 0 : i32
        %dma_start3A_3404 = tpu.memref_slice %arg10[%dma_start3A_3400, %dma_start3A_3402, %dma_start3A_3403] : memref<2x16x64xf32, #tpu.memory_space<vmem>> -> memref<1x16x64xf32, #tpu.memory_space<vmem>>
        %dma_start3A_3405 = tpu.memref_squeeze %dma_start3A_3404 : memref<1x16x64xf32, #tpu.memory_space<vmem>> -> memref<16x64xf32, #tpu.memory_space<vmem>>
        %dma_start3A_3406 = arith.constant 5 : i32
        %dma_start3A_3407 = arith.constant 0 : i32
        %dma_start3A_3408 = tpu.memref_slice %dma_start3A_3405[%dma_start3A_3406, %dma_start3A_3407] : memref<16x64xf32, #tpu.memory_space<vmem>> -> memref<1x64xf32, #tpu.memory_space<vmem>>
        %dma_start3A_3409 = arith.constant 0 : i32
        %dma_start3A_3410 = tpu.memref_slice %arg5[%squeeze3A_3399, %dma_start3A_3409] : memref<100000x64xf32, #tpu.memory_space<hbm>> -> memref<1x64xf32, #tpu.memory_space<hbm>>
        %dma_start3A_3411 = tpu.memref_slice %arg12[%dma_start3A_3401] : memref<2x!tpu.dma_semaphore, #tpu.memory_space<semaphore_mem>> -> memref<1x!tpu.dma_semaphore, #tpu.memory_space<semaphore_mem>>
        %dma_start3A_3412 = tpu.memref_squeeze %dma_start3A_3411 : memref<1x!tpu.dma_semaphore, #tpu.memory_space<semaphore_mem>> -> memref<!tpu.dma_semaphore, #tpu.memory_space<semaphore_mem>>
        %dma_start3A_3413 = arith.constant 0 : i32
        %dma_start3A_3414 = arith.constant 0 : i32
        %dma_start3A_3415 = tpu.memref_slice %arg10[%dma_start3A_3400, %dma_start3A_3413, %dma_start3A_3414] : memref<2x16x64xf32, #tpu.memory_space<vmem>> -> memref<1x16x64xf32, #tpu.memory_space<vmem>>
        %dma_start3A_3416 = tpu.memref_squeeze %dma_start3A_3415 : memref<1x16x64xf32, #tpu.memory_space<vmem>> -> memref<16x64xf32, #tpu.memory_space<vmem>>
        %dma_start3A_3417 = arith.constant 5 : i32
        %dma_start3A_3418 = arith.constant 0 : i32
        %dma_start3A_3419 = tpu.memref_slice %dma_start3A_3416[%dma_start3A_3417, %dma_start3A_3418] : memref<16x64xf32, #tpu.memory_space<vmem>> -> memref<1x64xf32, #tpu.memory_space<vmem>>
        %dma_start3A_3420 = arith.constant 0 : i32
        %dma_start3A_3421 = tpu.memref_slice %arg5[%squeeze3A_3399, %dma_start3A_3420] : memref<100000x64xf32, #tpu.memory_space<hbm>> -> memref<1x64xf32, #tpu.memory_space<hbm>>
        tpu.enqueue_dma source(%dma_start3A_3421 : memref<1x64xf32, #tpu.memory_space<hbm>>) target(%dma_start3A_3419 : memref<1x64xf32, #tpu.memory_space<vmem>>) target_semaphore(%dma_start3A_3412 : memref<!tpu.dma_semaphore, #tpu.memory_space<semaphore_mem>>)
        %slice3A_3422 = vector.extract_strided_slice %get3A_3131 {offsets = [6], sizes = [1], strides = [1]} : vector<16xi32> to vector<1xi32>
        %squeeze3A_3423 = vector.extract %slice3A_3422[0] : i32 from vector<1xi32>
        %dma_start3A_3424 = arith.constant 0 : i32
        %dma_start3A_3425 = arith.constant 0 : i32
        %dma_start3A_3426 = arith.constant 0 : i32
        %dma_start3A_3427 = arith.constant 0 : i32
        %dma_start3A_3428 = tpu.memref_slice %arg9[%dma_start3A_3424, %dma_start3A_3426, %dma_start3A_3427] : memref<2x16x64xf32, #tpu.memory_space<vmem>> -> memref<1x16x64xf32, #tpu.memory_space<vmem>>
        %dma_start3A_3429 = tpu.memref_squeeze %dma_start3A_3428 : memref<1x16x64xf32, #tpu.memory_space<vmem>> -> memref<16x64xf32, #tpu.memory_space<vmem>>
        %dma_start3A_3430 = arith.constant 6 : i32
        %dma_start3A_3431 = arith.constant 0 : i32
        %dma_start3A_3432 = tpu.memref_slice %dma_start3A_3429[%dma_start3A_3430, %dma_start3A_3431] : memref<16x64xf32, #tpu.memory_space<vmem>> -> memref<1x64xf32, #tpu.memory_space<vmem>>
        %dma_start3A_3433 = arith.constant 0 : i32
        %dma_start3A_3434 = tpu.memref_slice %arg4[%squeeze3A_3423, %dma_start3A_3433] : memref<1000000x64xf32, #tpu.memory_space<hbm>> -> memref<1x64xf32, #tpu.memory_space<hbm>>
        %dma_start3A_3435 = tpu.memref_slice %arg12[%dma_start3A_3425] : memref<2x!tpu.dma_semaphore, #tpu.memory_space<semaphore_mem>> -> memref<1x!tpu.dma_semaphore, #tpu.memory_space<semaphore_mem>>
        %dma_start3A_3436 = tpu.memref_squeeze %dma_start3A_3435 : memref<1x!tpu.dma_semaphore, #tpu.memory_space<semaphore_mem>> -> memref<!tpu.dma_semaphore, #tpu.memory_space<semaphore_mem>>
        %dma_start3A_3437 = arith.constant 0 : i32
        %dma_start3A_3438 = arith.constant 0 : i32
        %dma_start3A_3439 = tpu.memref_slice %arg9[%dma_start3A_3424, %dma_start3A_3437, %dma_start3A_3438] : memref<2x16x64xf32, #tpu.memory_space<vmem>> -> memref<1x16x64xf32, #tpu.memory_space<vmem>>
        %dma_start3A_3440 = tpu.memref_squeeze %dma_start3A_3439 : memref<1x16x64xf32, #tpu.memory_space<vmem>> -> memref<16x64xf32, #tpu.memory_space<vmem>>
        %dma_start3A_3441 = arith.constant 6 : i32
        %dma_start3A_3442 = arith.constant 0 : i32
        %dma_start3A_3443 = tpu.memref_slice %dma_start3A_3440[%dma_start3A_3441, %dma_start3A_3442] : memref<16x64xf32, #tpu.memory_space<vmem>> -> memref<1x64xf32, #tpu.memory_space<vmem>>
        %dma_start3A_3444 = arith.constant 0 : i32
        %dma_start3A_3445 = tpu.memref_slice %arg4[%squeeze3A_3423, %dma_start3A_3444] : memref<1000000x64xf32, #tpu.memory_space<hbm>> -> memref<1x64xf32, #tpu.memory_space<hbm>>
        tpu.enqueue_dma source(%dma_start3A_3445 : memref<1x64xf32, #tpu.memory_space<hbm>>) target(%dma_start3A_3443 : memref<1x64xf32, #tpu.memory_space<vmem>>) target_semaphore(%dma_start3A_3436 : memref<!tpu.dma_semaphore, #tpu.memory_space<semaphore_mem>>)
        %slice3A_3446 = vector.extract_strided_slice %get3A_3133 {offsets = [6], sizes = [1], strides = [1]} : vector<16xi32> to vector<1xi32>
        %squeeze3A_3447 = vector.extract %slice3A_3446[0] : i32 from vector<1xi32>
        %dma_start3A_3448 = arith.constant 0 : i32
        %dma_start3A_3449 = arith.constant 0 : i32
        %dma_start3A_3450 = arith.constant 0 : i32
        %dma_start3A_3451 = arith.constant 0 : i32
        %dma_start3A_3452 = tpu.memref_slice %arg10[%dma_start3A_3448, %dma_start3A_3450, %dma_start3A_3451] : memref<2x16x64xf32, #tpu.memory_space<vmem>> -> memref<1x16x64xf32, #tpu.memory_space<vmem>>
        %dma_start3A_3453 = tpu.memref_squeeze %dma_start3A_3452 : memref<1x16x64xf32, #tpu.memory_space<vmem>> -> memref<16x64xf32, #tpu.memory_space<vmem>>
        %dma_start3A_3454 = arith.constant 6 : i32
        %dma_start3A_3455 = arith.constant 0 : i32
        %dma_start3A_3456 = tpu.memref_slice %dma_start3A_3453[%dma_start3A_3454, %dma_start3A_3455] : memref<16x64xf32, #tpu.memory_space<vmem>> -> memref<1x64xf32, #tpu.memory_space<vmem>>
        %dma_start3A_3457 = arith.constant 0 : i32
        %dma_start3A_3458 = tpu.memref_slice %arg5[%squeeze3A_3447, %dma_start3A_3457] : memref<100000x64xf32, #tpu.memory_space<hbm>> -> memref<1x64xf32, #tpu.memory_space<hbm>>
        %dma_start3A_3459 = tpu.memref_slice %arg12[%dma_start3A_3449] : memref<2x!tpu.dma_semaphore, #tpu.memory_space<semaphore_mem>> -> memref<1x!tpu.dma_semaphore, #tpu.memory_space<semaphore_mem>>
        %dma_start3A_3460 = tpu.memref_squeeze %dma_start3A_3459 : memref<1x!tpu.dma_semaphore, #tpu.memory_space<semaphore_mem>> -> memref<!tpu.dma_semaphore, #tpu.memory_space<semaphore_mem>>
        %dma_start3A_3461 = arith.constant 0 : i32
        %dma_start3A_3462 = arith.constant 0 : i32
        %dma_start3A_3463 = tpu.memref_slice %arg10[%dma_start3A_3448, %dma_start3A_3461, %dma_start3A_3462] : memref<2x16x64xf32, #tpu.memory_space<vmem>> -> memref<1x16x64xf32, #tpu.memory_space<vmem>>
        %dma_start3A_3464 = tpu.memref_squeeze %dma_start3A_3463 : memref<1x16x64xf32, #tpu.memory_space<vmem>> -> memref<16x64xf32, #tpu.memory_space<vmem>>
        %dma_start3A_3465 = arith.constant 6 : i32
        %dma_start3A_3466 = arith.constant 0 : i32
        %dma_start3A_3467 = tpu.memref_slice %dma_start3A_3464[%dma_start3A_3465, %dma_start3A_3466] : memref<16x64xf32, #tpu.memory_space<vmem>> -> memref<1x64xf32, #tpu.memory_space<vmem>>
        %dma_start3A_3468 = arith.constant 0 : i32
        %dma_start3A_3469 = tpu.memref_slice %arg5[%squeeze3A_3447, %dma_start3A_3468] : memref<100000x64xf32, #tpu.memory_space<hbm>> -> memref<1x64xf32, #tpu.memory_space<hbm>>
        tpu.enqueue_dma source(%dma_start3A_3469 : memref<1x64xf32, #tpu.memory_space<hbm>>) target(%dma_start3A_3467 : memref<1x64xf32, #tpu.memory_space<vmem>>) target_semaphore(%dma_start3A_3460 : memref<!tpu.dma_semaphore, #tpu.memory_space<semaphore_mem>>)
        %slice3A_3470 = vector.extract_strided_slice %get3A_3131 {offsets = [7], sizes = [1], strides = [1]} : vector<16xi32> to vector<1xi32>
        %squeeze3A_3471 = vector.extract %slice3A_3470[0] : i32 from vector<1xi32>
        %dma_start3A_3472 = arith.constant 0 : i32
        %dma_start3A_3473 = arith.constant 0 : i32
        %dma_start3A_3474 = arith.constant 0 : i32
        %dma_start3A_3475 = arith.constant 0 : i32
        %dma_start3A_3476 = tpu.memref_slice %arg9[%dma_start3A_3472, %dma_start3A_3474, %dma_start3A_3475] : memref<2x16x64xf32, #tpu.memory_space<vmem>> -> memref<1x16x64xf32, #tpu.memory_space<vmem>>
        %dma_start3A_3477 = tpu.memref_squeeze %dma_start3A_3476 : memref<1x16x64xf32, #tpu.memory_space<vmem>> -> memref<16x64xf32, #tpu.memory_space<vmem>>
        %dma_start3A_3478 = arith.constant 7 : i32
        %dma_start3A_3479 = arith.constant 0 : i32
        %dma_start3A_3480 = tpu.memref_slice %dma_start3A_3477[%dma_start3A_3478, %dma_start3A_3479] : memref<16x64xf32, #tpu.memory_space<vmem>> -> memref<1x64xf32, #tpu.memory_space<vmem>>
        %dma_start3A_3481 = arith.constant 0 : i32
        %dma_start3A_3482 = tpu.memref_slice %arg4[%squeeze3A_3471, %dma_start3A_3481] : memref<1000000x64xf32, #tpu.memory_space<hbm>> -> memref<1x64xf32, #tpu.memory_space<hbm>>
        %dma_start3A_3483 = tpu.memref_slice %arg12[%dma_start3A_3473] : memref<2x!tpu.dma_semaphore, #tpu.memory_space<semaphore_mem>> -> memref<1x!tpu.dma_semaphore, #tpu.memory_space<semaphore_mem>>
        %dma_start3A_3484 = tpu.memref_squeeze %dma_start3A_3483 : memref<1x!tpu.dma_semaphore, #tpu.memory_space<semaphore_mem>> -> memref<!tpu.dma_semaphore, #tpu.memory_space<semaphore_mem>>
        %dma_start3A_3485 = arith.constant 0 : i32
        %dma_start3A_3486 = arith.constant 0 : i32
        %dma_start3A_3487 = tpu.memref_slice %arg9[%dma_start3A_3472, %dma_start3A_3485, %dma_start3A_3486] : memref<2x16x64xf32, #tpu.memory_space<vmem>> -> memref<1x16x64xf32, #tpu.memory_space<vmem>>
        %dma_start3A_3488 = tpu.memref_squeeze %dma_start3A_3487 : memref<1x16x64xf32, #tpu.memory_space<vmem>> -> memref<16x64xf32, #tpu.memory_space<vmem>>
        %dma_start3A_3489 = arith.constant 7 : i32
        %dma_start3A_3490 = arith.constant 0 : i32
        %dma_start3A_3491 = tpu.memref_slice %dma_start3A_3488[%dma_start3A_3489, %dma_start3A_3490] : memref<16x64xf32, #tpu.memory_space<vmem>> -> memref<1x64xf32, #tpu.memory_space<vmem>>
        %dma_start3A_3492 = arith.constant 0 : i32
        %dma_start3A_3493 = tpu.memref_slice %arg4[%squeeze3A_3471, %dma_start3A_3492] : memref<1000000x64xf32, #tpu.memory_space<hbm>> -> memref<1x64xf32, #tpu.memory_space<hbm>>
        tpu.enqueue_dma source(%dma_start3A_3493 : memref<1x64xf32, #tpu.memory_space<hbm>>) target(%dma_start3A_3491 : memref<1x64xf32, #tpu.memory_space<vmem>>) target_semaphore(%dma_start3A_3484 : memref<!tpu.dma_semaphore, #tpu.memory_space<semaphore_mem>>)
        %slice3A_3494 = vector.extract_strided_slice %get3A_3133 {offsets = [7], sizes = [1], strides = [1]} : vector<16xi32> to vector<1xi32>
        %squeeze3A_3495 = vector.extract %slice3A_3494[0] : i32 from vector<1xi32>
        %dma_start3A_3496 = arith.constant 0 : i32
        %dma_start3A_3497 = arith.constant 0 : i32
        %dma_start3A_3498 = arith.constant 0 : i32
        %dma_start3A_3499 = arith.constant 0 : i32
        %dma_start3A_3500 = tpu.memref_slice %arg10[%dma_start3A_3496, %dma_start3A_3498, %dma_start3A_3499] : memref<2x16x64xf32, #tpu.memory_space<vmem>> -> memref<1x16x64xf32, #tpu.memory_space<vmem>>
        %dma_start3A_3501 = tpu.memref_squeeze %dma_start3A_3500 : memref<1x16x64xf32, #tpu.memory_space<vmem>> -> memref<16x64xf32, #tpu.memory_space<vmem>>
        %dma_start3A_3502 = arith.constant 7 : i32
        %dma_start3A_3503 = arith.constant 0 : i32
        %dma_start3A_3504 = tpu.memref_slice %dma_start3A_3501[%dma_start3A_3502, %dma_start3A_3503] : memref<16x64xf32, #tpu.memory_space<vmem>> -> memref<1x64xf32, #tpu.memory_space<vmem>>
        %dma_start3A_3505 = arith.constant 0 : i32
        %dma_start3A_3506 = tpu.memref_slice %arg5[%squeeze3A_3495, %dma_start3A_3505] : memref<100000x64xf32, #tpu.memory_space<hbm>> -> memref<1x64xf32, #tpu.memory_space<hbm>>
        %dma_start3A_3507 = tpu.memref_slice %arg12[%dma_start3A_3497] : memref<2x!tpu.dma_semaphore, #tpu.memory_space<semaphore_mem>> -> memref<1x!tpu.dma_semaphore, #tpu.memory_space<semaphore_mem>>
        %dma_start3A_3508 = tpu.memref_squeeze %dma_start3A_3507 : memref<1x!tpu.dma_semaphore, #tpu.memory_space<semaphore_mem>> -> memref<!tpu.dma_semaphore, #tpu.memory_space<semaphore_mem>>
        %dma_start3A_3509 = arith.constant 0 : i32
        %dma_start3A_3510 = arith.constant 0 : i32
        %dma_start3A_3511 = tpu.memref_slice %arg10[%dma_start3A_3496, %dma_start3A_3509, %dma_start3A_3510] : memref<2x16x64xf32, #tpu.memory_space<vmem>> -> memref<1x16x64xf32, #tpu.memory_space<vmem>>
        %dma_start3A_3512 = tpu.memref_squeeze %dma_start3A_3511 : memref<1x16x64xf32, #tpu.memory_space<vmem>> -> memref<16x64xf32, #tpu.memory_space<vmem>>
        %dma_start3A_3513 = arith.constant 7 : i32
        %dma_start3A_3514 = arith.constant 0 : i32
        %dma_start3A_3515 = tpu.memref_slice %dma_start3A_3512[%dma_start3A_3513, %dma_start3A_3514] : memref<16x64xf32, #tpu.memory_space<vmem>> -> memref<1x64xf32, #tpu.memory_space<vmem>>
        %dma_start3A_3516 = arith.constant 0 : i32
        %dma_start3A_3517 = tpu.memref_slice %arg5[%squeeze3A_3495, %dma_start3A_3516] : memref<100000x64xf32, #tpu.memory_space<hbm>> -> memref<1x64xf32, #tpu.memory_space<hbm>>
        tpu.enqueue_dma source(%dma_start3A_3517 : memref<1x64xf32, #tpu.memory_space<hbm>>) target(%dma_start3A_3515 : memref<1x64xf32, #tpu.memory_space<vmem>>) target_semaphore(%dma_start3A_3508 : memref<!tpu.dma_semaphore, #tpu.memory_space<semaphore_mem>>)
        %slice3A_3518 = vector.extract_strided_slice %get3A_3131 {offsets = [8], sizes = [1], strides = [1]} : vector<16xi32> to vector<1xi32>
        %squeeze3A_3519 = vector.extract %slice3A_3518[0] : i32 from vector<1xi32>
        %dma_start3A_3520 = arith.constant 0 : i32
        %dma_start3A_3521 = arith.constant 0 : i32
        %dma_start3A_3522 = arith.constant 0 : i32
        %dma_start3A_3523 = arith.constant 0 : i32
        %dma_start3A_3524 = tpu.memref_slice %arg9[%dma_start3A_3520, %dma_start3A_3522, %dma_start3A_3523] : memref<2x16x64xf32, #tpu.memory_space<vmem>> -> memref<1x16x64xf32, #tpu.memory_space<vmem>>
        %dma_start3A_3525 = tpu.memref_squeeze %dma_start3A_3524 : memref<1x16x64xf32, #tpu.memory_space<vmem>> -> memref<16x64xf32, #tpu.memory_space<vmem>>
        %dma_start3A_3526 = arith.constant 8 : i32
        %dma_start3A_3527 = arith.constant 0 : i32
        %dma_start3A_3528 = tpu.memref_slice %dma_start3A_3525[%dma_start3A_3526, %dma_start3A_3527] : memref<16x64xf32, #tpu.memory_space<vmem>> -> memref<1x64xf32, #tpu.memory_space<vmem>>
        %dma_start3A_3529 = arith.constant 0 : i32
        %dma_start3A_3530 = tpu.memref_slice %arg4[%squeeze3A_3519, %dma_start3A_3529] : memref<1000000x64xf32, #tpu.memory_space<hbm>> -> memref<1x64xf32, #tpu.memory_space<hbm>>
        %dma_start3A_3531 = tpu.memref_slice %arg12[%dma_start3A_3521] : memref<2x!tpu.dma_semaphore, #tpu.memory_space<semaphore_mem>> -> memref<1x!tpu.dma_semaphore, #tpu.memory_space<semaphore_mem>>
        %dma_start3A_3532 = tpu.memref_squeeze %dma_start3A_3531 : memref<1x!tpu.dma_semaphore, #tpu.memory_space<semaphore_mem>> -> memref<!tpu.dma_semaphore, #tpu.memory_space<semaphore_mem>>
        %dma_start3A_3533 = arith.constant 0 : i32
        %dma_start3A_3534 = arith.constant 0 : i32
        %dma_start3A_3535 = tpu.memref_slice %arg9[%dma_start3A_3520, %dma_start3A_3533, %dma_start3A_3534] : memref<2x16x64xf32, #tpu.memory_space<vmem>> -> memref<1x16x64xf32, #tpu.memory_space<vmem>>
        %dma_start3A_3536 = tpu.memref_squeeze %dma_start3A_3535 : memref<1x16x64xf32, #tpu.memory_space<vmem>> -> memref<16x64xf32, #tpu.memory_space<vmem>>
        %dma_start3A_3537 = arith.constant 8 : i32
        %dma_start3A_3538 = arith.constant 0 : i32
        %dma_start3A_3539 = tpu.memref_slice %dma_start3A_3536[%dma_start3A_3537, %dma_start3A_3538] : memref<16x64xf32, #tpu.memory_space<vmem>> -> memref<1x64xf32, #tpu.memory_space<vmem>>
        %dma_start3A_3540 = arith.constant 0 : i32
        %dma_start3A_3541 = tpu.memref_slice %arg4[%squeeze3A_3519, %dma_start3A_3540] : memref<1000000x64xf32, #tpu.memory_space<hbm>> -> memref<1x64xf32, #tpu.memory_space<hbm>>
        tpu.enqueue_dma source(%dma_start3A_3541 : memref<1x64xf32, #tpu.memory_space<hbm>>) target(%dma_start3A_3539 : memref<1x64xf32, #tpu.memory_space<vmem>>) target_semaphore(%dma_start3A_3532 : memref<!tpu.dma_semaphore, #tpu.memory_space<semaphore_mem>>)
        %slice3A_3542 = vector.extract_strided_slice %get3A_3133 {offsets = [8], sizes = [1], strides = [1]} : vector<16xi32> to vector<1xi32>
        %squeeze3A_3543 = vector.extract %slice3A_3542[0] : i32 from vector<1xi32>
        %dma_start3A_3544 = arith.constant 0 : i32
        %dma_start3A_3545 = arith.constant 0 : i32
        %dma_start3A_3546 = arith.constant 0 : i32
        %dma_start3A_3547 = arith.constant 0 : i32
        %dma_start3A_3548 = tpu.memref_slice %arg10[%dma_start3A_3544, %dma_start3A_3546, %dma_start3A_3547] : memref<2x16x64xf32, #tpu.memory_space<vmem>> -> memref<1x16x64xf32, #tpu.memory_space<vmem>>
        %dma_start3A_3549 = tpu.memref_squeeze %dma_start3A_3548 : memref<1x16x64xf32, #tpu.memory_space<vmem>> -> memref<16x64xf32, #tpu.memory_space<vmem>>
        %dma_start3A_3550 = arith.constant 8 : i32
        %dma_start3A_3551 = arith.constant 0 : i32
        %dma_start3A_3552 = tpu.memref_slice %dma_start3A_3549[%dma_start3A_3550, %dma_start3A_3551] : memref<16x64xf32, #tpu.memory_space<vmem>> -> memref<1x64xf32, #tpu.memory_space<vmem>>
        %dma_start3A_3553 = arith.constant 0 : i32
        %dma_start3A_3554 = tpu.memref_slice %arg5[%squeeze3A_3543, %dma_start3A_3553] : memref<100000x64xf32, #tpu.memory_space<hbm>> -> memref<1x64xf32, #tpu.memory_space<hbm>>
        %dma_start3A_3555 = tpu.memref_slice %arg12[%dma_start3A_3545] : memref<2x!tpu.dma_semaphore, #tpu.memory_space<semaphore_mem>> -> memref<1x!tpu.dma_semaphore, #tpu.memory_space<semaphore_mem>>
        %dma_start3A_3556 = tpu.memref_squeeze %dma_start3A_3555 : memref<1x!tpu.dma_semaphore, #tpu.memory_space<semaphore_mem>> -> memref<!tpu.dma_semaphore, #tpu.memory_space<semaphore_mem>>
        %dma_start3A_3557 = arith.constant 0 : i32
        %dma_start3A_3558 = arith.constant 0 : i32
        %dma_start3A_3559 = tpu.memref_slice %arg10[%dma_start3A_3544, %dma_start3A_3557, %dma_start3A_3558] : memref<2x16x64xf32, #tpu.memory_space<vmem>> -> memref<1x16x64xf32, #tpu.memory_space<vmem>>
        %dma_start3A_3560 = tpu.memref_squeeze %dma_start3A_3559 : memref<1x16x64xf32, #tpu.memory_space<vmem>> -> memref<16x64xf32, #tpu.memory_space<vmem>>
        %dma_start3A_3561 = arith.constant 8 : i32
        %dma_start3A_3562 = arith.constant 0 : i32
        %dma_start3A_3563 = tpu.memref_slice %dma_start3A_3560[%dma_start3A_3561, %dma_start3A_3562] : memref<16x64xf32, #tpu.memory_space<vmem>> -> memref<1x64xf32, #tpu.memory_space<vmem>>
        %dma_start3A_3564 = arith.constant 0 : i32
        %dma_start3A_3565 = tpu.memref_slice %arg5[%squeeze3A_3543, %dma_start3A_3564] : memref<100000x64xf32, #tpu.memory_space<hbm>> -> memref<1x64xf32, #tpu.memory_space<hbm>>
        tpu.enqueue_dma source(%dma_start3A_3565 : memref<1x64xf32, #tpu.memory_space<hbm>>) target(%dma_start3A_3563 : memref<1x64xf32, #tpu.memory_space<vmem>>) target_semaphore(%dma_start3A_3556 : memref<!tpu.dma_semaphore, #tpu.memory_space<semaphore_mem>>)
        %slice3A_3566 = vector.extract_strided_slice %get3A_3131 {offsets = [9], sizes = [1], strides = [1]} : vector<16xi32> to vector<1xi32>
        %squeeze3A_3567 = vector.extract %slice3A_3566[0] : i32 from vector<1xi32>
        %dma_start3A_3568 = arith.constant 0 : i32
        %dma_start3A_3569 = arith.constant 0 : i32
        %dma_start3A_3570 = arith.constant 0 : i32
        %dma_start3A_3571 = arith.constant 0 : i32
        %dma_start3A_3572 = tpu.memref_slice %arg9[%dma_start3A_3568, %dma_start3A_3570, %dma_start3A_3571] : memref<2x16x64xf32, #tpu.memory_space<vmem>> -> memref<1x16x64xf32, #tpu.memory_space<vmem>>
        %dma_start3A_3573 = tpu.memref_squeeze %dma_start3A_3572 : memref<1x16x64xf32, #tpu.memory_space<vmem>> -> memref<16x64xf32, #tpu.memory_space<vmem>>
        %dma_start3A_3574 = arith.constant 9 : i32
        %dma_start3A_3575 = arith.constant 0 : i32
        %dma_start3A_3576 = tpu.memref_slice %dma_start3A_3573[%dma_start3A_3574, %dma_start3A_3575] : memref<16x64xf32, #tpu.memory_space<vmem>> -> memref<1x64xf32, #tpu.memory_space<vmem>>
        %dma_start3A_3577 = arith.constant 0 : i32
        %dma_start3A_3578 = tpu.memref_slice %arg4[%squeeze3A_3567, %dma_start3A_3577] : memref<1000000x64xf32, #tpu.memory_space<hbm>> -> memref<1x64xf32, #tpu.memory_space<hbm>>
        %dma_start3A_3579 = tpu.memref_slice %arg12[%dma_start3A_3569] : memref<2x!tpu.dma_semaphore, #tpu.memory_space<semaphore_mem>> -> memref<1x!tpu.dma_semaphore, #tpu.memory_space<semaphore_mem>>
        %dma_start3A_3580 = tpu.memref_squeeze %dma_start3A_3579 : memref<1x!tpu.dma_semaphore, #tpu.memory_space<semaphore_mem>> -> memref<!tpu.dma_semaphore, #tpu.memory_space<semaphore_mem>>
        %dma_start3A_3581 = arith.constant 0 : i32
        %dma_start3A_3582 = arith.constant 0 : i32
        %dma_start3A_3583 = tpu.memref_slice %arg9[%dma_start3A_3568, %dma_start3A_3581, %dma_start3A_3582] : memref<2x16x64xf32, #tpu.memory_space<vmem>> -> memref<1x16x64xf32, #tpu.memory_space<vmem>>
        %dma_start3A_3584 = tpu.memref_squeeze %dma_start3A_3583 : memref<1x16x64xf32, #tpu.memory_space<vmem>> -> memref<16x64xf32, #tpu.memory_space<vmem>>
        %dma_start3A_3585 = arith.constant 9 : i32
        %dma_start3A_3586 = arith.constant 0 : i32
        %dma_start3A_3587 = tpu.memref_slice %dma_start3A_3584[%dma_start3A_3585, %dma_start3A_3586] : memref<16x64xf32, #tpu.memory_space<vmem>> -> memref<1x64xf32, #tpu.memory_space<vmem>>
        %dma_start3A_3588 = arith.constant 0 : i32
        %dma_start3A_3589 = tpu.memref_slice %arg4[%squeeze3A_3567, %dma_start3A_3588] : memref<1000000x64xf32, #tpu.memory_space<hbm>> -> memref<1x64xf32, #tpu.memory_space<hbm>>
        tpu.enqueue_dma source(%dma_start3A_3589 : memref<1x64xf32, #tpu.memory_space<hbm>>) target(%dma_start3A_3587 : memref<1x64xf32, #tpu.memory_space<vmem>>) target_semaphore(%dma_start3A_3580 : memref<!tpu.dma_semaphore, #tpu.memory_space<semaphore_mem>>)
        %slice3A_3590 = vector.extract_strided_slice %get3A_3133 {offsets = [9], sizes = [1], strides = [1]} : vector<16xi32> to vector<1xi32>
        %squeeze3A_3591 = vector.extract %slice3A_3590[0] : i32 from vector<1xi32>
        %dma_start3A_3592 = arith.constant 0 : i32
        %dma_start3A_3593 = arith.constant 0 : i32
        %dma_start3A_3594 = arith.constant 0 : i32
        %dma_start3A_3595 = arith.constant 0 : i32
        %dma_start3A_3596 = tpu.memref_slice %arg10[%dma_start3A_3592, %dma_start3A_3594, %dma_start3A_3595] : memref<2x16x64xf32, #tpu.memory_space<vmem>> -> memref<1x16x64xf32, #tpu.memory_space<vmem>>
        %dma_start3A_3597 = tpu.memref_squeeze %dma_start3A_3596 : memref<1x16x64xf32, #tpu.memory_space<vmem>> -> memref<16x64xf32, #tpu.memory_space<vmem>>
        %dma_start3A_3598 = arith.constant 9 : i32
        %dma_start3A_3599 = arith.constant 0 : i32
        %dma_start3A_3600 = tpu.memref_slice %dma_start3A_3597[%dma_start3A_3598, %dma_start3A_3599] : memref<16x64xf32, #tpu.memory_space<vmem>> -> memref<1x64xf32, #tpu.memory_space<vmem>>
        %dma_start3A_3601 = arith.constant 0 : i32
        %dma_start3A_3602 = tpu.memref_slice %arg5[%squeeze3A_3591, %dma_start3A_3601] : memref<100000x64xf32, #tpu.memory_space<hbm>> -> memref<1x64xf32, #tpu.memory_space<hbm>>
        %dma_start3A_3603 = tpu.memref_slice %arg12[%dma_start3A_3593] : memref<2x!tpu.dma_semaphore, #tpu.memory_space<semaphore_mem>> -> memref<1x!tpu.dma_semaphore, #tpu.memory_space<semaphore_mem>>
        %dma_start3A_3604 = tpu.memref_squeeze %dma_start3A_3603 : memref<1x!tpu.dma_semaphore, #tpu.memory_space<semaphore_mem>> -> memref<!tpu.dma_semaphore, #tpu.memory_space<semaphore_mem>>
        %dma_start3A_3605 = arith.constant 0 : i32
        %dma_start3A_3606 = arith.constant 0 : i32
        %dma_start3A_3607 = tpu.memref_slice %arg10[%dma_start3A_3592, %dma_start3A_3605, %dma_start3A_3606] : memref<2x16x64xf32, #tpu.memory_space<vmem>> -> memref<1x16x64xf32, #tpu.memory_space<vmem>>
        %dma_start3A_3608 = tpu.memref_squeeze %dma_start3A_3607 : memref<1x16x64xf32, #tpu.memory_space<vmem>> -> memref<16x64xf32, #tpu.memory_space<vmem>>
        %dma_start3A_3609 = arith.constant 9 : i32
        %dma_start3A_3610 = arith.constant 0 : i32
        %dma_start3A_3611 = tpu.memref_slice %dma_start3A_3608[%dma_start3A_3609, %dma_start3A_3610] : memref<16x64xf32, #tpu.memory_space<vmem>> -> memref<1x64xf32, #tpu.memory_space<vmem>>
        %dma_start3A_3612 = arith.constant 0 : i32
        %dma_start3A_3613 = tpu.memref_slice %arg5[%squeeze3A_3591, %dma_start3A_3612] : memref<100000x64xf32, #tpu.memory_space<hbm>> -> memref<1x64xf32, #tpu.memory_space<hbm>>
        tpu.enqueue_dma source(%dma_start3A_3613 : memref<1x64xf32, #tpu.memory_space<hbm>>) target(%dma_start3A_3611 : memref<1x64xf32, #tpu.memory_space<vmem>>) target_semaphore(%dma_start3A_3604 : memref<!tpu.dma_semaphore, #tpu.memory_space<semaphore_mem>>)
        %slice3A_3614 = vector.extract_strided_slice %get3A_3131 {offsets = [10], sizes = [1], strides = [1]} : vector<16xi32> to vector<1xi32>
        %squeeze3A_3615 = vector.extract %slice3A_3614[0] : i32 from vector<1xi32>
        %dma_start3A_3616 = arith.constant 0 : i32
        %dma_start3A_3617 = arith.constant 0 : i32
        %dma_start3A_3618 = arith.constant 0 : i32
        %dma_start3A_3619 = arith.constant 0 : i32
        %dma_start3A_3620 = tpu.memref_slice %arg9[%dma_start3A_3616, %dma_start3A_3618, %dma_start3A_3619] : memref<2x16x64xf32, #tpu.memory_space<vmem>> -> memref<1x16x64xf32, #tpu.memory_space<vmem>>
        %dma_start3A_3621 = tpu.memref_squeeze %dma_start3A_3620 : memref<1x16x64xf32, #tpu.memory_space<vmem>> -> memref<16x64xf32, #tpu.memory_space<vmem>>
        %dma_start3A_3622 = arith.constant 10 : i32
        %dma_start3A_3623 = arith.constant 0 : i32
        %dma_start3A_3624 = tpu.memref_slice %dma_start3A_3621[%dma_start3A_3622, %dma_start3A_3623] : memref<16x64xf32, #tpu.memory_space<vmem>> -> memref<1x64xf32, #tpu.memory_space<vmem>>
        %dma_start3A_3625 = arith.constant 0 : i32
        %dma_start3A_3626 = tpu.memref_slice %arg4[%squeeze3A_3615, %dma_start3A_3625] : memref<1000000x64xf32, #tpu.memory_space<hbm>> -> memref<1x64xf32, #tpu.memory_space<hbm>>
        %dma_start3A_3627 = tpu.memref_slice %arg12[%dma_start3A_3617] : memref<2x!tpu.dma_semaphore, #tpu.memory_space<semaphore_mem>> -> memref<1x!tpu.dma_semaphore, #tpu.memory_space<semaphore_mem>>
        %dma_start3A_3628 = tpu.memref_squeeze %dma_start3A_3627 : memref<1x!tpu.dma_semaphore, #tpu.memory_space<semaphore_mem>> -> memref<!tpu.dma_semaphore, #tpu.memory_space<semaphore_mem>>
        %dma_start3A_3629 = arith.constant 0 : i32
        %dma_start3A_3630 = arith.constant 0 : i32
        %dma_start3A_3631 = tpu.memref_slice %arg9[%dma_start3A_3616, %dma_start3A_3629, %dma_start3A_3630] : memref<2x16x64xf32, #tpu.memory_space<vmem>> -> memref<1x16x64xf32, #tpu.memory_space<vmem>>
        %dma_start3A_3632 = tpu.memref_squeeze %dma_start3A_3631 : memref<1x16x64xf32, #tpu.memory_space<vmem>> -> memref<16x64xf32, #tpu.memory_space<vmem>>
        %dma_start3A_3633 = arith.constant 10 : i32
        %dma_start3A_3634 = arith.constant 0 : i32
        %dma_start3A_3635 = tpu.memref_slice %dma_start3A_3632[%dma_start3A_3633, %dma_start3A_3634] : memref<16x64xf32, #tpu.memory_space<vmem>> -> memref<1x64xf32, #tpu.memory_space<vmem>>
        %dma_start3A_3636 = arith.constant 0 : i32
        %dma_start3A_3637 = tpu.memref_slice %arg4[%squeeze3A_3615, %dma_start3A_3636] : memref<1000000x64xf32, #tpu.memory_space<hbm>> -> memref<1x64xf32, #tpu.memory_space<hbm>>
        tpu.enqueue_dma source(%dma_start3A_3637 : memref<1x64xf32, #tpu.memory_space<hbm>>) target(%dma_start3A_3635 : memref<1x64xf32, #tpu.memory_space<vmem>>) target_semaphore(%dma_start3A_3628 : memref<!tpu.dma_semaphore, #tpu.memory_space<semaphore_mem>>)
        %slice3A_3638 = vector.extract_strided_slice %get3A_3133 {offsets = [10], sizes = [1], strides = [1]} : vector<16xi32> to vector<1xi32>
        %squeeze3A_3639 = vector.extract %slice3A_3638[0] : i32 from vector<1xi32>
        %dma_start3A_3640 = arith.constant 0 : i32
        %dma_start3A_3641 = arith.constant 0 : i32
        %dma_start3A_3642 = arith.constant 0 : i32
        %dma_start3A_3643 = arith.constant 0 : i32
        %dma_start3A_3644 = tpu.memref_slice %arg10[%dma_start3A_3640, %dma_start3A_3642, %dma_start3A_3643] : memref<2x16x64xf32, #tpu.memory_space<vmem>> -> memref<1x16x64xf32, #tpu.memory_space<vmem>>
        %dma_start3A_3645 = tpu.memref_squeeze %dma_start3A_3644 : memref<1x16x64xf32, #tpu.memory_space<vmem>> -> memref<16x64xf32, #tpu.memory_space<vmem>>
        %dma_start3A_3646 = arith.constant 10 : i32
        %dma_start3A_3647 = arith.constant 0 : i32
        %dma_start3A_3648 = tpu.memref_slice %dma_start3A_3645[%dma_start3A_3646, %dma_start3A_3647] : memref<16x64xf32, #tpu.memory_space<vmem>> -> memref<1x64xf32, #tpu.memory_space<vmem>>
        %dma_start3A_3649 = arith.constant 0 : i32
        %dma_start3A_3650 = tpu.memref_slice %arg5[%squeeze3A_3639, %dma_start3A_3649] : memref<100000x64xf32, #tpu.memory_space<hbm>> -> memref<1x64xf32, #tpu.memory_space<hbm>>
        %dma_start3A_3651 = tpu.memref_slice %arg12[%dma_start3A_3641] : memref<2x!tpu.dma_semaphore, #tpu.memory_space<semaphore_mem>> -> memref<1x!tpu.dma_semaphore, #tpu.memory_space<semaphore_mem>>
        %dma_start3A_3652 = tpu.memref_squeeze %dma_start3A_3651 : memref<1x!tpu.dma_semaphore, #tpu.memory_space<semaphore_mem>> -> memref<!tpu.dma_semaphore, #tpu.memory_space<semaphore_mem>>
        %dma_start3A_3653 = arith.constant 0 : i32
        %dma_start3A_3654 = arith.constant 0 : i32
        %dma_start3A_3655 = tpu.memref_slice %arg10[%dma_start3A_3640, %dma_start3A_3653, %dma_start3A_3654] : memref<2x16x64xf32, #tpu.memory_space<vmem>> -> memref<1x16x64xf32, #tpu.memory_space<vmem>>
        %dma_start3A_3656 = tpu.memref_squeeze %dma_start3A_3655 : memref<1x16x64xf32, #tpu.memory_space<vmem>> -> memref<16x64xf32, #tpu.memory_space<vmem>>
        %dma_start3A_3657 = arith.constant 10 : i32
        %dma_start3A_3658 = arith.constant 0 : i32
        %dma_start3A_3659 = tpu.memref_slice %dma_start3A_3656[%dma_start3A_3657, %dma_start3A_3658] : memref<16x64xf32, #tpu.memory_space<vmem>> -> memref<1x64xf32, #tpu.memory_space<vmem>>
        %dma_start3A_3660 = arith.constant 0 : i32
        %dma_start3A_3661 = tpu.memref_slice %arg5[%squeeze3A_3639, %dma_start3A_3660] : memref<100000x64xf32, #tpu.memory_space<hbm>> -> memref<1x64xf32, #tpu.memory_space<hbm>>
        tpu.enqueue_dma source(%dma_start3A_3661 : memref<1x64xf32, #tpu.memory_space<hbm>>) target(%dma_start3A_3659 : memref<1x64xf32, #tpu.memory_space<vmem>>) target_semaphore(%dma_start3A_3652 : memref<!tpu.dma_semaphore, #tpu.memory_space<semaphore_mem>>)
        %slice3A_3662 = vector.extract_strided_slice %get3A_3131 {offsets = [11], sizes = [1], strides = [1]} : vector<16xi32> to vector<1xi32>
        %squeeze3A_3663 = vector.extract %slice3A_3662[0] : i32 from vector<1xi32>
        %dma_start3A_3664 = arith.constant 0 : i32
        %dma_start3A_3665 = arith.constant 0 : i32
        %dma_start3A_3666 = arith.constant 0 : i32
        %dma_start3A_3667 = arith.constant 0 : i32
        %dma_start3A_3668 = tpu.memref_slice %arg9[%dma_start3A_3664, %dma_start3A_3666, %dma_start3A_3667] : memref<2x16x64xf32, #tpu.memory_space<vmem>> -> memref<1x16x64xf32, #tpu.memory_space<vmem>>
        %dma_start3A_3669 = tpu.memref_squeeze %dma_start3A_3668 : memref<1x16x64xf32, #tpu.memory_space<vmem>> -> memref<16x64xf32, #tpu.memory_space<vmem>>
        %dma_start3A_3670 = arith.constant 11 : i32
        %dma_start3A_3671 = arith.constant 0 : i32
        %dma_start3A_3672 = tpu.memref_slice %dma_start3A_3669[%dma_start3A_3670, %dma_start3A_3671] : memref<16x64xf32, #tpu.memory_space<vmem>> -> memref<1x64xf32, #tpu.memory_space<vmem>>
        %dma_start3A_3673 = arith.constant 0 : i32
        %dma_start3A_3674 = tpu.memref_slice %arg4[%squeeze3A_3663, %dma_start3A_3673] : memref<1000000x64xf32, #tpu.memory_space<hbm>> -> memref<1x64xf32, #tpu.memory_space<hbm>>
        %dma_start3A_3675 = tpu.memref_slice %arg12[%dma_start3A_3665] : memref<2x!tpu.dma_semaphore, #tpu.memory_space<semaphore_mem>> -> memref<1x!tpu.dma_semaphore, #tpu.memory_space<semaphore_mem>>
        %dma_start3A_3676 = tpu.memref_squeeze %dma_start3A_3675 : memref<1x!tpu.dma_semaphore, #tpu.memory_space<semaphore_mem>> -> memref<!tpu.dma_semaphore, #tpu.memory_space<semaphore_mem>>
        %dma_start3A_3677 = arith.constant 0 : i32
        %dma_start3A_3678 = arith.constant 0 : i32
        %dma_start3A_3679 = tpu.memref_slice %arg9[%dma_start3A_3664, %dma_start3A_3677, %dma_start3A_3678] : memref<2x16x64xf32, #tpu.memory_space<vmem>> -> memref<1x16x64xf32, #tpu.memory_space<vmem>>
        %dma_start3A_3680 = tpu.memref_squeeze %dma_start3A_3679 : memref<1x16x64xf32, #tpu.memory_space<vmem>> -> memref<16x64xf32, #tpu.memory_space<vmem>>
        %dma_start3A_3681 = arith.constant 11 : i32
        %dma_start3A_3682 = arith.constant 0 : i32
        %dma_start3A_3683 = tpu.memref_slice %dma_start3A_3680[%dma_start3A_3681, %dma_start3A_3682] : memref<16x64xf32, #tpu.memory_space<vmem>> -> memref<1x64xf32, #tpu.memory_space<vmem>>
        %dma_start3A_3684 = arith.constant 0 : i32
        %dma_start3A_3685 = tpu.memref_slice %arg4[%squeeze3A_3663, %dma_start3A_3684] : memref<1000000x64xf32, #tpu.memory_space<hbm>> -> memref<1x64xf32, #tpu.memory_space<hbm>>
        tpu.enqueue_dma source(%dma_start3A_3685 : memref<1x64xf32, #tpu.memory_space<hbm>>) target(%dma_start3A_3683 : memref<1x64xf32, #tpu.memory_space<vmem>>) target_semaphore(%dma_start3A_3676 : memref<!tpu.dma_semaphore, #tpu.memory_space<semaphore_mem>>)
        %slice3A_3686 = vector.extract_strided_slice %get3A_3133 {offsets = [11], sizes = [1], strides = [1]} : vector<16xi32> to vector<1xi32>
        %squeeze3A_3687 = vector.extract %slice3A_3686[0] : i32 from vector<1xi32>
        %dma_start3A_3688 = arith.constant 0 : i32
        %dma_start3A_3689 = arith.constant 0 : i32
        %dma_start3A_3690 = arith.constant 0 : i32
        %dma_start3A_3691 = arith.constant 0 : i32
        %dma_start3A_3692 = tpu.memref_slice %arg10[%dma_start3A_3688, %dma_start3A_3690, %dma_start3A_3691] : memref<2x16x64xf32, #tpu.memory_space<vmem>> -> memref<1x16x64xf32, #tpu.memory_space<vmem>>
        %dma_start3A_3693 = tpu.memref_squeeze %dma_start3A_3692 : memref<1x16x64xf32, #tpu.memory_space<vmem>> -> memref<16x64xf32, #tpu.memory_space<vmem>>
        %dma_start3A_3694 = arith.constant 11 : i32
        %dma_start3A_3695 = arith.constant 0 : i32
        %dma_start3A_3696 = tpu.memref_slice %dma_start3A_3693[%dma_start3A_3694, %dma_start3A_3695] : memref<16x64xf32, #tpu.memory_space<vmem>> -> memref<1x64xf32, #tpu.memory_space<vmem>>
        %dma_start3A_3697 = arith.constant 0 : i32
        %dma_start3A_3698 = tpu.memref_slice %arg5[%squeeze3A_3687, %dma_start3A_3697] : memref<100000x64xf32, #tpu.memory_space<hbm>> -> memref<1x64xf32, #tpu.memory_space<hbm>>
        %dma_start3A_3699 = tpu.memref_slice %arg12[%dma_start3A_3689] : memref<2x!tpu.dma_semaphore, #tpu.memory_space<semaphore_mem>> -> memref<1x!tpu.dma_semaphore, #tpu.memory_space<semaphore_mem>>
        %dma_start3A_3700 = tpu.memref_squeeze %dma_start3A_3699 : memref<1x!tpu.dma_semaphore, #tpu.memory_space<semaphore_mem>> -> memref<!tpu.dma_semaphore, #tpu.memory_space<semaphore_mem>>
        %dma_start3A_3701 = arith.constant 0 : i32
        %dma_start3A_3702 = arith.constant 0 : i32
        %dma_start3A_3703 = tpu.memref_slice %arg10[%dma_start3A_3688, %dma_start3A_3701, %dma_start3A_3702] : memref<2x16x64xf32, #tpu.memory_space<vmem>> -> memref<1x16x64xf32, #tpu.memory_space<vmem>>
        %dma_start3A_3704 = tpu.memref_squeeze %dma_start3A_3703 : memref<1x16x64xf32, #tpu.memory_space<vmem>> -> memref<16x64xf32, #tpu.memory_space<vmem>>
        %dma_start3A_3705 = arith.constant 11 : i32
        %dma_start3A_3706 = arith.constant 0 : i32
        %dma_start3A_3707 = tpu.memref_slice %dma_start3A_3704[%dma_start3A_3705, %dma_start3A_3706] : memref<16x64xf32, #tpu.memory_space<vmem>> -> memref<1x64xf32, #tpu.memory_space<vmem>>
        %dma_start3A_3708 = arith.constant 0 : i32
        %dma_start3A_3709 = tpu.memref_slice %arg5[%squeeze3A_3687, %dma_start3A_3708] : memref<100000x64xf32, #tpu.memory_space<hbm>> -> memref<1x64xf32, #tpu.memory_space<hbm>>
        tpu.enqueue_dma source(%dma_start3A_3709 : memref<1x64xf32, #tpu.memory_space<hbm>>) target(%dma_start3A_3707 : memref<1x64xf32, #tpu.memory_space<vmem>>) target_semaphore(%dma_start3A_3700 : memref<!tpu.dma_semaphore, #tpu.memory_space<semaphore_mem>>)
        %slice3A_3710 = vector.extract_strided_slice %get3A_3131 {offsets = [12], sizes = [1], strides = [1]} : vector<16xi32> to vector<1xi32>
        %squeeze3A_3711 = vector.extract %slice3A_3710[0] : i32 from vector<1xi32>
        %dma_start3A_3712 = arith.constant 0 : i32
        %dma_start3A_3713 = arith.constant 0 : i32
        %dma_start3A_3714 = arith.constant 0 : i32
        %dma_start3A_3715 = arith.constant 0 : i32
        %dma_start3A_3716 = tpu.memref_slice %arg9[%dma_start3A_3712, %dma_start3A_3714, %dma_start3A_3715] : memref<2x16x64xf32, #tpu.memory_space<vmem>> -> memref<1x16x64xf32, #tpu.memory_space<vmem>>
        %dma_start3A_3717 = tpu.memref_squeeze %dma_start3A_3716 : memref<1x16x64xf32, #tpu.memory_space<vmem>> -> memref<16x64xf32, #tpu.memory_space<vmem>>
        %dma_start3A_3718 = arith.constant 12 : i32
        %dma_start3A_3719 = arith.constant 0 : i32
        %dma_start3A_3720 = tpu.memref_slice %dma_start3A_3717[%dma_start3A_3718, %dma_start3A_3719] : memref<16x64xf32, #tpu.memory_space<vmem>> -> memref<1x64xf32, #tpu.memory_space<vmem>>
        %dma_start3A_3721 = arith.constant 0 : i32
        %dma_start3A_3722 = tpu.memref_slice %arg4[%squeeze3A_3711, %dma_start3A_3721] : memref<1000000x64xf32, #tpu.memory_space<hbm>> -> memref<1x64xf32, #tpu.memory_space<hbm>>
        %dma_start3A_3723 = tpu.memref_slice %arg12[%dma_start3A_3713] : memref<2x!tpu.dma_semaphore, #tpu.memory_space<semaphore_mem>> -> memref<1x!tpu.dma_semaphore, #tpu.memory_space<semaphore_mem>>
        %dma_start3A_3724 = tpu.memref_squeeze %dma_start3A_3723 : memref<1x!tpu.dma_semaphore, #tpu.memory_space<semaphore_mem>> -> memref<!tpu.dma_semaphore, #tpu.memory_space<semaphore_mem>>
        %dma_start3A_3725 = arith.constant 0 : i32
        %dma_start3A_3726 = arith.constant 0 : i32
        %dma_start3A_3727 = tpu.memref_slice %arg9[%dma_start3A_3712, %dma_start3A_3725, %dma_start3A_3726] : memref<2x16x64xf32, #tpu.memory_space<vmem>> -> memref<1x16x64xf32, #tpu.memory_space<vmem>>
        %dma_start3A_3728 = tpu.memref_squeeze %dma_start3A_3727 : memref<1x16x64xf32, #tpu.memory_space<vmem>> -> memref<16x64xf32, #tpu.memory_space<vmem>>
        %dma_start3A_3729 = arith.constant 12 : i32
        %dma_start3A_3730 = arith.constant 0 : i32
        %dma_start3A_3731 = tpu.memref_slice %dma_start3A_3728[%dma_start3A_3729, %dma_start3A_3730] : memref<16x64xf32, #tpu.memory_space<vmem>> -> memref<1x64xf32, #tpu.memory_space<vmem>>
        %dma_start3A_3732 = arith.constant 0 : i32
        %dma_start3A_3733 = tpu.memref_slice %arg4[%squeeze3A_3711, %dma_start3A_3732] : memref<1000000x64xf32, #tpu.memory_space<hbm>> -> memref<1x64xf32, #tpu.memory_space<hbm>>
        tpu.enqueue_dma source(%dma_start3A_3733 : memref<1x64xf32, #tpu.memory_space<hbm>>) target(%dma_start3A_3731 : memref<1x64xf32, #tpu.memory_space<vmem>>) target_semaphore(%dma_start3A_3724 : memref<!tpu.dma_semaphore, #tpu.memory_space<semaphore_mem>>)
        %slice3A_3734 = vector.extract_strided_slice %get3A_3133 {offsets = [12], sizes = [1], strides = [1]} : vector<16xi32> to vector<1xi32>
        %squeeze3A_3735 = vector.extract %slice3A_3734[0] : i32 from vector<1xi32>
        %dma_start3A_3736 = arith.constant 0 : i32
        %dma_start3A_3737 = arith.constant 0 : i32
        %dma_start3A_3738 = arith.constant 0 : i32
        %dma_start3A_3739 = arith.constant 0 : i32
        %dma_start3A_3740 = tpu.memref_slice %arg10[%dma_start3A_3736, %dma_start3A_3738, %dma_start3A_3739] : memref<2x16x64xf32, #tpu.memory_space<vmem>> -> memref<1x16x64xf32, #tpu.memory_space<vmem>>
        %dma_start3A_3741 = tpu.memref_squeeze %dma_start3A_3740 : memref<1x16x64xf32, #tpu.memory_space<vmem>> -> memref<16x64xf32, #tpu.memory_space<vmem>>
        %dma_start3A_3742 = arith.constant 12 : i32
        %dma_start3A_3743 = arith.constant 0 : i32
        %dma_start3A_3744 = tpu.memref_slice %dma_start3A_3741[%dma_start3A_3742, %dma_start3A_3743] : memref<16x64xf32, #tpu.memory_space<vmem>> -> memref<1x64xf32, #tpu.memory_space<vmem>>
        %dma_start3A_3745 = arith.constant 0 : i32
        %dma_start3A_3746 = tpu.memref_slice %arg5[%squeeze3A_3735, %dma_start3A_3745] : memref<100000x64xf32, #tpu.memory_space<hbm>> -> memref<1x64xf32, #tpu.memory_space<hbm>>
        %dma_start3A_3747 = tpu.memref_slice %arg12[%dma_start3A_3737] : memref<2x!tpu.dma_semaphore, #tpu.memory_space<semaphore_mem>> -> memref<1x!tpu.dma_semaphore, #tpu.memory_space<semaphore_mem>>
        %dma_start3A_3748 = tpu.memref_squeeze %dma_start3A_3747 : memref<1x!tpu.dma_semaphore, #tpu.memory_space<semaphore_mem>> -> memref<!tpu.dma_semaphore, #tpu.memory_space<semaphore_mem>>
        %dma_start3A_3749 = arith.constant 0 : i32
        %dma_start3A_3750 = arith.constant 0 : i32
        %dma_start3A_3751 = tpu.memref_slice %arg10[%dma_start3A_3736, %dma_start3A_3749, %dma_start3A_3750] : memref<2x16x64xf32, #tpu.memory_space<vmem>> -> memref<1x16x64xf32, #tpu.memory_space<vmem>>
        %dma_start3A_3752 = tpu.memref_squeeze %dma_start3A_3751 : memref<1x16x64xf32, #tpu.memory_space<vmem>> -> memref<16x64xf32, #tpu.memory_space<vmem>>
        %dma_start3A_3753 = arith.constant 12 : i32
        %dma_start3A_3754 = arith.constant 0 : i32
        %dma_start3A_3755 = tpu.memref_slice %dma_start3A_3752[%dma_start3A_3753, %dma_start3A_3754] : memref<16x64xf32, #tpu.memory_space<vmem>> -> memref<1x64xf32, #tpu.memory_space<vmem>>
        %dma_start3A_3756 = arith.constant 0 : i32
        %dma_start3A_3757 = tpu.memref_slice %arg5[%squeeze3A_3735, %dma_start3A_3756] : memref<100000x64xf32, #tpu.memory_space<hbm>> -> memref<1x64xf32, #tpu.memory_space<hbm>>
        tpu.enqueue_dma source(%dma_start3A_3757 : memref<1x64xf32, #tpu.memory_space<hbm>>) target(%dma_start3A_3755 : memref<1x64xf32, #tpu.memory_space<vmem>>) target_semaphore(%dma_start3A_3748 : memref<!tpu.dma_semaphore, #tpu.memory_space<semaphore_mem>>)
        %slice3A_3758 = vector.extract_strided_slice %get3A_3131 {offsets = [13], sizes = [1], strides = [1]} : vector<16xi32> to vector<1xi32>
        %squeeze3A_3759 = vector.extract %slice3A_3758[0] : i32 from vector<1xi32>
        %dma_start3A_3760 = arith.constant 0 : i32
        %dma_start3A_3761 = arith.constant 0 : i32
        %dma_start3A_3762 = arith.constant 0 : i32
        %dma_start3A_3763 = arith.constant 0 : i32
        %dma_start3A_3764 = tpu.memref_slice %arg9[%dma_start3A_3760, %dma_start3A_3762, %dma_start3A_3763] : memref<2x16x64xf32, #tpu.memory_space<vmem>> -> memref<1x16x64xf32, #tpu.memory_space<vmem>>
        %dma_start3A_3765 = tpu.memref_squeeze %dma_start3A_3764 : memref<1x16x64xf32, #tpu.memory_space<vmem>> -> memref<16x64xf32, #tpu.memory_space<vmem>>
        %dma_start3A_3766 = arith.constant 13 : i32
        %dma_start3A_3767 = arith.constant 0 : i32
        %dma_start3A_3768 = tpu.memref_slice %dma_start3A_3765[%dma_start3A_3766, %dma_start3A_3767] : memref<16x64xf32, #tpu.memory_space<vmem>> -> memref<1x64xf32, #tpu.memory_space<vmem>>
        %dma_start3A_3769 = arith.constant 0 : i32
        %dma_start3A_3770 = tpu.memref_slice %arg4[%squeeze3A_3759, %dma_start3A_3769] : memref<1000000x64xf32, #tpu.memory_space<hbm>> -> memref<1x64xf32, #tpu.memory_space<hbm>>
        %dma_start3A_3771 = tpu.memref_slice %arg12[%dma_start3A_3761] : memref<2x!tpu.dma_semaphore, #tpu.memory_space<semaphore_mem>> -> memref<1x!tpu.dma_semaphore, #tpu.memory_space<semaphore_mem>>
        %dma_start3A_3772 = tpu.memref_squeeze %dma_start3A_3771 : memref<1x!tpu.dma_semaphore, #tpu.memory_space<semaphore_mem>> -> memref<!tpu.dma_semaphore, #tpu.memory_space<semaphore_mem>>
        %dma_start3A_3773 = arith.constant 0 : i32
        %dma_start3A_3774 = arith.constant 0 : i32
        %dma_start3A_3775 = tpu.memref_slice %arg9[%dma_start3A_3760, %dma_start3A_3773, %dma_start3A_3774] : memref<2x16x64xf32, #tpu.memory_space<vmem>> -> memref<1x16x64xf32, #tpu.memory_space<vmem>>
        %dma_start3A_3776 = tpu.memref_squeeze %dma_start3A_3775 : memref<1x16x64xf32, #tpu.memory_space<vmem>> -> memref<16x64xf32, #tpu.memory_space<vmem>>
        %dma_start3A_3777 = arith.constant 13 : i32
        %dma_start3A_3778 = arith.constant 0 : i32
        %dma_start3A_3779 = tpu.memref_slice %dma_start3A_3776[%dma_start3A_3777, %dma_start3A_3778] : memref<16x64xf32, #tpu.memory_space<vmem>> -> memref<1x64xf32, #tpu.memory_space<vmem>>
        %dma_start3A_3780 = arith.constant 0 : i32
        %dma_start3A_3781 = tpu.memref_slice %arg4[%squeeze3A_3759, %dma_start3A_3780] : memref<1000000x64xf32, #tpu.memory_space<hbm>> -> memref<1x64xf32, #tpu.memory_space<hbm>>
        tpu.enqueue_dma source(%dma_start3A_3781 : memref<1x64xf32, #tpu.memory_space<hbm>>) target(%dma_start3A_3779 : memref<1x64xf32, #tpu.memory_space<vmem>>) target_semaphore(%dma_start3A_3772 : memref<!tpu.dma_semaphore, #tpu.memory_space<semaphore_mem>>)
        %slice3A_3782 = vector.extract_strided_slice %get3A_3133 {offsets = [13], sizes = [1], strides = [1]} : vector<16xi32> to vector<1xi32>
        %squeeze3A_3783 = vector.extract %slice3A_3782[0] : i32 from vector<1xi32>
        %dma_start3A_3784 = arith.constant 0 : i32
        %dma_start3A_3785 = arith.constant 0 : i32
        %dma_start3A_3786 = arith.constant 0 : i32
        %dma_start3A_3787 = arith.constant 0 : i32
        %dma_start3A_3788 = tpu.memref_slice %arg10[%dma_start3A_3784, %dma_start3A_3786, %dma_start3A_3787] : memref<2x16x64xf32, #tpu.memory_space<vmem>> -> memref<1x16x64xf32, #tpu.memory_space<vmem>>
        %dma_start3A_3789 = tpu.memref_squeeze %dma_start3A_3788 : memref<1x16x64xf32, #tpu.memory_space<vmem>> -> memref<16x64xf32, #tpu.memory_space<vmem>>
        %dma_start3A_3790 = arith.constant 13 : i32
        %dma_start3A_3791 = arith.constant 0 : i32
        %dma_start3A_3792 = tpu.memref_slice %dma_start3A_3789[%dma_start3A_3790, %dma_start3A_3791] : memref<16x64xf32, #tpu.memory_space<vmem>> -> memref<1x64xf32, #tpu.memory_space<vmem>>
        %dma_start3A_3793 = arith.constant 0 : i32
        %dma_start3A_3794 = tpu.memref_slice %arg5[%squeeze3A_3783, %dma_start3A_3793] : memref<100000x64xf32, #tpu.memory_space<hbm>> -> memref<1x64xf32, #tpu.memory_space<hbm>>
        %dma_start3A_3795 = tpu.memref_slice %arg12[%dma_start3A_3785] : memref<2x!tpu.dma_semaphore, #tpu.memory_space<semaphore_mem>> -> memref<1x!tpu.dma_semaphore, #tpu.memory_space<semaphore_mem>>
        %dma_start3A_3796 = tpu.memref_squeeze %dma_start3A_3795 : memref<1x!tpu.dma_semaphore, #tpu.memory_space<semaphore_mem>> -> memref<!tpu.dma_semaphore, #tpu.memory_space<semaphore_mem>>
        %dma_start3A_3797 = arith.constant 0 : i32
        %dma_start3A_3798 = arith.constant 0 : i32
        %dma_start3A_3799 = tpu.memref_slice %arg10[%dma_start3A_3784, %dma_start3A_3797, %dma_start3A_3798] : memref<2x16x64xf32, #tpu.memory_space<vmem>> -> memref<1x16x64xf32, #tpu.memory_space<vmem>>
        %dma_start3A_3800 = tpu.memref_squeeze %dma_start3A_3799 : memref<1x16x64xf32, #tpu.memory_space<vmem>> -> memref<16x64xf32, #tpu.memory_space<vmem>>
        %dma_start3A_3801 = arith.constant 13 : i32
        %dma_start3A_3802 = arith.constant 0 : i32
        %dma_start3A_3803 = tpu.memref_slice %dma_start3A_3800[%dma_start3A_3801, %dma_start3A_3802] : memref<16x64xf32, #tpu.memory_space<vmem>> -> memref<1x64xf32, #tpu.memory_space<vmem>>
        %dma_start3A_3804 = arith.constant 0 : i32
        %dma_start3A_3805 = tpu.memref_slice %arg5[%squeeze3A_3783, %dma_start3A_3804] : memref<100000x64xf32, #tpu.memory_space<hbm>> -> memref<1x64xf32, #tpu.memory_space<hbm>>
        tpu.enqueue_dma source(%dma_start3A_3805 : memref<1x64xf32, #tpu.memory_space<hbm>>) target(%dma_start3A_3803 : memref<1x64xf32, #tpu.memory_space<vmem>>) target_semaphore(%dma_start3A_3796 : memref<!tpu.dma_semaphore, #tpu.memory_space<semaphore_mem>>)
        %slice3A_3806 = vector.extract_strided_slice %get3A_3131 {offsets = [14], sizes = [1], strides = [1]} : vector<16xi32> to vector<1xi32>
        %squeeze3A_3807 = vector.extract %slice3A_3806[0] : i32 from vector<1xi32>
        %dma_start3A_3808 = arith.constant 0 : i32
        %dma_start3A_3809 = arith.constant 0 : i32
        %dma_start3A_3810 = arith.constant 0 : i32
        %dma_start3A_3811 = arith.constant 0 : i32
        %dma_start3A_3812 = tpu.memref_slice %arg9[%dma_start3A_3808, %dma_start3A_3810, %dma_start3A_3811] : memref<2x16x64xf32, #tpu.memory_space<vmem>> -> memref<1x16x64xf32, #tpu.memory_space<vmem>>
        %dma_start3A_3813 = tpu.memref_squeeze %dma_start3A_3812 : memref<1x16x64xf32, #tpu.memory_space<vmem>> -> memref<16x64xf32, #tpu.memory_space<vmem>>
        %dma_start3A_3814 = arith.constant 14 : i32
        %dma_start3A_3815 = arith.constant 0 : i32
        %dma_start3A_3816 = tpu.memref_slice %dma_start3A_3813[%dma_start3A_3814, %dma_start3A_3815] : memref<16x64xf32, #tpu.memory_space<vmem>> -> memref<1x64xf32, #tpu.memory_space<vmem>>
        %dma_start3A_3817 = arith.constant 0 : i32
        %dma_start3A_3818 = tpu.memref_slice %arg4[%squeeze3A_3807, %dma_start3A_3817] : memref<1000000x64xf32, #tpu.memory_space<hbm>> -> memref<1x64xf32, #tpu.memory_space<hbm>>
        %dma_start3A_3819 = tpu.memref_slice %arg12[%dma_start3A_3809] : memref<2x!tpu.dma_semaphore, #tpu.memory_space<semaphore_mem>> -> memref<1x!tpu.dma_semaphore, #tpu.memory_space<semaphore_mem>>
        %dma_start3A_3820 = tpu.memref_squeeze %dma_start3A_3819 : memref<1x!tpu.dma_semaphore, #tpu.memory_space<semaphore_mem>> -> memref<!tpu.dma_semaphore, #tpu.memory_space<semaphore_mem>>
        %dma_start3A_3821 = arith.constant 0 : i32
        %dma_start3A_3822 = arith.constant 0 : i32
        %dma_start3A_3823 = tpu.memref_slice %arg9[%dma_start3A_3808, %dma_start3A_3821, %dma_start3A_3822] : memref<2x16x64xf32, #tpu.memory_space<vmem>> -> memref<1x16x64xf32, #tpu.memory_space<vmem>>
        %dma_start3A_3824 = tpu.memref_squeeze %dma_start3A_3823 : memref<1x16x64xf32, #tpu.memory_space<vmem>> -> memref<16x64xf32, #tpu.memory_space<vmem>>
        %dma_start3A_3825 = arith.constant 14 : i32
        %dma_start3A_3826 = arith.constant 0 : i32
        %dma_start3A_3827 = tpu.memref_slice %dma_start3A_3824[%dma_start3A_3825, %dma_start3A_3826] : memref<16x64xf32, #tpu.memory_space<vmem>> -> memref<1x64xf32, #tpu.memory_space<vmem>>
        %dma_start3A_3828 = arith.constant 0 : i32
        %dma_start3A_3829 = tpu.memref_slice %arg4[%squeeze3A_3807, %dma_start3A_3828] : memref<1000000x64xf32, #tpu.memory_space<hbm>> -> memref<1x64xf32, #tpu.memory_space<hbm>>
        tpu.enqueue_dma source(%dma_start3A_3829 : memref<1x64xf32, #tpu.memory_space<hbm>>) target(%dma_start3A_3827 : memref<1x64xf32, #tpu.memory_space<vmem>>) target_semaphore(%dma_start3A_3820 : memref<!tpu.dma_semaphore, #tpu.memory_space<semaphore_mem>>)
        %slice3A_3830 = vector.extract_strided_slice %get3A_3133 {offsets = [14], sizes = [1], strides = [1]} : vector<16xi32> to vector<1xi32>
        %squeeze3A_3831 = vector.extract %slice3A_3830[0] : i32 from vector<1xi32>
        %dma_start3A_3832 = arith.constant 0 : i32
        %dma_start3A_3833 = arith.constant 0 : i32
        %dma_start3A_3834 = arith.constant 0 : i32
        %dma_start3A_3835 = arith.constant 0 : i32
        %dma_start3A_3836 = tpu.memref_slice %arg10[%dma_start3A_3832, %dma_start3A_3834, %dma_start3A_3835] : memref<2x16x64xf32, #tpu.memory_space<vmem>> -> memref<1x16x64xf32, #tpu.memory_space<vmem>>
        %dma_start3A_3837 = tpu.memref_squeeze %dma_start3A_3836 : memref<1x16x64xf32, #tpu.memory_space<vmem>> -> memref<16x64xf32, #tpu.memory_space<vmem>>
        %dma_start3A_3838 = arith.constant 14 : i32
        %dma_start3A_3839 = arith.constant 0 : i32
        %dma_start3A_3840 = tpu.memref_slice %dma_start3A_3837[%dma_start3A_3838, %dma_start3A_3839] : memref<16x64xf32, #tpu.memory_space<vmem>> -> memref<1x64xf32, #tpu.memory_space<vmem>>
        %dma_start3A_3841 = arith.constant 0 : i32
        %dma_start3A_3842 = tpu.memref_slice %arg5[%squeeze3A_3831, %dma_start3A_3841] : memref<100000x64xf32, #tpu.memory_space<hbm>> -> memref<1x64xf32, #tpu.memory_space<hbm>>
        %dma_start3A_3843 = tpu.memref_slice %arg12[%dma_start3A_3833] : memref<2x!tpu.dma_semaphore, #tpu.memory_space<semaphore_mem>> -> memref<1x!tpu.dma_semaphore, #tpu.memory_space<semaphore_mem>>
        %dma_start3A_3844 = tpu.memref_squeeze %dma_start3A_3843 : memref<1x!tpu.dma_semaphore, #tpu.memory_space<semaphore_mem>> -> memref<!tpu.dma_semaphore, #tpu.memory_space<semaphore_mem>>
        %dma_start3A_3845 = arith.constant 0 : i32
        %dma_start3A_3846 = arith.constant 0 : i32
        %dma_start3A_3847 = tpu.memref_slice %arg10[%dma_start3A_3832, %dma_start3A_3845, %dma_start3A_3846] : memref<2x16x64xf32, #tpu.memory_space<vmem>> -> memref<1x16x64xf32, #tpu.memory_space<vmem>>
        %dma_start3A_3848 = tpu.memref_squeeze %dma_start3A_3847 : memref<1x16x64xf32, #tpu.memory_space<vmem>> -> memref<16x64xf32, #tpu.memory_space<vmem>>
        %dma_start3A_3849 = arith.constant 14 : i32
        %dma_start3A_3850 = arith.constant 0 : i32
        %dma_start3A_3851 = tpu.memref_slice %dma_start3A_3848[%dma_start3A_3849, %dma_start3A_3850] : memref<16x64xf32, #tpu.memory_space<vmem>> -> memref<1x64xf32, #tpu.memory_space<vmem>>
        %dma_start3A_3852 = arith.constant 0 : i32
        %dma_start3A_3853 = tpu.memref_slice %arg5[%squeeze3A_3831, %dma_start3A_3852] : memref<100000x64xf32, #tpu.memory_space<hbm>> -> memref<1x64xf32, #tpu.memory_space<hbm>>
        tpu.enqueue_dma source(%dma_start3A_3853 : memref<1x64xf32, #tpu.memory_space<hbm>>) target(%dma_start3A_3851 : memref<1x64xf32, #tpu.memory_space<vmem>>) target_semaphore(%dma_start3A_3844 : memref<!tpu.dma_semaphore, #tpu.memory_space<semaphore_mem>>)
        %slice3A_3854 = vector.extract_strided_slice %get3A_3131 {offsets = [15], sizes = [1], strides = [1]} : vector<16xi32> to vector<1xi32>
        %squeeze3A_3855 = vector.extract %slice3A_3854[0] : i32 from vector<1xi32>
        %dma_start3A_3856 = arith.constant 0 : i32
        %dma_start3A_3857 = arith.constant 0 : i32
        %dma_start3A_3858 = arith.constant 0 : i32
        %dma_start3A_3859 = arith.constant 0 : i32
        %dma_start3A_3860 = tpu.memref_slice %arg9[%dma_start3A_3856, %dma_start3A_3858, %dma_start3A_3859] : memref<2x16x64xf32, #tpu.memory_space<vmem>> -> memref<1x16x64xf32, #tpu.memory_space<vmem>>
        %dma_start3A_3861 = tpu.memref_squeeze %dma_start3A_3860 : memref<1x16x64xf32, #tpu.memory_space<vmem>> -> memref<16x64xf32, #tpu.memory_space<vmem>>
        %dma_start3A_3862 = arith.constant 15 : i32
        %dma_start3A_3863 = arith.constant 0 : i32
        %dma_start3A_3864 = tpu.memref_slice %dma_start3A_3861[%dma_start3A_3862, %dma_start3A_3863] : memref<16x64xf32, #tpu.memory_space<vmem>> -> memref<1x64xf32, #tpu.memory_space<vmem>>
        %dma_start3A_3865 = arith.constant 0 : i32
        %dma_start3A_3866 = tpu.memref_slice %arg4[%squeeze3A_3855, %dma_start3A_3865] : memref<1000000x64xf32, #tpu.memory_space<hbm>> -> memref<1x64xf32, #tpu.memory_space<hbm>>
        %dma_start3A_3867 = tpu.memref_slice %arg12[%dma_start3A_3857] : memref<2x!tpu.dma_semaphore, #tpu.memory_space<semaphore_mem>> -> memref<1x!tpu.dma_semaphore, #tpu.memory_space<semaphore_mem>>
        %dma_start3A_3868 = tpu.memref_squeeze %dma_start3A_3867 : memref<1x!tpu.dma_semaphore, #tpu.memory_space<semaphore_mem>> -> memref<!tpu.dma_semaphore, #tpu.memory_space<semaphore_mem>>
        %dma_start3A_3869 = arith.constant 0 : i32
        %dma_start3A_3870 = arith.constant 0 : i32
        %dma_start3A_3871 = tpu.memref_slice %arg9[%dma_start3A_3856, %dma_start3A_3869, %dma_start3A_3870] : memref<2x16x64xf32, #tpu.memory_space<vmem>> -> memref<1x16x64xf32, #tpu.memory_space<vmem>>
        %dma_start3A_3872 = tpu.memref_squeeze %dma_start3A_3871 : memref<1x16x64xf32, #tpu.memory_space<vmem>> -> memref<16x64xf32, #tpu.memory_space<vmem>>
        %dma_start3A_3873 = arith.constant 15 : i32
        %dma_start3A_3874 = arith.constant 0 : i32
        %dma_start3A_3875 = tpu.memref_slice %dma_start3A_3872[%dma_start3A_3873, %dma_start3A_3874] : memref<16x64xf32, #tpu.memory_space<vmem>> -> memref<1x64xf32, #tpu.memory_space<vmem>>
        %dma_start3A_3876 = arith.constant 0 : i32
        %dma_start3A_3877 = tpu.memref_slice %arg4[%squeeze3A_3855, %dma_start3A_3876] : memref<1000000x64xf32, #tpu.memory_space<hbm>> -> memref<1x64xf32, #tpu.memory_space<hbm>>
        tpu.enqueue_dma source(%dma_start3A_3877 : memref<1x64xf32, #tpu.memory_space<hbm>>) target(%dma_start3A_3875 : memref<1x64xf32, #tpu.memory_space<vmem>>) target_semaphore(%dma_start3A_3868 : memref<!tpu.dma_semaphore, #tpu.memory_space<semaphore_mem>>)
        %slice3A_3878 = vector.extract_strided_slice %get3A_3133 {offsets = [15], sizes = [1], strides = [1]} : vector<16xi32> to vector<1xi32>
        %squeeze3A_3879 = vector.extract %slice3A_3878[0] : i32 from vector<1xi32>
        %dma_start3A_3880 = arith.constant 0 : i32
        %dma_start3A_3881 = arith.constant 0 : i32
        %dma_start3A_3882 = arith.constant 0 : i32
        %dma_start3A_3883 = arith.constant 0 : i32
        %dma_start3A_3884 = tpu.memref_slice %arg10[%dma_start3A_3880, %dma_start3A_3882, %dma_start3A_3883] : memref<2x16x64xf32, #tpu.memory_space<vmem>> -> memref<1x16x64xf32, #tpu.memory_space<vmem>>
        %dma_start3A_3885 = tpu.memref_squeeze %dma_start3A_3884 : memref<1x16x64xf32, #tpu.memory_space<vmem>> -> memref<16x64xf32, #tpu.memory_space<vmem>>
        %dma_start3A_3886 = arith.constant 15 : i32
        %dma_start3A_3887 = arith.constant 0 : i32
        %dma_start3A_3888 = tpu.memref_slice %dma_start3A_3885[%dma_start3A_3886, %dma_start3A_3887] : memref<16x64xf32, #tpu.memory_space<vmem>> -> memref<1x64xf32, #tpu.memory_space<vmem>>
        %dma_start3A_3889 = arith.constant 0 : i32
        %dma_start3A_3890 = tpu.memref_slice %arg5[%squeeze3A_3879, %dma_start3A_3889] : memref<100000x64xf32, #tpu.memory_space<hbm>> -> memref<1x64xf32, #tpu.memory_space<hbm>>
        %dma_start3A_3891 = tpu.memref_slice %arg12[%dma_start3A_3881] : memref<2x!tpu.dma_semaphore, #tpu.memory_space<semaphore_mem>> -> memref<1x!tpu.dma_semaphore, #tpu.memory_space<semaphore_mem>>
        %dma_start3A_3892 = tpu.memref_squeeze %dma_start3A_3891 : memref<1x!tpu.dma_semaphore, #tpu.memory_space<semaphore_mem>> -> memref<!tpu.dma_semaphore, #tpu.memory_space<semaphore_mem>>
        %dma_start3A_3893 = arith.constant 0 : i32
        %dma_start3A_3894 = arith.constant 0 : i32
        %dma_start3A_3895 = tpu.memref_slice %arg10[%dma_start3A_3880, %dma_start3A_3893, %dma_start3A_3894] : memref<2x16x64xf32, #tpu.memory_space<vmem>> -> memref<1x16x64xf32, #tpu.memory_space<vmem>>
        %dma_start3A_3896 = tpu.memref_squeeze %dma_start3A_3895 : memref<1x16x64xf32, #tpu.memory_space<vmem>> -> memref<16x64xf32, #tpu.memory_space<vmem>>
        %dma_start3A_3897 = arith.constant 15 : i32
        %dma_start3A_3898 = arith.constant 0 : i32
        %dma_start3A_3899 = tpu.memref_slice %dma_start3A_3896[%dma_start3A_3897, %dma_start3A_3898] : memref<16x64xf32, #tpu.memory_space<vmem>> -> memref<1x64xf32, #tpu.memory_space<vmem>>
        %dma_start3A_3900 = arith.constant 0 : i32
        %dma_start3A_3901 = tpu.memref_slice %arg5[%squeeze3A_3879, %dma_start3A_3900] : memref<100000x64xf32, #tpu.memory_space<hbm>> -> memref<1x64xf32, #tpu.memory_space<hbm>>
        tpu.enqueue_dma source(%dma_start3A_3901 : memref<1x64xf32, #tpu.memory_space<hbm>>) target(%dma_start3A_3899 : memref<1x64xf32, #tpu.memory_space<vmem>>) target_semaphore(%dma_start3A_3892 : memref<!tpu.dma_semaphore, #tpu.memory_space<semaphore_mem>>)
      } else {
      }
      %add3A_3109 = arith.constant 1 : i32
      %add3A_3110 = arith.addi %mul3A_781, %add3A_3109 : i32
      %broadcast_in_dim3A_3111 = arith.constant 0.000000e+00 : f32
      %broadcast_in_dim3A_3112 = vector.broadcast %broadcast_in_dim3A_3111 : f32 to vector<16xf32>
      %scan3A_3113 = arith.constant 0 : i32
      %scan3A_3114 = arith.constant 64 : i32
      %scan3A_3115 = arith.addi %scan3A_3113, %scan3A_3114 : i32
      %scan3A_3116 = arith.constant 1 : i32
      %scan3A_3117 = scf.for %scan3A_3125 = %scan3A_3113 to %scan3A_3115 step %scan3A_3116 iter_args(%scan3A_3126 = %broadcast_in_dim3A_3112) -> (vector<16xf32>)  : i32 {
        %add3A_3127 = vector.broadcast %scan3A_3125 : i32 to vector<16xi32>
        %add3A_3128 = arith.addi %add3A_3127, %iota3A : vector<16xi32>
        %and3A = arith.constant 63 : i32
        %and3A_3129 = vector.broadcast %and3A : i32 to vector<16xi32>
        %and3A_3130 = arith.andi %add3A_3128, %and3A_3129 : vector<16xi32>
        %gather3A = arith.constant 1 : i32
        %gather3A_3131 = arith.constant 0 : i32
        %gather3A_3132 = arith.constant 0 : i32
        %gather3A_3133 = tpu.memref_slice %arg9[%gather3A, %gather3A_3131, %gather3A_3132] : memref<2x16x64xf32, #tpu.memory_space<vmem>> -> memref<1x16x64xf32, #tpu.memory_space<vmem>>
        %gather3A_3134 = tpu.memref_squeeze %gather3A_3133 : memref<1x16x64xf32, #tpu.memory_space<vmem>> -> memref<16x64xf32, #tpu.memory_space<vmem>>
        %gather3A_3135 = tpu.vector_load_idx %gather3A_3134[%iota3A, %and3A_3130] : memref<16x64xf32, #tpu.memory_space<vmem>>[vector<16xi32>, vector<16xi32>], vector<16xf32>,
        %gather3A_3136 = arith.constant 1 : i32
        %gather3A_3137 = arith.constant 0 : i32
        %gather3A_3138 = arith.constant 0 : i32
        %gather3A_3139 = tpu.memref_slice %arg10[%gather3A_3136, %gather3A_3137, %gather3A_3138] : memref<2x16x64xf32, #tpu.memory_space<vmem>> -> memref<1x16x64xf32, #tpu.memory_space<vmem>>
        %gather3A_3140 = tpu.memref_squeeze %gather3A_3139 : memref<1x16x64xf32, #tpu.memory_space<vmem>> -> memref<16x64xf32, #tpu.memory_space<vmem>>
        %gather3A_3141 = tpu.vector_load_idx %gather3A_3140[%iota3A, %and3A_3130] : memref<16x64xf32, #tpu.memory_space<vmem>>[vector<16xi32>, vector<16xi32>], vector<16xf32>,
        %mul3A_3142 = arith.mulf %gather3A_3135, %gather3A_3141 : vector<16xf32>
        %add3A_3143 = arith.addf %scan3A_3126, %mul3A_3142 : vector<16xf32>
        scf.yield %add3A_3143 : vector<16xf32>
      }
      %scan3A_3118 = arith.constant 64 : i32
      %mul3A_3119 = arith.constant 16 : i32
      %mul3A_3120 = arith.muli %add3A_3110, %mul3A_3119 : i32
      %multiple_of3A_3121 = tpu.assume_multiple %mul3A_3120, 16 : i32
      %swap3A_3122 = arith.index_cast %multiple_of3A_3121 : i32 to index
      %swap3A_3123 = tpu.vector_load %arg11[%swap3A_3122] {strides = array<i32>} : memref<512xf32, #tpu.memory_space<vmem>>, vector<16xf32>,
      tpu.vector_store %arg11[%swap3A_3122], %scan3A_3117 {strides = array<i32>} : memref<512xf32, #tpu.memory_space<vmem>>, vector<16xf32>,
      %scan3A_3124 = arith.constant 0 : i32
      scf.yield %scan3A_3124 : i32
    }
    %scan3A_777 = arith.constant 16 : i32
    "tpu.region"() ({
      %run_scoped3A = tpu.sem_alloc : memref<!tpu.dma_semaphore, #tpu.memory_space<semaphore_mem>>
      %dma_start3A_778 = tpu.memref_slice %arg6[%mul3A_2] : memref<16384xf32, #tpu.memory_space<hbm>> -> memref<512xf32, #tpu.memory_space<hbm>>
      %dma_start3A_779 = tpu.memref_slice %arg6[%mul3A_2] : memref<16384xf32, #tpu.memory_space<hbm>> -> memref<512xf32, #tpu.memory_space<hbm>>
      tpu.enqueue_dma source(%arg11 : memref<512xf32, #tpu.memory_space<vmem>>) target(%dma_start3A_779 : memref<512xf32, #tpu.memory_space<hbm>>) target_semaphore(%run_scoped3A : memref<!tpu.dma_semaphore, #tpu.memory_space<semaphore_mem>>)
      %dma_wait3A = tpu.memref_slice %arg6[%mul3A_2] : memref<16384xf32, #tpu.memory_space<hbm>> -> memref<512xf32, #tpu.memory_space<hbm>>
      %dma_wait3A_780 = tpu.memref_slice %arg6[%mul3A_2] : memref<16384xf32, #tpu.memory_space<hbm>> -> memref<512xf32, #tpu.memory_space<hbm>>
      tpu.wait_dma2 semaphore(%run_scoped3A : memref<!tpu.dma_semaphore, #tpu.memory_space<semaphore_mem>>) src(%arg11 : memref<512xf32, #tpu.memory_space<vmem>>) dst(%dma_wait3A_780 : memref<512xf32, #tpu.memory_space<hbm>>)
      tpu.yield
    }) : () -> ()
    return
  }
}

</mosaic_0001>

<sc_bundles>
// kernel: _mf_dot.3.cloned.1.call-start
scs
__scs_entry_jumppad:
0x0: {  	(pc) =	sbr.rel $0x88, $3  }
0x1: {  	(tag) =	ssettag $0x0;
	lr =	simm.s32 $0x1  }
0x2: {  	[smem:$0x3F9D] =	sst lr;
	_ =	strace $0xD0000000  }
0x3: {  	_ = 	snop  }
0x4: {  	_ = 	snop  }
0x5: {  	_ = 	snop  }
0x6: {  	_ = 	snop  }
0x7: {  	_ = 	snop  }
__scs_overlays_trampoline_lowered:
0x8: {  	[smem:$0x3FAC] =	sst s0  }
0x9: {  	[smem:$0x3FAD] =	sst s1  }
0xa: {  	[smem:$0x3FAE] =	sst s2  }
0xb: {  	[smem:$0x3FAF] =	sst s3  }
0xc: {  	[smem:$0x3FB0] =	sst s4  }
0xd: {  	[smem:$0x3FB1] =	sst s5  }
0xe: {  	[smem:$0x3FB2] =	sst s6  }
0xf: {  	[smem:$0x3FB3] =	sst s7  }
0x10: {  	[smem:$0x3FB4] =	sst s8  }
0x11: {  	[smem:$0x3FB5] =	sst s9;
	s0 =	simm.s32 @!p0 $0x0  }
0x12: {  	s1 =	sld [smem:$0x3F9B];
	s0 =	simm.s32 @p0 $0x1  }
0x13: {  	[smem:$0x3FB6] =	sst s0;
	s0 =	simm.s32 @!p1 $0x0  }
0x14: {  	s2 =	sld [smem:$0x3F9A];
	s0 =	simm.s32 @p1 $0x1  }
0x15: {  	[smem:$0x3FB7] =	sst s0;
	s0 =	simm.s32 @!p2 $0x0  }
0x16: {  	s3 =	sld [smem:$0x3FDB];
	s0 =	simm.s32 @p2 $0x1  }
0x17: {  	s4 =	simm.s32 $0x1BF5;
	[smem:$0x3FB9] =	sst s0  }
0x18: {  	s0 =	sld [smem:$0x3F9C];
	_ =	swait.ge [sflag:s4], $0x0  }
0x19: {  	s7 =	sld [smem:$0x3F9D]  }
0x1a: {  	s8 =	sadd.s32 $0xFFFFE003, lr  }
0x1b: {  	s9 =	sadd.s32 $0xFFFFFEF7, lr;
	s5 =	simm.s32 $0xFFFFFFFF;
	p2 =	slt.u32 s8, $0xFFFFF086  }
0x1c: {  	p1 =	slt.u32 s9, $0xF7A;
	s5 =	simm.s32 @!p2 $0x0  }
0x1d: {  	s5 =	simm.s32 @p1 $0x1;
	p0 =	seq.s32 s7, s2  }
0x1e: {  	s7 =	smul.u32 @!p0 $0xF7A, s2;
	p2 =	seq.s32 @!p0 s5, $0x0  }
0x1f: {  	s9 =	smul.u32 $0xF7A, s1;
	s8 =	simm.s32 @!p0 $0x1BF5;
	p2 =	por !p2, p0  }
0x20: {  	[sflag:s8] =	ssyncset.s32 @!p0 $0xFFFFF086;
	s6 =	sadd.s32 @!p0 s3, s7;
	s7 =	simm.s32 @!p0 $0x108  }
0x21: {  	s3 =	sadd.s32 s3, s9;
	s6 =	sadd.s32 @!p0 $0x88, s6;
	s7 =	simm.s32 @p2 $0x1082  }
0x22: {  	[simem:s7], [sflag:s8] =	dma.local @!p0 [hbm:s6], $0xF7A  }
0x23: {  	s9 =	sor.u32 $0xD0000000, s2;
	s6 =	simm.s32 $0x108;
	_ =	swait.ge @!p0 [sflag:s8], $0x0  }
0x24: {  	s3 =	sadd.s32 $0x88, s3;
	s6 =	simm.s32 @!p1 $0x1082;
	[sflag:s4] =	ssyncset.s32 $0xFFFFF086  }
0x25: {  	[simem:s6], [sflag:s4] =	dma.local [hbm:s3], $0xF7A  }
0x26: {  	[smem:$0x3F9D] =	sst s1;
	(tag) =	ssettag s2;
	_ =	strace s9  }
0x27: {  	s1 =	sld [smem:$0x3FAD]  }
0x28: {  	s2 =	sld [smem:$0x3FAE]  }
0x29: {  	s4 =	sld [smem:$0x3FB0]  }
0x2a: {  	p0 =	seq.s32 s5, $0x0;
	s5 =	sld [smem:$0x3FB1]  }
0x2b: {  	s6 =	sld [smem:$0x3FB2]  }
0x2c: {  	s7 =	sld [smem:$0x3FB3]  }
0x2d: {  	s3 =	simm.s32 $0x108;
	s8 =	sld [smem:$0x3FB4]  }
0x2e: {  	s3 =	simm.s32 @!p0 $0x1082;
	s9 =	sld [smem:$0x3FB5]  }
0x2f: {  	lr =	sadd.s32 s0, s3;
	s0 =	sld [smem:$0x3FAC]  }
0x30: {  	s3 =	sld [smem:$0x3FAF]  }
0x31: {  	[smem:$0x3FB8] =	sst s10  }
0x32: {  	s10 =	sld [smem:$0x3FB6];
	_ =	sdelay $0x3  }
0x33: {  	p0 =	seq.s32 s10, $0x1;
	s10 =	sld [smem:$0x3FB8];
	_ =	sdelay $0x3  }
0x34: {  	[smem:$0x3FB8] =	sst s10  }
0x35: {  	s10 =	sld [smem:$0x3FB7];
	_ =	sdelay $0x3  }
0x36: {  	p1 =	seq.s32 s10, $0x1;
	s10 =	sld [smem:$0x3FB8];
	_ =	sdelay $0x3  }
0x37: {  	[smem:$0x3FB8] =	sst s10  }
0x38: {  	s10 =	sld [smem:$0x3FB9]  }
0x39: {  	_ = 	snop;
	(pc) =	sbr.ind lr, $3  }
0x3a: {  	_ = 	snop  }
0x3b: {  	_ = 	snop  }
0x3c: {  	p2 =	seq.s32 s10, $0x1;
	s10 =	sld [smem:$0x3FB8]  }
0x3d: {  	_ =	shalt  }
0x3e: {  	_ =	shalt  }
0x3f: {  	_ =	shalt  }
0x40: {  	_ =	shalt  }
0x41: {  	_ =	shalt  }
0x42: {  	_ =	shalt  }
0x43: {  	_ =	shalt  }
0x44: {  	_ =	shalt  }
0x45: {  	_ =	shalt  }
0x46: {  	_ =	shalt  }
0x47: {  	_ =	shalt  }
0x48: {  	_ =	shalt  }
0x49: {  	_ =	shalt  }
0x4a: {  	_ =	shalt  }
0x4b: {  	_ =	shalt  }
0x4c: {  	_ =	shalt  }
0x4d: {  	_ =	shalt  }
0x4e: {  	_ =	shalt  }
0x4f: {  	_ =	shalt  }
0x50: {  	_ =	shalt  }
0x51: {  	_ =	shalt  }
0x52: {  	_ =	shalt  }
0x53: {  	_ =	shalt  }
0x54: {  	_ =	shalt  }
0x55: {  	_ =	shalt  }
0x56: {  	_ =	shalt  }
0x57: {  	_ =	shalt  }
0x58: {  	_ =	shalt  }
0x59: {  	_ =	shalt  }
0x5a: {  	_ =	shalt  }
0x5b: {  	_ =	shalt  }
0x5c: {  	_ =	shalt  }
0x5d: {  	_ =	shalt  }
0x5e: {  	_ =	shalt  }
0x5f: {  	_ =	shalt  }
0x60: {  	_ =	shalt  }
0x61: {  	_ =	shalt  }
0x62: {  	_ =	shalt  }
0x63: {  	_ =	shalt  }
0x64: {  	_ =	shalt  }
0x65: {  	_ =	shalt  }
0x66: {  	_ =	shalt  }
0x67: {  	_ =	shalt  }
0x68: {  	_ =	shalt  }
0x69: {  	_ =	shalt  }
0x6a: {  	_ =	shalt  }
0x6b: {  	_ =	shalt  }
0x6c: {  	_ =	shalt  }
0x6d: {  	_ =	shalt  }
0x6e: {  	_ =	shalt  }
0x6f: {  	_ =	shalt  }
0x70: {  	_ =	shalt  }
0x71: {  	_ =	shalt  }
0x72: {  	_ =	shalt  }
0x73: {  	_ =	shalt  }
0x74: {  	_ =	shalt  }
0x75: {  	_ =	shalt  }
0x76: {  	_ =	shalt  }
0x77: {  	_ =	shalt  }
0x78: {  	_ =	shalt  }
0x79: {  	_ =	shalt  }
0x7a: {  	_ =	shalt  }
0x7b: {  	_ =	shalt  }
0x7c: {  	_ =	shalt  }
0x7d: {  	_ =	shalt  }
0x7e: {  	_ =	shalt  }
0x7f: {  	_ =	shalt  }
0x80: {  	_ =	shalt  }
0x81: {  	_ =	shalt  }
0x82: {  	_ =	shalt  }
0x83: {  	_ =	shalt  }
0x84: {  	_ =	shalt  }
0x85: {  	_ =	shalt  }
0x86: {  	_ =	shalt  }
0x87: {  	_ =	shalt  }
.Lfunc_end0:
.L_simem_size_0:
called_computation_lowered:
.L_overlay_start_0:
0x88: {  	s2 =	sld [smem:$0x3FD9]  }
0x89: {  	s3 =	sld [smem:$0x3FFE];
	_ =	sdelay $0x1  }
0x8a: {  	s1 =	srdreg.scid  }
0x8b: {  	s0 =	sand.u32 $0x1, s1  }
0x8c: {  	s17 =	sshll.u32 s0, $0xA;
	s2 =	sadd.s32 s3, s2  }
0x8d: {  	s2 =	sadd.s32 s2, s17  }
0x8e: {  	[smem:$0x3FC4] =	sst s2  }
0x8f: {  	_ = 	snop  }
0x90: {  	s2 =	sld [smem:$0x3FC9]  }
0x91: {  	s18 =	sld [smem:$0x3FC8]  }
0x92: {  	s4 =	sld [smem:$0x3FD0];
	(tm) =	ssettm $0x1  }
0x93: {  	s5 =	sld [smem:$0x3FFB];
	_ =	sdelay $0x3  }
0x94: {  	_ =	strace s5  }
0x95: {  	s5 =	sld [smem:$0x3FFC];
	_ =	sdelay $0x3  }
0x96: {  	_ =	strace s5  }
0x97: {  	s5 =	sld [smem:$0x3FFD];
	_ =	sdelay $0x3  }
0x98: {  	_ =	strace s5  }
0x99: {  	_ =	strace $0x8FFFFFFF  }
0x9a: {  	s19 =	sld [smem:$0x3FDB];
	_ =	sdelay $0x1  }
0x9b: {  	s6 =	simm.s32 $_scs_section_size  }
0x9c: {  	s7 =	simm.s32 $_size__tile_overlayer_lowered;
	s8 =	simm.s32 $_tile_overlayer_lowered  }
0x9d: {  	s22 =	simm.s32 $0x1BFF;
	s21 =	sshll.u32 s8, $0x1;
	s5 =	sadd.s32 s6, s19  }
0x9e: {  	s9 =	simm.s32 $0x0;
	s20 =	sshll.u32 s7, $0x1;
	s7 =	sadd.s32 s21, s5  }
0x9f: {  	[timem:s9], [sflag:s22] =	dma.local [hbm:s7], s20  }
0xa0: {  	_ =	swait.ge [sflag:s22], s20  }
0xa1: {  	s6 =	ssub.s32 $0x0, s20;
	[sflag:s22] =	ssyncset.done $0x0  }
0xa2: {  	[sflag:s22] =	ssyncadd.s32 s6;
	_ =	sdelay $0x1  }
0xa3: {  	s23 =	simm.s32 $0x1B8B  }
0xa4: {  	_ =	swait.ge [sflag:s23], $0x1  }
0xa5: {  	[sflag:s23] =	ssyncset.done $0x0  }
0xa6: {  	s25 =	simm.s32 $0x1B8E;
	s24 =	sld [smem:$0x3FFE];
	[sflag:s23] =	ssyncadd.s32 $0xFFFFFFFF  }
0xa7: {  	s26 =	simm.s32 $execute0_lowered;
	[smem:$0x3FD2] =	sst s25  }
0xa8: {  	s7 =	sshll.u32 s26, $0x1;
	_ =	strace $0x80000046;
	[dreg:$0x1] =	wrdreg $0xFFFFFFFF  }
0xa9: {  	s28 =	simm.s32 $_size_execute0_lowered;
	s5 =	sadd.s32 s5, s7;
	[dreg:$0x0] =	wrdreg $0x0  }
0xaa: {  	s7 =	sshll.u32 s28, $0x1;
	[dreg:$0x2] =	wrdreg s5  }
0xab: {  	[dreg:$0x3] =	wrdreg s7  }
0xac: {  	[dreg:$0x4] =	wrdreg $0xC0  }
0xad: {  	_ =	task [dreg:s9], $0x5FFFF  }
0xae: {  	[dreg:$0x1] =	wrdreg $0xFFFFFFFF  }
0xaf: {  	[dreg:$0x0] =	wrdreg $0x60  }
0xb0: {  	[dreg:$0x2] =	wrdreg s2  }
0xb1: {  	[dreg:$0x3] =	wrdreg s18  }
0xb2: {  	[dreg:$0x4] =	wrdreg s24  }
0xb3: {  	[dreg:$0x5] =	wrdreg s4  }
0xb4: {  	[dreg:$0x6] =	wrdreg $0x9  }
0xb5: {  	_ =	task.clear_ibuf [dreg:s9], $0x7FFFF;
	_ =	strace $0x90000046  }
0xb6: {  	s29 =	simm.s32 $0x9;
	_ =	strace $0x80000048  }
0xb7: {  	_ =	swait.ge [sflag:s29], $0x1  }
0xb8: {  	[sflag:s29] =	ssyncadd.s32 $0xFFFFFFFF  }
0xb9: {  	_ =	strace $0x90000048  }
0xba: {  	_ =	sfence  }
0xbb: {  	s30 =	sld [smem:$0x0];
	_ =	sdelay $0x2  }
0xbc: {  	s31 =	sshll.u32 s1, $0xD;
	s1 =	sshrl.u32 s1, $0x2  }
0xbd: {  	s3 =	sand.u32 $0x4000, s31;
	s1 =	sadd.s32 s1, s30  }
0xbe: {  	s0 =	sor.u32 s3, s0;
	s1 =	sshll.u32 s1, $0x11  }
0xbf: {  	s0 =	sor.u32 s1, s0  }
0xc0: {  	s0 =	sadd.s32 $0x8F2B, s0  }
0xc1: {  	[sflag:s0] =	ssyncadd.remote.s32 $0x1  }
0xc2: {  	_ =	sfence.sel $0xFFFF  }
0xc3: {  	[dreg:$0x0] =	wrdreg $0xFFFFFFFF;
	(pc) =	sbr.abs _section_cstart, $3  }
0xc4: {  	[dreg:$0x1] =	wrdreg $0xFFFFFFFF  }
0xc5: {  	_ =	task.clear_ibuf [dreg:s9], $0x2FFFF;
	_ =	strace $0x9FFFFFFF  }
0xc6: {  	(tm) =	ssettm $0x7FFFFFFF  }
0xc7: {  	_ =	shalt  }
tec
execute0_lowered:
.L_overlay_start_1:
0x0: {  	(tag) =	ssettag $0x1  }
0x1: {  	s0 =	rddreg [dreg:$0x0]  }
0x2: {  	s2 =	rddreg [dreg:$0x1]  }
0x3: {  	s4 =	rddreg [dreg:$0x2]  }
0x4: {  	s5 =	rddreg [dreg:$0x3];
	s1 =	simm.s32 $0x0;
	s6 =	srdreg.scid  }
0x5: {  	s8 =	stileid.u32;
	s11 =	simm.s32 $0x400;
	s12 =	simm.s32 $0x1400  }
0x6: {  	s17 =	simm.s32 $0x1;
	s18 =	simm.s32 $0xC00;
	s19 =	simm.s32 $0x1C00  }
0x7: {  	s10 =	simm.s32 $0x1F80;
	s13 =	simm.s32 $0x2100;
	s14 =	simm.s32 $0x1180  }
0x8: {  	s15 =	simm.s32 $0x2180;
	s16 =	simm.s32 $0x1200;
	s20 =	simm.s32 $0x2200  }
0x9: {  	s21 =	simm.s32 $0x1280;
	s22 =	simm.s32 $0x2280;
	s23 =	simm.s32 $0x1300  }
0xa: {  	s24 =	simm.s32 $0x2300;
	s25 =	simm.s32 $0x1380;
	s28 =	simm.s32 $0x2  }
0xb: {  	s29 =	simm.s32 $0x0;
	[smem:$0x7FF] =	sst s1;
	s3 =	sadd.s32 $0x186E00, s4  }
0xc: {  	s6 =	sand.u32 $0x1, s6;
	s8 =	sshll.u32 s8, $0x7;
	s4 =	sadd.s32 $0x400, s4  }
0xd: {  	_ =	strace $0x80000047;
	s7 =	ssub.s32 $0x2, s6;
	s6 =	sshll.u32 s6, $0x6  }
0xe: {  	s9 =	sshrl.u32 s7, $0x1;
	s6 =	sor.u32 s6, s8;
	s8 =	simm.s32 $0x2080  }
0xf: {  	s7 =	ssub.s32 s7, s9;
	s0 =	sadd.s32 s0, s6;
	s26 =	sadd.s32 s2, s6  }
0x10: {  	s30 =	sadd.s32 s5, s6;
	s2 =	simm.s32 $0x3;
	[dreg:$0x5] =	wrdreg s0  }
0x11: {  	s5 =	simm.s32 $0x1000;
	s6 =	simm.s32 $0x2000;
	[dreg:$0x6] =	wrdreg s26  }
0x12: {  	v0 =	vlaneseq.u32;
	s9 =	simm.s32 $0x1100;
	[dreg:$0x7] =	wrdreg s30;
	s31 =	smax.u32 s7, $0x1  }
0x13: {  	v1 =	vmul.u32 $0x80, v0;
	s7 =	simm.s32 $0x1080;
	s26 =	simm.s32 $0x2380;
	[dreg:$0x8] =	wrdreg s31  }
.LBB2_1:
0x14: {  	[dreg:$0x9] =	wrdreg s29  }
0x15: {  	s0 =	rddreg [dreg:$0x5]  }
0x16: {  	[tilespmem:s1], [sflag:$0x3] =	stream.linear.gather [hbm4b:s0+s1], $0x200, $0x38;
	[tilespmem:$0x2600] =	vst v63  }
0x17: {  	_ =	swait.ge [sflag:s2], $0x200  }
0x18: {  	[sflag:s2] =	ssyncset.done $0x0  }
0x19: {  	s29 =	simm.s32 $0x200;
	s30 =	rddreg [dreg:$0x6];
	[sflag:s2] =	ssyncadd.s32 $0xFFFFFE00  }
0x1a: {  	[tilespmem:s29], [sflag:$0x3] =	stream.linear.gather [hbm4b:s30+s1], $0x200, $0x38;
	[tilespmem:$0x2600] =	vst v63  }
0x1b: {  	_ =	swait.ge [sflag:s2], $0x200  }
0x1c: {  	[sflag:s2] =	ssyncset.done $0x0  }
0x1d: {  	[sflag:s2] =	ssyncadd.s32 $0xFFFFFE00  }
0x1e: {  	v2 =	vld [tilespmem:$0x0];
	_ =	sdelay $0x1  }
0x1f: {  	v4 =	vld [tilespmem:$0x200];
	_ =	sdelay $0x2  }
0x20: {  	v3 =	vshll.u32 v2, $0x4  }
0x21: {  	(v2sf) =	vpush v3, $0x0  }
0x22: {  	v2 =	vshll.u32 v4, $0x4  }
0x23: {  	(v2sf) =	vpush v2, $0x0;
	_ =	sdelay $0x2  }
0x24: {  	(v2sf) =	vpush v3, $0x1;
	_ =	sdelay $0x2  }
0x25: {  	(v2sf) =	vpush v2, $0x1;
	_ =	sdelay $0x6  }
0x26: {  	s31 =	spop (v2sf);
	(v2sf) =	vpush v3, $0x2;
	_ =	sdelay $0x1  }
0x27: {  	s0 =	sand.u32 $0x1FFFFFF0, s31;
	s2 =	spop (v2sf);
	(v2sf) =	vpush v2, $0x2  }
0x28: {  	s0 =	sadd.s32 s3, s0  }
0x29: {  	[tilespmem:s11], [sflag:$0x1] =	stream.linear.gather [hbm4b:s0+s1], $0x80, $0x38;
	[tilespmem:$0x2600] =	vst v63  }
0x2a: {  	s30 =	spop (v2sf);
	(v2sf) =	vpush v3, $0x3;
	s0 =	sand.u32 $0x1FFFFFF0, s2  }
0x2b: {  	s0 =	sadd.s32 s4, s0  }
0x2c: {  	[tilespmem:s12], [sflag:$0x1] =	stream.linear.gather [hbm4b:s0+s1], $0x80, $0x38;
	[tilespmem:$0x2600] =	vst v63  }
0x2d: {  	s0 =	sand.u32 $0x1FFFFFF0, s30;
	s30 =	spop (v2sf);
	(v2sf) =	vpush v2, $0x3;
	_ =	sdelay $0x3  }
0x2e: {  	s31 =	simm.s32 $0x480;
	s0 =	sadd.s32 s3, s0  }
0x2f: {  	[tilespmem:s31], [sflag:$0x1] =	stream.linear.gather [hbm4b:s0+s1], $0x80, $0x38;
	[tilespmem:$0x2600] =	vst v63  }
0x30: {  	s0 =	sand.u32 $0x1FFFFFF0, s30  }
0x31: {  	s31 =	simm.s32 $0x1480;
	s0 =	sadd.s32 s4, s0;
	s30 =	spop (v2sf);
	(v2sf) =	vpush v3, $0x4  }
0x32: {  	[tilespmem:s31], [sflag:$0x1] =	stream.linear.gather [hbm4b:s0+s1], $0x80, $0x38;
	[tilespmem:$0x2600] =	vst v63  }
0x33: {  	s0 =	sand.u32 $0x1FFFFFF0, s30;
	s30 =	spop (v2sf);
	(v2sf) =	vpush v2, $0x4  }
0x34: {  	s31 =	simm.s32 $0x500;
	s0 =	sadd.s32 s3, s0  }
0x35: {  	[tilespmem:s31], [sflag:$0x1] =	stream.linear.gather [hbm4b:s0+s1], $0x80, $0x38;
	[tilespmem:$0x2600] =	vst v63  }
0x36: {  	s0 =	sand.u32 $0x1FFFFFF0, s30;
	s30 =	spop (v2sf);
	(v2sf) =	vpush v3, $0x5  }
0x37: {  	s31 =	simm.s32 $0x1500;
	s0 =	sadd.s32 s4, s0  }
0x38: {  	[tilespmem:s31], [sflag:$0x1] =	stream.linear.gather [hbm4b:s0+s1], $0x80, $0x38;
	[tilespmem:$0x2600] =	vst v63  }
0x39: {  	s0 =	sand.u32 $0x1FFFFFF0, s30;
	s30 =	spop (v2sf);
	(v2sf) =	vpush v2, $0x5;
	_ =	sdelay $0x3  }
0x3a: {  	s31 =	simm.s32 $0x580;
	s0 =	sadd.s32 s3, s0  }
0x3b: {  	[tilespmem:s31], [sflag:$0x1] =	stream.linear.gather [hbm4b:s0+s1], $0x80, $0x38;
	[tilespmem:$0x2600] =	vst v63  }
0x3c: {  	s0 =	sand.u32 $0x1FFFFFF0, s30  }
0x3d: {  	s31 =	simm.s32 $0x1580;
	s0 =	sadd.s32 s4, s0;
	s30 =	spop (v2sf);
	(v2sf) =	vpush v3, $0x6  }
0x3e: {  	[tilespmem:s31], [sflag:$0x1] =	stream.linear.gather [hbm4b:s0+s1], $0x80, $0x38;
	[tilespmem:$0x2600] =	vst v63  }
0x3f: {  	s0 =	sand.u32 $0x1FFFFFF0, s30;
	s30 =	spop (v2sf);
	(v2sf) =	vpush v2, $0x6  }
0x40: {  	s31 =	simm.s32 $0x600;
	s0 =	sadd.s32 s3, s0  }
0x41: {  	[tilespmem:s31], [sflag:$0x1] =	stream.linear.gather [hbm4b:s0+s1], $0x80, $0x38;
	[tilespmem:$0x2600] =	vst v63  }
0x42: {  	s0 =	sand.u32 $0x1FFFFFF0, s30;
	s30 =	spop (v2sf);
	(v2sf) =	vpush v3, $0x7  }
0x43: {  	s31 =	simm.s32 $0x1600;
	s0 =	sadd.s32 s4, s0  }
0x44: {  	[tilespmem:s31], [sflag:$0x1] =	stream.linear.gather [hbm4b:s0+s1], $0x80, $0x38;
	[tilespmem:$0x2600] =	vst v63  }
0x45: {  	s0 =	sand.u32 $0x1FFFFFF0, s30;
	s30 =	spop (v2sf);
	(v2sf) =	vpush v2, $0x7;
	_ =	sdelay $0x3  }
0x46: {  	s31 =	simm.s32 $0x680;
	s0 =	sadd.s32 s3, s0  }
0x47: {  	[tilespmem:s31], [sflag:$0x1] =	stream.linear.gather [hbm4b:s0+s1], $0x80, $0x38;
	[tilespmem:$0x2600] =	vst v63  }
0x48: {  	s0 =	sand.u32 $0x1FFFFFF0, s30  }
0x49: {  	s31 =	simm.s32 $0x1680;
	s0 =	sadd.s32 s4, s0;
	s30 =	spop (v2sf);
	(v2sf) =	vpush v3, $0x8  }
0x4a: {  	[tilespmem:s31], [sflag:$0x1] =	stream.linear.gather [hbm4b:s0+s1], $0x80, $0x38;
	[tilespmem:$0x2600] =	vst v63  }
0x4b: {  	s0 =	sand.u32 $0x1FFFFFF0, s30;
	s30 =	spop (v2sf);
	(v2sf) =	vpush v2, $0x8  }
0x4c: {  	s31 =	simm.s32 $0x700;
	s0 =	sadd.s32 s3, s0  }
0x4d: {  	[tilespmem:s31], [sflag:$0x1] =	stream.linear.gather [hbm4b:s0+s1], $0x80, $0x38;
	[tilespmem:$0x2600] =	vst v63  }
0x4e: {  	s0 =	sand.u32 $0x1FFFFFF0, s30;
	s30 =	spop (v2sf);
	(v2sf) =	vpush v3, $0x9  }
0x4f: {  	s31 =	simm.s32 $0x1700;
	s0 =	sadd.s32 s4, s0  }
0x50: {  	[tilespmem:s31], [sflag:$0x1] =	stream.linear.gather [hbm4b:s0+s1], $0x80, $0x38;
	[tilespmem:$0x2600] =	vst v63  }
0x51: {  	s0 =	sand.u32 $0x1FFFFFF0, s30;
	s30 =	spop (v2sf);
	(v2sf) =	vpush v2, $0x9;
	_ =	sdelay $0x3  }
0x52: {  	s31 =	simm.s32 $0x780;
	s0 =	sadd.s32 s3, s0  }
0x53: {  	[tilespmem:s31], [sflag:$0x1] =	stream.linear.gather [hbm4b:s0+s1], $0x80, $0x38;
	[tilespmem:$0x2600] =	vst v63  }
0x54: {  	s0 =	sand.u32 $0x1FFFFFF0, s30  }
0x55: {  	s31 =	simm.s32 $0x1780;
	s0 =	sadd.s32 s4, s0;
	s30 =	spop (v2sf);
	(v2sf) =	vpush v3, $0xA  }
0x56: {  	[tilespmem:s31], [sflag:$0x1] =	stream.linear.gather [hbm4b:s0+s1], $0x80, $0x38;
	[tilespmem:$0x2600] =	vst v63  }
0x57: {  	s0 =	sand.u32 $0x1FFFFFF0, s30;
	s30 =	spop (v2sf);
	(v2sf) =	vpush v2, $0xA  }
0x58: {  	s31 =	simm.s32 $0x800;
	s0 =	sadd.s32 s3, s0  }
0x59: {  	[tilespmem:s31], [sflag:$0x1] =	stream.linear.gather [hbm4b:s0+s1], $0x80, $0x38;
	[tilespmem:$0x2600] =	vst v63  }
0x5a: {  	s0 =	sand.u32 $0x1FFFFFF0, s30;
	s30 =	spop (v2sf);
	(v2sf) =	vpush v3, $0xB  }
0x5b: {  	s31 =	simm.s32 $0x1800;
	s0 =	sadd.s32 s4, s0  }
0x5c: {  	[tilespmem:s31], [sflag:$0x1] =	stream.linear.gather [hbm4b:s0+s1], $0x80, $0x38;
	[tilespmem:$0x2600] =	vst v63  }
0x5d: {  	s0 =	sand.u32 $0x1FFFFFF0, s30;
	s30 =	spop (v2sf);
	(v2sf) =	vpush v2, $0xB;
	_ =	sdelay $0x3  }
0x5e: {  	s31 =	simm.s32 $0x880;
	s0 =	sadd.s32 s3, s0  }
0x5f: {  	[tilespmem:s31], [sflag:$0x1] =	stream.linear.gather [hbm4b:s0+s1], $0x80, $0x38;
	[tilespmem:$0x2600] =	vst v63  }
0x60: {  	s0 =	sand.u32 $0x1FFFFFF0, s30  }
0x61: {  	s31 =	simm.s32 $0x1880;
	s0 =	sadd.s32 s4, s0;
	s30 =	spop (v2sf);
	(v2sf) =	vpush v3, $0xC  }
0x62: {  	[tilespmem:s31], [sflag:$0x1] =	stream.linear.gather [hbm4b:s0+s1], $0x80, $0x38;
	[tilespmem:$0x2600] =	vst v63  }
0x63: {  	s0 =	sand.u32 $0x1FFFFFF0, s30;
	s30 =	spop (v2sf);
	(v2sf) =	vpush v2, $0xC  }
0x64: {  	s31 =	simm.s32 $0x900;
	s0 =	sadd.s32 s3, s0  }
0x65: {  	[tilespmem:s31], [sflag:$0x1] =	stream.linear.gather [hbm4b:s0+s1], $0x80, $0x38;
	[tilespmem:$0x2600] =	vst v63  }
0x66: {  	s0 =	sand.u32 $0x1FFFFFF0, s30;
	s30 =	spop (v2sf);
	(v2sf) =	vpush v3, $0xD  }
0x67: {  	s31 =	simm.s32 $0x1900;
	s0 =	sadd.s32 s4, s0  }
0x68: {  	[tilespmem:s31], [sflag:$0x1] =	stream.linear.gather [hbm4b:s0+s1], $0x80, $0x38;
	[tilespmem:$0x2600] =	vst v63  }
0x69: {  	s0 =	sand.u32 $0x1FFFFFF0, s30;
	s30 =	spop (v2sf);
	(v2sf) =	vpush v2, $0xD;
	_ =	sdelay $0x3  }
0x6a: {  	s31 =	simm.s32 $0x980;
	s0 =	sadd.s32 s3, s0  }
0x6b: {  	[tilespmem:s31], [sflag:$0x1] =	stream.linear.gather [hbm4b:s0+s1], $0x80, $0x38;
	[tilespmem:$0x2600] =	vst v63  }
0x6c: {  	s0 =	sand.u32 $0x1FFFFFF0, s30  }
0x6d: {  	s31 =	simm.s32 $0x1980;
	s0 =	sadd.s32 s4, s0;
	s30 =	spop (v2sf);
	(v2sf) =	vpush v3, $0xE  }
0x6e: {  	[tilespmem:s31], [sflag:$0x1] =	stream.linear.gather [hbm4b:s0+s1], $0x80, $0x38;
	[tilespmem:$0x2600] =	vst v63  }
0x6f: {  	s0 =	sand.u32 $0x1FFFFFF0, s30;
	s30 =	spop (v2sf);
	(v2sf) =	vpush v2, $0xE  }
0x70: {  	s31 =	simm.s32 $0xA00;
	s0 =	sadd.s32 s3, s0  }
0x71: {  	[tilespmem:s31], [sflag:$0x1] =	stream.linear.gather [hbm4b:s0+s1], $0x80, $0x38;
	[tilespmem:$0x2600] =	vst v63  }
0x72: {  	s0 =	sand.u32 $0x1FFFFFF0, s30;
	s30 =	spop (v2sf);
	(v2sf) =	vpush v3, $0xF  }
0x73: {  	s31 =	simm.s32 $0x1A00;
	s0 =	sadd.s32 s4, s0  }
0x74: {  	[tilespmem:s31], [sflag:$0x1] =	stream.linear.gather [hbm4b:s0+s1], $0x80, $0x38;
	[tilespmem:$0x2600] =	vst v63  }
0x75: {  	s0 =	sand.u32 $0x1FFFFFF0, s30;
	s30 =	spop (v2sf);
	(v2sf) =	vpush v2, $0xF;
	_ =	sdelay $0x1  }
0x76: {  	s31 =	simm.s32 $0xA80;
	s0 =	sadd.s32 s3, s0  }
0x77: {  	[tilespmem:s31], [sflag:$0x1] =	stream.linear.gather [hbm4b:s0+s1], $0x80, $0x38;
	[tilespmem:$0x2600] =	vst v63  }
0x78: {  	s0 =	sand.u32 $0x1FFFFFF0, s30  }
0x79: {  	s31 =	simm.s32 $0x1A80;
	s0 =	sadd.s32 s4, s0  }
0x7a: {  	[tilespmem:s31], [sflag:$0x1] =	stream.linear.gather [hbm4b:s0+s1], $0x80, $0x38;
	[tilespmem:$0x2600] =	vst v63  }
0x7b: {  	s30 =	spop (v2sf)  }
0x7c: {  	s0 =	sand.u32 $0x1FFFFFF0, s30  }
0x7d: {  	s31 =	simm.s32 $0xB00;
	s30 =	spop (v2sf);
	s0 =	sadd.s32 s3, s0  }
0x7e: {  	[tilespmem:s31], [sflag:$0x1] =	stream.linear.gather [hbm4b:s0+s1], $0x80, $0x38;
	[tilespmem:$0x2600] =	vst v63  }
0x7f: {  	s0 =	sand.u32 $0x1FFFFFF0, s30  }
0x80: {  	s31 =	simm.s32 $0x1B00;
	s30 =	spop (v2sf);
	s0 =	sadd.s32 s4, s0  }
0x81: {  	[tilespmem:s31], [sflag:$0x1] =	stream.linear.gather [hbm4b:s0+s1], $0x80, $0x38;
	[tilespmem:$0x2600] =	vst v63  }
0x82: {  	s0 =	sand.u32 $0x1FFFFFF0, s30  }
0x83: {  	s31 =	simm.s32 $0xB80;
	s30 =	spop (v2sf);
	s0 =	sadd.s32 s3, s0  }
0x84: {  	[tilespmem:s31], [sflag:$0x1] =	stream.linear.gather [hbm4b:s0+s1], $0x80, $0x38;
	[tilespmem:$0x2600] =	vst v63  }
0x85: {  	s0 =	sand.u32 $0x1FFFFFF0, s30  }
0x86: {  	s29 =	simm.s32 $0x0;
	s31 =	simm.s32 $0x1B80;
	s0 =	sadd.s32 s4, s0  }
0x87: {  	[tilespmem:s31], [sflag:$0x1] =	stream.linear.gather [hbm4b:s0+s1], $0x80, $0x38;
	[tilespmem:$0x2600] =	vst v63  }
.LBB2_2:
0x88: {  	_ =	swait.ge [sflag:s17], $0x80  }
0x89: {  	[sflag:s17] =	ssyncset.done $0x0  }
0x8a: {  	[sflag:s17] =	ssyncadd.s32 $0xFFFFFF80  }
0x8b: {  	_ =	swait.ge [sflag:s17], $0x80  }
0x8c: {  	[sflag:s17] =	ssyncset.done $0x0  }
0x8d: {  	[sflag:s17] =	ssyncadd.s32 $0xFFFFFF80  }
0x8e: {  	_ =	swait.ge [sflag:s17], $0x80  }
0x8f: {  	[sflag:s17] =	ssyncset.done $0x0  }
0x90: {  	[sflag:s17] =	ssyncadd.s32 $0xFFFFFF80  }
0x91: {  	_ =	swait.ge [sflag:s17], $0x80  }
0x92: {  	[sflag:s17] =	ssyncset.done $0x0  }
0x93: {  	[sflag:s17] =	ssyncadd.s32 $0xFFFFFF80  }
0x94: {  	_ =	swait.ge [sflag:s17], $0x80  }
0x95: {  	[sflag:s17] =	ssyncset.done $0x0  }
0x96: {  	[sflag:s17] =	ssyncadd.s32 $0xFFFFFF80  }
0x97: {  	_ =	swait.ge [sflag:s17], $0x80  }
0x98: {  	[sflag:s17] =	ssyncset.done $0x0  }
0x99: {  	[sflag:s17] =	ssyncadd.s32 $0xFFFFFF80  }
0x9a: {  	_ =	swait.ge [sflag:s17], $0x80  }
0x9b: {  	[sflag:s17] =	ssyncset.done $0x0  }
0x9c: {  	[sflag:s17] =	ssyncadd.s32 $0xFFFFFF80  }
0x9d: {  	_ =	swait.ge [sflag:s17], $0x80  }
0x9e: {  	[sflag:s17] =	ssyncset.done $0x0  }
0x9f: {  	[sflag:s17] =	ssyncadd.s32 $0xFFFFFF80  }
0xa0: {  	_ =	swait.ge [sflag:s17], $0x80  }
0xa1: {  	[sflag:s17] =	ssyncset.done $0x0  }
0xa2: {  	[sflag:s17] =	ssyncadd.s32 $0xFFFFFF80  }
0xa3: {  	_ =	swait.ge [sflag:s17], $0x80  }
0xa4: {  	[sflag:s17] =	ssyncset.done $0x0  }
0xa5: {  	[sflag:s17] =	ssyncadd.s32 $0xFFFFFF80  }
0xa6: {  	_ =	swait.ge [sflag:s17], $0x80  }
0xa7: {  	[sflag:s17] =	ssyncset.done $0x0  }
0xa8: {  	[sflag:s17] =	ssyncadd.s32 $0xFFFFFF80  }
0xa9: {  	_ =	swait.ge [sflag:s17], $0x80  }
0xaa: {  	[sflag:s17] =	ssyncset.done $0x0  }
0xab: {  	[sflag:s17] =	ssyncadd.s32 $0xFFFFFF80  }
0xac: {  	_ =	swait.ge [sflag:s17], $0x80  }
0xad: {  	[sflag:s17] =	ssyncset.done $0x0  }
0xae: {  	[sflag:s17] =	ssyncadd.s32 $0xFFFFFF80  }
0xaf: {  	_ =	swait.ge [sflag:s17], $0x80  }
0xb0: {  	[sflag:s17] =	ssyncset.done $0x0  }
0xb1: {  	[sflag:s17] =	ssyncadd.s32 $0xFFFFFF80  }
0xb2: {  	_ =	swait.ge [sflag:s17], $0x80  }
0xb3: {  	[sflag:s17] =	ssyncset.done $0x0  }
0xb4: {  	[sflag:s17] =	ssyncadd.s32 $0xFFFFFF80  }
0xb5: {  	_ =	swait.ge [sflag:s17], $0x80  }
0xb6: {  	[sflag:s17] =	ssyncset.done $0x0  }
0xb7: {  	[sflag:s17] =	ssyncadd.s32 $0xFFFFFF80  }
0xb8: {  	_ =	swait.ge [sflag:s17], $0x80  }
0xb9: {  	[sflag:s17] =	ssyncset.done $0x0  }
0xba: {  	[sflag:s17] =	ssyncadd.s32 $0xFFFFFF80  }
0xbb: {  	_ =	swait.ge [sflag:s17], $0x80  }
0xbc: {  	[sflag:s17] =	ssyncset.done $0x0  }
0xbd: {  	[sflag:s17] =	ssyncadd.s32 $0xFFFFFF80  }
0xbe: {  	_ =	swait.ge [sflag:s17], $0x80  }
0xbf: {  	[sflag:s17] =	ssyncset.done $0x0  }
0xc0: {  	[sflag:s17] =	ssyncadd.s32 $0xFFFFFF80  }
0xc1: {  	_ =	swait.ge [sflag:s17], $0x80  }
0xc2: {  	[sflag:s17] =	ssyncset.done $0x0  }
0xc3: {  	[sflag:s17] =	ssyncadd.s32 $0xFFFFFF80  }
0xc4: {  	_ =	swait.ge [sflag:s17], $0x80  }
0xc5: {  	[sflag:s17] =	ssyncset.done $0x0  }
0xc6: {  	[sflag:s17] =	ssyncadd.s32 $0xFFFFFF80  }
0xc7: {  	_ =	swait.ge [sflag:s17], $0x80  }
0xc8: {  	[sflag:s17] =	ssyncset.done $0x0  }
0xc9: {  	[sflag:s17] =	ssyncadd.s32 $0xFFFFFF80  }
0xca: {  	_ =	swait.ge [sflag:s17], $0x80  }
0xcb: {  	[sflag:s17] =	ssyncset.done $0x0  }
0xcc: {  	[sflag:s17] =	ssyncadd.s32 $0xFFFFFF80  }
0xcd: {  	_ =	swait.ge [sflag:s17], $0x80  }
0xce: {  	[sflag:s17] =	ssyncset.done $0x0  }
0xcf: {  	[sflag:s17] =	ssyncadd.s32 $0xFFFFFF80  }
0xd0: {  	_ =	swait.ge [sflag:s17], $0x80  }
0xd1: {  	[sflag:s17] =	ssyncset.done $0x0  }
0xd2: {  	[sflag:s17] =	ssyncadd.s32 $0xFFFFFF80  }
0xd3: {  	_ =	swait.ge [sflag:s17], $0x80  }
0xd4: {  	[sflag:s17] =	ssyncset.done $0x0  }
0xd5: {  	[sflag:s17] =	ssyncadd.s32 $0xFFFFFF80  }
0xd6: {  	_ =	swait.ge [sflag:s17], $0x80  }
0xd7: {  	[sflag:s17] =	ssyncset.done $0x0  }
0xd8: {  	[sflag:s17] =	ssyncadd.s32 $0xFFFFFF80  }
0xd9: {  	_ =	swait.ge [sflag:s17], $0x80  }
0xda: {  	[sflag:s17] =	ssyncset.done $0x0  }
0xdb: {  	[sflag:s17] =	ssyncadd.s32 $0xFFFFFF80  }
0xdc: {  	_ =	swait.ge [sflag:s17], $0x80  }
0xdd: {  	[sflag:s17] =	ssyncset.done $0x0  }
0xde: {  	[sflag:s17] =	ssyncadd.s32 $0xFFFFFF80  }
0xdf: {  	_ =	swait.ge [sflag:s17], $0x80  }
0xe0: {  	[sflag:s17] =	ssyncset.done $0x0  }
0xe1: {  	[sflag:s17] =	ssyncadd.s32 $0xFFFFFF80  }
0xe2: {  	_ =	swait.ge [sflag:s17], $0x80  }
0xe3: {  	[sflag:s17] =	ssyncset.done $0x0  }
0xe4: {  	[sflag:s17] =	ssyncadd.s32 $0xFFFFFF80  }
0xe5: {  	_ =	swait.ge [sflag:s17], $0x80  }
0xe6: {  	[sflag:s17] =	ssyncset.done $0x0  }
0xe7: {  	s31 =	sshll.u32 s29, $0x5;
	[sflag:s17] =	ssyncadd.s32 $0xFFFFFF80  }
0xe8: {  	v2 =	vld [tilespmem:s31+$0x10];
	_ =	sdelay $0x2  }
0xe9: {  	v4 =	vld [tilespmem:s31+$0x210];
	_ =	sdelay $0x1  }
0xea: {  	v3 =	vshll.u32 v2, $0x4  }
0xeb: {  	(v2sf) =	vpush v3, $0x0;
	_ =	sdelay $0x1  }
0xec: {  	v2 =	vshll.u32 v4, $0x4  }
0xed: {  	(v2sf) =	vpush v2, $0x0;
	_ =	sdelay $0x2  }
0xee: {  	(v2sf) =	vpush v3, $0x1;
	_ =	sdelay $0x4  }
0xef: {  	(v2sf) =	vpush v2, $0x1;
	_ =	sdelay $0x3  }
0xf0: {  	s0 =	spop (v2sf);
	(v2sf) =	vpush v3, $0x2;
	_ =	sdelay $0x1  }
0xf1: {  	s0 =	sand.u32 $0x1FFFFFF0, s0  }
0xf2: {  	s30 =	simm.s32 $0x0;
	s2 =	spop (v2sf);
	s0 =	sadd.s32 s3, s0  }
0xf3: {  	(v2sf) =	vpush v2, $0x2;
	[tilespmem:s18], [sflag:$0x2] =	stream.linear.gather [hbm4b:s0+s30], $0x80, $0x38;
	[tilespmem:$0x2600] =	vst v63  }
0xf4: {  	s0 =	sand.u32 $0x1FFFFFF0, s2  }
0xf5: {  	s2 =	spop (v2sf);
	s0 =	sadd.s32 s4, s0  }
0xf6: {  	[tilespmem:s19], [sflag:$0x2] =	stream.linear.gather [hbm4b:s0+s30], $0x80, $0x38;
	[tilespmem:$0x2600] =	vst v63  }
0xf7: {  	(v2sf) =	vpush v3, $0x3;
	s0 =	sand.u32 $0x1FFFFFF0, s2  }
0xf8: {  	s2 =	simm.s32 $0xC80;
	s0 =	sadd.s32 s3, s0  }
0xf9: {  	[tilespmem:s2], [sflag:$0x2] =	stream.linear.gather [hbm4b:s0+s30], $0x80, $0x38;
	[tilespmem:$0x2600] =	vst v63  }
0xfa: {  	s2 =	spop (v2sf)  }
0xfb: {  	(v2sf) =	vpush v2, $0x3;
	s0 =	sand.u32 $0x1FFFFFF0, s2  }
0xfc: {  	s2 =	simm.s32 $0x1C80;
	s0 =	sadd.s32 s4, s0  }
0xfd: {  	[tilespmem:s2], [sflag:$0x2] =	stream.linear.gather [hbm4b:s0+s30], $0x80, $0x38;
	[tilespmem:$0x2600] =	vst v63  }
0xfe: {  	s2 =	spop (v2sf)  }
0xff: {  	(v2sf) =	vpush v3, $0x4;
	s0 =	sand.u32 $0x1FFFFFF0, s2  }
0x100: {  	s2 =	simm.s32 $0xD00;
	s0 =	sadd.s32 s3, s0  }
0x101: {  	[tilespmem:s2], [sflag:$0x2] =	stream.linear.gather [hbm4b:s0+s30], $0x80, $0x38;
	[tilespmem:$0x2600] =	vst v63  }
0x102: {  	s2 =	spop (v2sf)  }
0x103: {  	(v2sf) =	vpush v2, $0x4;
	s0 =	sand.u32 $0x1FFFFFF0, s2  }
0x104: {  	s2 =	simm.s32 $0x1D00;
	s0 =	sadd.s32 s4, s0  }
0x105: {  	[tilespmem:s2], [sflag:$0x2] =	stream.linear.gather [hbm4b:s0+s30], $0x80, $0x38;
	[tilespmem:$0x2600] =	vst v63  }
0x106: {  	s2 =	spop (v2sf)  }
0x107: {  	(v2sf) =	vpush v3, $0x5;
	s0 =	sand.u32 $0x1FFFFFF0, s2  }
0x108: {  	s2 =	simm.s32 $0xD80;
	s0 =	sadd.s32 s3, s0  }
0x109: {  	[tilespmem:s2], [sflag:$0x2] =	stream.linear.gather [hbm4b:s0+s30], $0x80, $0x38;
	[tilespmem:$0x2600] =	vst v63  }
0x10a: {  	s2 =	spop (v2sf)  }
0x10b: {  	(v2sf) =	vpush v2, $0x5;
	s0 =	sand.u32 $0x1FFFFFF0, s2  }
0x10c: {  	s2 =	simm.s32 $0x1D80;
	s0 =	sadd.s32 s4, s0  }
0x10d: {  	[tilespmem:s2], [sflag:$0x2] =	stream.linear.gather [hbm4b:s0+s30], $0x80, $0x38;
	[tilespmem:$0x2600] =	vst v63  }
0x10e: {  	s2 =	spop (v2sf)  }
0x10f: {  	(v2sf) =	vpush v3, $0x6;
	s0 =	sand.u32 $0x1FFFFFF0, s2  }
0x110: {  	s2 =	simm.s32 $0xE00;
	s0 =	sadd.s32 s3, s0  }
0x111: {  	[tilespmem:s2], [sflag:$0x2] =	stream.linear.gather [hbm4b:s0+s30], $0x80, $0x38;
	[tilespmem:$0x2600] =	vst v63  }
0x112: {  	s2 =	spop (v2sf)  }
0x113: {  	(v2sf) =	vpush v2, $0x6;
	s0 =	sand.u32 $0x1FFFFFF0, s2  }
0x114: {  	s2 =	simm.s32 $0x1E00;
	s0 =	sadd.s32 s4, s0  }
0x115: {  	[tilespmem:s2], [sflag:$0x2] =	stream.linear.gather [hbm4b:s0+s30], $0x80, $0x38;
	[tilespmem:$0x2600] =	vst v63  }
0x116: {  	s2 =	spop (v2sf)  }
0x117: {  	(v2sf) =	vpush v3, $0x7;
	s0 =	sand.u32 $0x1FFFFFF0, s2  }
0x118: {  	s2 =	simm.s32 $0xE80;
	s0 =	sadd.s32 s3, s0  }
0x119: {  	[tilespmem:s2], [sflag:$0x2] =	stream.linear.gather [hbm4b:s0+s30], $0x80, $0x38;
	[tilespmem:$0x2600] =	vst v63  }
0x11a: {  	s2 =	spop (v2sf)  }
0x11b: {  	(v2sf) =	vpush v2, $0x7;
	s0 =	sand.u32 $0x1FFFFFF0, s2  }
0x11c: {  	s2 =	simm.s32 $0x1E80;
	s0 =	sadd.s32 s4, s0  }
0x11d: {  	[tilespmem:s2], [sflag:$0x2] =	stream.linear.gather [hbm4b:s0+s30], $0x80, $0x38;
	[tilespmem:$0x2600] =	vst v63  }
0x11e: {  	s2 =	spop (v2sf)  }
0x11f: {  	(v2sf) =	vpush v3, $0x8;
	s0 =	sand.u32 $0x1FFFFFF0, s2  }
0x120: {  	s2 =	simm.s32 $0xF00;
	s0 =	sadd.s32 s3, s0  }
0x121: {  	[tilespmem:s2], [sflag:$0x2] =	stream.linear.gather [hbm4b:s0+s30], $0x80, $0x38;
	[tilespmem:$0x2600] =	vst v63  }
0x122: {  	s2 =	spop (v2sf)  }
0x123: {  	(v2sf) =	vpush v2, $0x8;
	s0 =	sand.u32 $0x1FFFFFF0, s2  }
0x124: {  	s2 =	simm.s32 $0x1F00;
	s0 =	sadd.s32 s4, s0  }
0x125: {  	[tilespmem:s2], [sflag:$0x2] =	stream.linear.gather [hbm4b:s0+s30], $0x80, $0x38;
	[tilespmem:$0x2600] =	vst v63  }
0x126: {  	s2 =	spop (v2sf)  }
0x127: {  	(v2sf) =	vpush v3, $0x9;
	s0 =	sand.u32 $0x1FFFFFF0, s2  }
0x128: {  	s2 =	simm.s32 $0xF80;
	s0 =	sadd.s32 s3, s0  }
0x129: {  	[tilespmem:s2], [sflag:$0x2] =	stream.linear.gather [hbm4b:s0+s30], $0x80, $0x38;
	[tilespmem:$0x2600] =	vst v63  }
0x12a: {  	s2 =	spop (v2sf)  }
0x12b: {  	(v2sf) =	vpush v2, $0x9;
	s0 =	sand.u32 $0x1FFFFFF0, s2  }
0x12c: {  	s0 =	sadd.s32 s4, s0  }
0x12d: {  	[tilespmem:s10], [sflag:$0x2] =	stream.linear.gather [hbm4b:s0+s30], $0x80, $0x38;
	[tilespmem:$0x2600] =	vst v63  }
0x12e: {  	s2 =	spop (v2sf)  }
0x12f: {  	(v2sf) =	vpush v3, $0xA;
	s0 =	sand.u32 $0x1FFFFFF0, s2  }
0x130: {  	s0 =	sadd.s32 s3, s0  }
0x131: {  	[tilespmem:s5], [sflag:$0x2] =	stream.linear.gather [hbm4b:s0+s30], $0x80, $0x38;
	[tilespmem:$0x2600] =	vst v63  }
0x132: {  	s2 =	spop (v2sf)  }
0x133: {  	(v2sf) =	vpush v2, $0xA;
	s0 =	sand.u32 $0x1FFFFFF0, s2  }
0x134: {  	s0 =	sadd.s32 s4, s0  }
0x135: {  	[tilespmem:s6], [sflag:$0x2] =	stream.linear.gather [hbm4b:s0+s30], $0x80, $0x38;
	[tilespmem:$0x2600] =	vst v63  }
0x136: {  	s2 =	spop (v2sf)  }
0x137: {  	(v2sf) =	vpush v3, $0xB;
	s0 =	sand.u32 $0x1FFFFFF0, s2  }
0x138: {  	s0 =	sadd.s32 s3, s0  }
0x139: {  	[tilespmem:s7], [sflag:$0x2] =	stream.linear.gather [hbm4b:s0+s30], $0x80, $0x38;
	[tilespmem:$0x2600] =	vst v63  }
0x13a: {  	s2 =	spop (v2sf)  }
0x13b: {  	(v2sf) =	vpush v2, $0xB;
	s0 =	sand.u32 $0x1FFFFFF0, s2  }
0x13c: {  	s0 =	sadd.s32 s4, s0  }
0x13d: {  	[tilespmem:s8], [sflag:$0x2] =	stream.linear.gather [hbm4b:s0+s30], $0x80, $0x38;
	[tilespmem:$0x2600] =	vst v63  }
0x13e: {  	s2 =	spop (v2sf)  }
0x13f: {  	(v2sf) =	vpush v3, $0xC;
	s0 =	sand.u32 $0x1FFFFFF0, s2  }
0x140: {  	s0 =	sadd.s32 s3, s0  }
0x141: {  	[tilespmem:s9], [sflag:$0x2] =	stream.linear.gather [hbm4b:s0+s30], $0x80, $0x38;
	[tilespmem:$0x2600] =	vst v63  }
0x142: {  	s2 =	spop (v2sf)  }
0x143: {  	(v2sf) =	vpush v2, $0xC;
	s0 =	sand.u32 $0x1FFFFFF0, s2  }
0x144: {  	s0 =	sadd.s32 s4, s0  }
0x145: {  	(v2sf) =	vpush v3, $0xD;
	[tilespmem:s13], [sflag:$0x2] =	stream.linear.gather [hbm4b:s0+s30], $0x80, $0x38;
	[tilespmem:$0x2600] =	vst v63  }
0x146: {  	s2 =	spop (v2sf)  }
0x147: {  	s0 =	sand.u32 $0x1FFFFFF0, s2  }
0x148: {  	(v2sf) =	vpush v2, $0xD;
	s0 =	sadd.s32 s3, s0  }
0x149: {  	[tilespmem:s14], [sflag:$0x2] =	stream.linear.gather [hbm4b:s0+s30], $0x80, $0x38;
	[tilespmem:$0x2600] =	vst v63  }
0x14a: {  	s2 =	spop (v2sf)  }
0x14b: {  	(v2sf) =	vpush v3, $0xE;
	s0 =	sand.u32 $0x1FFFFFF0, s2  }
0x14c: {  	s0 =	sadd.s32 s4, s0  }
0x14d: {  	[tilespmem:s15], [sflag:$0x2] =	stream.linear.gather [hbm4b:s0+s30], $0x80, $0x38;
	[tilespmem:$0x2600] =	vst v63  }
0x14e: {  	s2 =	spop (v2sf)  }
0x14f: {  	s0 =	sand.u32 $0x1FFFFFF0, s2  }
0x150: {  	(v2sf) =	vpush v2, $0xE;
	s0 =	sadd.s32 s3, s0  }
0x151: {  	[tilespmem:s16], [sflag:$0x2] =	stream.linear.gather [hbm4b:s0+s30], $0x80, $0x38;
	[tilespmem:$0x2600] =	vst v63  }
0x152: {  	s2 =	spop (v2sf);
	(v2sf) =	vpush v3, $0xF  }
0x153: {  	s0 =	sand.u32 $0x1FFFFFF0, s2  }
0x154: {  	s2 =	spop (v2sf);
	s0 =	sadd.s32 s4, s0  }
0x155: {  	(v2sf) =	vpush v2, $0xF;
	[tilespmem:s20], [sflag:$0x2] =	stream.linear.gather [hbm4b:s0+s30], $0x80, $0x38;
	[tilespmem:$0x2600] =	vst v63  }
0x156: {  	s0 =	sand.u32 $0x1FFFFFF0, s2  }
0x157: {  	s2 =	spop (v2sf);
	s0 =	sadd.s32 s3, s0  }
0x158: {  	[tilespmem:s21], [sflag:$0x2] =	stream.linear.gather [hbm4b:s0+s30], $0x80, $0x38;
	[tilespmem:$0x2600] =	vst v63  }
0x159: {  	s0 =	sand.u32 $0x1FFFFFF0, s2  }
0x15a: {  	s2 =	spop (v2sf);
	s0 =	sadd.s32 s4, s0  }
0x15b: {  	[tilespmem:s22], [sflag:$0x2] =	stream.linear.gather [hbm4b:s0+s30], $0x80, $0x38;
	[tilespmem:$0x2600] =	vst v63  }
0x15c: {  	s0 =	sand.u32 $0x1FFFFFF0, s2  }
0x15d: {  	s0 =	sadd.s32 s3, s0  }
0x15e: {  	[tilespmem:s23], [sflag:$0x2] =	stream.linear.gather [hbm4b:s0+s30], $0x80, $0x38;
	[tilespmem:$0x2600] =	vst v63  }
0x15f: {  	s2 =	spop (v2sf)  }
0x160: {  	s0 =	sand.u32 $0x1FFFFFF0, s2  }
0x161: {  	s0 =	sadd.s32 s4, s0;
	s2 =	spop (v2sf)  }
0x162: {  	v2 =	vadd.s32 s30, v0;
	[tilespmem:s24], [sflag:$0x2] =	stream.linear.gather [hbm4b:s0+s30], $0x80, $0x38;
	[tilespmem:$0x2600] =	vst v63  }
0x163: {  	v2 =	vand.u32 $0x3F, v2;
	s2 =	sand.u32 $0x1FFFFFF0, s2  }
0x164: {  	v5 =	vor.u32 v1, v2;
	s0 =	sadd.s32 s3, s2;
	s2 =	spop (v2sf)  }
0x165: {  	[tilespmem:s25], [sflag:$0x2] =	stream.linear.gather [hbm4b:s0+s30], $0x80, $0x38;
	[tilespmem:$0x2600] =	vst v63  }
0x166: {  	s0 =	sand.u32 $0x1FFFFFF0, s2;
	s2 =	simm.s32 $0x1  }
0x167: {  	s0 =	sadd.s32 s4, s0;
	v2 =	vadd.s32 s2, v0  }
0x168: {  	[tilespmem:s26], [sflag:$0x2] =	stream.linear.gather [hbm4b:s0+s30], $0x80, $0x38;
	v4 =	vand.u32 $0x3F, v2;
	[tilespmem:$0x2600] =	vst v63  }
0x169: {  	v2 =	vld.idx.msk [tilespmem:v5+s11+$0x0], $0xffff;
	v4 =	vor.u32 v1, v4  }
0x16a: {  	v5 =	vld.idx.msk [tilespmem:v5+s12+$0x0], $0xffff  }
0x16b: {  	v3 =	vimm.f32 $0.0e+00;
	s30 =	sor.u32 $0x10, s31;
	s0 =	simm.s32 $0x2  }
.LBB2_3:
0x16c: {  	p0 =	sne.s32 s0, $0x3F  }
.Ltmp0:
0x16d: {  	v6 =	vadd.s32 s0, v0;
	(pc) =	sbr.rel @p0 .LBB2_3-.Ltmp0, $3  }
0x16e: {  	s0 =	sadd.s32 $0x1, s0;
	v6 =	vand.u32 $0x3F, v6;
	v7 =	vmov v2;
	v2 =	vld.idx.msk [tilespmem:v4+s11+$0x0], $0xffff  }
0x16f: {  	v7 =	vmul.f32 v5, v7;
	v5 =	vld.idx.msk [tilespmem:v4+s12+$0x0], $0xffff;
	v4 =	vor.u32 v1, v6;
	_ =	sdelay $0x1  }
0x170: {  	v3 =	vadd.f32 v7, v3  }
0x171: {  	_ =	sdelay $0x3  }
0x172: {  	v6 =	vld.idx.msk [tilespmem:v4+s11+$0x0], $0xffff  }
0x173: {  	v63 =	vld.idx.msk [tilespmem:v4+s12+$0x0], $0xffff;
	_ =	sdelay $0x2  }
0x174: {  	v2 =	vmul.f32 v5, v2;
	_ =	sdelay $0x1  }
0x175: {  	v2 =	vadd.f32 v2, v3;
	v3 =	vmul.f32 v63, v6;
	_ =	sdelay $0x1  }
0x176: {  	v2 =	vadd.f32 v3, v2  }
0x177: {  	s0 =	sand.u32 $0x3FFFFFE0, s31  }
0x178: {  	[tilespmem:s0+$0x2400] =	vst v2  }
0x179: {  	_ =	swait.ge [sflag:s28], $0x80  }
0x17a: {  	[sflag:s28] =	ssyncset.done $0x0  }
0x17b: {  	[sflag:s28] =	ssyncadd.s32 $0xFFFFFF80  }
0x17c: {  	_ =	swait.ge [sflag:s28], $0x80  }
0x17d: {  	[sflag:s28] =	ssyncset.done $0x0  }
0x17e: {  	[sflag:s28] =	ssyncadd.s32 $0xFFFFFF80  }
0x17f: {  	_ =	swait.ge [sflag:s28], $0x80  }
0x180: {  	[sflag:s28] =	ssyncset.done $0x0  }
0x181: {  	[sflag:s28] =	ssyncadd.s32 $0xFFFFFF80  }
0x182: {  	_ =	swait.ge [sflag:s28], $0x80  }
0x183: {  	[sflag:s28] =	ssyncset.done $0x0  }
0x184: {  	[sflag:s28] =	ssyncadd.s32 $0xFFFFFF80  }
0x185: {  	_ =	swait.ge [sflag:s28], $0x80  }
0x186: {  	[sflag:s28] =	ssyncset.done $0x0  }
0x187: {  	[sflag:s28] =	ssyncadd.s32 $0xFFFFFF80  }
0x188: {  	_ =	swait.ge [sflag:s28], $0x80  }
0x189: {  	[sflag:s28] =	ssyncset.done $0x0  }
0x18a: {  	[sflag:s28] =	ssyncadd.s32 $0xFFFFFF80  }
0x18b: {  	_ =	swait.ge [sflag:s28], $0x80  }
0x18c: {  	[sflag:s28] =	ssyncset.done $0x0  }
0x18d: {  	[sflag:s28] =	ssyncadd.s32 $0xFFFFFF80  }
0x18e: {  	_ =	swait.ge [sflag:s28], $0x80  }
0x18f: {  	[sflag:s28] =	ssyncset.done $0x0  }
0x190: {  	[sflag:s28] =	ssyncadd.s32 $0xFFFFFF80  }
0x191: {  	_ =	swait.ge [sflag:s28], $0x80  }
0x192: {  	[sflag:s28] =	ssyncset.done $0x0  }
0x193: {  	[sflag:s28] =	ssyncadd.s32 $0xFFFFFF80  }
0x194: {  	_ =	swait.ge [sflag:s28], $0x80  }
0x195: {  	[sflag:s28] =	ssyncset.done $0x0  }
0x196: {  	[sflag:s28] =	ssyncadd.s32 $0xFFFFFF80  }
0x197: {  	_ =	swait.ge [sflag:s28], $0x80  }
0x198: {  	[sflag:s28] =	ssyncset.done $0x0  }
0x199: {  	[sflag:s28] =	ssyncadd.s32 $0xFFFFFF80  }
0x19a: {  	_ =	swait.ge [sflag:s28], $0x80  }
0x19b: {  	[sflag:s28] =	ssyncset.done $0x0  }
0x19c: {  	[sflag:s28] =	ssyncadd.s32 $0xFFFFFF80  }
0x19d: {  	_ =	swait.ge [sflag:s28], $0x80  }
0x19e: {  	[sflag:s28] =	ssyncset.done $0x0  }
0x19f: {  	[sflag:s28] =	ssyncadd.s32 $0xFFFFFF80  }
0x1a0: {  	_ =	swait.ge [sflag:s28], $0x80  }
0x1a1: {  	[sflag:s28] =	ssyncset.done $0x0  }
0x1a2: {  	[sflag:s28] =	ssyncadd.s32 $0xFFFFFF80  }
0x1a3: {  	_ =	swait.ge [sflag:s28], $0x80  }
0x1a4: {  	[sflag:s28] =	ssyncset.done $0x0  }
0x1a5: {  	[sflag:s28] =	ssyncadd.s32 $0xFFFFFF80  }
0x1a6: {  	_ =	swait.ge [sflag:s28], $0x80  }
0x1a7: {  	[sflag:s28] =	ssyncset.done $0x0  }
0x1a8: {  	[sflag:s28] =	ssyncadd.s32 $0xFFFFFF80  }
0x1a9: {  	_ =	swait.ge [sflag:s28], $0x80  }
0x1aa: {  	[sflag:s28] =	ssyncset.done $0x0  }
0x1ab: {  	[sflag:s28] =	ssyncadd.s32 $0xFFFFFF80  }
0x1ac: {  	_ =	swait.ge [sflag:s28], $0x80  }
0x1ad: {  	[sflag:s28] =	ssyncset.done $0x0  }
0x1ae: {  	[sflag:s28] =	ssyncadd.s32 $0xFFFFFF80  }
0x1af: {  	_ =	swait.ge [sflag:s28], $0x80  }
0x1b0: {  	[sflag:s28] =	ssyncset.done $0x0  }
0x1b1: {  	[sflag:s28] =	ssyncadd.s32 $0xFFFFFF80  }
0x1b2: {  	_ =	swait.ge [sflag:s28], $0x80  }
0x1b3: {  	[sflag:s28] =	ssyncset.done $0x0  }
0x1b4: {  	[sflag:s28] =	ssyncadd.s32 $0xFFFFFF80  }
0x1b5: {  	_ =	swait.ge [sflag:s28], $0x80  }
0x1b6: {  	[sflag:s28] =	ssyncset.done $0x0  }
0x1b7: {  	[sflag:s28] =	ssyncadd.s32 $0xFFFFFF80  }
0x1b8: {  	_ =	swait.ge [sflag:s28], $0x80  }
0x1b9: {  	[sflag:s28] =	ssyncset.done $0x0  }
0x1ba: {  	[sflag:s28] =	ssyncadd.s32 $0xFFFFFF80  }
0x1bb: {  	_ =	swait.ge [sflag:s28], $0x80  }
0x1bc: {  	[sflag:s28] =	ssyncset.done $0x0  }
0x1bd: {  	[sflag:s28] =	ssyncadd.s32 $0xFFFFFF80  }
0x1be: {  	_ =	swait.ge [sflag:s28], $0x80  }
0x1bf: {  	[sflag:s28] =	ssyncset.done $0x0  }
0x1c0: {  	[sflag:s28] =	ssyncadd.s32 $0xFFFFFF80  }
0x1c1: {  	_ =	swait.ge [sflag:s28], $0x80  }
0x1c2: {  	[sflag:s28] =	ssyncset.done $0x0  }
0x1c3: {  	[sflag:s28] =	ssyncadd.s32 $0xFFFFFF80  }
0x1c4: {  	_ =	swait.ge [sflag:s28], $0x80  }
0x1c5: {  	[sflag:s28] =	ssyncset.done $0x0  }
0x1c6: {  	[sflag:s28] =	ssyncadd.s32 $0xFFFFFF80  }
0x1c7: {  	_ =	swait.ge [sflag:s28], $0x80  }
0x1c8: {  	[sflag:s28] =	ssyncset.done $0x0  }
0x1c9: {  	[sflag:s28] =	ssyncadd.s32 $0xFFFFFF80  }
0x1ca: {  	_ =	swait.ge [sflag:s28], $0x80  }
0x1cb: {  	[sflag:s28] =	ssyncset.done $0x0  }
0x1cc: {  	[sflag:s28] =	ssyncadd.s32 $0xFFFFFF80  }
0x1cd: {  	_ =	swait.ge [sflag:s28], $0x80  }
0x1ce: {  	[sflag:s28] =	ssyncset.done $0x0  }
0x1cf: {  	[sflag:s28] =	ssyncadd.s32 $0xFFFFFF80  }
0x1d0: {  	_ =	swait.ge [sflag:s28], $0x80  }
0x1d1: {  	[sflag:s28] =	ssyncset.done $0x0  }
0x1d2: {  	[sflag:s28] =	ssyncadd.s32 $0xFFFFFF80  }
0x1d3: {  	p0 =	seq.s32 s29, $0xF;
	_ =	swait.ge [sflag:s28], $0x80  }
.Ltmp1:
0x1d4: {  	[sflag:s28] =	ssyncset.done $0x0;
	(pc) =	sbr.rel @p0 .LBB2_6-.Ltmp1, $4  }
0x1d5: {  	[sflag:s28] =	ssyncadd.s32 $0xFFFFFF80  }
0x1d6: {  	_ =	swait.ge [sflag:s28], $0x80  }
0x1d7: {  	[sflag:s28] =	ssyncset.done $0x0  }
0x1d8: {  	[sflag:s28] =	ssyncadd.s32 $0xFFFFFF80  }
0x1d9: {  	v2 =	vld [tilespmem:s31+$0x20];
	_ =	sdelay $0x1  }
0x1da: {  	v4 =	vld [tilespmem:s31+$0x220];
	_ =	sdelay $0x2  }
0x1db: {  	v3 =	vshll.u32 v2, $0x4  }
0x1dc: {  	(v2sf) =	vpush v3, $0x0  }
0x1dd: {  	v2 =	vshll.u32 v4, $0x4  }
0x1de: {  	(v2sf) =	vpush v2, $0x0;
	_ =	sdelay $0x2  }
0x1df: {  	(v2sf) =	vpush v3, $0x1;
	_ =	sdelay $0x4  }
0x1e0: {  	(v2sf) =	vpush v2, $0x1;
	_ =	sdelay $0x4  }
0x1e1: {  	s0 =	spop (v2sf);
	(v2sf) =	vpush v3, $0x2  }
0x1e2: {  	s0 =	sand.u32 $0x1FFFFFF0, s0  }
0x1e3: {  	s2 =	spop (v2sf);
	(v2sf) =	vpush v2, $0x2;
	s0 =	sadd.s32 s3, s0  }
0x1e4: {  	[tilespmem:s11], [sflag:$0x1] =	stream.linear.gather [hbm4b:s0+s1], $0x80, $0x38;
	[tilespmem:$0x2600] =	vst v63  }
0x1e5: {  	s0 =	sand.u32 $0x1FFFFFF0, s2  }
0x1e6: {  	s31 =	spop (v2sf);
	(v2sf) =	vpush v3, $0x3;
	s0 =	sadd.s32 s4, s0  }
0x1e7: {  	[tilespmem:s12], [sflag:$0x1] =	stream.linear.gather [hbm4b:s0+s1], $0x80, $0x38;
	[tilespmem:$0x2600] =	vst v63  }
0x1e8: {  	s0 =	sand.u32 $0x1FFFFFF0, s31  }
0x1e9: {  	s2 =	simm.s32 $0x480;
	s0 =	sadd.s32 s3, s0  }
0x1ea: {  	[tilespmem:s2], [sflag:$0x1] =	stream.linear.gather [hbm4b:s0+s1], $0x80, $0x38;
	[tilespmem:$0x2600] =	vst v63  }
0x1eb: {  	s2 =	spop (v2sf);
	(v2sf) =	vpush v2, $0x3;
	_ =	sdelay $0x3  }
0x1ec: {  	s0 =	sand.u32 $0x1FFFFFF0, s2  }
0x1ed: {  	s31 =	simm.s32 $0x1480;
	s0 =	sadd.s32 s4, s0;
	s2 =	spop (v2sf);
	(v2sf) =	vpush v3, $0x4  }
0x1ee: {  	[tilespmem:s31], [sflag:$0x1] =	stream.linear.gather [hbm4b:s0+s1], $0x80, $0x38;
	[tilespmem:$0x2600] =	vst v63  }
0x1ef: {  	s0 =	sand.u32 $0x1FFFFFF0, s2;
	s2 =	spop (v2sf);
	(v2sf) =	vpush v2, $0x4  }
0x1f0: {  	s31 =	simm.s32 $0x500;
	s0 =	sadd.s32 s3, s0  }
0x1f1: {  	[tilespmem:s31], [sflag:$0x1] =	stream.linear.gather [hbm4b:s0+s1], $0x80, $0x38;
	[tilespmem:$0x2600] =	vst v63  }
0x1f2: {  	s0 =	sand.u32 $0x1FFFFFF0, s2;
	s2 =	spop (v2sf);
	(v2sf) =	vpush v3, $0x5;
	_ =	sdelay $0x2  }
0x1f3: {  	s31 =	simm.s32 $0x1500;
	s0 =	sadd.s32 s4, s0  }
0x1f4: {  	[tilespmem:s31], [sflag:$0x1] =	stream.linear.gather [hbm4b:s0+s1], $0x80, $0x38;
	[tilespmem:$0x2600] =	vst v63  }
0x1f5: {  	s0 =	sand.u32 $0x1FFFFFF0, s2;
	s2 =	spop (v2sf);
	(v2sf) =	vpush v2, $0x5;
	_ =	sdelay $0x1  }
0x1f6: {  	s31 =	simm.s32 $0x580;
	s0 =	sadd.s32 s3, s0  }
0x1f7: {  	[tilespmem:s31], [sflag:$0x1] =	stream.linear.gather [hbm4b:s0+s1], $0x80, $0x38;
	[tilespmem:$0x2600] =	vst v63  }
0x1f8: {  	s0 =	sand.u32 $0x1FFFFFF0, s2  }
0x1f9: {  	s31 =	simm.s32 $0x1580;
	s0 =	sadd.s32 s4, s0;
	s2 =	spop (v2sf);
	(v2sf) =	vpush v3, $0x6  }
0x1fa: {  	[tilespmem:s31], [sflag:$0x1] =	stream.linear.gather [hbm4b:s0+s1], $0x80, $0x38;
	[tilespmem:$0x2600] =	vst v63  }
0x1fb: {  	s0 =	sand.u32 $0x1FFFFFF0, s2;
	s2 =	spop (v2sf);
	(v2sf) =	vpush v2, $0x6  }
0x1fc: {  	s31 =	simm.s32 $0x600;
	s0 =	sadd.s32 s3, s0  }
0x1fd: {  	[tilespmem:s31], [sflag:$0x1] =	stream.linear.gather [hbm4b:s0+s1], $0x80, $0x38;
	[tilespmem:$0x2600] =	vst v63  }
0x1fe: {  	s0 =	sand.u32 $0x1FFFFFF0, s2;
	s2 =	spop (v2sf);
	(v2sf) =	vpush v3, $0x7;
	_ =	sdelay $0x2  }
0x1ff: {  	s31 =	simm.s32 $0x1600;
	s0 =	sadd.s32 s4, s0  }
0x200: {  	[tilespmem:s31], [sflag:$0x1] =	stream.linear.gather [hbm4b:s0+s1], $0x80, $0x38;
	[tilespmem:$0x2600] =	vst v63  }
0x201: {  	s0 =	sand.u32 $0x1FFFFFF0, s2;
	s2 =	spop (v2sf);
	(v2sf) =	vpush v2, $0x7;
	_ =	sdelay $0x1  }
0x202: {  	s31 =	simm.s32 $0x680;
	s0 =	sadd.s32 s3, s0  }
0x203: {  	[tilespmem:s31], [sflag:$0x1] =	stream.linear.gather [hbm4b:s0+s1], $0x80, $0x38;
	[tilespmem:$0x2600] =	vst v63  }
0x204: {  	s0 =	sand.u32 $0x1FFFFFF0, s2  }
0x205: {  	s31 =	simm.s32 $0x1680;
	s0 =	sadd.s32 s4, s0;
	s2 =	spop (v2sf);
	(v2sf) =	vpush v3, $0x8  }
0x206: {  	[tilespmem:s31], [sflag:$0x1] =	stream.linear.gather [hbm4b:s0+s1], $0x80, $0x38;
	[tilespmem:$0x2600] =	vst v63  }
0x207: {  	s0 =	sand.u32 $0x1FFFFFF0, s2;
	s2 =	spop (v2sf);
	(v2sf) =	vpush v2, $0x8  }
0x208: {  	s31 =	simm.s32 $0x700;
	s0 =	sadd.s32 s3, s0  }
0x209: {  	[tilespmem:s31], [sflag:$0x1] =	stream.linear.gather [hbm4b:s0+s1], $0x80, $0x38;
	[tilespmem:$0x2600] =	vst v63  }
0x20a: {  	s0 =	sand.u32 $0x1FFFFFF0, s2;
	s2 =	spop (v2sf);
	(v2sf) =	vpush v3, $0x9;
	_ =	sdelay $0x2  }
0x20b: {  	s31 =	simm.s32 $0x1700;
	s0 =	sadd.s32 s4, s0  }
0x20c: {  	[tilespmem:s31], [sflag:$0x1] =	stream.linear.gather [hbm4b:s0+s1], $0x80, $0x38;
	[tilespmem:$0x2600] =	vst v63  }
0x20d: {  	s0 =	sand.u32 $0x1FFFFFF0, s2;
	s2 =	spop (v2sf);
	(v2sf) =	vpush v2, $0x9;
	_ =	sdelay $0x1  }
0x20e: {  	s31 =	simm.s32 $0x780;
	s0 =	sadd.s32 s3, s0  }
0x20f: {  	[tilespmem:s31], [sflag:$0x1] =	stream.linear.gather [hbm4b:s0+s1], $0x80, $0x38;
	[tilespmem:$0x2600] =	vst v63  }
0x210: {  	s0 =	sand.u32 $0x1FFFFFF0, s2  }
0x211: {  	s31 =	simm.s32 $0x1780;
	s0 =	sadd.s32 s4, s0;
	s2 =	spop (v2sf);
	(v2sf) =	vpush v3, $0xA  }
0x212: {  	[tilespmem:s31], [sflag:$0x1] =	stream.linear.gather [hbm4b:s0+s1], $0x80, $0x38;
	[tilespmem:$0x2600] =	vst v63  }
0x213: {  	s0 =	sand.u32 $0x1FFFFFF0, s2;
	s2 =	spop (v2sf);
	(v2sf) =	vpush v2, $0xA  }
0x214: {  	s31 =	simm.s32 $0x800;
	s0 =	sadd.s32 s3, s0  }
0x215: {  	[tilespmem:s31], [sflag:$0x1] =	stream.linear.gather [hbm4b:s0+s1], $0x80, $0x38;
	[tilespmem:$0x2600] =	vst v63  }
0x216: {  	s0 =	sand.u32 $0x1FFFFFF0, s2;
	s2 =	spop (v2sf);
	(v2sf) =	vpush v3, $0xB;
	_ =	sdelay $0x2  }
0x217: {  	s31 =	simm.s32 $0x1800;
	s0 =	sadd.s32 s4, s0  }
0x218: {  	[tilespmem:s31], [sflag:$0x1] =	stream.linear.gather [hbm4b:s0+s1], $0x80, $0x38;
	[tilespmem:$0x2600] =	vst v63  }
0x219: {  	s0 =	sand.u32 $0x1FFFFFF0, s2;
	s2 =	spop (v2sf);
	(v2sf) =	vpush v2, $0xB;
	_ =	sdelay $0x1  }
0x21a: {  	s31 =	simm.s32 $0x880;
	s0 =	sadd.s32 s3, s0  }
0x21b: {  	[tilespmem:s31], [sflag:$0x1] =	stream.linear.gather [hbm4b:s0+s1], $0x80, $0x38;
	[tilespmem:$0x2600] =	vst v63  }
0x21c: {  	s0 =	sand.u32 $0x1FFFFFF0, s2  }
0x21d: {  	s31 =	simm.s32 $0x1880;
	s0 =	sadd.s32 s4, s0;
	s2 =	spop (v2sf);
	(v2sf) =	vpush v3, $0xC  }
0x21e: {  	[tilespmem:s31], [sflag:$0x1] =	stream.linear.gather [hbm4b:s0+s1], $0x80, $0x38;
	[tilespmem:$0x2600] =	vst v63  }
0x21f: {  	s0 =	sand.u32 $0x1FFFFFF0, s2;
	s2 =	spop (v2sf);
	(v2sf) =	vpush v2, $0xC  }
0x220: {  	s31 =	simm.s32 $0x900;
	s0 =	sadd.s32 s3, s0  }
0x221: {  	[tilespmem:s31], [sflag:$0x1] =	stream.linear.gather [hbm4b:s0+s1], $0x80, $0x38;
	[tilespmem:$0x2600] =	vst v63  }
0x222: {  	s0 =	sand.u32 $0x1FFFFFF0, s2;
	s2 =	spop (v2sf);
	(v2sf) =	vpush v3, $0xD;
	_ =	sdelay $0x2  }
0x223: {  	s31 =	simm.s32 $0x1900;
	s0 =	sadd.s32 s4, s0  }
0x224: {  	[tilespmem:s31], [sflag:$0x1] =	stream.linear.gather [hbm4b:s0+s1], $0x80, $0x38;
	[tilespmem:$0x2600] =	vst v63  }
0x225: {  	s0 =	sand.u32 $0x1FFFFFF0, s2;
	s2 =	spop (v2sf);
	(v2sf) =	vpush v2, $0xD;
	_ =	sdelay $0x1  }
0x226: {  	s31 =	simm.s32 $0x980;
	s0 =	sadd.s32 s3, s0  }
0x227: {  	[tilespmem:s31], [sflag:$0x1] =	stream.linear.gather [hbm4b:s0+s1], $0x80, $0x38;
	[tilespmem:$0x2600] =	vst v63  }
0x228: {  	s0 =	sand.u32 $0x1FFFFFF0, s2  }
0x229: {  	s31 =	simm.s32 $0x1980;
	s0 =	sadd.s32 s4, s0;
	s2 =	spop (v2sf);
	(v2sf) =	vpush v3, $0xE  }
0x22a: {  	[tilespmem:s31], [sflag:$0x1] =	stream.linear.gather [hbm4b:s0+s1], $0x80, $0x38;
	[tilespmem:$0x2600] =	vst v63  }
0x22b: {  	s0 =	sand.u32 $0x1FFFFFF0, s2;
	s2 =	spop (v2sf);
	(v2sf) =	vpush v2, $0xE  }
0x22c: {  	s31 =	simm.s32 $0xA00;
	s0 =	sadd.s32 s3, s0  }
0x22d: {  	[tilespmem:s31], [sflag:$0x1] =	stream.linear.gather [hbm4b:s0+s1], $0x80, $0x38;
	[tilespmem:$0x2600] =	vst v63  }
0x22e: {  	s0 =	sand.u32 $0x1FFFFFF0, s2;
	s2 =	spop (v2sf);
	(v2sf) =	vpush v3, $0xF;
	_ =	sdelay $0x1  }
0x22f: {  	s31 =	simm.s32 $0x1A00;
	s0 =	sadd.s32 s4, s0  }
0x230: {  	[tilespmem:s31], [sflag:$0x1] =	stream.linear.gather [hbm4b:s0+s1], $0x80, $0x38;
	[tilespmem:$0x2600] =	vst v63  }
0x231: {  	s0 =	sand.u32 $0x1FFFFFF0, s2  }
0x232: {  	s31 =	simm.s32 $0xA80;
	s0 =	sadd.s32 s3, s0;
	s2 =	spop (v2sf);
	(v2sf) =	vpush v2, $0xF  }
0x233: {  	[tilespmem:s31], [sflag:$0x1] =	stream.linear.gather [hbm4b:s0+s1], $0x80, $0x38;
	[tilespmem:$0x2600] =	vst v63  }
0x234: {  	s0 =	sand.u32 $0x1FFFFFF0, s2  }
0x235: {  	s31 =	simm.s32 $0x1A80;
	s0 =	sadd.s32 s4, s0  }
0x236: {  	[tilespmem:s31], [sflag:$0x1] =	stream.linear.gather [hbm4b:s0+s1], $0x80, $0x38;
	[tilespmem:$0x2600] =	vst v63  }
0x237: {  	s2 =	spop (v2sf)  }
0x238: {  	s0 =	sand.u32 $0x1FFFFFF0, s2  }
0x239: {  	s31 =	simm.s32 $0xB00;
	s2 =	spop (v2sf);
	s0 =	sadd.s32 s3, s0  }
0x23a: {  	[tilespmem:s31], [sflag:$0x1] =	stream.linear.gather [hbm4b:s0+s1], $0x80, $0x38;
	[tilespmem:$0x2600] =	vst v63  }
0x23b: {  	s0 =	sand.u32 $0x1FFFFFF0, s2  }
0x23c: {  	s31 =	simm.s32 $0x1B00;
	s2 =	spop (v2sf);
	s0 =	sadd.s32 s4, s0  }
0x23d: {  	[tilespmem:s31], [sflag:$0x1] =	stream.linear.gather [hbm4b:s0+s1], $0x80, $0x38;
	[tilespmem:$0x2600] =	vst v63  }
0x23e: {  	s0 =	sand.u32 $0x1FFFFFF0, s2  }
0x23f: {  	s31 =	simm.s32 $0xB80;
	s0 =	sadd.s32 s3, s0  }
0x240: {  	[tilespmem:s31], [sflag:$0x1] =	stream.linear.gather [hbm4b:s0+s1], $0x80, $0x38;
	[tilespmem:$0x2600] =	vst v63  }
0x241: {  	s2 =	spop (v2sf)  }
0x242: {  	s0 =	sand.u32 $0x1FFFFFF0, s2  }
0x243: {  	s31 =	simm.s32 $0x1B80;
	s0 =	sadd.s32 s4, s0  }
0x244: {  	[tilespmem:s31], [sflag:$0x1] =	stream.linear.gather [hbm4b:s0+s1], $0x80, $0x38;
	[tilespmem:$0x2600] =	vst v63  }
.LBB2_6:
0x245: {  	s0 =	simm.s32 $0x0  }
0x246: {  	v2 =	vadd.s32 s0, v0  }
0x247: {  	v2 =	vand.u32 $0x3F, v2  }
0x248: {  	v5 =	vor.u32 v1, v2;
	_ =	sdelay $0x1  }
0x249: {  	s31 =	simm.s32 $0x1  }
0x24a: {  	v2 =	vadd.s32 s31, v0  }
0x24b: {  	v4 =	vand.u32 $0x3F, v2  }
0x24c: {  	v4 =	vor.u32 v1, v4;
	v3 =	vld.idx.msk [tilespmem:v5+s18+$0x0], $0xffff  }
0x24d: {  	v5 =	vld.idx.msk [tilespmem:v5+s19+$0x0], $0xffff  }
0x24e: {  	s0 =	simm.s32 $0x2;
	v2 =	vimm.f32 $0.0e+00  }
.LBB2_7:
0x24f: {  	p0 =	sne.s32 s0, $0x3F  }
.Ltmp2:
0x250: {  	v6 =	vadd.s32 s0, v0;
	(pc) =	sbr.rel @p0 .LBB2_7-.Ltmp2, $3  }
0x251: {  	s0 =	sadd.s32 $0x1, s0;
	v6 =	vand.u32 $0x3F, v6;
	v7 =	vmov v3;
	v3 =	vld.idx.msk [tilespmem:v4+s18+$0x0], $0xffff  }
0x252: {  	v7 =	vmul.f32 v5, v7;
	v5 =	vld.idx.msk [tilespmem:v4+s19+$0x0], $0xffff;
	v4 =	vor.u32 v1, v6;
	_ =	sdelay $0x1  }
0x253: {  	v2 =	vadd.f32 v7, v2  }
0x254: {  	_ =	sdelay $0x3  }
0x255: {  	v6 =	vld.idx.msk [tilespmem:v4+s18+$0x0], $0xffff  }
0x256: {  	v63 =	vld.idx.msk [tilespmem:v4+s19+$0x0], $0xffff;
	_ =	sdelay $0x2  }
0x257: {  	s29 =	sadd.s32 $0x1, s29;
	v3 =	vmul.f32 v5, v3  }
0x258: {  	p0 =	sne.s32 s29, $0x10  }
.Ltmp3:
0x259: {  	v2 =	vadd.f32 v3, v2;
	v3 =	vmul.f32 v63, v6;
	(pc) =	sbr.rel @p0 .LBB2_2-.Ltmp3, $3  }
0x25a: {  	_ = 	snop  }
0x25b: {  	v2 =	vadd.f32 v3, v2;
	_ =	sdelay $0x1  }
0x25c: {  	[tilespmem:s30+$0x2400] =	vst v2  }
0x25d: {  	s0 =	rddreg [dreg:$0x7];
	s2 =	simm.s32 $0x2400  }
0x25e: {  	[hbm4b:s0+s1] =	stream.linear.scatter [tilespmem:s2], [sflag:$0x3], $0x200, $0x38;
	[tilespmem:$0x2600] =	vst v63  }
0x25f: {  	s2 =	simm.s32 $0x3  }
0x260: {  	_ =	swait.ge [sflag:s2], $0x200  }
0x261: {  	s29 =	rddreg [dreg:$0x9]  }
0x262: {  	s31 =	rddreg [dreg:$0x8];
	s29 =	sadd.s32 $0x1, s29  }
0x263: {  	p0 =	sne.s32 s29, s31  }
.Ltmp4:
0x264: {  	_ = 	snop;
	(pc) =	sbr.rel @p0 .LBB2_1-.Ltmp4, $3  }
0x265: {  	_ =	sdelay $0x1  }
0x266: {  	[sflag:s2] =	ssyncset.done $0x0  }
0x267: {  	[sflag:s2] =	ssyncadd.s32 $0xFFFFFE00  }
0x268: {  	_ =	sfence.sel $0x180000  }
0x269: {  	[bflag:$0x0] =	sbarrier.arrive $0xFFFF  }
0x26a: {  	_ =	strace $0x90000047  }
0x26b: {  	s0 =	stileid.u32;
	[bflag:$0x2] =	sbarrier.arrive $0xFFFF  }
0x26c: {  	p0 =	sne.s32 s0, $0x0;
	s0 =	rddreg [dreg:$0x4]  }
0x26d: {  	s0 =	sadd.s32 @!p0 $0x100000, s0  }
0x26e: {  	[sflag:s0] =	ssyncadd.tile.s32 @!p0 $0x1;
	_ =	shalt  }
.Lfunc_end2:
_tile_overlayer_lowered:
.L_overlay_start_2:
0x26f: {  	(tag) =	ssettag $0x2  }
0x270: {  	s0 =	rddreg [dreg:$0x0];
	s2 =	stileid.u32  }
0x271: {  	s1 =	rddreg [dreg:$0x1];
	p0 =	sne.s32 s2, $0x0  }
0x272: {  	s3 =	rddreg [dreg:$0x2];
	[bflag:$0x3] =	sbarrier.arrive $0xFFFF;
	s2 =	simm.s32 @!p0 $0x1C03  }
0x273: {  	[timem:s3], [sflag:s2] =	dma.local @!p0 [hbm:s0], s1  }
0x274: {  	s0 =	simm.s32 @!p0 $0x3  }
0x275: {  	_ =	swait.ge @!p0 [sflag:s0], s1  }
0x276: {  	s1 =	ssub.s32 @!p0 $0x0, s1;
	[sflag:s0] =	ssyncset.done @!p0 $0x0  }
0x277: {  	[sflag:s0] =	ssyncadd.s32 @!p0 s1  }
0x278: {  	[bflag:$0x3] =	sbarrier.arrive $0xFFFF  }
0x279: {  	_ =	shalt  }

</sc_bundles>
